<compile_context>
chip_gen: v7x
topology: tpu7x:2x2x1
jax: 0.10.2.dev20260603
libtpu: 0.0.44.dev20260713+nightly
codegen_flags: <defaults>
</compile_context>

<pallas_src>
import functools

import jax
import jax.numpy as jnp
from jax import lax
from jax.experimental import pallas as pl
from jax.experimental.pallas import tpu as pltpu
from jax.experimental.pallas import tpu_sc as plsc

N_NODES = 10000
N_EDGES = 320000
N_GRAPHS = 256
NT = 16
NC = 2
CHUNK = 128
NCHUNKS = 158
NPAIR = NCHUNKS // 2
EPT = NCHUNKS * CHUNK
PAD = EPT * NT - N_EDGES
S_ROWS = 10240
TRASH = N_NODES
HW = 128



def _sc_mesh():
    return plsc.VectorSubcoreMesh(core_axis_name="c", subcore_axis_name="s",
                                  num_cores=NC, num_subcores=NT)


@functools.cache
def _make_degree():
    @functools.partial(
        pl.kernel,
        out_type=jax.ShapeDtypeStruct((NC, S_ROWS, HW), jnp.float32),
        mesh=_sc_mesh(),
        scratch_types=[
            pltpu.VMEM((NPAIR, 2, CHUNK), jnp.int32),
            pltpu.VMEM((CHUNK, HW), jnp.float32),
            pltpu.VMEM_SHARED((S_ROWS, HW), jnp.float32),
        ],
    )
    def degree(dst_hbm, ones_hbm, zeros_hbm, out_hbm, dst_v, ones_v, hist_sh):
        c = lax.axis_index("c")
        s = lax.axis_index("s")
        pltpu.sync_copy(ones_hbm, ones_v)
        pltpu.sync_copy(zeros_hbm,
                        hist_sh.at[pl.ds(s * (S_ROWS // NT), S_ROWS // NT)])
        pltpu.sync_copy(dst_hbm.at[c, s], dst_v)
        plsc.subcore_barrier()

        def body(j, carry):
            pltpu.sync_copy(ones_v, hist_sh.at[dst_v.at[j, 0]], add=True)
            pltpu.sync_copy(ones_v, hist_sh.at[dst_v.at[j, 1]], add=True)
            return carry

        lax.fori_loop(0, NPAIR, body, 0)
        plsc.subcore_barrier()
        rows = S_ROWS // NT
        pltpu.sync_copy(hist_sh.at[pl.ds(s * rows, rows)],
                        out_hbm.at[c, pl.ds(s * rows, rows)])

    return degree


def _sc_degree(dst_all, ones_h, zeros_h):
    return _make_degree()(dst_all, ones_h, zeros_h)


@functools.cache
def _make_msgpass(d):
    @functools.partial(
        pl.kernel,
        out_type=jax.ShapeDtypeStruct((NC * S_ROWS, d), jnp.float32),
        mesh=_sc_mesh(),
        scratch_types=[
            pltpu.VMEM((2, 2, CHUNK), jnp.int32),
            pltpu.VMEM((2, 2, CHUNK), jnp.int32),
            pltpu.VMEM((CHUNK, d), jnp.float32),
            pltpu.VMEM((CHUNK, d), jnp.float32),
            pltpu.VMEM_SHARED((S_ROWS, d), jnp.float32),
            pltpu.SemaphoreType.DMA,
            pltpu.SemaphoreType.DMA,
            pltpu.SemaphoreType.DMA,
            pltpu.SemaphoreType.DMA,
            pltpu.SemaphoreType.DMA,
        ],
    )
    def msgpass(g_hbm, src_hbm, dst_hbm, zeros_hbm, out_hbm,
                sidx, didx, rowa, rowb, s_sh,
                gsa, gsb, ssa, ssb, isem):
        c = lax.axis_index("c")
        s = lax.axis_index("s")
        stripe = S_ROWS // NT
        pltpu.sync_copy(zeros_hbm, s_sh.at[pl.ds(s * stripe, stripe)])
        plsc.subcore_barrier()

        def wait(sem, dst):
            pltpu.make_async_copy(g_hbm.at[pl.ds(0, dst.shape[0])]
                                  if dst.dtype == jnp.float32
                                  else src_hbm.at[0, 0, 0], dst, sem).wait()

        pltpu.async_copy(src_hbm.at[c, s, 0], sidx.at[0], isem)
        pltpu.async_copy(dst_hbm.at[c, s, 0], didx.at[0], isem)
        wait(isem, sidx.at[0])
        wait(isem, didx.at[0])
        pltpu.async_copy(g_hbm.at[sidx.at[0, 0]], rowa, gsa)
        pltpu.async_copy(g_hbm.at[sidx.at[0, 1]], rowb, gsb)
        pltpu.async_copy(src_hbm.at[c, s, 1], sidx.at[1], isem)
        pltpu.async_copy(dst_hbm.at[c, s, 1], didx.at[1], isem)

        def body(p, carry):
            bank = lax.rem(p, 2)
            nbank = 1 - bank
            wait(gsa, rowa)
            pltpu.async_copy(rowa, s_sh.at[didx.at[bank, 0]], ssa, add=True)
            wait(gsb, rowb)
            pltpu.async_copy(rowb, s_sh.at[didx.at[bank, 1]], ssb, add=True)
            wait(isem, sidx.at[0])
            wait(isem, didx.at[0])
            wait(ssa, rowa)
            pltpu.async_copy(g_hbm.at[sidx.at[nbank, 0]], rowa, gsa)
            wait(ssb, rowb)
            pltpu.async_copy(g_hbm.at[sidx.at[nbank, 1]], rowb, gsb)
            p2 = jnp.minimum(p + 2, NPAIR - 1)
            pltpu.async_copy(src_hbm.at[c, s, p2], sidx.at[bank], isem)
            pltpu.async_copy(dst_hbm.at[c, s, p2], didx.at[bank], isem)
            return carry

        lax.fori_loop(0, NPAIR, body, 0)
        wait(gsa, rowa)
        wait(gsb, rowb)
        wait(isem, sidx.at[0])
        wait(isem, didx.at[0])
        plsc.subcore_barrier()
        pltpu.sync_copy(s_sh.at[pl.ds(s * stripe, stripe)],
                        out_hbm.at[pl.ds(c * S_ROWS + s * stripe, stripe)])

    return msgpass


def _msgpass128(g, src_all, dst_all, zeros):
    return _make_msgpass(128)(g, src_all, dst_all, zeros)



_BM = 1024


def _tc_layer1(x, deg, w):
    def body(x_ref, deg_ref, w_ref, o_ref):
        dinv = lax.rsqrt(deg_ref[:, 0:1] + 1.0)
        o_ref[...] = dinv * jnp.dot(x_ref[...], w_ref[...],
                                    preferred_element_type=jnp.float32)

    m = NC * S_ROWS
    return pl.pallas_call(
        body,
        grid=(m // _BM,),
        in_specs=[
            pl.BlockSpec((_BM, 128), lambda i: (i, 0)),
            pl.BlockSpec((_BM, HW), lambda i: (i, 0)),
            pl.BlockSpec((128, 128), lambda i: (0, 0)),
        ],
        out_specs=pl.BlockSpec((_BM, 128), lambda i: (i, 0)),
        out_shape=jax.ShapeDtypeStruct((m, 128), jnp.float32),
    )(x, deg, w)


def _tc_layer(s_in, g_prev, b_prev, deg, w, d_out):
    def body(s_ref, g_ref, deg_ref, b_ref, w_ref, o_ref):
        dinv = lax.rsqrt(deg_ref[:, 0:1] + 1.0)
        x = jax.nn.relu(dinv * (s_ref[...] + g_ref[...]) + b_ref[0:1, :])
        o_ref[...] = dinv * jnp.dot(x, w_ref[...],
                                    preferred_element_type=jnp.float32)

    m, d_in = s_in.shape
    return pl.pallas_call(
        body,
        grid=(m // _BM,),
        in_specs=[
            pl.BlockSpec((_BM, d_in), lambda i: (i, 0)),
            pl.BlockSpec((_BM, d_in), lambda i: (i, 0)),
            pl.BlockSpec((_BM, HW), lambda i: (i, 0)),
            pl.BlockSpec((8, d_in), lambda i: (0, 0)),
            pl.BlockSpec((d_in, d_out), lambda i: (0, 0)),
        ],
        out_specs=pl.BlockSpec((_BM, d_out), lambda i: (i, 0)),
        out_shape=jax.ShapeDtypeStruct((m, d_out), jnp.float32),
    )(s_in, g_prev, deg, b_prev, w)


_PB = 2048


def _tc_pool(s4, g4, b4, deg, ids3):
    nb = S_ROWS // _PB

    def body(s_ref, g_ref, deg_ref, b_ref, ids_ref, o_ref, cnt_ref):
        j = pl.program_id(1)
        dinv = lax.rsqrt(deg_ref[:, 0:1] + 1.0)
        x = jax.nn.relu(dinv * (s_ref[...] + g_ref[...]) + b_ref[0:1, :])[:, :64]
        ids = ids_ref[0, 0, :]
        gid = lax.broadcasted_iota(jnp.int32, (N_GRAPHS, _PB), 0)
        p = (gid == ids[None, :]).astype(jnp.float32)
        ps = jnp.dot(p, x, preferred_element_type=jnp.float32)
        pc = jnp.sum(p, axis=1, keepdims=True)

        @pl.when(j == 0)
        def _():
            o_ref[0] = ps
            cnt_ref[...] = jnp.broadcast_to(pc, (N_GRAPHS, 128))

        @pl.when(j != 0)
        def _():
            o_ref[0] += ps
            cnt_ref[...] += jnp.broadcast_to(pc, (N_GRAPHS, 128))

        @pl.when(j == nb - 1)
        def _():
            o_ref[0] /= jnp.maximum(cnt_ref[:, 0:1], 1.0)

    return pl.pallas_call(
        body,
        grid=(NC, nb),
        in_specs=[
            pl.BlockSpec((_PB, 128), lambda m, j: (m * nb + j, 0)),
            pl.BlockSpec((_PB, 128), lambda m, j: (m * nb + j, 0)),
            pl.BlockSpec((_PB, HW), lambda m, j: (m * nb + j, 0)),
            pl.BlockSpec((8, 128), lambda m, j: (0, 0)),
            pl.BlockSpec((1, 1, _PB), lambda m, j: (m * nb + j, 0, 0)),
        ],
        out_specs=pl.BlockSpec((1, N_GRAPHS, 64), lambda m, j: (m, 0, 0)),
        out_shape=jax.ShapeDtypeStruct((NC, N_GRAPHS, 64), jnp.float32),
        scratch_shapes=[pltpu.VMEM((N_GRAPHS, 128), jnp.float32)],
    )(s4, g4, deg, b4, ids3)


def _tc_classifier(pooled, n1, n2, fc1_w, fc1_b, fc2_w, fc2_b,
                   cls1_w, cls1_b, bn1_g, bn1_b,
                   cls2_w, cls2_b, bn2_g, bn2_b, cls3_w, cls3_b):
    def bn(h, g_ref, b_ref):
        mu = jnp.mean(h, axis=0, keepdims=True)
        var = jnp.mean((h - mu) ** 2, axis=0, keepdims=True)
        return (h - mu) * lax.rsqrt(var + 1e-5) * g_ref[0:1, :] + b_ref[0:1, :]

    def body(pooled_ref, n1_ref, n2_ref, fc1w_ref, fc1b_ref, fc2w_ref,
             fc2b_ref, c1w_ref, c1b_ref, g1_ref, b1_ref, c2w_ref, c2b_ref,
             g2_ref, b2_ref, c3w_ref, c3b_ref, o_ref):
        def notes_mlp(r):
            t = jax.nn.relu(jnp.dot(r, fc1w_ref[...],
                                    preferred_element_type=jnp.float32)
                            + fc1b_ref[0:1, :])
            return jax.nn.relu(jnp.dot(t, fc2w_ref[...],
                                       preferred_element_type=jnp.float32)
                               + fc2b_ref[0:1, :])

        m1 = notes_mlp(n1_ref[...])
        m2 = notes_mlp(n2_ref[...])
        comb = jnp.concatenate(
            [pooled_ref[0], pooled_ref[1], m1, m2], axis=1)
        h = jax.nn.relu(jnp.dot(comb, c1w_ref[...],
                                preferred_element_type=jnp.float32)
                        + c1b_ref[0:1, :])
        h = bn(h, g1_ref, b1_ref)
        h = jax.nn.relu(jnp.dot(h, c2w_ref[...],
                                preferred_element_type=jnp.float32)
                        + c2b_ref[0:1, :])
        h = bn(h, g2_ref, b2_ref)
        o_ref[...] = (jnp.dot(h, c3w_ref[...],
                              preferred_element_type=jnp.float32)
                      + c3b_ref[0:1, :])

    return pl.pallas_call(
        body,
        out_shape=jax.ShapeDtypeStruct((N_GRAPHS, 128), jnp.float32),
    )(pooled, n1, n2, fc1_w, fc1_b, fc2_w, fc2_b, cls1_w, cls1_b,
      bn1_g, bn1_b, cls2_w, cls2_b, bn2_g, bn2_b, cls3_w, cls3_b)



def _pad_edges(a, fill):
    a = jnp.concatenate([a, jnp.full((PAD,), fill, jnp.int32)])
    return a.reshape(NT, NPAIR, 2, CHUNK)


def _tile8(b):
    return jnp.tile(b[None, :], (8, 1))


def kernel(mol1_x, mol1_edge_index, mol1_batch_ids, mol1_notes,
           mol2_x, mol2_edge_index, mol2_batch_ids, mol2_notes,
           conv1_W, conv1_b, conv2_W, conv2_b, conv3_W, conv3_b,
           conv4_W, conv4_b, fc1_W, fc1_b, fc2_W, fc2_b,
           cls1_W, cls1_b, bn1_g, bn1_b, cls2_W, cls2_b, bn2_g, bn2_b,
           cls3_W, cls3_b):
    i32 = jnp.int32
    src1 = mol1_edge_index[0].astype(i32)
    dst1 = mol1_edge_index[1].astype(i32)
    src2 = mol2_edge_index[0].astype(i32) + S_ROWS
    dst2 = mol2_edge_index[1].astype(i32)

    src_all = jnp.stack([_pad_edges(src1, 0), _pad_edges(src2, 0)])
    dst_all = jnp.stack([_pad_edges(dst1, TRASH), _pad_edges(dst2, TRASH)])

    ones_h = jnp.ones((CHUNK, HW), jnp.float32)
    zeros_h = jnp.zeros((S_ROWS // NT, HW), jnp.float32)
    zeros128 = jnp.zeros((S_ROWS // NT, 128), jnp.float32)

    deg = _sc_degree(dst_all, ones_h, zeros_h).reshape(NC * S_ROWS, HW)

    pad_x = jnp.zeros((S_ROWS - N_NODES, 128), jnp.float32)
    x = jnp.concatenate([mol1_x, pad_x, mol2_x, pad_x], axis=0)
    g1 = _tc_layer1(x, deg, conv1_W)
    s1 = _msgpass128(g1, src_all, dst_all, zeros128)
    g2 = _tc_layer(s1, g1, _tile8(conv1_b), deg, conv2_W, 128)
    s2 = _msgpass128(g2, src_all, dst_all, zeros128)
    g3 = _tc_layer(s2, g2, _tile8(conv2_b), deg, conv3_W, 128)
    s3 = _msgpass128(g3, src_all, dst_all, zeros128)
    conv4_Wp = jnp.pad(conv4_W, ((0, 0), (0, 64)))
    g4 = _tc_layer(s3, g3, _tile8(conv3_b), deg, conv4_Wp, 128)
    s4 = _msgpass128(g4, src_all, dst_all, zeros128)

    pad_ids = jnp.full((S_ROWS - N_NODES,), N_GRAPHS + 1, i32)
    ids = jnp.concatenate([mol1_batch_ids.astype(i32), pad_ids,
                           mol2_batch_ids.astype(i32), pad_ids])
    ids3 = ids.reshape(NC * (S_ROWS // _PB), 1, _PB)
    pooled = _tc_pool(s4, g4, _tile8(jnp.pad(conv4_b, (0, 64))), deg, ids3)

    return _tc_classifier(
        pooled, mol1_notes, mol2_notes,
        fc1_W, _tile8(fc1_b), fc2_W, _tile8(fc2_b),
        cls1_W, _tile8(cls1_b), _tile8(bn1_g), _tile8(bn1_b),
        cls2_W, _tile8(cls2_b), _tile8(bn2_g), _tile8(bn2_b),
        cls3_W, _tile8(cls3_b))

# --- scband reference (transcript-rebuilt; emitter-appended) ---
"""Pipeline reference for scband-improved-fragrance-gnn-46755013984593 (READ-ONLY COPY).

The authoritative reference and input builder live on the scoring server;
editing this copy changes nothing except your own understanding.
"""

import jax, jax.numpy as jnp
import numpy as np

N_NODES = 10000
N_EDGES = 320000
D_IN = 128
H = 128
NUM_LABELS = 128
N_GRAPHS = 256


def gcn_conv(x, edge_index, W, b, num_nodes):
    src = edge_index[0]
    dst = edge_index[1]
    loop = jnp.arange(num_nodes, dtype=src.dtype)
    src = jnp.concatenate([src, loop])
    dst = jnp.concatenate([dst, loop])
    deg = jax.ops.segment_sum(jnp.ones(src.shape[0], dtype=x.dtype), dst, num_segments=num_nodes)
    dinv = jnp.where(deg > 0, deg ** -0.5, 0.0)
    norm = dinv[src] * dinv[dst]
    h = x @ W
    msg = h[src] * norm[:, None]
    out = jax.ops.segment_sum(msg, dst, num_segments=num_nodes)
    return out + b


def global_mean_pool(x, batch_ids, num_graphs):
    s = jax.ops.segment_sum(x, batch_ids, num_segments=num_graphs)
    cnt = jax.ops.segment_sum(jnp.ones(x.shape[0], dtype=x.dtype), batch_ids, num_segments=num_graphs)
    cnt = jnp.maximum(cnt, 1.0)
    return s / cnt[:, None]


def batch_norm(x, g, b, eps=1e-5):
    mu = jnp.mean(x, axis=0)
    var = jnp.var(x, axis=0)
    return (x - mu) / jnp.sqrt(var + eps) * g + b


def setup_inputs(seed: int = 0) -> dict:
    key = jax.random.key(seed)
    ks = jax.random.split(key, 32)
    inp = {}
    inp['mol1_x'] = jax.random.normal(ks[0], (N_NODES, D_IN), dtype=jnp.float32)
    inp['mol1_edge_index'] = jax.random.randint(ks[1], (2, N_EDGES), 0, N_NODES, dtype=jnp.int64)
    inp['mol1_batch_ids'] = jnp.sort(jax.random.randint(ks[2], (N_NODES,), 0, N_GRAPHS, dtype=jnp.int64))
    inp['mol1_notes'] = jax.random.uniform(ks[3], (N_GRAPHS, NUM_LABELS), dtype=jnp.float32)
    inp['mol2_x'] = jax.random.normal(ks[4], (N_NODES, D_IN), dtype=jnp.float32)
    inp['mol2_edge_index'] = jax.random.randint(ks[5], (2, N_EDGES), 0, N_NODES, dtype=jnp.int64)
    inp['mol2_batch_ids'] = jnp.sort(jax.random.randint(ks[6], (N_NODES,), 0, N_GRAPHS, dtype=jnp.int64))
    inp['mol2_notes'] = jax.random.uniform(ks[7], (N_GRAPHS, NUM_LABELS), dtype=jnp.float32)
    def lin(k, fan_in, fan_out):
        s = 1.0 / np.sqrt(fan_in)
        return jax.random.uniform(k, (fan_in, fan_out), minval=-s, maxval=s, dtype=jnp.float32)
    inp['conv1_W'] = lin(ks[8], D_IN, H); inp['conv1_b'] = jnp.zeros((H,), jnp.float32)
    inp['conv2_W'] = lin(ks[9], H, H); inp['conv2_b'] = jnp.zeros((H,), jnp.float32)
    inp['conv3_W'] = lin(ks[10], H, H); inp['conv3_b'] = jnp.zeros((H,), jnp.float32)
    inp['conv4_W'] = lin(ks[11], H, H // 2); inp['conv4_b'] = jnp.zeros((H // 2,), jnp.float32)
    inp['fc1_W'] = lin(ks[12], NUM_LABELS, H); inp['fc1_b'] = jnp.zeros((H,), jnp.float32)
    inp['fc2_W'] = lin(ks[13], H, H // 2); inp['fc2_b'] = jnp.zeros((H // 2,), jnp.float32)
    inp['cls1_W'] = lin(ks[14], H // 2 * 4, H); inp['cls1_b'] = jnp.zeros((H,), jnp.float32)
    inp['bn1_g'] = jnp.ones((H,), jnp.float32); inp['bn1_b'] = jnp.zeros((H,), jnp.float32)
    inp['cls2_W'] = lin(ks[15], H, H // 2); inp['cls2_b'] = jnp.zeros((H // 2,), jnp.float32)
    inp['bn2_g'] = jnp.ones((H // 2,), jnp.float32); inp['bn2_b'] = jnp.zeros((H // 2,), jnp.float32)
    inp['cls3_W'] = lin(ks[16], H // 2, NUM_LABELS); inp['cls3_b'] = jnp.zeros((NUM_LABELS,), jnp.float32)
    return inp


def reference(mol1_x, mol1_edge_index, mol1_batch_ids, mol1_notes,
              mol2_x, mol2_edge_index, mol2_batch_ids, mol2_notes,
              conv1_W, conv1_b, conv2_W, conv2_b, conv3_W, conv3_b, conv4_W, conv4_b,
              fc1_W, fc1_b, fc2_W, fc2_b,
              cls1_W, cls1_b, bn1_g, bn1_b, cls2_W, cls2_b, bn2_g, bn2_b, cls3_W, cls3_b):
    def branch(x, ei):
        h = jax.nn.relu(gcn_conv(x, ei, conv1_W, conv1_b, N_NODES))
        h = jax.nn.relu(gcn_conv(h, ei, conv2_W, conv2_b, N_NODES))
        h = jax.nn.relu(gcn_conv(h, ei, conv3_W, conv3_b, N_NODES))
        h = jax.nn.relu(gcn_conv(h, ei, conv4_W, conv4_b, N_NODES))
        return h
    x1 = branch(mol1_x, mol1_edge_index)
    g1 = global_mean_pool(x1, mol1_batch_ids, N_GRAPHS)
    x2 = branch(mol2_x, mol2_edge_index)
    g2 = global_mean_pool(x2, mol2_batch_ids, N_GRAPHS)
    n1 = jax.nn.relu(jax.nn.relu(mol1_notes @ fc1_W + fc1_b) @ fc2_W + fc2_b)
    n2 = jax.nn.relu(jax.nn.relu(mol2_notes @ fc1_W + fc1_b) @ fc2_W + fc2_b)
    comb = jnp.concatenate([g1, g2, n1, n2], axis=1)
    h = jax.nn.relu(comb @ cls1_W + cls1_b)
    h = batch_norm(h, bn1_g, bn1_b)
    h = jax.nn.relu(h @ cls2_W + cls2_b)
    h = batch_norm(h, bn2_g, bn2_b)
    out = h @ cls3_W + cls3_b
    return out

if __name__ == "__main__":
    import jax
    _d = setup_inputs()
    print(jax.jit(kernel)(*tuple(_d.values())))

</pallas_src>

<mosaic_0001>
#map = affine_map<(d0, d1) -> (0, 0, 0, 0, 0)>
#map1 = affine_map<(d0, d1) -> (0, 0)>
#map2 = affine_map<(d0, d1) -> (0, 0, 0)>
module attributes {stable_mosaic.version = 14 : i64} {
  func.func @degree(%arg0: i32, %arg1: i32, %arg2: memref<2x16x79x2x128xi32, #tpu.memory_space<hbm>>, %arg3: memref<128x128xf32, #tpu.memory_space<hbm>>, %arg4: memref<640x128xf32, #tpu.memory_space<hbm>>, %arg5: memref<2x10240x128xf32, #tpu.memory_space<hbm>>, %arg6: memref<79x2x128xi32, #tpu.memory_space<vmem>>, %arg7: memref<128x128xf32, #tpu.memory_space<vmem>>, %arg8: memref<10240x128xf32, #tpu.memory_space<vmem_shared>>) attributes {dimension_semantics = [#tpu.dimension_semantics<core_parallel>, #tpu.dimension_semantics<subcore_parallel>], iteration_bounds = array<i64: 2, 16>, scalar_prefetch = 0 : i64, scratch_operands = 3 : i64, tpu.core_type = #tpu.core_type<sc_vector_subcore>, window_params = [{transform_indices = #map}, {transform_indices = #map1}, {transform_indices = #map1}, {transform_indices = #map2}]} {
    "tpu.region"() ({
      %run_scoped3A = tpu.sem_alloc : memref<!tpu.dma_semaphore, #tpu.memory_space<semaphore_mem>>
      tpu.enqueue_dma source(%arg3 : memref<128x128xf32, #tpu.memory_space<hbm>>) target(%arg7 : memref<128x128xf32, #tpu.memory_space<vmem>>) target_semaphore(%run_scoped3A : memref<!tpu.dma_semaphore, #tpu.memory_space<semaphore_mem>>)
      tpu.wait_dma2 semaphore(%run_scoped3A : memref<!tpu.dma_semaphore, #tpu.memory_space<semaphore_mem>>) src(%arg3 : memref<128x128xf32, #tpu.memory_space<hbm>>) dst(%arg7 : memref<128x128xf32, #tpu.memory_space<vmem>>)
      tpu.yield
    }) : () -> ()
    %mul3A = arith.constant 640 : i32
    %mul3A_0 = arith.muli %arg1, %mul3A : i32
    "tpu.region"() ({
      %run_scoped3A = tpu.sem_alloc : memref<!tpu.dma_semaphore, #tpu.memory_space<semaphore_mem>>
      %dma_start3A = arith.constant 0 : i32
      %dma_start3A_11 = tpu.memref_slice %arg8[%mul3A_0, %dma_start3A] : memref<10240x128xf32, #tpu.memory_space<vmem_shared>> -> memref<640x128xf32, #tpu.memory_space<vmem_shared>>
      tpu.enqueue_dma source(%arg4 : memref<640x128xf32, #tpu.memory_space<hbm>>) target(%dma_start3A_11 : memref<640x128xf32, #tpu.memory_space<vmem_shared>>) target_semaphore(%run_scoped3A : memref<!tpu.dma_semaphore, #tpu.memory_space<semaphore_mem>>)
      %dma_wait3A = arith.constant 0 : i32
      %dma_wait3A_12 = tpu.memref_slice %arg8[%mul3A_0, %dma_wait3A] : memref<10240x128xf32, #tpu.memory_space<vmem_shared>> -> memref<640x128xf32, #tpu.memory_space<vmem_shared>>
      tpu.wait_dma2 semaphore(%run_scoped3A : memref<!tpu.dma_semaphore, #tpu.memory_space<semaphore_mem>>) src(%arg4 : memref<640x128xf32, #tpu.memory_space<hbm>>) dst(%dma_wait3A_12 : memref<640x128xf32, #tpu.memory_space<vmem_shared>>)
      tpu.yield
    }) : () -> ()
    "tpu.region"() ({
      %run_scoped3A = tpu.sem_alloc : memref<!tpu.dma_semaphore, #tpu.memory_space<semaphore_mem>>
      %dma_start3A = arith.constant 0 : i32
      %dma_start3A_11 = arith.constant 0 : i32
      %dma_start3A_12 = arith.constant 0 : i32
      %dma_start3A_13 = tpu.memref_slice %arg2[%arg0, %arg1, %dma_start3A, %dma_start3A_11, %dma_start3A_12] : memref<2x16x79x2x128xi32, #tpu.memory_space<hbm>> -> memref<1x1x79x2x128xi32, #tpu.memory_space<hbm>>
      %dma_start3A_14 = tpu.memref_squeeze %dma_start3A_13 : memref<1x1x79x2x128xi32, #tpu.memory_space<hbm>> -> memref<79x2x128xi32, #tpu.memory_space<hbm>>
      %dma_start3A_15 = arith.constant 0 : i32
      %dma_start3A_16 = arith.constant 0 : i32
      %dma_start3A_17 = arith.constant 0 : i32
      %dma_start3A_18 = tpu.memref_slice %arg2[%arg0, %arg1, %dma_start3A_15, %dma_start3A_16, %dma_start3A_17] : memref<2x16x79x2x128xi32, #tpu.memory_space<hbm>> -> memref<1x1x79x2x128xi32, #tpu.memory_space<hbm>>
      %dma_start3A_19 = tpu.memref_squeeze %dma_start3A_18 : memref<1x1x79x2x128xi32, #tpu.memory_space<hbm>> -> memref<79x2x128xi32, #tpu.memory_space<hbm>>
      tpu.enqueue_dma source(%dma_start3A_19 : memref<79x2x128xi32, #tpu.memory_space<hbm>>) target(%arg6 : memref<79x2x128xi32, #tpu.memory_space<vmem>>) target_semaphore(%run_scoped3A : memref<!tpu.dma_semaphore, #tpu.memory_space<semaphore_mem>>)
      %dma_wait3A = arith.constant 0 : i32
      %dma_wait3A_20 = arith.constant 0 : i32
      %dma_wait3A_21 = arith.constant 0 : i32
      %dma_wait3A_22 = tpu.memref_slice %arg2[%arg0, %arg1, %dma_wait3A, %dma_wait3A_20, %dma_wait3A_21] : memref<2x16x79x2x128xi32, #tpu.memory_space<hbm>> -> memref<1x1x79x2x128xi32, #tpu.memory_space<hbm>>
      %dma_wait3A_23 = tpu.memref_squeeze %dma_wait3A_22 : memref<1x1x79x2x128xi32, #tpu.memory_space<hbm>> -> memref<79x2x128xi32, #tpu.memory_space<hbm>>
      %dma_wait3A_24 = arith.constant 0 : i32
      %dma_wait3A_25 = arith.constant 0 : i32
      %dma_wait3A_26 = arith.constant 0 : i32
      %dma_wait3A_27 = tpu.memref_slice %arg2[%arg0, %arg1, %dma_wait3A_24, %dma_wait3A_25, %dma_wait3A_26] : memref<2x16x79x2x128xi32, #tpu.memory_space<hbm>> -> memref<1x1x79x2x128xi32, #tpu.memory_space<hbm>>
      %dma_wait3A_28 = tpu.memref_squeeze %dma_wait3A_27 : memref<1x1x79x2x128xi32, #tpu.memory_space<hbm>> -> memref<79x2x128xi32, #tpu.memory_space<hbm>>
      tpu.wait_dma2 semaphore(%run_scoped3A : memref<!tpu.dma_semaphore, #tpu.memory_space<semaphore_mem>>) src(%dma_wait3A_28 : memref<79x2x128xi32, #tpu.memory_space<hbm>>) dst(%arg6 : memref<79x2x128xi32, #tpu.memory_space<vmem>>)
      tpu.yield
    }) : () -> ()
    %barrier3A = arith.constant 0 : index
    tpu.barrier barrier_id(%barrier3A)
    %scan3A = arith.constant 0 : i32
    %scan3A_1 = arith.constant 0 : i32
    %scan3A_2 = arith.constant 79 : i32
    %scan3A_3 = arith.addi %scan3A_1, %scan3A_2 : i32
    %scan3A_4 = arith.constant 1 : i32
    scf.for %scan3A_11 = %scan3A_1 to %scan3A_3 step %scan3A_4  : i32 {
      %run_scoped3A = arith.constant 0 : i32
      "tpu.region"() ({
        %run_scoped3A_13 = tpu.sem_alloc : memref<!tpu.dma_semaphore, #tpu.memory_space<semaphore_mem>>
        %dma_start3A = arith.constant 0 : i32
        %dma_start3A_14 = tpu.memref_slice %arg6[%scan3A_11, %run_scoped3A, %dma_start3A] : memref<79x2x128xi32, #tpu.memory_space<vmem>> -> memref<1x1x128xi32, #tpu.memory_space<vmem>>
        %dma_start3A_15 = tpu.memref_squeeze %dma_start3A_14 : memref<1x1x128xi32, #tpu.memory_space<vmem>> -> memref<128xi32, #tpu.memory_space<vmem>>
        %dma_start3A_16 = arith.constant 0 : i32
        %dma_start3A_17 = arith.constant 0 : i32
        %dma_start3A_18 = tpu.memref_slice %arg8[%dma_start3A_16, %dma_start3A_17] : memref<10240x128xf32, #tpu.memory_space<vmem_shared>> -> memref<10240x128xf32, #tpu.memory_space<vmem_shared>>
        tpu.enqueue_indirect_dma source(%arg7 : memref<128x128xf32, #tpu.memory_space<vmem>>) target(%dma_start3A_18 : memref<10240x128xf32, #tpu.memory_space<vmem_shared>>) offsets(%dma_start3A_15 : memref<128xi32, #tpu.memory_space<vmem>>) semaphore(%run_scoped3A_13 : memref<!tpu.dma_semaphore, #tpu.memory_space<semaphore_mem>>) {add = true}
        %dma_wait3A = arith.constant 0 : i32
        %dma_wait3A_19 = tpu.memref_slice %arg6[%scan3A_11, %run_scoped3A, %dma_wait3A] : memref<79x2x128xi32, #tpu.memory_space<vmem>> -> memref<1x1x128xi32, #tpu.memory_space<vmem>>
        %dma_wait3A_20 = tpu.memref_squeeze %dma_wait3A_19 : memref<1x1x128xi32, #tpu.memory_space<vmem>> -> memref<128xi32, #tpu.memory_space<vmem>>
        %dma_wait3A_21 = arith.constant 0 : i32
        %dma_wait3A_22 = arith.constant 0 : i32
        %dma_wait3A_23 = tpu.memref_slice %arg8[%dma_wait3A_21, %dma_wait3A_22] : memref<10240x128xf32, #tpu.memory_space<vmem_shared>> -> memref<10240x128xf32, #tpu.memory_space<vmem_shared>>
        tpu.wait_indirect_dma semaphore(%run_scoped3A_13 : memref<!tpu.dma_semaphore, #tpu.memory_space<semaphore_mem>>) src(%arg7 : memref<128x128xf32, #tpu.memory_space<vmem>>) dst(%dma_wait3A_23 : memref<10240x128xf32, #tpu.memory_space<vmem_shared>>)
        tpu.yield
      }) : () -> ()
      %run_scoped3A_12 = arith.constant 1 : i32
      "tpu.region"() ({
        %run_scoped3A_13 = tpu.sem_alloc : memref<!tpu.dma_semaphore, #tpu.memory_space<semaphore_mem>>
        %dma_start3A = arith.constant 0 : i32
        %dma_start3A_14 = tpu.memref_slice %arg6[%scan3A_11, %run_scoped3A_12, %dma_start3A] : memref<79x2x128xi32, #tpu.memory_space<vmem>> -> memref<1x1x128xi32, #tpu.memory_space<vmem>>
        %dma_start3A_15 = tpu.memref_squeeze %dma_start3A_14 : memref<1x1x128xi32, #tpu.memory_space<vmem>> -> memref<128xi32, #tpu.memory_space<vmem>>
        %dma_start3A_16 = arith.constant 0 : i32
        %dma_start3A_17 = arith.constant 0 : i32
        %dma_start3A_18 = tpu.memref_slice %arg8[%dma_start3A_16, %dma_start3A_17] : memref<10240x128xf32, #tpu.memory_space<vmem_shared>> -> memref<10240x128xf32, #tpu.memory_space<vmem_shared>>
        tpu.enqueue_indirect_dma source(%arg7 : memref<128x128xf32, #tpu.memory_space<vmem>>) target(%dma_start3A_18 : memref<10240x128xf32, #tpu.memory_space<vmem_shared>>) offsets(%dma_start3A_15 : memref<128xi32, #tpu.memory_space<vmem>>) semaphore(%run_scoped3A_13 : memref<!tpu.dma_semaphore, #tpu.memory_space<semaphore_mem>>) {add = true}
        %dma_wait3A = arith.constant 0 : i32
        %dma_wait3A_19 = tpu.memref_slice %arg6[%scan3A_11, %run_scoped3A_12, %dma_wait3A] : memref<79x2x128xi32, #tpu.memory_space<vmem>> -> memref<1x1x128xi32, #tpu.memory_space<vmem>>
        %dma_wait3A_20 = tpu.memref_squeeze %dma_wait3A_19 : memref<1x1x128xi32, #tpu.memory_space<vmem>> -> memref<128xi32, #tpu.memory_space<vmem>>
        %dma_wait3A_21 = arith.constant 0 : i32
        %dma_wait3A_22 = arith.constant 0 : i32
        %dma_wait3A_23 = tpu.memref_slice %arg8[%dma_wait3A_21, %dma_wait3A_22] : memref<10240x128xf32, #tpu.memory_space<vmem_shared>> -> memref<10240x128xf32, #tpu.memory_space<vmem_shared>>
        tpu.wait_indirect_dma semaphore(%run_scoped3A_13 : memref<!tpu.dma_semaphore, #tpu.memory_space<semaphore_mem>>) src(%arg7 : memref<128x128xf32, #tpu.memory_space<vmem>>) dst(%dma_wait3A_23 : memref<10240x128xf32, #tpu.memory_space<vmem_shared>>)
        tpu.yield
      }) : () -> ()
    }
    %scan3A_5 = arith.constant 79 : i32
    %barrier3A_6 = arith.constant 0 : index
    tpu.barrier barrier_id(%barrier3A_6)
    %mul3A_7 = arith.constant 640 : i32
    %mul3A_8 = arith.muli %arg1, %mul3A_7 : i32
    %mul3A_9 = arith.constant 640 : i32
    %mul3A_10 = arith.muli %arg1, %mul3A_9 : i32
    "tpu.region"() ({
      %run_scoped3A = tpu.sem_alloc : memref<!tpu.dma_semaphore, #tpu.memory_space<semaphore_mem>>
      %dma_start3A = arith.constant 0 : i32
      %dma_start3A_11 = tpu.memref_slice %arg5[%arg0, %mul3A_10, %dma_start3A] : memref<2x10240x128xf32, #tpu.memory_space<hbm>> -> memref<1x640x128xf32, #tpu.memory_space<hbm>>
      %dma_start3A_12 = tpu.memref_squeeze %dma_start3A_11 : memref<1x640x128xf32, #tpu.memory_space<hbm>> -> memref<640x128xf32, #tpu.memory_space<hbm>>
      %dma_start3A_13 = arith.constant 0 : i32
      %dma_start3A_14 = tpu.memref_slice %arg8[%mul3A_8, %dma_start3A_13] : memref<10240x128xf32, #tpu.memory_space<vmem_shared>> -> memref<640x128xf32, #tpu.memory_space<vmem_shared>>
      tpu.enqueue_dma source(%dma_start3A_14 : memref<640x128xf32, #tpu.memory_space<vmem_shared>>) target(%dma_start3A_12 : memref<640x128xf32, #tpu.memory_space<hbm>>) target_semaphore(%run_scoped3A : memref<!tpu.dma_semaphore, #tpu.memory_space<semaphore_mem>>)
      %dma_wait3A = arith.constant 0 : i32
      %dma_wait3A_15 = tpu.memref_slice %arg5[%arg0, %mul3A_10, %dma_wait3A] : memref<2x10240x128xf32, #tpu.memory_space<hbm>> -> memref<1x640x128xf32, #tpu.memory_space<hbm>>
      %dma_wait3A_16 = tpu.memref_squeeze %dma_wait3A_15 : memref<1x640x128xf32, #tpu.memory_space<hbm>> -> memref<640x128xf32, #tpu.memory_space<hbm>>
      %dma_wait3A_17 = arith.constant 0 : i32
      %dma_wait3A_18 = tpu.memref_slice %arg8[%mul3A_8, %dma_wait3A_17] : memref<10240x128xf32, #tpu.memory_space<vmem_shared>> -> memref<640x128xf32, #tpu.memory_space<vmem_shared>>
      tpu.wait_dma2 semaphore(%run_scoped3A : memref<!tpu.dma_semaphore, #tpu.memory_space<semaphore_mem>>) src(%dma_wait3A_18 : memref<640x128xf32, #tpu.memory_space<vmem_shared>>) dst(%dma_wait3A_16 : memref<640x128xf32, #tpu.memory_space<hbm>>)
      tpu.yield
    }) : () -> ()
    return
  }
}

#map = affine_map<(d0, d1) -> (0, 0)>
#map1 = affine_map<(d0, d1) -> (0, 0, 0, 0, 0)>
module attributes {stable_mosaic.version = 14 : i64} {
  func.func @msgpass(%arg0: i32, %arg1: i32, %arg2: memref<20480x128xf32, #tpu.memory_space<hbm>>, %arg3: memref<2x16x79x2x128xi32, #tpu.memory_space<hbm>>, %arg4: memref<2x16x79x2x128xi32, #tpu.memory_space<hbm>>, %arg5: memref<640x128xf32, #tpu.memory_space<hbm>>, %arg6: memref<20480x128xf32, #tpu.memory_space<hbm>>, %arg7: memref<2x2x128xi32, #tpu.memory_space<vmem>>, %arg8: memref<2x2x128xi32, #tpu.memory_space<vmem>>, %arg9: memref<128x128xf32, #tpu.memory_space<vmem>>, %arg10: memref<128x128xf32, #tpu.memory_space<vmem>>, %arg11: memref<10240x128xf32, #tpu.memory_space<vmem_shared>>, %arg12: memref<!tpu.dma_semaphore, #tpu.memory_space<semaphore_mem>>, %arg13: memref<!tpu.dma_semaphore, #tpu.memory_space<semaphore_mem>>, %arg14: memref<!tpu.dma_semaphore, #tpu.memory_space<semaphore_mem>>, %arg15: memref<!tpu.dma_semaphore, #tpu.memory_space<semaphore_mem>>, %arg16: memref<!tpu.dma_semaphore, #tpu.memory_space<semaphore_mem>>) attributes {dimension_semantics = [#tpu.dimension_semantics<core_parallel>, #tpu.dimension_semantics<subcore_parallel>], iteration_bounds = array<i64: 2, 16>, scalar_prefetch = 0 : i64, scratch_operands = 10 : i64, tpu.core_type = #tpu.core_type<sc_vector_subcore>, window_params = [{transform_indices = #map}, {transform_indices = #map1}, {transform_indices = #map1}, {transform_indices = #map}, {transform_indices = #map}]} {
    %mul3A = arith.constant 640 : i32
    %mul3A_0 = arith.muli %arg1, %mul3A : i32
    "tpu.region"() ({
      %run_scoped3A = tpu.sem_alloc : memref<!tpu.dma_semaphore, #tpu.memory_space<semaphore_mem>>
      %dma_start3A_191 = arith.constant 0 : i32
      %dma_start3A_192 = tpu.memref_slice %arg11[%mul3A_0, %dma_start3A_191] : memref<10240x128xf32, #tpu.memory_space<vmem_shared>> -> memref<640x128xf32, #tpu.memory_space<vmem_shared>>
      tpu.enqueue_dma source(%arg5 : memref<640x128xf32, #tpu.memory_space<hbm>>) target(%dma_start3A_192 : memref<640x128xf32, #tpu.memory_space<vmem_shared>>) target_semaphore(%run_scoped3A : memref<!tpu.dma_semaphore, #tpu.memory_space<semaphore_mem>>)
      %dma_wait3A_193 = arith.constant 0 : i32
      %dma_wait3A_194 = tpu.memref_slice %arg11[%mul3A_0, %dma_wait3A_193] : memref<10240x128xf32, #tpu.memory_space<vmem_shared>> -> memref<640x128xf32, #tpu.memory_space<vmem_shared>>
      tpu.wait_dma2 semaphore(%run_scoped3A : memref<!tpu.dma_semaphore, #tpu.memory_space<semaphore_mem>>) src(%arg5 : memref<640x128xf32, #tpu.memory_space<hbm>>) dst(%dma_wait3A_194 : memref<640x128xf32, #tpu.memory_space<vmem_shared>>)
      tpu.yield
    }) : () -> ()
    %barrier3A = arith.constant 0 : index
    tpu.barrier barrier_id(%barrier3A)
    %dma_start3A = arith.constant 0 : i32
    %dma_start3A_1 = arith.constant 0 : i32
    %dma_start3A_2 = arith.constant 0 : i32
    %dma_start3A_3 = arith.constant 0 : i32
    %dma_start3A_4 = tpu.memref_slice %arg7[%dma_start3A_1, %dma_start3A_2, %dma_start3A_3] : memref<2x2x128xi32, #tpu.memory_space<vmem>> -> memref<1x2x128xi32, #tpu.memory_space<vmem>>
    %dma_start3A_5 = tpu.memref_squeeze %dma_start3A_4 : memref<1x2x128xi32, #tpu.memory_space<vmem>> -> memref<2x128xi32, #tpu.memory_space<vmem>>
    %dma_start3A_6 = arith.constant 0 : i32
    %dma_start3A_7 = arith.constant 0 : i32
    %dma_start3A_8 = tpu.memref_slice %arg3[%arg0, %arg1, %dma_start3A, %dma_start3A_6, %dma_start3A_7] : memref<2x16x79x2x128xi32, #tpu.memory_space<hbm>> -> memref<1x1x1x2x128xi32, #tpu.memory_space<hbm>>
    %dma_start3A_9 = tpu.memref_squeeze %dma_start3A_8 : memref<1x1x1x2x128xi32, #tpu.memory_space<hbm>> -> memref<2x128xi32, #tpu.memory_space<hbm>>
    %dma_start3A_10 = arith.constant 0 : i32
    %dma_start3A_11 = arith.constant 0 : i32
    %dma_start3A_12 = tpu.memref_slice %arg7[%dma_start3A_1, %dma_start3A_10, %dma_start3A_11] : memref<2x2x128xi32, #tpu.memory_space<vmem>> -> memref<1x2x128xi32, #tpu.memory_space<vmem>>
    %dma_start3A_13 = tpu.memref_squeeze %dma_start3A_12 : memref<1x2x128xi32, #tpu.memory_space<vmem>> -> memref<2x128xi32, #tpu.memory_space<vmem>>
    %dma_start3A_14 = arith.constant 0 : i32
    %dma_start3A_15 = arith.constant 0 : i32
    %dma_start3A_16 = tpu.memref_slice %arg3[%arg0, %arg1, %dma_start3A, %dma_start3A_14, %dma_start3A_15] : memref<2x16x79x2x128xi32, #tpu.memory_space<hbm>> -> memref<1x1x1x2x128xi32, #tpu.memory_space<hbm>>
    %dma_start3A_17 = tpu.memref_squeeze %dma_start3A_16 : memref<1x1x1x2x128xi32, #tpu.memory_space<hbm>> -> memref<2x128xi32, #tpu.memory_space<hbm>>
    tpu.enqueue_dma source(%dma_start3A_17 : memref<2x128xi32, #tpu.memory_space<hbm>>) target(%dma_start3A_13 : memref<2x128xi32, #tpu.memory_space<vmem>>) target_semaphore(%arg16 : memref<!tpu.dma_semaphore, #tpu.memory_space<semaphore_mem>>)
    %dma_start3A_18 = arith.constant 0 : i32
    %dma_start3A_19 = arith.constant 0 : i32
    %dma_start3A_20 = arith.constant 0 : i32
    %dma_start3A_21 = arith.constant 0 : i32
    %dma_start3A_22 = tpu.memref_slice %arg8[%dma_start3A_19, %dma_start3A_20, %dma_start3A_21] : memref<2x2x128xi32, #tpu.memory_space<vmem>> -> memref<1x2x128xi32, #tpu.memory_space<vmem>>
    %dma_start3A_23 = tpu.memref_squeeze %dma_start3A_22 : memref<1x2x128xi32, #tpu.memory_space<vmem>> -> memref<2x128xi32, #tpu.memory_space<vmem>>
    %dma_start3A_24 = arith.constant 0 : i32
    %dma_start3A_25 = arith.constant 0 : i32
    %dma_start3A_26 = tpu.memref_slice %arg4[%arg0, %arg1, %dma_start3A_18, %dma_start3A_24, %dma_start3A_25] : memref<2x16x79x2x128xi32, #tpu.memory_space<hbm>> -> memref<1x1x1x2x128xi32, #tpu.memory_space<hbm>>
    %dma_start3A_27 = tpu.memref_squeeze %dma_start3A_26 : memref<1x1x1x2x128xi32, #tpu.memory_space<hbm>> -> memref<2x128xi32, #tpu.memory_space<hbm>>
    %dma_start3A_28 = arith.constant 0 : i32
    %dma_start3A_29 = arith.constant 0 : i32
    %dma_start3A_30 = tpu.memref_slice %arg8[%dma_start3A_19, %dma_start3A_28, %dma_start3A_29] : memref<2x2x128xi32, #tpu.memory_space<vmem>> -> memref<1x2x128xi32, #tpu.memory_space<vmem>>
    %dma_start3A_31 = tpu.memref_squeeze %dma_start3A_30 : memref<1x2x128xi32, #tpu.memory_space<vmem>> -> memref<2x128xi32, #tpu.memory_space<vmem>>
    %dma_start3A_32 = arith.constant 0 : i32
    %dma_start3A_33 = arith.constant 0 : i32
    %dma_start3A_34 = tpu.memref_slice %arg4[%arg0, %arg1, %dma_start3A_18, %dma_start3A_32, %dma_start3A_33] : memref<2x16x79x2x128xi32, #tpu.memory_space<hbm>> -> memref<1x1x1x2x128xi32, #tpu.memory_space<hbm>>
    %dma_start3A_35 = tpu.memref_squeeze %dma_start3A_34 : memref<1x1x1x2x128xi32, #tpu.memory_space<hbm>> -> memref<2x128xi32, #tpu.memory_space<hbm>>
    tpu.enqueue_dma source(%dma_start3A_35 : memref<2x128xi32, #tpu.memory_space<hbm>>) target(%dma_start3A_31 : memref<2x128xi32, #tpu.memory_space<vmem>>) target_semaphore(%arg16 : memref<!tpu.dma_semaphore, #tpu.memory_space<semaphore_mem>>)
    %dma_wait3A = arith.constant 0 : i32
    %dma_wait3A_36 = arith.constant 0 : i32
    %dma_wait3A_37 = arith.constant 0 : i32
    %dma_wait3A_38 = arith.constant 0 : i32
    %dma_wait3A_39 = arith.constant 0 : i32
    %dma_wait3A_40 = arith.constant 0 : i32
    %dma_wait3A_41 = tpu.memref_slice %arg7[%dma_wait3A_38, %dma_wait3A_39, %dma_wait3A_40] : memref<2x2x128xi32, #tpu.memory_space<vmem>> -> memref<1x2x128xi32, #tpu.memory_space<vmem>>
    %dma_wait3A_42 = tpu.memref_squeeze %dma_wait3A_41 : memref<1x2x128xi32, #tpu.memory_space<vmem>> -> memref<2x128xi32, #tpu.memory_space<vmem>>
    %dma_wait3A_43 = arith.constant 0 : i32
    %dma_wait3A_44 = arith.constant 0 : i32
    %dma_wait3A_45 = tpu.memref_slice %arg3[%dma_wait3A, %dma_wait3A_36, %dma_wait3A_37, %dma_wait3A_43, %dma_wait3A_44] : memref<2x16x79x2x128xi32, #tpu.memory_space<hbm>> -> memref<1x1x1x2x128xi32, #tpu.memory_space<hbm>>
    %dma_wait3A_46 = tpu.memref_squeeze %dma_wait3A_45 : memref<1x1x1x2x128xi32, #tpu.memory_space<hbm>> -> memref<2x128xi32, #tpu.memory_space<hbm>>
    %dma_wait3A_47 = arith.constant 0 : i32
    %dma_wait3A_48 = arith.constant 0 : i32
    %dma_wait3A_49 = tpu.memref_slice %arg7[%dma_wait3A_38, %dma_wait3A_47, %dma_wait3A_48] : memref<2x2x128xi32, #tpu.memory_space<vmem>> -> memref<1x2x128xi32, #tpu.memory_space<vmem>>
    %dma_wait3A_50 = tpu.memref_squeeze %dma_wait3A_49 : memref<1x2x128xi32, #tpu.memory_space<vmem>> -> memref<2x128xi32, #tpu.memory_space<vmem>>
    %dma_wait3A_51 = arith.constant 0 : i32
    %dma_wait3A_52 = arith.constant 0 : i32
    %dma_wait3A_53 = tpu.memref_slice %arg3[%dma_wait3A, %dma_wait3A_36, %dma_wait3A_37, %dma_wait3A_51, %dma_wait3A_52] : memref<2x16x79x2x128xi32, #tpu.memory_space<hbm>> -> memref<1x1x1x2x128xi32, #tpu.memory_space<hbm>>
    %dma_wait3A_54 = tpu.memref_squeeze %dma_wait3A_53 : memref<1x1x1x2x128xi32, #tpu.memory_space<hbm>> -> memref<2x128xi32, #tpu.memory_space<hbm>>
    tpu.wait_dma2 semaphore(%arg16 : memref<!tpu.dma_semaphore, #tpu.memory_space<semaphore_mem>>) src(%dma_wait3A_54 : memref<2x128xi32, #tpu.memory_space<hbm>>) dst(%dma_wait3A_50 : memref<2x128xi32, #tpu.memory_space<vmem>>)
    %dma_wait3A_55 = arith.constant 0 : i32
    %dma_wait3A_56 = arith.constant 0 : i32
    %dma_wait3A_57 = arith.constant 0 : i32
    %dma_wait3A_58 = arith.constant 0 : i32
    %dma_wait3A_59 = arith.constant 0 : i32
    %dma_wait3A_60 = arith.constant 0 : i32
    %dma_wait3A_61 = tpu.memref_slice %arg8[%dma_wait3A_58, %dma_wait3A_59, %dma_wait3A_60] : memref<2x2x128xi32, #tpu.memory_space<vmem>> -> memref<1x2x128xi32, #tpu.memory_space<vmem>>
    %dma_wait3A_62 = tpu.memref_squeeze %dma_wait3A_61 : memref<1x2x128xi32, #tpu.memory_space<vmem>> -> memref<2x128xi32, #tpu.memory_space<vmem>>
    %dma_wait3A_63 = arith.constant 0 : i32
    %dma_wait3A_64 = arith.constant 0 : i32
    %dma_wait3A_65 = tpu.memref_slice %arg3[%dma_wait3A_55, %dma_wait3A_56, %dma_wait3A_57, %dma_wait3A_63, %dma_wait3A_64] : memref<2x16x79x2x128xi32, #tpu.memory_space<hbm>> -> memref<1x1x1x2x128xi32, #tpu.memory_space<hbm>>
    %dma_wait3A_66 = tpu.memref_squeeze %dma_wait3A_65 : memref<1x1x1x2x128xi32, #tpu.memory_space<hbm>> -> memref<2x128xi32, #tpu.memory_space<hbm>>
    %dma_wait3A_67 = arith.constant 0 : i32
    %dma_wait3A_68 = arith.constant 0 : i32
    %dma_wait3A_69 = tpu.memref_slice %arg8[%dma_wait3A_58, %dma_wait3A_67, %dma_wait3A_68] : memref<2x2x128xi32, #tpu.memory_space<vmem>> -> memref<1x2x128xi32, #tpu.memory_space<vmem>>
    %dma_wait3A_70 = tpu.memref_squeeze %dma_wait3A_69 : memref<1x2x128xi32, #tpu.memory_space<vmem>> -> memref<2x128xi32, #tpu.memory_space<vmem>>
    %dma_wait3A_71 = arith.constant 0 : i32
    %dma_wait3A_72 = arith.constant 0 : i32
    %dma_wait3A_73 = tpu.memref_slice %arg3[%dma_wait3A_55, %dma_wait3A_56, %dma_wait3A_57, %dma_wait3A_71, %dma_wait3A_72] : memref<2x16x79x2x128xi32, #tpu.memory_space<hbm>> -> memref<1x1x1x2x128xi32, #tpu.memory_space<hbm>>
    %dma_wait3A_74 = tpu.memref_squeeze %dma_wait3A_73 : memref<1x1x1x2x128xi32, #tpu.memory_space<hbm>> -> memref<2x128xi32, #tpu.memory_space<hbm>>
    tpu.wait_dma2 semaphore(%arg16 : memref<!tpu.dma_semaphore, #tpu.memory_space<semaphore_mem>>) src(%dma_wait3A_74 : memref<2x128xi32, #tpu.memory_space<hbm>>) dst(%dma_wait3A_70 : memref<2x128xi32, #tpu.memory_space<vmem>>)
    %dma_start3A_75 = arith.constant 0 : i32
    %dma_start3A_76 = arith.constant 0 : i32
    %dma_start3A_77 = arith.constant 0 : i32
    %dma_start3A_78 = tpu.memref_slice %arg7[%dma_start3A_75, %dma_start3A_76, %dma_start3A_77] : memref<2x2x128xi32, #tpu.memory_space<vmem>> -> memref<1x1x128xi32, #tpu.memory_space<vmem>>
    %dma_start3A_79 = tpu.memref_squeeze %dma_start3A_78 : memref<1x1x128xi32, #tpu.memory_space<vmem>> -> memref<128xi32, #tpu.memory_space<vmem>>
    %dma_start3A_80 = arith.constant 0 : i32
    %dma_start3A_81 = arith.constant 0 : i32
    %dma_start3A_82 = tpu.memref_slice %arg2[%dma_start3A_80, %dma_start3A_81] : memref<20480x128xf32, #tpu.memory_space<hbm>> -> memref<20480x128xf32, #tpu.memory_space<hbm>>
    tpu.enqueue_indirect_dma source(%dma_start3A_82 : memref<20480x128xf32, #tpu.memory_space<hbm>>) target(%arg9 : memref<128x128xf32, #tpu.memory_space<vmem>>) offsets(%dma_start3A_79 : memref<128xi32, #tpu.memory_space<vmem>>) semaphore(%arg12 : memref<!tpu.dma_semaphore, #tpu.memory_space<semaphore_mem>>)
    %dma_start3A_83 = arith.constant 0 : i32
    %dma_start3A_84 = arith.constant 1 : i32
    %dma_start3A_85 = arith.constant 0 : i32
    %dma_start3A_86 = tpu.memref_slice %arg7[%dma_start3A_83, %dma_start3A_84, %dma_start3A_85] : memref<2x2x128xi32, #tpu.memory_space<vmem>> -> memref<1x1x128xi32, #tpu.memory_space<vmem>>
    %dma_start3A_87 = tpu.memref_squeeze %dma_start3A_86 : memref<1x1x128xi32, #tpu.memory_space<vmem>> -> memref<128xi32, #tpu.memory_space<vmem>>
    %dma_start3A_88 = arith.constant 0 : i32
    %dma_start3A_89 = arith.constant 0 : i32
    %dma_start3A_90 = tpu.memref_slice %arg2[%dma_start3A_88, %dma_start3A_89] : memref<20480x128xf32, #tpu.memory_space<hbm>> -> memref<20480x128xf32, #tpu.memory_space<hbm>>
    tpu.enqueue_indirect_dma source(%dma_start3A_90 : memref<20480x128xf32, #tpu.memory_space<hbm>>) target(%arg10 : memref<128x128xf32, #tpu.memory_space<vmem>>) offsets(%dma_start3A_87 : memref<128xi32, #tpu.memory_space<vmem>>) semaphore(%arg13 : memref<!tpu.dma_semaphore, #tpu.memory_space<semaphore_mem>>)
    %dma_start3A_91 = arith.constant 1 : i32
    %dma_start3A_92 = arith.constant 1 : i32
    %dma_start3A_93 = arith.constant 0 : i32
    %dma_start3A_94 = arith.constant 0 : i32
    %dma_start3A_95 = tpu.memref_slice %arg7[%dma_start3A_92, %dma_start3A_93, %dma_start3A_94] : memref<2x2x128xi32, #tpu.memory_space<vmem>> -> memref<1x2x128xi32, #tpu.memory_space<vmem>>
    %dma_start3A_96 = tpu.memref_squeeze %dma_start3A_95 : memref<1x2x128xi32, #tpu.memory_space<vmem>> -> memref<2x128xi32, #tpu.memory_space<vmem>>
    %dma_start3A_97 = arith.constant 0 : i32
    %dma_start3A_98 = arith.constant 0 : i32
    %dma_start3A_99 = tpu.memref_slice %arg3[%arg0, %arg1, %dma_start3A_91, %dma_start3A_97, %dma_start3A_98] : memref<2x16x79x2x128xi32, #tpu.memory_space<hbm>> -> memref<1x1x1x2x128xi32, #tpu.memory_space<hbm>>
    %dma_start3A_100 = tpu.memref_squeeze %dma_start3A_99 : memref<1x1x1x2x128xi32, #tpu.memory_space<hbm>> -> memref<2x128xi32, #tpu.memory_space<hbm>>
    %dma_start3A_101 = arith.constant 0 : i32
    %dma_start3A_102 = arith.constant 0 : i32
    %dma_start3A_103 = tpu.memref_slice %arg7[%dma_start3A_92, %dma_start3A_101, %dma_start3A_102] : memref<2x2x128xi32, #tpu.memory_space<vmem>> -> memref<1x2x128xi32, #tpu.memory_space<vmem>>
    %dma_start3A_104 = tpu.memref_squeeze %dma_start3A_103 : memref<1x2x128xi32, #tpu.memory_space<vmem>> -> memref<2x128xi32, #tpu.memory_space<vmem>>
    %dma_start3A_105 = arith.constant 0 : i32
    %dma_start3A_106 = arith.constant 0 : i32
    %dma_start3A_107 = tpu.memref_slice %arg3[%arg0, %arg1, %dma_start3A_91, %dma_start3A_105, %dma_start3A_106] : memref<2x16x79x2x128xi32, #tpu.memory_space<hbm>> -> memref<1x1x1x2x128xi32, #tpu.memory_space<hbm>>
    %dma_start3A_108 = tpu.memref_squeeze %dma_start3A_107 : memref<1x1x1x2x128xi32, #tpu.memory_space<hbm>> -> memref<2x128xi32, #tpu.memory_space<hbm>>
    tpu.enqueue_dma source(%dma_start3A_108 : memref<2x128xi32, #tpu.memory_space<hbm>>) target(%dma_start3A_104 : memref<2x128xi32, #tpu.memory_space<vmem>>) target_semaphore(%arg16 : memref<!tpu.dma_semaphore, #tpu.memory_space<semaphore_mem>>)
    %dma_start3A_109 = arith.constant 1 : i32
    %dma_start3A_110 = arith.constant 1 : i32
    %dma_start3A_111 = arith.constant 0 : i32
    %dma_start3A_112 = arith.constant 0 : i32
    %dma_start3A_113 = tpu.memref_slice %arg8[%dma_start3A_110, %dma_start3A_111, %dma_start3A_112] : memref<2x2x128xi32, #tpu.memory_space<vmem>> -> memref<1x2x128xi32, #tpu.memory_space<vmem>>
    %dma_start3A_114 = tpu.memref_squeeze %dma_start3A_113 : memref<1x2x128xi32, #tpu.memory_space<vmem>> -> memref<2x128xi32, #tpu.memory_space<vmem>>
    %dma_start3A_115 = arith.constant 0 : i32
    %dma_start3A_116 = arith.constant 0 : i32
    %dma_start3A_117 = tpu.memref_slice %arg4[%arg0, %arg1, %dma_start3A_109, %dma_start3A_115, %dma_start3A_116] : memref<2x16x79x2x128xi32, #tpu.memory_space<hbm>> -> memref<1x1x1x2x128xi32, #tpu.memory_space<hbm>>
    %dma_start3A_118 = tpu.memref_squeeze %dma_start3A_117 : memref<1x1x1x2x128xi32, #tpu.memory_space<hbm>> -> memref<2x128xi32, #tpu.memory_space<hbm>>
    %dma_start3A_119 = arith.constant 0 : i32
    %dma_start3A_120 = arith.constant 0 : i32
    %dma_start3A_121 = tpu.memref_slice %arg8[%dma_start3A_110, %dma_start3A_119, %dma_start3A_120] : memref<2x2x128xi32, #tpu.memory_space<vmem>> -> memref<1x2x128xi32, #tpu.memory_space<vmem>>
    %dma_start3A_122 = tpu.memref_squeeze %dma_start3A_121 : memref<1x2x128xi32, #tpu.memory_space<vmem>> -> memref<2x128xi32, #tpu.memory_space<vmem>>
    %dma_start3A_123 = arith.constant 0 : i32
    %dma_start3A_124 = arith.constant 0 : i32
    %dma_start3A_125 = tpu.memref_slice %arg4[%arg0, %arg1, %dma_start3A_109, %dma_start3A_123, %dma_start3A_124] : memref<2x16x79x2x128xi32, #tpu.memory_space<hbm>> -> memref<1x1x1x2x128xi32, #tpu.memory_space<hbm>>
    %dma_start3A_126 = tpu.memref_squeeze %dma_start3A_125 : memref<1x1x1x2x128xi32, #tpu.memory_space<hbm>> -> memref<2x128xi32, #tpu.memory_space<hbm>>
    tpu.enqueue_dma source(%dma_start3A_126 : memref<2x128xi32, #tpu.memory_space<hbm>>) target(%dma_start3A_122 : memref<2x128xi32, #tpu.memory_space<vmem>>) target_semaphore(%arg16 : memref<!tpu.dma_semaphore, #tpu.memory_space<semaphore_mem>>)
    %scan3A = arith.constant 0 : i32
    %scan3A_127 = arith.constant 0 : i32
    %scan3A_128 = arith.constant 79 : i32
    %scan3A_129 = arith.addi %scan3A_127, %scan3A_128 : i32
    %scan3A_130 = arith.constant 1 : i32
    scf.for %scan3A_191 = %scan3A_127 to %scan3A_129 step %scan3A_130  : i32 {
      %rem3A = arith.constant 2 : i32
      %rem3A_192 = arith.remsi %scan3A_191, %rem3A : i32
      %sub3A = arith.constant 1 : i32
      %sub3A_193 = arith.subi %sub3A, %rem3A_192 : i32
      %dma_wait3A_194 = arith.constant 0 : i32
      %dma_wait3A_195 = arith.constant 0 : i32
      %dma_wait3A_196 = tpu.memref_slice %arg2[%dma_wait3A_194, %dma_wait3A_195] : memref<20480x128xf32, #tpu.memory_space<hbm>> -> memref<128x128xf32, #tpu.memory_space<hbm>>
      %dma_wait3A_197 = arith.constant 0 : i32
      %dma_wait3A_198 = arith.constant 0 : i32
      %dma_wait3A_199 = tpu.memref_slice %arg2[%dma_wait3A_197, %dma_wait3A_198] : memref<20480x128xf32, #tpu.memory_space<hbm>> -> memref<128x128xf32, #tpu.memory_space<hbm>>
      tpu.wait_dma2 semaphore(%arg12 : memref<!tpu.dma_semaphore, #tpu.memory_space<semaphore_mem>>) src(%dma_wait3A_199 : memref<128x128xf32, #tpu.memory_space<hbm>>) dst(%arg9 : memref<128x128xf32, #tpu.memory_space<vmem>>)
      %dma_start3A_200 = arith.constant 0 : i32
      %dma_start3A_201 = arith.constant 0 : i32
      %dma_start3A_202 = tpu.memref_slice %arg8[%rem3A_192, %dma_start3A_200, %dma_start3A_201] : memref<2x2x128xi32, #tpu.memory_space<vmem>> -> memref<1x1x128xi32, #tpu.memory_space<vmem>>
      %dma_start3A_203 = tpu.memref_squeeze %dma_start3A_202 : memref<1x1x128xi32, #tpu.memory_space<vmem>> -> memref<128xi32, #tpu.memory_space<vmem>>
      %dma_start3A_204 = arith.constant 0 : i32
      %dma_start3A_205 = arith.constant 0 : i32
      %dma_start3A_206 = tpu.memref_slice %arg11[%dma_start3A_204, %dma_start3A_205] : memref<10240x128xf32, #tpu.memory_space<vmem_shared>> -> memref<10240x128xf32, #tpu.memory_space<vmem_shared>>
      tpu.enqueue_indirect_dma source(%arg9 : memref<128x128xf32, #tpu.memory_space<vmem>>) target(%dma_start3A_206 : memref<10240x128xf32, #tpu.memory_space<vmem_shared>>) offsets(%dma_start3A_203 : memref<128xi32, #tpu.memory_space<vmem>>) semaphore(%arg14 : memref<!tpu.dma_semaphore, #tpu.memory_space<semaphore_mem>>) {add = true}
      %dma_wait3A_207 = arith.constant 0 : i32
      %dma_wait3A_208 = arith.constant 0 : i32
      %dma_wait3A_209 = tpu.memref_slice %arg2[%dma_wait3A_207, %dma_wait3A_208] : memref<20480x128xf32, #tpu.memory_space<hbm>> -> memref<128x128xf32, #tpu.memory_space<hbm>>
      %dma_wait3A_210 = arith.constant 0 : i32
      %dma_wait3A_211 = arith.constant 0 : i32
      %dma_wait3A_212 = tpu.memref_slice %arg2[%dma_wait3A_210, %dma_wait3A_211] : memref<20480x128xf32, #tpu.memory_space<hbm>> -> memref<128x128xf32, #tpu.memory_space<hbm>>
      tpu.wait_dma2 semaphore(%arg13 : memref<!tpu.dma_semaphore, #tpu.memory_space<semaphore_mem>>) src(%dma_wait3A_212 : memref<128x128xf32, #tpu.memory_space<hbm>>) dst(%arg10 : memref<128x128xf32, #tpu.memory_space<vmem>>)
      %dma_start3A_213 = arith.constant 1 : i32
      %dma_start3A_214 = arith.constant 0 : i32
      %dma_start3A_215 = tpu.memref_slice %arg8[%rem3A_192, %dma_start3A_213, %dma_start3A_214] : memref<2x2x128xi32, #tpu.memory_space<vmem>> -> memref<1x1x128xi32, #tpu.memory_space<vmem>>
      %dma_start3A_216 = tpu.memref_squeeze %dma_start3A_215 : memref<1x1x128xi32, #tpu.memory_space<vmem>> -> memref<128xi32, #tpu.memory_space<vmem>>
      %dma_start3A_217 = arith.constant 0 : i32
      %dma_start3A_218 = arith.constant 0 : i32
      %dma_start3A_219 = tpu.memref_slice %arg11[%dma_start3A_217, %dma_start3A_218] : memref<10240x128xf32, #tpu.memory_space<vmem_shared>> -> memref<10240x128xf32, #tpu.memory_space<vmem_shared>>
      tpu.enqueue_indirect_dma source(%arg10 : memref<128x128xf32, #tpu.memory_space<vmem>>) target(%dma_start3A_219 : memref<10240x128xf32, #tpu.memory_space<vmem_shared>>) offsets(%dma_start3A_216 : memref<128xi32, #tpu.memory_space<vmem>>) semaphore(%arg15 : memref<!tpu.dma_semaphore, #tpu.memory_space<semaphore_mem>>) {add = true}
      %dma_wait3A_220 = arith.constant 0 : i32
      %dma_wait3A_221 = arith.constant 0 : i32
      %dma_wait3A_222 = arith.constant 0 : i32
      %dma_wait3A_223 = arith.constant 0 : i32
      %dma_wait3A_224 = arith.constant 0 : i32
      %dma_wait3A_225 = arith.constant 0 : i32
      %dma_wait3A_226 = tpu.memref_slice %arg7[%dma_wait3A_223, %dma_wait3A_224, %dma_wait3A_225] : memref<2x2x128xi32, #tpu.memory_space<vmem>> -> memref<1x2x128xi32, #tpu.memory_space<vmem>>
      %dma_wait3A_227 = tpu.memref_squeeze %dma_wait3A_226 : memref<1x2x128xi32, #tpu.memory_space<vmem>> -> memref<2x128xi32, #tpu.memory_space<vmem>>
      %dma_wait3A_228 = arith.constant 0 : i32
      %dma_wait3A_229 = arith.constant 0 : i32
      %dma_wait3A_230 = tpu.memref_slice %arg3[%dma_wait3A_220, %dma_wait3A_221, %dma_wait3A_222, %dma_wait3A_228, %dma_wait3A_229] : memref<2x16x79x2x128xi32, #tpu.memory_space<hbm>> -> memref<1x1x1x2x128xi32, #tpu.memory_space<hbm>>
      %dma_wait3A_231 = tpu.memref_squeeze %dma_wait3A_230 : memref<1x1x1x2x128xi32, #tpu.memory_space<hbm>> -> memref<2x128xi32, #tpu.memory_space<hbm>>
      %dma_wait3A_232 = arith.constant 0 : i32
      %dma_wait3A_233 = arith.constant 0 : i32
      %dma_wait3A_234 = tpu.memref_slice %arg7[%dma_wait3A_223, %dma_wait3A_232, %dma_wait3A_233] : memref<2x2x128xi32, #tpu.memory_space<vmem>> -> memref<1x2x128xi32, #tpu.memory_space<vmem>>
      %dma_wait3A_235 = tpu.memref_squeeze %dma_wait3A_234 : memref<1x2x128xi32, #tpu.memory_space<vmem>> -> memref<2x128xi32, #tpu.memory_space<vmem>>
      %dma_wait3A_236 = arith.constant 0 : i32
      %dma_wait3A_237 = arith.constant 0 : i32
      %dma_wait3A_238 = tpu.memref_slice %arg3[%dma_wait3A_220, %dma_wait3A_221, %dma_wait3A_222, %dma_wait3A_236, %dma_wait3A_237] : memref<2x16x79x2x128xi32, #tpu.memory_space<hbm>> -> memref<1x1x1x2x128xi32, #tpu.memory_space<hbm>>
      %dma_wait3A_239 = tpu.memref_squeeze %dma_wait3A_238 : memref<1x1x1x2x128xi32, #tpu.memory_space<hbm>> -> memref<2x128xi32, #tpu.memory_space<hbm>>
      tpu.wait_dma2 semaphore(%arg16 : memref<!tpu.dma_semaphore, #tpu.memory_space<semaphore_mem>>) src(%dma_wait3A_239 : memref<2x128xi32, #tpu.memory_space<hbm>>) dst(%dma_wait3A_235 : memref<2x128xi32, #tpu.memory_space<vmem>>)
      %dma_wait3A_240 = arith.constant 0 : i32
      %dma_wait3A_241 = arith.constant 0 : i32
      %dma_wait3A_242 = arith.constant 0 : i32
      %dma_wait3A_243 = arith.constant 0 : i32
      %dma_wait3A_244 = arith.constant 0 : i32
      %dma_wait3A_245 = arith.constant 0 : i32
      %dma_wait3A_246 = tpu.memref_slice %arg8[%dma_wait3A_243, %dma_wait3A_244, %dma_wait3A_245] : memref<2x2x128xi32, #tpu.memory_space<vmem>> -> memref<1x2x128xi32, #tpu.memory_space<vmem>>
      %dma_wait3A_247 = tpu.memref_squeeze %dma_wait3A_246 : memref<1x2x128xi32, #tpu.memory_space<vmem>> -> memref<2x128xi32, #tpu.memory_space<vmem>>
      %dma_wait3A_248 = arith.constant 0 : i32
      %dma_wait3A_249 = arith.constant 0 : i32
      %dma_wait3A_250 = tpu.memref_slice %arg3[%dma_wait3A_240, %dma_wait3A_241, %dma_wait3A_242, %dma_wait3A_248, %dma_wait3A_249] : memref<2x16x79x2x128xi32, #tpu.memory_space<hbm>> -> memref<1x1x1x2x128xi32, #tpu.memory_space<hbm>>
      %dma_wait3A_251 = tpu.memref_squeeze %dma_wait3A_250 : memref<1x1x1x2x128xi32, #tpu.memory_space<hbm>> -> memref<2x128xi32, #tpu.memory_space<hbm>>
      %dma_wait3A_252 = arith.constant 0 : i32
      %dma_wait3A_253 = arith.constant 0 : i32
      %dma_wait3A_254 = tpu.memref_slice %arg8[%dma_wait3A_243, %dma_wait3A_252, %dma_wait3A_253] : memref<2x2x128xi32, #tpu.memory_space<vmem>> -> memref<1x2x128xi32, #tpu.memory_space<vmem>>
      %dma_wait3A_255 = tpu.memref_squeeze %dma_wait3A_254 : memref<1x2x128xi32, #tpu.memory_space<vmem>> -> memref<2x128xi32, #tpu.memory_space<vmem>>
      %dma_wait3A_256 = arith.constant 0 : i32
      %dma_wait3A_257 = arith.constant 0 : i32
      %dma_wait3A_258 = tpu.memref_slice %arg3[%dma_wait3A_240, %dma_wait3A_241, %dma_wait3A_242, %dma_wait3A_256, %dma_wait3A_257] : memref<2x16x79x2x128xi32, #tpu.memory_space<hbm>> -> memref<1x1x1x2x128xi32, #tpu.memory_space<hbm>>
      %dma_wait3A_259 = tpu.memref_squeeze %dma_wait3A_258 : memref<1x1x1x2x128xi32, #tpu.memory_space<hbm>> -> memref<2x128xi32, #tpu.memory_space<hbm>>
      tpu.wait_dma2 semaphore(%arg16 : memref<!tpu.dma_semaphore, #tpu.memory_space<semaphore_mem>>) src(%dma_wait3A_259 : memref<2x128xi32, #tpu.memory_space<hbm>>) dst(%dma_wait3A_255 : memref<2x128xi32, #tpu.memory_space<vmem>>)
      %dma_wait3A_260 = arith.constant 0 : i32
      %dma_wait3A_261 = arith.constant 0 : i32
      %dma_wait3A_262 = tpu.memref_slice %arg2[%dma_wait3A_260, %dma_wait3A_261] : memref<20480x128xf32, #tpu.memory_space<hbm>> -> memref<128x128xf32, #tpu.memory_space<hbm>>
      %dma_wait3A_263 = arith.constant 0 : i32
      %dma_wait3A_264 = arith.constant 0 : i32
      %dma_wait3A_265 = tpu.memref_slice %arg2[%dma_wait3A_263, %dma_wait3A_264] : memref<20480x128xf32, #tpu.memory_space<hbm>> -> memref<128x128xf32, #tpu.memory_space<hbm>>
      tpu.wait_dma2 semaphore(%arg14 : memref<!tpu.dma_semaphore, #tpu.memory_space<semaphore_mem>>) src(%dma_wait3A_265 : memref<128x128xf32, #tpu.memory_space<hbm>>) dst(%arg9 : memref<128x128xf32, #tpu.memory_space<vmem>>)
      %dma_start3A_266 = arith.constant 0 : i32
      %dma_start3A_267 = arith.constant 0 : i32
      %dma_start3A_268 = tpu.memref_slice %arg7[%sub3A_193, %dma_start3A_266, %dma_start3A_267] : memref<2x2x128xi32, #tpu.memory_space<vmem>> -> memref<1x1x128xi32, #tpu.memory_space<vmem>>
      %dma_start3A_269 = tpu.memref_squeeze %dma_start3A_268 : memref<1x1x128xi32, #tpu.memory_space<vmem>> -> memref<128xi32, #tpu.memory_space<vmem>>
      %dma_start3A_270 = arith.constant 0 : i32
      %dma_start3A_271 = arith.constant 0 : i32
      %dma_start3A_272 = tpu.memref_slice %arg2[%dma_start3A_270, %dma_start3A_271] : memref<20480x128xf32, #tpu.memory_space<hbm>> -> memref<20480x128xf32, #tpu.memory_space<hbm>>
      tpu.enqueue_indirect_dma source(%dma_start3A_272 : memref<20480x128xf32, #tpu.memory_space<hbm>>) target(%arg9 : memref<128x128xf32, #tpu.memory_space<vmem>>) offsets(%dma_start3A_269 : memref<128xi32, #tpu.memory_space<vmem>>) semaphore(%arg12 : memref<!tpu.dma_semaphore, #tpu.memory_space<semaphore_mem>>)
      %dma_wait3A_273 = arith.constant 0 : i32
      %dma_wait3A_274 = arith.constant 0 : i32
      %dma_wait3A_275 = tpu.memref_slice %arg2[%dma_wait3A_273, %dma_wait3A_274] : memref<20480x128xf32, #tpu.memory_space<hbm>> -> memref<128x128xf32, #tpu.memory_space<hbm>>
      %dma_wait3A_276 = arith.constant 0 : i32
      %dma_wait3A_277 = arith.constant 0 : i32
      %dma_wait3A_278 = tpu.memref_slice %arg2[%dma_wait3A_276, %dma_wait3A_277] : memref<20480x128xf32, #tpu.memory_space<hbm>> -> memref<128x128xf32, #tpu.memory_space<hbm>>
      tpu.wait_dma2 semaphore(%arg15 : memref<!tpu.dma_semaphore, #tpu.memory_space<semaphore_mem>>) src(%dma_wait3A_278 : memref<128x128xf32, #tpu.memory_space<hbm>>) dst(%arg10 : memref<128x128xf32, #tpu.memory_space<vmem>>)
      %dma_start3A_279 = arith.constant 1 : i32
      %dma_start3A_280 = arith.constant 0 : i32
      %dma_start3A_281 = tpu.memref_slice %arg7[%sub3A_193, %dma_start3A_279, %dma_start3A_280] : memref<2x2x128xi32, #tpu.memory_space<vmem>> -> memref<1x1x128xi32, #tpu.memory_space<vmem>>
      %dma_start3A_282 = tpu.memref_squeeze %dma_start3A_281 : memref<1x1x128xi32, #tpu.memory_space<vmem>> -> memref<128xi32, #tpu.memory_space<vmem>>
      %dma_start3A_283 = arith.constant 0 : i32
      %dma_start3A_284 = arith.constant 0 : i32
      %dma_start3A_285 = tpu.memref_slice %arg2[%dma_start3A_283, %dma_start3A_284] : memref<20480x128xf32, #tpu.memory_space<hbm>> -> memref<20480x128xf32, #tpu.memory_space<hbm>>
      tpu.enqueue_indirect_dma source(%dma_start3A_285 : memref<20480x128xf32, #tpu.memory_space<hbm>>) target(%arg10 : memref<128x128xf32, #tpu.memory_space<vmem>>) offsets(%dma_start3A_282 : memref<128xi32, #tpu.memory_space<vmem>>) semaphore(%arg13 : memref<!tpu.dma_semaphore, #tpu.memory_space<semaphore_mem>>)
      %add3A_286 = arith.constant 2 : i32
      %add3A_287 = arith.addi %scan3A_191, %add3A_286 : i32
      %min3A = arith.constant 78 : i32
      %min3A_288 = arith.minsi %add3A_287, %min3A : i32
      %dma_start3A_289 = arith.constant 0 : i32
      %dma_start3A_290 = arith.constant 0 : i32
      %dma_start3A_291 = tpu.memref_slice %arg7[%rem3A_192, %dma_start3A_289, %dma_start3A_290] : memref<2x2x128xi32, #tpu.memory_space<vmem>> -> memref<1x2x128xi32, #tpu.memory_space<vmem>>
      %dma_start3A_292 = tpu.memref_squeeze %dma_start3A_291 : memref<1x2x128xi32, #tpu.memory_space<vmem>> -> memref<2x128xi32, #tpu.memory_space<vmem>>
      %dma_start3A_293 = arith.constant 0 : i32
      %dma_start3A_294 = arith.constant 0 : i32
      %dma_start3A_295 = tpu.memref_slice %arg3[%arg0, %arg1, %min3A_288, %dma_start3A_293, %dma_start3A_294] : memref<2x16x79x2x128xi32, #tpu.memory_space<hbm>> -> memref<1x1x1x2x128xi32, #tpu.memory_space<hbm>>
      %dma_start3A_296 = tpu.memref_squeeze %dma_start3A_295 : memref<1x1x1x2x128xi32, #tpu.memory_space<hbm>> -> memref<2x128xi32, #tpu.memory_space<hbm>>
      %dma_start3A_297 = arith.constant 0 : i32
      %dma_start3A_298 = arith.constant 0 : i32
      %dma_start3A_299 = tpu.memref_slice %arg7[%rem3A_192, %dma_start3A_297, %dma_start3A_298] : memref<2x2x128xi32, #tpu.memory_space<vmem>> -> memref<1x2x128xi32, #tpu.memory_space<vmem>>
      %dma_start3A_300 = tpu.memref_squeeze %dma_start3A_299 : memref<1x2x128xi32, #tpu.memory_space<vmem>> -> memref<2x128xi32, #tpu.memory_space<vmem>>
      %dma_start3A_301 = arith.constant 0 : i32
      %dma_start3A_302 = arith.constant 0 : i32
      %dma_start3A_303 = tpu.memref_slice %arg3[%arg0, %arg1, %min3A_288, %dma_start3A_301, %dma_start3A_302] : memref<2x16x79x2x128xi32, #tpu.memory_space<hbm>> -> memref<1x1x1x2x128xi32, #tpu.memory_space<hbm>>
      %dma_start3A_304 = tpu.memref_squeeze %dma_start3A_303 : memref<1x1x1x2x128xi32, #tpu.memory_space<hbm>> -> memref<2x128xi32, #tpu.memory_space<hbm>>
      tpu.enqueue_dma source(%dma_start3A_304 : memref<2x128xi32, #tpu.memory_space<hbm>>) target(%dma_start3A_300 : memref<2x128xi32, #tpu.memory_space<vmem>>) target_semaphore(%arg16 : memref<!tpu.dma_semaphore, #tpu.memory_space<semaphore_mem>>)
      %dma_start3A_305 = arith.constant 0 : i32
      %dma_start3A_306 = arith.constant 0 : i32
      %dma_start3A_307 = tpu.memref_slice %arg8[%rem3A_192, %dma_start3A_305, %dma_start3A_306] : memref<2x2x128xi32, #tpu.memory_space<vmem>> -> memref<1x2x128xi32, #tpu.memory_space<vmem>>
      %dma_start3A_308 = tpu.memref_squeeze %dma_start3A_307 : memref<1x2x128xi32, #tpu.memory_space<vmem>> -> memref<2x128xi32, #tpu.memory_space<vmem>>
      %dma_start3A_309 = arith.constant 0 : i32
      %dma_start3A_310 = arith.constant 0 : i32
      %dma_start3A_311 = tpu.memref_slice %arg4[%arg0, %arg1, %min3A_288, %dma_start3A_309, %dma_start3A_310] : memref<2x16x79x2x128xi32, #tpu.memory_space<hbm>> -> memref<1x1x1x2x128xi32, #tpu.memory_space<hbm>>
      %dma_start3A_312 = tpu.memref_squeeze %dma_start3A_311 : memref<1x1x1x2x128xi32, #tpu.memory_space<hbm>> -> memref<2x128xi32, #tpu.memory_space<hbm>>
      %dma_start3A_313 = arith.constant 0 : i32
      %dma_start3A_314 = arith.constant 0 : i32
      %dma_start3A_315 = tpu.memref_slice %arg8[%rem3A_192, %dma_start3A_313, %dma_start3A_314] : memref<2x2x128xi32, #tpu.memory_space<vmem>> -> memref<1x2x128xi32, #tpu.memory_space<vmem>>
      %dma_start3A_316 = tpu.memref_squeeze %dma_start3A_315 : memref<1x2x128xi32, #tpu.memory_space<vmem>> -> memref<2x128xi32, #tpu.memory_space<vmem>>
      %dma_start3A_317 = arith.constant 0 : i32
      %dma_start3A_318 = arith.constant 0 : i32
      %dma_start3A_319 = tpu.memref_slice %arg4[%arg0, %arg1, %min3A_288, %dma_start3A_317, %dma_start3A_318] : memref<2x16x79x2x128xi32, #tpu.memory_space<hbm>> -> memref<1x1x1x2x128xi32, #tpu.memory_space<hbm>>
      %dma_start3A_320 = tpu.memref_squeeze %dma_start3A_319 : memref<1x1x1x2x128xi32, #tpu.memory_space<hbm>> -> memref<2x128xi32, #tpu.memory_space<hbm>>
      tpu.enqueue_dma source(%dma_start3A_320 : memref<2x128xi32, #tpu.memory_space<hbm>>) target(%dma_start3A_316 : memref<2x128xi32, #tpu.memory_space<vmem>>) target_semaphore(%arg16 : memref<!tpu.dma_semaphore, #tpu.memory_space<semaphore_mem>>)
    }
    %scan3A_131 = arith.constant 79 : i32
    %dma_wait3A_132 = arith.constant 0 : i32
    %dma_wait3A_133 = arith.constant 0 : i32
    %dma_wait3A_134 = tpu.memref_slice %arg2[%dma_wait3A_132, %dma_wait3A_133] : memref<20480x128xf32, #tpu.memory_space<hbm>> -> memref<128x128xf32, #tpu.memory_space<hbm>>
    %dma_wait3A_135 = arith.constant 0 : i32
    %dma_wait3A_136 = arith.constant 0 : i32
    %dma_wait3A_137 = tpu.memref_slice %arg2[%dma_wait3A_135, %dma_wait3A_136] : memref<20480x128xf32, #tpu.memory_space<hbm>> -> memref<128x128xf32, #tpu.memory_space<hbm>>
    tpu.wait_dma2 semaphore(%arg12 : memref<!tpu.dma_semaphore, #tpu.memory_space<semaphore_mem>>) src(%dma_wait3A_137 : memref<128x128xf32, #tpu.memory_space<hbm>>) dst(%arg9 : memref<128x128xf32, #tpu.memory_space<vmem>>)
    %dma_wait3A_138 = arith.constant 0 : i32
    %dma_wait3A_139 = arith.constant 0 : i32
    %dma_wait3A_140 = tpu.memref_slice %arg2[%dma_wait3A_138, %dma_wait3A_139] : memref<20480x128xf32, #tpu.memory_space<hbm>> -> memref<128x128xf32, #tpu.memory_space<hbm>>
    %dma_wait3A_141 = arith.constant 0 : i32
    %dma_wait3A_142 = arith.constant 0 : i32
    %dma_wait3A_143 = tpu.memref_slice %arg2[%dma_wait3A_141, %dma_wait3A_142] : memref<20480x128xf32, #tpu.memory_space<hbm>> -> memref<128x128xf32, #tpu.memory_space<hbm>>
    tpu.wait_dma2 semaphore(%arg13 : memref<!tpu.dma_semaphore, #tpu.memory_space<semaphore_mem>>) src(%dma_wait3A_143 : memref<128x128xf32, #tpu.memory_space<hbm>>) dst(%arg10 : memref<128x128xf32, #tpu.memory_space<vmem>>)
    %dma_wait3A_144 = arith.constant 0 : i32
    %dma_wait3A_145 = arith.constant 0 : i32
    %dma_wait3A_146 = arith.constant 0 : i32
    %dma_wait3A_147 = arith.constant 0 : i32
    %dma_wait3A_148 = arith.constant 0 : i32
    %dma_wait3A_149 = arith.constant 0 : i32
    %dma_wait3A_150 = tpu.memref_slice %arg7[%dma_wait3A_147, %dma_wait3A_148, %dma_wait3A_149] : memref<2x2x128xi32, #tpu.memory_space<vmem>> -> memref<1x2x128xi32, #tpu.memory_space<vmem>>
    %dma_wait3A_151 = tpu.memref_squeeze %dma_wait3A_150 : memref<1x2x128xi32, #tpu.memory_space<vmem>> -> memref<2x128xi32, #tpu.memory_space<vmem>>
    %dma_wait3A_152 = arith.constant 0 : i32
    %dma_wait3A_153 = arith.constant 0 : i32
    %dma_wait3A_154 = tpu.memref_slice %arg3[%dma_wait3A_144, %dma_wait3A_145, %dma_wait3A_146, %dma_wait3A_152, %dma_wait3A_153] : memref<2x16x79x2x128xi32, #tpu.memory_space<hbm>> -> memref<1x1x1x2x128xi32, #tpu.memory_space<hbm>>
    %dma_wait3A_155 = tpu.memref_squeeze %dma_wait3A_154 : memref<1x1x1x2x128xi32, #tpu.memory_space<hbm>> -> memref<2x128xi32, #tpu.memory_space<hbm>>
    %dma_wait3A_156 = arith.constant 0 : i32
    %dma_wait3A_157 = arith.constant 0 : i32
    %dma_wait3A_158 = tpu.memref_slice %arg7[%dma_wait3A_147, %dma_wait3A_156, %dma_wait3A_157] : memref<2x2x128xi32, #tpu.memory_space<vmem>> -> memref<1x2x128xi32, #tpu.memory_space<vmem>>
    %dma_wait3A_159 = tpu.memref_squeeze %dma_wait3A_158 : memref<1x2x128xi32, #tpu.memory_space<vmem>> -> memref<2x128xi32, #tpu.memory_space<vmem>>
    %dma_wait3A_160 = arith.constant 0 : i32
    %dma_wait3A_161 = arith.constant 0 : i32
    %dma_wait3A_162 = tpu.memref_slice %arg3[%dma_wait3A_144, %dma_wait3A_145, %dma_wait3A_146, %dma_wait3A_160, %dma_wait3A_161] : memref<2x16x79x2x128xi32, #tpu.memory_space<hbm>> -> memref<1x1x1x2x128xi32, #tpu.memory_space<hbm>>
    %dma_wait3A_163 = tpu.memref_squeeze %dma_wait3A_162 : memref<1x1x1x2x128xi32, #tpu.memory_space<hbm>> -> memref<2x128xi32, #tpu.memory_space<hbm>>
    tpu.wait_dma2 semaphore(%arg16 : memref<!tpu.dma_semaphore, #tpu.memory_space<semaphore_mem>>) src(%dma_wait3A_163 : memref<2x128xi32, #tpu.memory_space<hbm>>) dst(%dma_wait3A_159 : memref<2x128xi32, #tpu.memory_space<vmem>>)
    %dma_wait3A_164 = arith.constant 0 : i32
    %dma_wait3A_165 = arith.constant 0 : i32
    %dma_wait3A_166 = arith.constant 0 : i32
    %dma_wait3A_167 = arith.constant 0 : i32
    %dma_wait3A_168 = arith.constant 0 : i32
    %dma_wait3A_169 = arith.constant 0 : i32
    %dma_wait3A_170 = tpu.memref_slice %arg8[%dma_wait3A_167, %dma_wait3A_168, %dma_wait3A_169] : memref<2x2x128xi32, #tpu.memory_space<vmem>> -> memref<1x2x128xi32, #tpu.memory_space<vmem>>
    %dma_wait3A_171 = tpu.memref_squeeze %dma_wait3A_170 : memref<1x2x128xi32, #tpu.memory_space<vmem>> -> memref<2x128xi32, #tpu.memory_space<vmem>>
    %dma_wait3A_172 = arith.constant 0 : i32
    %dma_wait3A_173 = arith.constant 0 : i32
    %dma_wait3A_174 = tpu.memref_slice %arg3[%dma_wait3A_164, %dma_wait3A_165, %dma_wait3A_166, %dma_wait3A_172, %dma_wait3A_173] : memref<2x16x79x2x128xi32, #tpu.memory_space<hbm>> -> memref<1x1x1x2x128xi32, #tpu.memory_space<hbm>>
    %dma_wait3A_175 = tpu.memref_squeeze %dma_wait3A_174 : memref<1x1x1x2x128xi32, #tpu.memory_space<hbm>> -> memref<2x128xi32, #tpu.memory_space<hbm>>
    %dma_wait3A_176 = arith.constant 0 : i32
    %dma_wait3A_177 = arith.constant 0 : i32
    %dma_wait3A_178 = tpu.memref_slice %arg8[%dma_wait3A_167, %dma_wait3A_176, %dma_wait3A_177] : memref<2x2x128xi32, #tpu.memory_space<vmem>> -> memref<1x2x128xi32, #tpu.memory_space<vmem>>
    %dma_wait3A_179 = tpu.memref_squeeze %dma_wait3A_178 : memref<1x2x128xi32, #tpu.memory_space<vmem>> -> memref<2x128xi32, #tpu.memory_space<vmem>>
    %dma_wait3A_180 = arith.constant 0 : i32
    %dma_wait3A_181 = arith.constant 0 : i32
    %dma_wait3A_182 = tpu.memref_slice %arg3[%dma_wait3A_164, %dma_wait3A_165, %dma_wait3A_166, %dma_wait3A_180, %dma_wait3A_181] : memref<2x16x79x2x128xi32, #tpu.memory_space<hbm>> -> memref<1x1x1x2x128xi32, #tpu.memory_space<hbm>>
    %dma_wait3A_183 = tpu.memref_squeeze %dma_wait3A_182 : memref<1x1x1x2x128xi32, #tpu.memory_space<hbm>> -> memref<2x128xi32, #tpu.memory_space<hbm>>
    tpu.wait_dma2 semaphore(%arg16 : memref<!tpu.dma_semaphore, #tpu.memory_space<semaphore_mem>>) src(%dma_wait3A_183 : memref<2x128xi32, #tpu.memory_space<hbm>>) dst(%dma_wait3A_179 : memref<2x128xi32, #tpu.memory_space<vmem>>)
    %barrier3A_184 = arith.constant 0 : index
    tpu.barrier barrier_id(%barrier3A_184)
    %mul3A_185 = arith.constant 640 : i32
    %mul3A_186 = arith.muli %arg1, %mul3A_185 : i32
    %mul3A_187 = arith.constant 10240 : i32
    %mul3A_188 = arith.muli %arg0, %mul3A_187 : i32
    %mul3A_189 = arith.constant 640 : i32
    %mul3A_190 = arith.muli %arg1, %mul3A_189 : i32
    %add3A = arith.addi %mul3A_188, %mul3A_190 : i32
    "tpu.region"() ({
      %run_scoped3A = tpu.sem_alloc : memref<!tpu.dma_semaphore, #tpu.memory_space<semaphore_mem>>
      %dma_start3A_191 = arith.constant 0 : i32
      %dma_start3A_192 = tpu.memref_slice %arg6[%add3A, %dma_start3A_191] : memref<20480x128xf32, #tpu.memory_space<hbm>> -> memref<640x128xf32, #tpu.memory_space<hbm>>
      %dma_start3A_193 = arith.constant 0 : i32
      %dma_start3A_194 = tpu.memref_slice %arg11[%mul3A_186, %dma_start3A_193] : memref<10240x128xf32, #tpu.memory_space<vmem_shared>> -> memref<640x128xf32, #tpu.memory_space<vmem_shared>>
      tpu.enqueue_dma source(%dma_start3A_194 : memref<640x128xf32, #tpu.memory_space<vmem_shared>>) target(%dma_start3A_192 : memref<640x128xf32, #tpu.memory_space<hbm>>) target_semaphore(%run_scoped3A : memref<!tpu.dma_semaphore, #tpu.memory_space<semaphore_mem>>)
      %dma_wait3A_195 = arith.constant 0 : i32
      %dma_wait3A_196 = tpu.memref_slice %arg6[%add3A, %dma_wait3A_195] : memref<20480x128xf32, #tpu.memory_space<hbm>> -> memref<640x128xf32, #tpu.memory_space<hbm>>
      %dma_wait3A_197 = arith.constant 0 : i32
      %dma_wait3A_198 = tpu.memref_slice %arg11[%mul3A_186, %dma_wait3A_197] : memref<10240x128xf32, #tpu.memory_space<vmem_shared>> -> memref<640x128xf32, #tpu.memory_space<vmem_shared>>
      tpu.wait_dma2 semaphore(%run_scoped3A : memref<!tpu.dma_semaphore, #tpu.memory_space<semaphore_mem>>) src(%dma_wait3A_198 : memref<640x128xf32, #tpu.memory_space<vmem_shared>>) dst(%dma_wait3A_196 : memref<640x128xf32, #tpu.memory_space<hbm>>)
      tpu.yield
    }) : () -> ()
    return
  }
}

#map = affine_map<(d0, d1) -> (0, 0)>
#map1 = affine_map<(d0, d1) -> (0, 0, 0, 0, 0)>
module attributes {stable_mosaic.version = 14 : i64} {
  func.func @msgpass(%arg0: i32, %arg1: i32, %arg2: memref<20480x128xf32, #tpu.memory_space<hbm>>, %arg3: memref<2x16x79x2x128xi32, #tpu.memory_space<hbm>>, %arg4: memref<2x16x79x2x128xi32, #tpu.memory_space<hbm>>, %arg5: memref<640x128xf32, #tpu.memory_space<hbm>>, %arg6: memref<20480x128xf32, #tpu.memory_space<hbm>>, %arg7: memref<2x2x128xi32, #tpu.memory_space<vmem>>, %arg8: memref<2x2x128xi32, #tpu.memory_space<vmem>>, %arg9: memref<128x128xf32, #tpu.memory_space<vmem>>, %arg10: memref<128x128xf32, #tpu.memory_space<vmem>>, %arg11: memref<10240x128xf32, #tpu.memory_space<vmem_shared>>, %arg12: memref<!tpu.dma_semaphore, #tpu.memory_space<semaphore_mem>>, %arg13: memref<!tpu.dma_semaphore, #tpu.memory_space<semaphore_mem>>, %arg14: memref<!tpu.dma_semaphore, #tpu.memory_space<semaphore_mem>>, %arg15: memref<!tpu.dma_semaphore, #tpu.memory_space<semaphore_mem>>, %arg16: memref<!tpu.dma_semaphore, #tpu.memory_space<semaphore_mem>>) attributes {dimension_semantics = [#tpu.dimension_semantics<core_parallel>, #tpu.dimension_semantics<subcore_parallel>], iteration_bounds = array<i64: 2, 16>, scalar_prefetch = 0 : i64, scratch_operands = 10 : i64, tpu.core_type = #tpu.core_type<sc_vector_subcore>, window_params = [{transform_indices = #map}, {transform_indices = #map1}, {transform_indices = #map1}, {transform_indices = #map}, {transform_indices = #map}]} {
    %mul3A = arith.constant 640 : i32
    %mul3A_0 = arith.muli %arg1, %mul3A : i32
    "tpu.region"() ({
      %run_scoped3A = tpu.sem_alloc : memref<!tpu.dma_semaphore, #tpu.memory_space<semaphore_mem>>
      %dma_start3A_191 = arith.constant 0 : i32
      %dma_start3A_192 = tpu.memref_slice %arg11[%mul3A_0, %dma_start3A_191] : memref<10240x128xf32, #tpu.memory_space<vmem_shared>> -> memref<640x128xf32, #tpu.memory_space<vmem_shared>>
      tpu.enqueue_dma source(%arg5 : memref<640x128xf32, #tpu.memory_space<hbm>>) target(%dma_start3A_192 : memref<640x128xf32, #tpu.memory_space<vmem_shared>>) target_semaphore(%run_scoped3A : memref<!tpu.dma_semaphore, #tpu.memory_space<semaphore_mem>>)
      %dma_wait3A_193 = arith.constant 0 : i32
      %dma_wait3A_194 = tpu.memref_slice %arg11[%mul3A_0, %dma_wait3A_193] : memref<10240x128xf32, #tpu.memory_space<vmem_shared>> -> memref<640x128xf32, #tpu.memory_space<vmem_shared>>
      tpu.wait_dma2 semaphore(%run_scoped3A : memref<!tpu.dma_semaphore, #tpu.memory_space<semaphore_mem>>) src(%arg5 : memref<640x128xf32, #tpu.memory_space<hbm>>) dst(%dma_wait3A_194 : memref<640x128xf32, #tpu.memory_space<vmem_shared>>)
      tpu.yield
    }) : () -> ()
    %barrier3A = arith.constant 0 : index
    tpu.barrier barrier_id(%barrier3A)
    %dma_start3A = arith.constant 0 : i32
    %dma_start3A_1 = arith.constant 0 : i32
    %dma_start3A_2 = arith.constant 0 : i32
    %dma_start3A_3 = arith.constant 0 : i32
    %dma_start3A_4 = tpu.memref_slice %arg7[%dma_start3A_1, %dma_start3A_2, %dma_start3A_3] : memref<2x2x128xi32, #tpu.memory_space<vmem>> -> memref<1x2x128xi32, #tpu.memory_space<vmem>>
    %dma_start3A_5 = tpu.memref_squeeze %dma_start3A_4 : memref<1x2x128xi32, #tpu.memory_space<vmem>> -> memref<2x128xi32, #tpu.memory_space<vmem>>
    %dma_start3A_6 = arith.constant 0 : i32
    %dma_start3A_7 = arith.constant 0 : i32
    %dma_start3A_8 = tpu.memref_slice %arg3[%arg0, %arg1, %dma_start3A, %dma_start3A_6, %dma_start3A_7] : memref<2x16x79x2x128xi32, #tpu.memory_space<hbm>> -> memref<1x1x1x2x128xi32, #tpu.memory_space<hbm>>
    %dma_start3A_9 = tpu.memref_squeeze %dma_start3A_8 : memref<1x1x1x2x128xi32, #tpu.memory_space<hbm>> -> memref<2x128xi32, #tpu.memory_space<hbm>>
    %dma_start3A_10 = arith.constant 0 : i32
    %dma_start3A_11 = arith.constant 0 : i32
    %dma_start3A_12 = tpu.memref_slice %arg7[%dma_start3A_1, %dma_start3A_10, %dma_start3A_11] : memref<2x2x128xi32, #tpu.memory_space<vmem>> -> memref<1x2x128xi32, #tpu.memory_space<vmem>>
    %dma_start3A_13 = tpu.memref_squeeze %dma_start3A_12 : memref<1x2x128xi32, #tpu.memory_space<vmem>> -> memref<2x128xi32, #tpu.memory_space<vmem>>
    %dma_start3A_14 = arith.constant 0 : i32
    %dma_start3A_15 = arith.constant 0 : i32
    %dma_start3A_16 = tpu.memref_slice %arg3[%arg0, %arg1, %dma_start3A, %dma_start3A_14, %dma_start3A_15] : memref<2x16x79x2x128xi32, #tpu.memory_space<hbm>> -> memref<1x1x1x2x128xi32, #tpu.memory_space<hbm>>
    %dma_start3A_17 = tpu.memref_squeeze %dma_start3A_16 : memref<1x1x1x2x128xi32, #tpu.memory_space<hbm>> -> memref<2x128xi32, #tpu.memory_space<hbm>>
    tpu.enqueue_dma source(%dma_start3A_17 : memref<2x128xi32, #tpu.memory_space<hbm>>) target(%dma_start3A_13 : memref<2x128xi32, #tpu.memory_space<vmem>>) target_semaphore(%arg16 : memref<!tpu.dma_semaphore, #tpu.memory_space<semaphore_mem>>)
    %dma_start3A_18 = arith.constant 0 : i32
    %dma_start3A_19 = arith.constant 0 : i32
    %dma_start3A_20 = arith.constant 0 : i32
    %dma_start3A_21 = arith.constant 0 : i32
    %dma_start3A_22 = tpu.memref_slice %arg8[%dma_start3A_19, %dma_start3A_20, %dma_start3A_21] : memref<2x2x128xi32, #tpu.memory_space<vmem>> -> memref<1x2x128xi32, #tpu.memory_space<vmem>>
    %dma_start3A_23 = tpu.memref_squeeze %dma_start3A_22 : memref<1x2x128xi32, #tpu.memory_space<vmem>> -> memref<2x128xi32, #tpu.memory_space<vmem>>
    %dma_start3A_24 = arith.constant 0 : i32
    %dma_start3A_25 = arith.constant 0 : i32
    %dma_start3A_26 = tpu.memref_slice %arg4[%arg0, %arg1, %dma_start3A_18, %dma_start3A_24, %dma_start3A_25] : memref<2x16x79x2x128xi32, #tpu.memory_space<hbm>> -> memref<1x1x1x2x128xi32, #tpu.memory_space<hbm>>
    %dma_start3A_27 = tpu.memref_squeeze %dma_start3A_26 : memref<1x1x1x2x128xi32, #tpu.memory_space<hbm>> -> memref<2x128xi32, #tpu.memory_space<hbm>>
    %dma_start3A_28 = arith.constant 0 : i32
    %dma_start3A_29 = arith.constant 0 : i32
    %dma_start3A_30 = tpu.memref_slice %arg8[%dma_start3A_19, %dma_start3A_28, %dma_start3A_29] : memref<2x2x128xi32, #tpu.memory_space<vmem>> -> memref<1x2x128xi32, #tpu.memory_space<vmem>>
    %dma_start3A_31 = tpu.memref_squeeze %dma_start3A_30 : memref<1x2x128xi32, #tpu.memory_space<vmem>> -> memref<2x128xi32, #tpu.memory_space<vmem>>
    %dma_start3A_32 = arith.constant 0 : i32
    %dma_start3A_33 = arith.constant 0 : i32
    %dma_start3A_34 = tpu.memref_slice %arg4[%arg0, %arg1, %dma_start3A_18, %dma_start3A_32, %dma_start3A_33] : memref<2x16x79x2x128xi32, #tpu.memory_space<hbm>> -> memref<1x1x1x2x128xi32, #tpu.memory_space<hbm>>
    %dma_start3A_35 = tpu.memref_squeeze %dma_start3A_34 : memref<1x1x1x2x128xi32, #tpu.memory_space<hbm>> -> memref<2x128xi32, #tpu.memory_space<hbm>>
    tpu.enqueue_dma source(%dma_start3A_35 : memref<2x128xi32, #tpu.memory_space<hbm>>) target(%dma_start3A_31 : memref<2x128xi32, #tpu.memory_space<vmem>>) target_semaphore(%arg16 : memref<!tpu.dma_semaphore, #tpu.memory_space<semaphore_mem>>)
    %dma_wait3A = arith.constant 0 : i32
    %dma_wait3A_36 = arith.constant 0 : i32
    %dma_wait3A_37 = arith.constant 0 : i32
    %dma_wait3A_38 = arith.constant 0 : i32
    %dma_wait3A_39 = arith.constant 0 : i32
    %dma_wait3A_40 = arith.constant 0 : i32
    %dma_wait3A_41 = tpu.memref_slice %arg7[%dma_wait3A_38, %dma_wait3A_39, %dma_wait3A_40] : memref<2x2x128xi32, #tpu.memory_space<vmem>> -> memref<1x2x128xi32, #tpu.memory_space<vmem>>
    %dma_wait3A_42 = tpu.memref_squeeze %dma_wait3A_41 : memref<1x2x128xi32, #tpu.memory_space<vmem>> -> memref<2x128xi32, #tpu.memory_space<vmem>>
    %dma_wait3A_43 = arith.constant 0 : i32
    %dma_wait3A_44 = arith.constant 0 : i32
    %dma_wait3A_45 = tpu.memref_slice %arg3[%dma_wait3A, %dma_wait3A_36, %dma_wait3A_37, %dma_wait3A_43, %dma_wait3A_44] : memref<2x16x79x2x128xi32, #tpu.memory_space<hbm>> -> memref<1x1x1x2x128xi32, #tpu.memory_space<hbm>>
    %dma_wait3A_46 = tpu.memref_squeeze %dma_wait3A_45 : memref<1x1x1x2x128xi32, #tpu.memory_space<hbm>> -> memref<2x128xi32, #tpu.memory_space<hbm>>
    %dma_wait3A_47 = arith.constant 0 : i32
    %dma_wait3A_48 = arith.constant 0 : i32
    %dma_wait3A_49 = tpu.memref_slice %arg7[%dma_wait3A_38, %dma_wait3A_47, %dma_wait3A_48] : memref<2x2x128xi32, #tpu.memory_space<vmem>> -> memref<1x2x128xi32, #tpu.memory_space<vmem>>
    %dma_wait3A_50 = tpu.memref_squeeze %dma_wait3A_49 : memref<1x2x128xi32, #tpu.memory_space<vmem>> -> memref<2x128xi32, #tpu.memory_space<vmem>>
    %dma_wait3A_51 = arith.constant 0 : i32
    %dma_wait3A_52 = arith.constant 0 : i32
    %dma_wait3A_53 = tpu.memref_slice %arg3[%dma_wait3A, %dma_wait3A_36, %dma_wait3A_37, %dma_wait3A_51, %dma_wait3A_52] : memref<2x16x79x2x128xi32, #tpu.memory_space<hbm>> -> memref<1x1x1x2x128xi32, #tpu.memory_space<hbm>>
    %dma_wait3A_54 = tpu.memref_squeeze %dma_wait3A_53 : memref<1x1x1x2x128xi32, #tpu.memory_space<hbm>> -> memref<2x128xi32, #tpu.memory_space<hbm>>
    tpu.wait_dma2 semaphore(%arg16 : memref<!tpu.dma_semaphore, #tpu.memory_space<semaphore_mem>>) src(%dma_wait3A_54 : memref<2x128xi32, #tpu.memory_space<hbm>>) dst(%dma_wait3A_50 : memref<2x128xi32, #tpu.memory_space<vmem>>)
    %dma_wait3A_55 = arith.constant 0 : i32
    %dma_wait3A_56 = arith.constant 0 : i32
    %dma_wait3A_57 = arith.constant 0 : i32
    %dma_wait3A_58 = arith.constant 0 : i32
    %dma_wait3A_59 = arith.constant 0 : i32
    %dma_wait3A_60 = arith.constant 0 : i32
    %dma_wait3A_61 = tpu.memref_slice %arg8[%dma_wait3A_58, %dma_wait3A_59, %dma_wait3A_60] : memref<2x2x128xi32, #tpu.memory_space<vmem>> -> memref<1x2x128xi32, #tpu.memory_space<vmem>>
    %dma_wait3A_62 = tpu.memref_squeeze %dma_wait3A_61 : memref<1x2x128xi32, #tpu.memory_space<vmem>> -> memref<2x128xi32, #tpu.memory_space<vmem>>
    %dma_wait3A_63 = arith.constant 0 : i32
    %dma_wait3A_64 = arith.constant 0 : i32
    %dma_wait3A_65 = tpu.memref_slice %arg3[%dma_wait3A_55, %dma_wait3A_56, %dma_wait3A_57, %dma_wait3A_63, %dma_wait3A_64] : memref<2x16x79x2x128xi32, #tpu.memory_space<hbm>> -> memref<1x1x1x2x128xi32, #tpu.memory_space<hbm>>
    %dma_wait3A_66 = tpu.memref_squeeze %dma_wait3A_65 : memref<1x1x1x2x128xi32, #tpu.memory_space<hbm>> -> memref<2x128xi32, #tpu.memory_space<hbm>>
    %dma_wait3A_67 = arith.constant 0 : i32
    %dma_wait3A_68 = arith.constant 0 : i32
    %dma_wait3A_69 = tpu.memref_slice %arg8[%dma_wait3A_58, %dma_wait3A_67, %dma_wait3A_68] : memref<2x2x128xi32, #tpu.memory_space<vmem>> -> memref<1x2x128xi32, #tpu.memory_space<vmem>>
    %dma_wait3A_70 = tpu.memref_squeeze %dma_wait3A_69 : memref<1x2x128xi32, #tpu.memory_space<vmem>> -> memref<2x128xi32, #tpu.memory_space<vmem>>
    %dma_wait3A_71 = arith.constant 0 : i32
    %dma_wait3A_72 = arith.constant 0 : i32
    %dma_wait3A_73 = tpu.memref_slice %arg3[%dma_wait3A_55, %dma_wait3A_56, %dma_wait3A_57, %dma_wait3A_71, %dma_wait3A_72] : memref<2x16x79x2x128xi32, #tpu.memory_space<hbm>> -> memref<1x1x1x2x128xi32, #tpu.memory_space<hbm>>
    %dma_wait3A_74 = tpu.memref_squeeze %dma_wait3A_73 : memref<1x1x1x2x128xi32, #tpu.memory_space<hbm>> -> memref<2x128xi32, #tpu.memory_space<hbm>>
    tpu.wait_dma2 semaphore(%arg16 : memref<!tpu.dma_semaphore, #tpu.memory_space<semaphore_mem>>) src(%dma_wait3A_74 : memref<2x128xi32, #tpu.memory_space<hbm>>) dst(%dma_wait3A_70 : memref<2x128xi32, #tpu.memory_space<vmem>>)
    %dma_start3A_75 = arith.constant 0 : i32
    %dma_start3A_76 = arith.constant 0 : i32
    %dma_start3A_77 = arith.constant 0 : i32
    %dma_start3A_78 = tpu.memref_slice %arg7[%dma_start3A_75, %dma_start3A_76, %dma_start3A_77] : memref<2x2x128xi32, #tpu.memory_space<vmem>> -> memref<1x1x128xi32, #tpu.memory_space<vmem>>
    %dma_start3A_79 = tpu.memref_squeeze %dma_start3A_78 : memref<1x1x128xi32, #tpu.memory_space<vmem>> -> memref<128xi32, #tpu.memory_space<vmem>>
    %dma_start3A_80 = arith.constant 0 : i32
    %dma_start3A_81 = arith.constant 0 : i32
    %dma_start3A_82 = tpu.memref_slice %arg2[%dma_start3A_80, %dma_start3A_81] : memref<20480x128xf32, #tpu.memory_space<hbm>> -> memref<20480x128xf32, #tpu.memory_space<hbm>>
    tpu.enqueue_indirect_dma source(%dma_start3A_82 : memref<20480x128xf32, #tpu.memory_space<hbm>>) target(%arg9 : memref<128x128xf32, #tpu.memory_space<vmem>>) offsets(%dma_start3A_79 : memref<128xi32, #tpu.memory_space<vmem>>) semaphore(%arg12 : memref<!tpu.dma_semaphore, #tpu.memory_space<semaphore_mem>>)
    %dma_start3A_83 = arith.constant 0 : i32
    %dma_start3A_84 = arith.constant 1 : i32
    %dma_start3A_85 = arith.constant 0 : i32
    %dma_start3A_86 = tpu.memref_slice %arg7[%dma_start3A_83, %dma_start3A_84, %dma_start3A_85] : memref<2x2x128xi32, #tpu.memory_space<vmem>> -> memref<1x1x128xi32, #tpu.memory_space<vmem>>
    %dma_start3A_87 = tpu.memref_squeeze %dma_start3A_86 : memref<1x1x128xi32, #tpu.memory_space<vmem>> -> memref<128xi32, #tpu.memory_space<vmem>>
    %dma_start3A_88 = arith.constant 0 : i32
    %dma_start3A_89 = arith.constant 0 : i32
    %dma_start3A_90 = tpu.memref_slice %arg2[%dma_start3A_88, %dma_start3A_89] : memref<20480x128xf32, #tpu.memory_space<hbm>> -> memref<20480x128xf32, #tpu.memory_space<hbm>>
    tpu.enqueue_indirect_dma source(%dma_start3A_90 : memref<20480x128xf32, #tpu.memory_space<hbm>>) target(%arg10 : memref<128x128xf32, #tpu.memory_space<vmem>>) offsets(%dma_start3A_87 : memref<128xi32, #tpu.memory_space<vmem>>) semaphore(%arg13 : memref<!tpu.dma_semaphore, #tpu.memory_space<semaphore_mem>>)
    %dma_start3A_91 = arith.constant 1 : i32
    %dma_start3A_92 = arith.constant 1 : i32
    %dma_start3A_93 = arith.constant 0 : i32
    %dma_start3A_94 = arith.constant 0 : i32
    %dma_start3A_95 = tpu.memref_slice %arg7[%dma_start3A_92, %dma_start3A_93, %dma_start3A_94] : memref<2x2x128xi32, #tpu.memory_space<vmem>> -> memref<1x2x128xi32, #tpu.memory_space<vmem>>
    %dma_start3A_96 = tpu.memref_squeeze %dma_start3A_95 : memref<1x2x128xi32, #tpu.memory_space<vmem>> -> memref<2x128xi32, #tpu.memory_space<vmem>>
    %dma_start3A_97 = arith.constant 0 : i32
    %dma_start3A_98 = arith.constant 0 : i32
    %dma_start3A_99 = tpu.memref_slice %arg3[%arg0, %arg1, %dma_start3A_91, %dma_start3A_97, %dma_start3A_98] : memref<2x16x79x2x128xi32, #tpu.memory_space<hbm>> -> memref<1x1x1x2x128xi32, #tpu.memory_space<hbm>>
    %dma_start3A_100 = tpu.memref_squeeze %dma_start3A_99 : memref<1x1x1x2x128xi32, #tpu.memory_space<hbm>> -> memref<2x128xi32, #tpu.memory_space<hbm>>
    %dma_start3A_101 = arith.constant 0 : i32
    %dma_start3A_102 = arith.constant 0 : i32
    %dma_start3A_103 = tpu.memref_slice %arg7[%dma_start3A_92, %dma_start3A_101, %dma_start3A_102] : memref<2x2x128xi32, #tpu.memory_space<vmem>> -> memref<1x2x128xi32, #tpu.memory_space<vmem>>
    %dma_start3A_104 = tpu.memref_squeeze %dma_start3A_103 : memref<1x2x128xi32, #tpu.memory_space<vmem>> -> memref<2x128xi32, #tpu.memory_space<vmem>>
    %dma_start3A_105 = arith.constant 0 : i32
    %dma_start3A_106 = arith.constant 0 : i32
    %dma_start3A_107 = tpu.memref_slice %arg3[%arg0, %arg1, %dma_start3A_91, %dma_start3A_105, %dma_start3A_106] : memref<2x16x79x2x128xi32, #tpu.memory_space<hbm>> -> memref<1x1x1x2x128xi32, #tpu.memory_space<hbm>>
    %dma_start3A_108 = tpu.memref_squeeze %dma_start3A_107 : memref<1x1x1x2x128xi32, #tpu.memory_space<hbm>> -> memref<2x128xi32, #tpu.memory_space<hbm>>
    tpu.enqueue_dma source(%dma_start3A_108 : memref<2x128xi32, #tpu.memory_space<hbm>>) target(%dma_start3A_104 : memref<2x128xi32, #tpu.memory_space<vmem>>) target_semaphore(%arg16 : memref<!tpu.dma_semaphore, #tpu.memory_space<semaphore_mem>>)
    %dma_start3A_109 = arith.constant 1 : i32
    %dma_start3A_110 = arith.constant 1 : i32
    %dma_start3A_111 = arith.constant 0 : i32
    %dma_start3A_112 = arith.constant 0 : i32
    %dma_start3A_113 = tpu.memref_slice %arg8[%dma_start3A_110, %dma_start3A_111, %dma_start3A_112] : memref<2x2x128xi32, #tpu.memory_space<vmem>> -> memref<1x2x128xi32, #tpu.memory_space<vmem>>
    %dma_start3A_114 = tpu.memref_squeeze %dma_start3A_113 : memref<1x2x128xi32, #tpu.memory_space<vmem>> -> memref<2x128xi32, #tpu.memory_space<vmem>>
    %dma_start3A_115 = arith.constant 0 : i32
    %dma_start3A_116 = arith.constant 0 : i32
    %dma_start3A_117 = tpu.memref_slice %arg4[%arg0, %arg1, %dma_start3A_109, %dma_start3A_115, %dma_start3A_116] : memref<2x16x79x2x128xi32, #tpu.memory_space<hbm>> -> memref<1x1x1x2x128xi32, #tpu.memory_space<hbm>>
    %dma_start3A_118 = tpu.memref_squeeze %dma_start3A_117 : memref<1x1x1x2x128xi32, #tpu.memory_space<hbm>> -> memref<2x128xi32, #tpu.memory_space<hbm>>
    %dma_start3A_119 = arith.constant 0 : i32
    %dma_start3A_120 = arith.constant 0 : i32
    %dma_start3A_121 = tpu.memref_slice %arg8[%dma_start3A_110, %dma_start3A_119, %dma_start3A_120] : memref<2x2x128xi32, #tpu.memory_space<vmem>> -> memref<1x2x128xi32, #tpu.memory_space<vmem>>
    %dma_start3A_122 = tpu.memref_squeeze %dma_start3A_121 : memref<1x2x128xi32, #tpu.memory_space<vmem>> -> memref<2x128xi32, #tpu.memory_space<vmem>>
    %dma_start3A_123 = arith.constant 0 : i32
    %dma_start3A_124 = arith.constant 0 : i32
    %dma_start3A_125 = tpu.memref_slice %arg4[%arg0, %arg1, %dma_start3A_109, %dma_start3A_123, %dma_start3A_124] : memref<2x16x79x2x128xi32, #tpu.memory_space<hbm>> -> memref<1x1x1x2x128xi32, #tpu.memory_space<hbm>>
    %dma_start3A_126 = tpu.memref_squeeze %dma_start3A_125 : memref<1x1x1x2x128xi32, #tpu.memory_space<hbm>> -> memref<2x128xi32, #tpu.memory_space<hbm>>
    tpu.enqueue_dma source(%dma_start3A_126 : memref<2x128xi32, #tpu.memory_space<hbm>>) target(%dma_start3A_122 : memref<2x128xi32, #tpu.memory_space<vmem>>) target_semaphore(%arg16 : memref<!tpu.dma_semaphore, #tpu.memory_space<semaphore_mem>>)
    %scan3A = arith.constant 0 : i32
    %scan3A_127 = arith.constant 0 : i32
    %scan3A_128 = arith.constant 79 : i32
    %scan3A_129 = arith.addi %scan3A_127, %scan3A_128 : i32
    %scan3A_130 = arith.constant 1 : i32
    scf.for %scan3A_191 = %scan3A_127 to %scan3A_129 step %scan3A_130  : i32 {
      %rem3A = arith.constant 2 : i32
      %rem3A_192 = arith.remsi %scan3A_191, %rem3A : i32
      %sub3A = arith.constant 1 : i32
      %sub3A_193 = arith.subi %sub3A, %rem3A_192 : i32
      %dma_wait3A_194 = arith.constant 0 : i32
      %dma_wait3A_195 = arith.constant 0 : i32
      %dma_wait3A_196 = tpu.memref_slice %arg2[%dma_wait3A_194, %dma_wait3A_195] : memref<20480x128xf32, #tpu.memory_space<hbm>> -> memref<128x128xf32, #tpu.memory_space<hbm>>
      %dma_wait3A_197 = arith.constant 0 : i32
      %dma_wait3A_198 = arith.constant 0 : i32
      %dma_wait3A_199 = tpu.memref_slice %arg2[%dma_wait3A_197, %dma_wait3A_198] : memref<20480x128xf32, #tpu.memory_space<hbm>> -> memref<128x128xf32, #tpu.memory_space<hbm>>
      tpu.wait_dma2 semaphore(%arg12 : memref<!tpu.dma_semaphore, #tpu.memory_space<semaphore_mem>>) src(%dma_wait3A_199 : memref<128x128xf32, #tpu.memory_space<hbm>>) dst(%arg9 : memref<128x128xf32, #tpu.memory_space<vmem>>)
      %dma_start3A_200 = arith.constant 0 : i32
      %dma_start3A_201 = arith.constant 0 : i32
      %dma_start3A_202 = tpu.memref_slice %arg8[%rem3A_192, %dma_start3A_200, %dma_start3A_201] : memref<2x2x128xi32, #tpu.memory_space<vmem>> -> memref<1x1x128xi32, #tpu.memory_space<vmem>>
      %dma_start3A_203 = tpu.memref_squeeze %dma_start3A_202 : memref<1x1x128xi32, #tpu.memory_space<vmem>> -> memref<128xi32, #tpu.memory_space<vmem>>
      %dma_start3A_204 = arith.constant 0 : i32
      %dma_start3A_205 = arith.constant 0 : i32
      %dma_start3A_206 = tpu.memref_slice %arg11[%dma_start3A_204, %dma_start3A_205] : memref<10240x128xf32, #tpu.memory_space<vmem_shared>> -> memref<10240x128xf32, #tpu.memory_space<vmem_shared>>
      tpu.enqueue_indirect_dma source(%arg9 : memref<128x128xf32, #tpu.memory_space<vmem>>) target(%dma_start3A_206 : memref<10240x128xf32, #tpu.memory_space<vmem_shared>>) offsets(%dma_start3A_203 : memref<128xi32, #tpu.memory_space<vmem>>) semaphore(%arg14 : memref<!tpu.dma_semaphore, #tpu.memory_space<semaphore_mem>>) {add = true}
      %dma_wait3A_207 = arith.constant 0 : i32
      %dma_wait3A_208 = arith.constant 0 : i32
      %dma_wait3A_209 = tpu.memref_slice %arg2[%dma_wait3A_207, %dma_wait3A_208] : memref<20480x128xf32, #tpu.memory_space<hbm>> -> memref<128x128xf32, #tpu.memory_space<hbm>>
      %dma_wait3A_210 = arith.constant 0 : i32
      %dma_wait3A_211 = arith.constant 0 : i32
      %dma_wait3A_212 = tpu.memref_slice %arg2[%dma_wait3A_210, %dma_wait3A_211] : memref<20480x128xf32, #tpu.memory_space<hbm>> -> memref<128x128xf32, #tpu.memory_space<hbm>>
      tpu.wait_dma2 semaphore(%arg13 : memref<!tpu.dma_semaphore, #tpu.memory_space<semaphore_mem>>) src(%dma_wait3A_212 : memref<128x128xf32, #tpu.memory_space<hbm>>) dst(%arg10 : memref<128x128xf32, #tpu.memory_space<vmem>>)
      %dma_start3A_213 = arith.constant 1 : i32
      %dma_start3A_214 = arith.constant 0 : i32
      %dma_start3A_215 = tpu.memref_slice %arg8[%rem3A_192, %dma_start3A_213, %dma_start3A_214] : memref<2x2x128xi32, #tpu.memory_space<vmem>> -> memref<1x1x128xi32, #tpu.memory_space<vmem>>
      %dma_start3A_216 = tpu.memref_squeeze %dma_start3A_215 : memref<1x1x128xi32, #tpu.memory_space<vmem>> -> memref<128xi32, #tpu.memory_space<vmem>>
      %dma_start3A_217 = arith.constant 0 : i32
      %dma_start3A_218 = arith.constant 0 : i32
      %dma_start3A_219 = tpu.memref_slice %arg11[%dma_start3A_217, %dma_start3A_218] : memref<10240x128xf32, #tpu.memory_space<vmem_shared>> -> memref<10240x128xf32, #tpu.memory_space<vmem_shared>>
      tpu.enqueue_indirect_dma source(%arg10 : memref<128x128xf32, #tpu.memory_space<vmem>>) target(%dma_start3A_219 : memref<10240x128xf32, #tpu.memory_space<vmem_shared>>) offsets(%dma_start3A_216 : memref<128xi32, #tpu.memory_space<vmem>>) semaphore(%arg15 : memref<!tpu.dma_semaphore, #tpu.memory_space<semaphore_mem>>) {add = true}
      %dma_wait3A_220 = arith.constant 0 : i32
      %dma_wait3A_221 = arith.constant 0 : i32
      %dma_wait3A_222 = arith.constant 0 : i32
      %dma_wait3A_223 = arith.constant 0 : i32
      %dma_wait3A_224 = arith.constant 0 : i32
      %dma_wait3A_225 = arith.constant 0 : i32
      %dma_wait3A_226 = tpu.memref_slice %arg7[%dma_wait3A_223, %dma_wait3A_224, %dma_wait3A_225] : memref<2x2x128xi32, #tpu.memory_space<vmem>> -> memref<1x2x128xi32, #tpu.memory_space<vmem>>
      %dma_wait3A_227 = tpu.memref_squeeze %dma_wait3A_226 : memref<1x2x128xi32, #tpu.memory_space<vmem>> -> memref<2x128xi32, #tpu.memory_space<vmem>>
      %dma_wait3A_228 = arith.constant 0 : i32
      %dma_wait3A_229 = arith.constant 0 : i32
      %dma_wait3A_230 = tpu.memref_slice %arg3[%dma_wait3A_220, %dma_wait3A_221, %dma_wait3A_222, %dma_wait3A_228, %dma_wait3A_229] : memref<2x16x79x2x128xi32, #tpu.memory_space<hbm>> -> memref<1x1x1x2x128xi32, #tpu.memory_space<hbm>>
      %dma_wait3A_231 = tpu.memref_squeeze %dma_wait3A_230 : memref<1x1x1x2x128xi32, #tpu.memory_space<hbm>> -> memref<2x128xi32, #tpu.memory_space<hbm>>
      %dma_wait3A_232 = arith.constant 0 : i32
      %dma_wait3A_233 = arith.constant 0 : i32
      %dma_wait3A_234 = tpu.memref_slice %arg7[%dma_wait3A_223, %dma_wait3A_232, %dma_wait3A_233] : memref<2x2x128xi32, #tpu.memory_space<vmem>> -> memref<1x2x128xi32, #tpu.memory_space<vmem>>
      %dma_wait3A_235 = tpu.memref_squeeze %dma_wait3A_234 : memref<1x2x128xi32, #tpu.memory_space<vmem>> -> memref<2x128xi32, #tpu.memory_space<vmem>>
      %dma_wait3A_236 = arith.constant 0 : i32
      %dma_wait3A_237 = arith.constant 0 : i32
      %dma_wait3A_238 = tpu.memref_slice %arg3[%dma_wait3A_220, %dma_wait3A_221, %dma_wait3A_222, %dma_wait3A_236, %dma_wait3A_237] : memref<2x16x79x2x128xi32, #tpu.memory_space<hbm>> -> memref<1x1x1x2x128xi32, #tpu.memory_space<hbm>>
      %dma_wait3A_239 = tpu.memref_squeeze %dma_wait3A_238 : memref<1x1x1x2x128xi32, #tpu.memory_space<hbm>> -> memref<2x128xi32, #tpu.memory_space<hbm>>
      tpu.wait_dma2 semaphore(%arg16 : memref<!tpu.dma_semaphore, #tpu.memory_space<semaphore_mem>>) src(%dma_wait3A_239 : memref<2x128xi32, #tpu.memory_space<hbm>>) dst(%dma_wait3A_235 : memref<2x128xi32, #tpu.memory_space<vmem>>)
      %dma_wait3A_240 = arith.constant 0 : i32
      %dma_wait3A_241 = arith.constant 0 : i32
      %dma_wait3A_242 = arith.constant 0 : i32
      %dma_wait3A_243 = arith.constant 0 : i32
      %dma_wait3A_244 = arith.constant 0 : i32
      %dma_wait3A_245 = arith.constant 0 : i32
      %dma_wait3A_246 = tpu.memref_slice %arg8[%dma_wait3A_243, %dma_wait3A_244, %dma_wait3A_245] : memref<2x2x128xi32, #tpu.memory_space<vmem>> -> memref<1x2x128xi32, #tpu.memory_space<vmem>>
      %dma_wait3A_247 = tpu.memref_squeeze %dma_wait3A_246 : memref<1x2x128xi32, #tpu.memory_space<vmem>> -> memref<2x128xi32, #tpu.memory_space<vmem>>
      %dma_wait3A_248 = arith.constant 0 : i32
      %dma_wait3A_249 = arith.constant 0 : i32
      %dma_wait3A_250 = tpu.memref_slice %arg3[%dma_wait3A_240, %dma_wait3A_241, %dma_wait3A_242, %dma_wait3A_248, %dma_wait3A_249] : memref<2x16x79x2x128xi32, #tpu.memory_space<hbm>> -> memref<1x1x1x2x128xi32, #tpu.memory_space<hbm>>
      %dma_wait3A_251 = tpu.memref_squeeze %dma_wait3A_250 : memref<1x1x1x2x128xi32, #tpu.memory_space<hbm>> -> memref<2x128xi32, #tpu.memory_space<hbm>>
      %dma_wait3A_252 = arith.constant 0 : i32
      %dma_wait3A_253 = arith.constant 0 : i32
      %dma_wait3A_254 = tpu.memref_slice %arg8[%dma_wait3A_243, %dma_wait3A_252, %dma_wait3A_253] : memref<2x2x128xi32, #tpu.memory_space<vmem>> -> memref<1x2x128xi32, #tpu.memory_space<vmem>>
      %dma_wait3A_255 = tpu.memref_squeeze %dma_wait3A_254 : memref<1x2x128xi32, #tpu.memory_space<vmem>> -> memref<2x128xi32, #tpu.memory_space<vmem>>
      %dma_wait3A_256 = arith.constant 0 : i32
      %dma_wait3A_257 = arith.constant 0 : i32
      %dma_wait3A_258 = tpu.memref_slice %arg3[%dma_wait3A_240, %dma_wait3A_241, %dma_wait3A_242, %dma_wait3A_256, %dma_wait3A_257] : memref<2x16x79x2x128xi32, #tpu.memory_space<hbm>> -> memref<1x1x1x2x128xi32, #tpu.memory_space<hbm>>
      %dma_wait3A_259 = tpu.memref_squeeze %dma_wait3A_258 : memref<1x1x1x2x128xi32, #tpu.memory_space<hbm>> -> memref<2x128xi32, #tpu.memory_space<hbm>>
      tpu.wait_dma2 semaphore(%arg16 : memref<!tpu.dma_semaphore, #tpu.memory_space<semaphore_mem>>) src(%dma_wait3A_259 : memref<2x128xi32, #tpu.memory_space<hbm>>) dst(%dma_wait3A_255 : memref<2x128xi32, #tpu.memory_space<vmem>>)
      %dma_wait3A_260 = arith.constant 0 : i32
      %dma_wait3A_261 = arith.constant 0 : i32
      %dma_wait3A_262 = tpu.memref_slice %arg2[%dma_wait3A_260, %dma_wait3A_261] : memref<20480x128xf32, #tpu.memory_space<hbm>> -> memref<128x128xf32, #tpu.memory_space<hbm>>
      %dma_wait3A_263 = arith.constant 0 : i32
      %dma_wait3A_264 = arith.constant 0 : i32
      %dma_wait3A_265 = tpu.memref_slice %arg2[%dma_wait3A_263, %dma_wait3A_264] : memref<20480x128xf32, #tpu.memory_space<hbm>> -> memref<128x128xf32, #tpu.memory_space<hbm>>
      tpu.wait_dma2 semaphore(%arg14 : memref<!tpu.dma_semaphore, #tpu.memory_space<semaphore_mem>>) src(%dma_wait3A_265 : memref<128x128xf32, #tpu.memory_space<hbm>>) dst(%arg9 : memref<128x128xf32, #tpu.memory_space<vmem>>)
      %dma_start3A_266 = arith.constant 0 : i32
      %dma_start3A_267 = arith.constant 0 : i32
      %dma_start3A_268 = tpu.memref_slice %arg7[%sub3A_193, %dma_start3A_266, %dma_start3A_267] : memref<2x2x128xi32, #tpu.memory_space<vmem>> -> memref<1x1x128xi32, #tpu.memory_space<vmem>>
      %dma_start3A_269 = tpu.memref_squeeze %dma_start3A_268 : memref<1x1x128xi32, #tpu.memory_space<vmem>> -> memref<128xi32, #tpu.memory_space<vmem>>
      %dma_start3A_270 = arith.constant 0 : i32
      %dma_start3A_271 = arith.constant 0 : i32
      %dma_start3A_272 = tpu.memref_slice %arg2[%dma_start3A_270, %dma_start3A_271] : memref<20480x128xf32, #tpu.memory_space<hbm>> -> memref<20480x128xf32, #tpu.memory_space<hbm>>
      tpu.enqueue_indirect_dma source(%dma_start3A_272 : memref<20480x128xf32, #tpu.memory_space<hbm>>) target(%arg9 : memref<128x128xf32, #tpu.memory_space<vmem>>) offsets(%dma_start3A_269 : memref<128xi32, #tpu.memory_space<vmem>>) semaphore(%arg12 : memref<!tpu.dma_semaphore, #tpu.memory_space<semaphore_mem>>)
      %dma_wait3A_273 = arith.constant 0 : i32
      %dma_wait3A_274 = arith.constant 0 : i32
      %dma_wait3A_275 = tpu.memref_slice %arg2[%dma_wait3A_273, %dma_wait3A_274] : memref<20480x128xf32, #tpu.memory_space<hbm>> -> memref<128x128xf32, #tpu.memory_space<hbm>>
      %dma_wait3A_276 = arith.constant 0 : i32
      %dma_wait3A_277 = arith.constant 0 : i32
      %dma_wait3A_278 = tpu.memref_slice %arg2[%dma_wait3A_276, %dma_wait3A_277] : memref<20480x128xf32, #tpu.memory_space<hbm>> -> memref<128x128xf32, #tpu.memory_space<hbm>>
      tpu.wait_dma2 semaphore(%arg15 : memref<!tpu.dma_semaphore, #tpu.memory_space<semaphore_mem>>) src(%dma_wait3A_278 : memref<128x128xf32, #tpu.memory_space<hbm>>) dst(%arg10 : memref<128x128xf32, #tpu.memory_space<vmem>>)
      %dma_start3A_279 = arith.constant 1 : i32
      %dma_start3A_280 = arith.constant 0 : i32
      %dma_start3A_281 = tpu.memref_slice %arg7[%sub3A_193, %dma_start3A_279, %dma_start3A_280] : memref<2x2x128xi32, #tpu.memory_space<vmem>> -> memref<1x1x128xi32, #tpu.memory_space<vmem>>
      %dma_start3A_282 = tpu.memref_squeeze %dma_start3A_281 : memref<1x1x128xi32, #tpu.memory_space<vmem>> -> memref<128xi32, #tpu.memory_space<vmem>>
      %dma_start3A_283 = arith.constant 0 : i32
      %dma_start3A_284 = arith.constant 0 : i32
      %dma_start3A_285 = tpu.memref_slice %arg2[%dma_start3A_283, %dma_start3A_284] : memref<20480x128xf32, #tpu.memory_space<hbm>> -> memref<20480x128xf32, #tpu.memory_space<hbm>>
      tpu.enqueue_indirect_dma source(%dma_start3A_285 : memref<20480x128xf32, #tpu.memory_space<hbm>>) target(%arg10 : memref<128x128xf32, #tpu.memory_space<vmem>>) offsets(%dma_start3A_282 : memref<128xi32, #tpu.memory_space<vmem>>) semaphore(%arg13 : memref<!tpu.dma_semaphore, #tpu.memory_space<semaphore_mem>>)
      %add3A_286 = arith.constant 2 : i32
      %add3A_287 = arith.addi %scan3A_191, %add3A_286 : i32
      %min3A = arith.constant 78 : i32
      %min3A_288 = arith.minsi %add3A_287, %min3A : i32
      %dma_start3A_289 = arith.constant 0 : i32
      %dma_start3A_290 = arith.constant 0 : i32
      %dma_start3A_291 = tpu.memref_slice %arg7[%rem3A_192, %dma_start3A_289, %dma_start3A_290] : memref<2x2x128xi32, #tpu.memory_space<vmem>> -> memref<1x2x128xi32, #tpu.memory_space<vmem>>
      %dma_start3A_292 = tpu.memref_squeeze %dma_start3A_291 : memref<1x2x128xi32, #tpu.memory_space<vmem>> -> memref<2x128xi32, #tpu.memory_space<vmem>>
      %dma_start3A_293 = arith.constant 0 : i32
      %dma_start3A_294 = arith.constant 0 : i32
      %dma_start3A_295 = tpu.memref_slice %arg3[%arg0, %arg1, %min3A_288, %dma_start3A_293, %dma_start3A_294] : memref<2x16x79x2x128xi32, #tpu.memory_space<hbm>> -> memref<1x1x1x2x128xi32, #tpu.memory_space<hbm>>
      %dma_start3A_296 = tpu.memref_squeeze %dma_start3A_295 : memref<1x1x1x2x128xi32, #tpu.memory_space<hbm>> -> memref<2x128xi32, #tpu.memory_space<hbm>>
      %dma_start3A_297 = arith.constant 0 : i32
      %dma_start3A_298 = arith.constant 0 : i32
      %dma_start3A_299 = tpu.memref_slice %arg7[%rem3A_192, %dma_start3A_297, %dma_start3A_298] : memref<2x2x128xi32, #tpu.memory_space<vmem>> -> memref<1x2x128xi32, #tpu.memory_space<vmem>>
      %dma_start3A_300 = tpu.memref_squeeze %dma_start3A_299 : memref<1x2x128xi32, #tpu.memory_space<vmem>> -> memref<2x128xi32, #tpu.memory_space<vmem>>
      %dma_start3A_301 = arith.constant 0 : i32
      %dma_start3A_302 = arith.constant 0 : i32
      %dma_start3A_303 = tpu.memref_slice %arg3[%arg0, %arg1, %min3A_288, %dma_start3A_301, %dma_start3A_302] : memref<2x16x79x2x128xi32, #tpu.memory_space<hbm>> -> memref<1x1x1x2x128xi32, #tpu.memory_space<hbm>>
      %dma_start3A_304 = tpu.memref_squeeze %dma_start3A_303 : memref<1x1x1x2x128xi32, #tpu.memory_space<hbm>> -> memref<2x128xi32, #tpu.memory_space<hbm>>
      tpu.enqueue_dma source(%dma_start3A_304 : memref<2x128xi32, #tpu.memory_space<hbm>>) target(%dma_start3A_300 : memref<2x128xi32, #tpu.memory_space<vmem>>) target_semaphore(%arg16 : memref<!tpu.dma_semaphore, #tpu.memory_space<semaphore_mem>>)
      %dma_start3A_305 = arith.constant 0 : i32
      %dma_start3A_306 = arith.constant 0 : i32
      %dma_start3A_307 = tpu.memref_slice %arg8[%rem3A_192, %dma_start3A_305, %dma_start3A_306] : memref<2x2x128xi32, #tpu.memory_space<vmem>> -> memref<1x2x128xi32, #tpu.memory_space<vmem>>
      %dma_start3A_308 = tpu.memref_squeeze %dma_start3A_307 : memref<1x2x128xi32, #tpu.memory_space<vmem>> -> memref<2x128xi32, #tpu.memory_space<vmem>>
      %dma_start3A_309 = arith.constant 0 : i32
      %dma_start3A_310 = arith.constant 0 : i32
      %dma_start3A_311 = tpu.memref_slice %arg4[%arg0, %arg1, %min3A_288, %dma_start3A_309, %dma_start3A_310] : memref<2x16x79x2x128xi32, #tpu.memory_space<hbm>> -> memref<1x1x1x2x128xi32, #tpu.memory_space<hbm>>
      %dma_start3A_312 = tpu.memref_squeeze %dma_start3A_311 : memref<1x1x1x2x128xi32, #tpu.memory_space<hbm>> -> memref<2x128xi32, #tpu.memory_space<hbm>>
      %dma_start3A_313 = arith.constant 0 : i32
      %dma_start3A_314 = arith.constant 0 : i32
      %dma_start3A_315 = tpu.memref_slice %arg8[%rem3A_192, %dma_start3A_313, %dma_start3A_314] : memref<2x2x128xi32, #tpu.memory_space<vmem>> -> memref<1x2x128xi32, #tpu.memory_space<vmem>>
      %dma_start3A_316 = tpu.memref_squeeze %dma_start3A_315 : memref<1x2x128xi32, #tpu.memory_space<vmem>> -> memref<2x128xi32, #tpu.memory_space<vmem>>
      %dma_start3A_317 = arith.constant 0 : i32
      %dma_start3A_318 = arith.constant 0 : i32
      %dma_start3A_319 = tpu.memref_slice %arg4[%arg0, %arg1, %min3A_288, %dma_start3A_317, %dma_start3A_318] : memref<2x16x79x2x128xi32, #tpu.memory_space<hbm>> -> memref<1x1x1x2x128xi32, #tpu.memory_space<hbm>>
      %dma_start3A_320 = tpu.memref_squeeze %dma_start3A_319 : memref<1x1x1x2x128xi32, #tpu.memory_space<hbm>> -> memref<2x128xi32, #tpu.memory_space<hbm>>
      tpu.enqueue_dma source(%dma_start3A_320 : memref<2x128xi32, #tpu.memory_space<hbm>>) target(%dma_start3A_316 : memref<2x128xi32, #tpu.memory_space<vmem>>) target_semaphore(%arg16 : memref<!tpu.dma_semaphore, #tpu.memory_space<semaphore_mem>>)
    }
    %scan3A_131 = arith.constant 79 : i32
    %dma_wait3A_132 = arith.constant 0 : i32
    %dma_wait3A_133 = arith.constant 0 : i32
    %dma_wait3A_134 = tpu.memref_slice %arg2[%dma_wait3A_132, %dma_wait3A_133] : memref<20480x128xf32, #tpu.memory_space<hbm>> -> memref<128x128xf32, #tpu.memory_space<hbm>>
    %dma_wait3A_135 = arith.constant 0 : i32
    %dma_wait3A_136 = arith.constant 0 : i32
    %dma_wait3A_137 = tpu.memref_slice %arg2[%dma_wait3A_135, %dma_wait3A_136] : memref<20480x128xf32, #tpu.memory_space<hbm>> -> memref<128x128xf32, #tpu.memory_space<hbm>>
    tpu.wait_dma2 semaphore(%arg12 : memref<!tpu.dma_semaphore, #tpu.memory_space<semaphore_mem>>) src(%dma_wait3A_137 : memref<128x128xf32, #tpu.memory_space<hbm>>) dst(%arg9 : memref<128x128xf32, #tpu.memory_space<vmem>>)
    %dma_wait3A_138 = arith.constant 0 : i32
    %dma_wait3A_139 = arith.constant 0 : i32
    %dma_wait3A_140 = tpu.memref_slice %arg2[%dma_wait3A_138, %dma_wait3A_139] : memref<20480x128xf32, #tpu.memory_space<hbm>> -> memref<128x128xf32, #tpu.memory_space<hbm>>
    %dma_wait3A_141 = arith.constant 0 : i32
    %dma_wait3A_142 = arith.constant 0 : i32
    %dma_wait3A_143 = tpu.memref_slice %arg2[%dma_wait3A_141, %dma_wait3A_142] : memref<20480x128xf32, #tpu.memory_space<hbm>> -> memref<128x128xf32, #tpu.memory_space<hbm>>
    tpu.wait_dma2 semaphore(%arg13 : memref<!tpu.dma_semaphore, #tpu.memory_space<semaphore_mem>>) src(%dma_wait3A_143 : memref<128x128xf32, #tpu.memory_space<hbm>>) dst(%arg10 : memref<128x128xf32, #tpu.memory_space<vmem>>)
    %dma_wait3A_144 = arith.constant 0 : i32
    %dma_wait3A_145 = arith.constant 0 : i32
    %dma_wait3A_146 = arith.constant 0 : i32
    %dma_wait3A_147 = arith.constant 0 : i32
    %dma_wait3A_148 = arith.constant 0 : i32
    %dma_wait3A_149 = arith.constant 0 : i32
    %dma_wait3A_150 = tpu.memref_slice %arg7[%dma_wait3A_147, %dma_wait3A_148, %dma_wait3A_149] : memref<2x2x128xi32, #tpu.memory_space<vmem>> -> memref<1x2x128xi32, #tpu.memory_space<vmem>>
    %dma_wait3A_151 = tpu.memref_squeeze %dma_wait3A_150 : memref<1x2x128xi32, #tpu.memory_space<vmem>> -> memref<2x128xi32, #tpu.memory_space<vmem>>
    %dma_wait3A_152 = arith.constant 0 : i32
    %dma_wait3A_153 = arith.constant 0 : i32
    %dma_wait3A_154 = tpu.memref_slice %arg3[%dma_wait3A_144, %dma_wait3A_145, %dma_wait3A_146, %dma_wait3A_152, %dma_wait3A_153] : memref<2x16x79x2x128xi32, #tpu.memory_space<hbm>> -> memref<1x1x1x2x128xi32, #tpu.memory_space<hbm>>
    %dma_wait3A_155 = tpu.memref_squeeze %dma_wait3A_154 : memref<1x1x1x2x128xi32, #tpu.memory_space<hbm>> -> memref<2x128xi32, #tpu.memory_space<hbm>>
    %dma_wait3A_156 = arith.constant 0 : i32
    %dma_wait3A_157 = arith.constant 0 : i32
    %dma_wait3A_158 = tpu.memref_slice %arg7[%dma_wait3A_147, %dma_wait3A_156, %dma_wait3A_157] : memref<2x2x128xi32, #tpu.memory_space<vmem>> -> memref<1x2x128xi32, #tpu.memory_space<vmem>>
    %dma_wait3A_159 = tpu.memref_squeeze %dma_wait3A_158 : memref<1x2x128xi32, #tpu.memory_space<vmem>> -> memref<2x128xi32, #tpu.memory_space<vmem>>
    %dma_wait3A_160 = arith.constant 0 : i32
    %dma_wait3A_161 = arith.constant 0 : i32
    %dma_wait3A_162 = tpu.memref_slice %arg3[%dma_wait3A_144, %dma_wait3A_145, %dma_wait3A_146, %dma_wait3A_160, %dma_wait3A_161] : memref<2x16x79x2x128xi32, #tpu.memory_space<hbm>> -> memref<1x1x1x2x128xi32, #tpu.memory_space<hbm>>
    %dma_wait3A_163 = tpu.memref_squeeze %dma_wait3A_162 : memref<1x1x1x2x128xi32, #tpu.memory_space<hbm>> -> memref<2x128xi32, #tpu.memory_space<hbm>>
    tpu.wait_dma2 semaphore(%arg16 : memref<!tpu.dma_semaphore, #tpu.memory_space<semaphore_mem>>) src(%dma_wait3A_163 : memref<2x128xi32, #tpu.memory_space<hbm>>) dst(%dma_wait3A_159 : memref<2x128xi32, #tpu.memory_space<vmem>>)
    %dma_wait3A_164 = arith.constant 0 : i32
    %dma_wait3A_165 = arith.constant 0 : i32
    %dma_wait3A_166 = arith.constant 0 : i32
    %dma_wait3A_167 = arith.constant 0 : i32
    %dma_wait3A_168 = arith.constant 0 : i32
    %dma_wait3A_169 = arith.constant 0 : i32
    %dma_wait3A_170 = tpu.memref_slice %arg8[%dma_wait3A_167, %dma_wait3A_168, %dma_wait3A_169] : memref<2x2x128xi32, #tpu.memory_space<vmem>> -> memref<1x2x128xi32, #tpu.memory_space<vmem>>
    %dma_wait3A_171 = tpu.memref_squeeze %dma_wait3A_170 : memref<1x2x128xi32, #tpu.memory_space<vmem>> -> memref<2x128xi32, #tpu.memory_space<vmem>>
    %dma_wait3A_172 = arith.constant 0 : i32
    %dma_wait3A_173 = arith.constant 0 : i32
    %dma_wait3A_174 = tpu.memref_slice %arg3[%dma_wait3A_164, %dma_wait3A_165, %dma_wait3A_166, %dma_wait3A_172, %dma_wait3A_173] : memref<2x16x79x2x128xi32, #tpu.memory_space<hbm>> -> memref<1x1x1x2x128xi32, #tpu.memory_space<hbm>>
    %dma_wait3A_175 = tpu.memref_squeeze %dma_wait3A_174 : memref<1x1x1x2x128xi32, #tpu.memory_space<hbm>> -> memref<2x128xi32, #tpu.memory_space<hbm>>
    %dma_wait3A_176 = arith.constant 0 : i32
    %dma_wait3A_177 = arith.constant 0 : i32
    %dma_wait3A_178 = tpu.memref_slice %arg8[%dma_wait3A_167, %dma_wait3A_176, %dma_wait3A_177] : memref<2x2x128xi32, #tpu.memory_space<vmem>> -> memref<1x2x128xi32, #tpu.memory_space<vmem>>
    %dma_wait3A_179 = tpu.memref_squeeze %dma_wait3A_178 : memref<1x2x128xi32, #tpu.memory_space<vmem>> -> memref<2x128xi32, #tpu.memory_space<vmem>>
    %dma_wait3A_180 = arith.constant 0 : i32
    %dma_wait3A_181 = arith.constant 0 : i32
    %dma_wait3A_182 = tpu.memref_slice %arg3[%dma_wait3A_164, %dma_wait3A_165, %dma_wait3A_166, %dma_wait3A_180, %dma_wait3A_181] : memref<2x16x79x2x128xi32, #tpu.memory_space<hbm>> -> memref<1x1x1x2x128xi32, #tpu.memory_space<hbm>>
    %dma_wait3A_183 = tpu.memref_squeeze %dma_wait3A_182 : memref<1x1x1x2x128xi32, #tpu.memory_space<hbm>> -> memref<2x128xi32, #tpu.memory_space<hbm>>
    tpu.wait_dma2 semaphore(%arg16 : memref<!tpu.dma_semaphore, #tpu.memory_space<semaphore_mem>>) src(%dma_wait3A_183 : memref<2x128xi32, #tpu.memory_space<hbm>>) dst(%dma_wait3A_179 : memref<2x128xi32, #tpu.memory_space<vmem>>)
    %barrier3A_184 = arith.constant 0 : index
    tpu.barrier barrier_id(%barrier3A_184)
    %mul3A_185 = arith.constant 640 : i32
    %mul3A_186 = arith.muli %arg1, %mul3A_185 : i32
    %mul3A_187 = arith.constant 10240 : i32
    %mul3A_188 = arith.muli %arg0, %mul3A_187 : i32
    %mul3A_189 = arith.constant 640 : i32
    %mul3A_190 = arith.muli %arg1, %mul3A_189 : i32
    %add3A = arith.addi %mul3A_188, %mul3A_190 : i32
    "tpu.region"() ({
      %run_scoped3A = tpu.sem_alloc : memref<!tpu.dma_semaphore, #tpu.memory_space<semaphore_mem>>
      %dma_start3A_191 = arith.constant 0 : i32
      %dma_start3A_192 = tpu.memref_slice %arg6[%add3A, %dma_start3A_191] : memref<20480x128xf32, #tpu.memory_space<hbm>> -> memref<640x128xf32, #tpu.memory_space<hbm>>
      %dma_start3A_193 = arith.constant 0 : i32
      %dma_start3A_194 = tpu.memref_slice %arg11[%mul3A_186, %dma_start3A_193] : memref<10240x128xf32, #tpu.memory_space<vmem_shared>> -> memref<640x128xf32, #tpu.memory_space<vmem_shared>>
      tpu.enqueue_dma source(%dma_start3A_194 : memref<640x128xf32, #tpu.memory_space<vmem_shared>>) target(%dma_start3A_192 : memref<640x128xf32, #tpu.memory_space<hbm>>) target_semaphore(%run_scoped3A : memref<!tpu.dma_semaphore, #tpu.memory_space<semaphore_mem>>)
      %dma_wait3A_195 = arith.constant 0 : i32
      %dma_wait3A_196 = tpu.memref_slice %arg6[%add3A, %dma_wait3A_195] : memref<20480x128xf32, #tpu.memory_space<hbm>> -> memref<640x128xf32, #tpu.memory_space<hbm>>
      %dma_wait3A_197 = arith.constant 0 : i32
      %dma_wait3A_198 = tpu.memref_slice %arg11[%mul3A_186, %dma_wait3A_197] : memref<10240x128xf32, #tpu.memory_space<vmem_shared>> -> memref<640x128xf32, #tpu.memory_space<vmem_shared>>
      tpu.wait_dma2 semaphore(%run_scoped3A : memref<!tpu.dma_semaphore, #tpu.memory_space<semaphore_mem>>) src(%dma_wait3A_198 : memref<640x128xf32, #tpu.memory_space<vmem_shared>>) dst(%dma_wait3A_196 : memref<640x128xf32, #tpu.memory_space<hbm>>)
      tpu.yield
    }) : () -> ()
    return
  }
}

#map = affine_map<(d0, d1) -> (0, 0)>
#map1 = affine_map<(d0, d1) -> (0, 0, 0, 0, 0)>
module attributes {stable_mosaic.version = 14 : i64} {
  func.func @msgpass(%arg0: i32, %arg1: i32, %arg2: memref<20480x128xf32, #tpu.memory_space<hbm>>, %arg3: memref<2x16x79x2x128xi32, #tpu.memory_space<hbm>>, %arg4: memref<2x16x79x2x128xi32, #tpu.memory_space<hbm>>, %arg5: memref<640x128xf32, #tpu.memory_space<hbm>>, %arg6: memref<20480x128xf32, #tpu.memory_space<hbm>>, %arg7: memref<2x2x128xi32, #tpu.memory_space<vmem>>, %arg8: memref<2x2x128xi32, #tpu.memory_space<vmem>>, %arg9: memref<128x128xf32, #tpu.memory_space<vmem>>, %arg10: memref<128x128xf32, #tpu.memory_space<vmem>>, %arg11: memref<10240x128xf32, #tpu.memory_space<vmem_shared>>, %arg12: memref<!tpu.dma_semaphore, #tpu.memory_space<semaphore_mem>>, %arg13: memref<!tpu.dma_semaphore, #tpu.memory_space<semaphore_mem>>, %arg14: memref<!tpu.dma_semaphore, #tpu.memory_space<semaphore_mem>>, %arg15: memref<!tpu.dma_semaphore, #tpu.memory_space<semaphore_mem>>, %arg16: memref<!tpu.dma_semaphore, #tpu.memory_space<semaphore_mem>>) attributes {dimension_semantics = [#tpu.dimension_semantics<core_parallel>, #tpu.dimension_semantics<subcore_parallel>], iteration_bounds = array<i64: 2, 16>, scalar_prefetch = 0 : i64, scratch_operands = 10 : i64, tpu.core_type = #tpu.core_type<sc_vector_subcore>, window_params = [{transform_indices = #map}, {transform_indices = #map1}, {transform_indices = #map1}, {transform_indices = #map}, {transform_indices = #map}]} {
    %mul3A = arith.constant 640 : i32
    %mul3A_0 = arith.muli %arg1, %mul3A : i32
    "tpu.region"() ({
      %run_scoped3A = tpu.sem_alloc : memref<!tpu.dma_semaphore, #tpu.memory_space<semaphore_mem>>
      %dma_start3A_191 = arith.constant 0 : i32
      %dma_start3A_192 = tpu.memref_slice %arg11[%mul3A_0, %dma_start3A_191] : memref<10240x128xf32, #tpu.memory_space<vmem_shared>> -> memref<640x128xf32, #tpu.memory_space<vmem_shared>>
      tpu.enqueue_dma source(%arg5 : memref<640x128xf32, #tpu.memory_space<hbm>>) target(%dma_start3A_192 : memref<640x128xf32, #tpu.memory_space<vmem_shared>>) target_semaphore(%run_scoped3A : memref<!tpu.dma_semaphore, #tpu.memory_space<semaphore_mem>>)
      %dma_wait3A_193 = arith.constant 0 : i32
      %dma_wait3A_194 = tpu.memref_slice %arg11[%mul3A_0, %dma_wait3A_193] : memref<10240x128xf32, #tpu.memory_space<vmem_shared>> -> memref<640x128xf32, #tpu.memory_space<vmem_shared>>
      tpu.wait_dma2 semaphore(%run_scoped3A : memref<!tpu.dma_semaphore, #tpu.memory_space<semaphore_mem>>) src(%arg5 : memref<640x128xf32, #tpu.memory_space<hbm>>) dst(%dma_wait3A_194 : memref<640x128xf32, #tpu.memory_space<vmem_shared>>)
      tpu.yield
    }) : () -> ()
    %barrier3A = arith.constant 0 : index
    tpu.barrier barrier_id(%barrier3A)
    %dma_start3A = arith.constant 0 : i32
    %dma_start3A_1 = arith.constant 0 : i32
    %dma_start3A_2 = arith.constant 0 : i32
    %dma_start3A_3 = arith.constant 0 : i32
    %dma_start3A_4 = tpu.memref_slice %arg7[%dma_start3A_1, %dma_start3A_2, %dma_start3A_3] : memref<2x2x128xi32, #tpu.memory_space<vmem>> -> memref<1x2x128xi32, #tpu.memory_space<vmem>>
    %dma_start3A_5 = tpu.memref_squeeze %dma_start3A_4 : memref<1x2x128xi32, #tpu.memory_space<vmem>> -> memref<2x128xi32, #tpu.memory_space<vmem>>
    %dma_start3A_6 = arith.constant 0 : i32
    %dma_start3A_7 = arith.constant 0 : i32
    %dma_start3A_8 = tpu.memref_slice %arg3[%arg0, %arg1, %dma_start3A, %dma_start3A_6, %dma_start3A_7] : memref<2x16x79x2x128xi32, #tpu.memory_space<hbm>> -> memref<1x1x1x2x128xi32, #tpu.memory_space<hbm>>
    %dma_start3A_9 = tpu.memref_squeeze %dma_start3A_8 : memref<1x1x1x2x128xi32, #tpu.memory_space<hbm>> -> memref<2x128xi32, #tpu.memory_space<hbm>>
    %dma_start3A_10 = arith.constant 0 : i32
    %dma_start3A_11 = arith.constant 0 : i32
    %dma_start3A_12 = tpu.memref_slice %arg7[%dma_start3A_1, %dma_start3A_10, %dma_start3A_11] : memref<2x2x128xi32, #tpu.memory_space<vmem>> -> memref<1x2x128xi32, #tpu.memory_space<vmem>>
    %dma_start3A_13 = tpu.memref_squeeze %dma_start3A_12 : memref<1x2x128xi32, #tpu.memory_space<vmem>> -> memref<2x128xi32, #tpu.memory_space<vmem>>
    %dma_start3A_14 = arith.constant 0 : i32
    %dma_start3A_15 = arith.constant 0 : i32
    %dma_start3A_16 = tpu.memref_slice %arg3[%arg0, %arg1, %dma_start3A, %dma_start3A_14, %dma_start3A_15] : memref<2x16x79x2x128xi32, #tpu.memory_space<hbm>> -> memref<1x1x1x2x128xi32, #tpu.memory_space<hbm>>
    %dma_start3A_17 = tpu.memref_squeeze %dma_start3A_16 : memref<1x1x1x2x128xi32, #tpu.memory_space<hbm>> -> memref<2x128xi32, #tpu.memory_space<hbm>>
    tpu.enqueue_dma source(%dma_start3A_17 : memref<2x128xi32, #tpu.memory_space<hbm>>) target(%dma_start3A_13 : memref<2x128xi32, #tpu.memory_space<vmem>>) target_semaphore(%arg16 : memref<!tpu.dma_semaphore, #tpu.memory_space<semaphore_mem>>)
    %dma_start3A_18 = arith.constant 0 : i32
    %dma_start3A_19 = arith.constant 0 : i32
    %dma_start3A_20 = arith.constant 0 : i32
    %dma_start3A_21 = arith.constant 0 : i32
    %dma_start3A_22 = tpu.memref_slice %arg8[%dma_start3A_19, %dma_start3A_20, %dma_start3A_21] : memref<2x2x128xi32, #tpu.memory_space<vmem>> -> memref<1x2x128xi32, #tpu.memory_space<vmem>>
    %dma_start3A_23 = tpu.memref_squeeze %dma_start3A_22 : memref<1x2x128xi32, #tpu.memory_space<vmem>> -> memref<2x128xi32, #tpu.memory_space<vmem>>
    %dma_start3A_24 = arith.constant 0 : i32
    %dma_start3A_25 = arith.constant 0 : i32
    %dma_start3A_26 = tpu.memref_slice %arg4[%arg0, %arg1, %dma_start3A_18, %dma_start3A_24, %dma_start3A_25] : memref<2x16x79x2x128xi32, #tpu.memory_space<hbm>> -> memref<1x1x1x2x128xi32, #tpu.memory_space<hbm>>
    %dma_start3A_27 = tpu.memref_squeeze %dma_start3A_26 : memref<1x1x1x2x128xi32, #tpu.memory_space<hbm>> -> memref<2x128xi32, #tpu.memory_space<hbm>>
    %dma_start3A_28 = arith.constant 0 : i32
    %dma_start3A_29 = arith.constant 0 : i32
    %dma_start3A_30 = tpu.memref_slice %arg8[%dma_start3A_19, %dma_start3A_28, %dma_start3A_29] : memref<2x2x128xi32, #tpu.memory_space<vmem>> -> memref<1x2x128xi32, #tpu.memory_space<vmem>>
    %dma_start3A_31 = tpu.memref_squeeze %dma_start3A_30 : memref<1x2x128xi32, #tpu.memory_space<vmem>> -> memref<2x128xi32, #tpu.memory_space<vmem>>
    %dma_start3A_32 = arith.constant 0 : i32
    %dma_start3A_33 = arith.constant 0 : i32
    %dma_start3A_34 = tpu.memref_slice %arg4[%arg0, %arg1, %dma_start3A_18, %dma_start3A_32, %dma_start3A_33] : memref<2x16x79x2x128xi32, #tpu.memory_space<hbm>> -> memref<1x1x1x2x128xi32, #tpu.memory_space<hbm>>
    %dma_start3A_35 = tpu.memref_squeeze %dma_start3A_34 : memref<1x1x1x2x128xi32, #tpu.memory_space<hbm>> -> memref<2x128xi32, #tpu.memory_space<hbm>>
    tpu.enqueue_dma source(%dma_start3A_35 : memref<2x128xi32, #tpu.memory_space<hbm>>) target(%dma_start3A_31 : memref<2x128xi32, #tpu.memory_space<vmem>>) target_semaphore(%arg16 : memref<!tpu.dma_semaphore, #tpu.memory_space<semaphore_mem>>)
    %dma_wait3A = arith.constant 0 : i32
    %dma_wait3A_36 = arith.constant 0 : i32
    %dma_wait3A_37 = arith.constant 0 : i32
    %dma_wait3A_38 = arith.constant 0 : i32
    %dma_wait3A_39 = arith.constant 0 : i32
    %dma_wait3A_40 = arith.constant 0 : i32
    %dma_wait3A_41 = tpu.memref_slice %arg7[%dma_wait3A_38, %dma_wait3A_39, %dma_wait3A_40] : memref<2x2x128xi32, #tpu.memory_space<vmem>> -> memref<1x2x128xi32, #tpu.memory_space<vmem>>
    %dma_wait3A_42 = tpu.memref_squeeze %dma_wait3A_41 : memref<1x2x128xi32, #tpu.memory_space<vmem>> -> memref<2x128xi32, #tpu.memory_space<vmem>>
    %dma_wait3A_43 = arith.constant 0 : i32
    %dma_wait3A_44 = arith.constant 0 : i32
    %dma_wait3A_45 = tpu.memref_slice %arg3[%dma_wait3A, %dma_wait3A_36, %dma_wait3A_37, %dma_wait3A_43, %dma_wait3A_44] : memref<2x16x79x2x128xi32, #tpu.memory_space<hbm>> -> memref<1x1x1x2x128xi32, #tpu.memory_space<hbm>>
    %dma_wait3A_46 = tpu.memref_squeeze %dma_wait3A_45 : memref<1x1x1x2x128xi32, #tpu.memory_space<hbm>> -> memref<2x128xi32, #tpu.memory_space<hbm>>
    %dma_wait3A_47 = arith.constant 0 : i32
    %dma_wait3A_48 = arith.constant 0 : i32
    %dma_wait3A_49 = tpu.memref_slice %arg7[%dma_wait3A_38, %dma_wait3A_47, %dma_wait3A_48] : memref<2x2x128xi32, #tpu.memory_space<vmem>> -> memref<1x2x128xi32, #tpu.memory_space<vmem>>
    %dma_wait3A_50 = tpu.memref_squeeze %dma_wait3A_49 : memref<1x2x128xi32, #tpu.memory_space<vmem>> -> memref<2x128xi32, #tpu.memory_space<vmem>>
    %dma_wait3A_51 = arith.constant 0 : i32
    %dma_wait3A_52 = arith.constant 0 : i32
    %dma_wait3A_53 = tpu.memref_slice %arg3[%dma_wait3A, %dma_wait3A_36, %dma_wait3A_37, %dma_wait3A_51, %dma_wait3A_52] : memref<2x16x79x2x128xi32, #tpu.memory_space<hbm>> -> memref<1x1x1x2x128xi32, #tpu.memory_space<hbm>>
    %dma_wait3A_54 = tpu.memref_squeeze %dma_wait3A_53 : memref<1x1x1x2x128xi32, #tpu.memory_space<hbm>> -> memref<2x128xi32, #tpu.memory_space<hbm>>
    tpu.wait_dma2 semaphore(%arg16 : memref<!tpu.dma_semaphore, #tpu.memory_space<semaphore_mem>>) src(%dma_wait3A_54 : memref<2x128xi32, #tpu.memory_space<hbm>>) dst(%dma_wait3A_50 : memref<2x128xi32, #tpu.memory_space<vmem>>)
    %dma_wait3A_55 = arith.constant 0 : i32
    %dma_wait3A_56 = arith.constant 0 : i32
    %dma_wait3A_57 = arith.constant 0 : i32
    %dma_wait3A_58 = arith.constant 0 : i32
    %dma_wait3A_59 = arith.constant 0 : i32
    %dma_wait3A_60 = arith.constant 0 : i32
    %dma_wait3A_61 = tpu.memref_slice %arg8[%dma_wait3A_58, %dma_wait3A_59, %dma_wait3A_60] : memref<2x2x128xi32, #tpu.memory_space<vmem>> -> memref<1x2x128xi32, #tpu.memory_space<vmem>>
    %dma_wait3A_62 = tpu.memref_squeeze %dma_wait3A_61 : memref<1x2x128xi32, #tpu.memory_space<vmem>> -> memref<2x128xi32, #tpu.memory_space<vmem>>
    %dma_wait3A_63 = arith.constant 0 : i32
    %dma_wait3A_64 = arith.constant 0 : i32
    %dma_wait3A_65 = tpu.memref_slice %arg3[%dma_wait3A_55, %dma_wait3A_56, %dma_wait3A_57, %dma_wait3A_63, %dma_wait3A_64] : memref<2x16x79x2x128xi32, #tpu.memory_space<hbm>> -> memref<1x1x1x2x128xi32, #tpu.memory_space<hbm>>
    %dma_wait3A_66 = tpu.memref_squeeze %dma_wait3A_65 : memref<1x1x1x2x128xi32, #tpu.memory_space<hbm>> -> memref<2x128xi32, #tpu.memory_space<hbm>>
    %dma_wait3A_67 = arith.constant 0 : i32
    %dma_wait3A_68 = arith.constant 0 : i32
    %dma_wait3A_69 = tpu.memref_slice %arg8[%dma_wait3A_58, %dma_wait3A_67, %dma_wait3A_68] : memref<2x2x128xi32, #tpu.memory_space<vmem>> -> memref<1x2x128xi32, #tpu.memory_space<vmem>>
    %dma_wait3A_70 = tpu.memref_squeeze %dma_wait3A_69 : memref<1x2x128xi32, #tpu.memory_space<vmem>> -> memref<2x128xi32, #tpu.memory_space<vmem>>
    %dma_wait3A_71 = arith.constant 0 : i32
    %dma_wait3A_72 = arith.constant 0 : i32
    %dma_wait3A_73 = tpu.memref_slice %arg3[%dma_wait3A_55, %dma_wait3A_56, %dma_wait3A_57, %dma_wait3A_71, %dma_wait3A_72] : memref<2x16x79x2x128xi32, #tpu.memory_space<hbm>> -> memref<1x1x1x2x128xi32, #tpu.memory_space<hbm>>
    %dma_wait3A_74 = tpu.memref_squeeze %dma_wait3A_73 : memref<1x1x1x2x128xi32, #tpu.memory_space<hbm>> -> memref<2x128xi32, #tpu.memory_space<hbm>>
    tpu.wait_dma2 semaphore(%arg16 : memref<!tpu.dma_semaphore, #tpu.memory_space<semaphore_mem>>) src(%dma_wait3A_74 : memref<2x128xi32, #tpu.memory_space<hbm>>) dst(%dma_wait3A_70 : memref<2x128xi32, #tpu.memory_space<vmem>>)
    %dma_start3A_75 = arith.constant 0 : i32
    %dma_start3A_76 = arith.constant 0 : i32
    %dma_start3A_77 = arith.constant 0 : i32
    %dma_start3A_78 = tpu.memref_slice %arg7[%dma_start3A_75, %dma_start3A_76, %dma_start3A_77] : memref<2x2x128xi32, #tpu.memory_space<vmem>> -> memref<1x1x128xi32, #tpu.memory_space<vmem>>
    %dma_start3A_79 = tpu.memref_squeeze %dma_start3A_78 : memref<1x1x128xi32, #tpu.memory_space<vmem>> -> memref<128xi32, #tpu.memory_space<vmem>>
    %dma_start3A_80 = arith.constant 0 : i32
    %dma_start3A_81 = arith.constant 0 : i32
    %dma_start3A_82 = tpu.memref_slice %arg2[%dma_start3A_80, %dma_start3A_81] : memref<20480x128xf32, #tpu.memory_space<hbm>> -> memref<20480x128xf32, #tpu.memory_space<hbm>>
    tpu.enqueue_indirect_dma source(%dma_start3A_82 : memref<20480x128xf32, #tpu.memory_space<hbm>>) target(%arg9 : memref<128x128xf32, #tpu.memory_space<vmem>>) offsets(%dma_start3A_79 : memref<128xi32, #tpu.memory_space<vmem>>) semaphore(%arg12 : memref<!tpu.dma_semaphore, #tpu.memory_space<semaphore_mem>>)
    %dma_start3A_83 = arith.constant 0 : i32
    %dma_start3A_84 = arith.constant 1 : i32
    %dma_start3A_85 = arith.constant 0 : i32
    %dma_start3A_86 = tpu.memref_slice %arg7[%dma_start3A_83, %dma_start3A_84, %dma_start3A_85] : memref<2x2x128xi32, #tpu.memory_space<vmem>> -> memref<1x1x128xi32, #tpu.memory_space<vmem>>
    %dma_start3A_87 = tpu.memref_squeeze %dma_start3A_86 : memref<1x1x128xi32, #tpu.memory_space<vmem>> -> memref<128xi32, #tpu.memory_space<vmem>>
    %dma_start3A_88 = arith.constant 0 : i32
    %dma_start3A_89 = arith.constant 0 : i32
    %dma_start3A_90 = tpu.memref_slice %arg2[%dma_start3A_88, %dma_start3A_89] : memref<20480x128xf32, #tpu.memory_space<hbm>> -> memref<20480x128xf32, #tpu.memory_space<hbm>>
    tpu.enqueue_indirect_dma source(%dma_start3A_90 : memref<20480x128xf32, #tpu.memory_space<hbm>>) target(%arg10 : memref<128x128xf32, #tpu.memory_space<vmem>>) offsets(%dma_start3A_87 : memref<128xi32, #tpu.memory_space<vmem>>) semaphore(%arg13 : memref<!tpu.dma_semaphore, #tpu.memory_space<semaphore_mem>>)
    %dma_start3A_91 = arith.constant 1 : i32
    %dma_start3A_92 = arith.constant 1 : i32
    %dma_start3A_93 = arith.constant 0 : i32
    %dma_start3A_94 = arith.constant 0 : i32
    %dma_start3A_95 = tpu.memref_slice %arg7[%dma_start3A_92, %dma_start3A_93, %dma_start3A_94] : memref<2x2x128xi32, #tpu.memory_space<vmem>> -> memref<1x2x128xi32, #tpu.memory_space<vmem>>
    %dma_start3A_96 = tpu.memref_squeeze %dma_start3A_95 : memref<1x2x128xi32, #tpu.memory_space<vmem>> -> memref<2x128xi32, #tpu.memory_space<vmem>>
    %dma_start3A_97 = arith.constant 0 : i32
    %dma_start3A_98 = arith.constant 0 : i32
    %dma_start3A_99 = tpu.memref_slice %arg3[%arg0, %arg1, %dma_start3A_91, %dma_start3A_97, %dma_start3A_98] : memref<2x16x79x2x128xi32, #tpu.memory_space<hbm>> -> memref<1x1x1x2x128xi32, #tpu.memory_space<hbm>>
    %dma_start3A_100 = tpu.memref_squeeze %dma_start3A_99 : memref<1x1x1x2x128xi32, #tpu.memory_space<hbm>> -> memref<2x128xi32, #tpu.memory_space<hbm>>
    %dma_start3A_101 = arith.constant 0 : i32
    %dma_start3A_102 = arith.constant 0 : i32
    %dma_start3A_103 = tpu.memref_slice %arg7[%dma_start3A_92, %dma_start3A_101, %dma_start3A_102] : memref<2x2x128xi32, #tpu.memory_space<vmem>> -> memref<1x2x128xi32, #tpu.memory_space<vmem>>
    %dma_start3A_104 = tpu.memref_squeeze %dma_start3A_103 : memref<1x2x128xi32, #tpu.memory_space<vmem>> -> memref<2x128xi32, #tpu.memory_space<vmem>>
    %dma_start3A_105 = arith.constant 0 : i32
    %dma_start3A_106 = arith.constant 0 : i32
    %dma_start3A_107 = tpu.memref_slice %arg3[%arg0, %arg1, %dma_start3A_91, %dma_start3A_105, %dma_start3A_106] : memref<2x16x79x2x128xi32, #tpu.memory_space<hbm>> -> memref<1x1x1x2x128xi32, #tpu.memory_space<hbm>>
    %dma_start3A_108 = tpu.memref_squeeze %dma_start3A_107 : memref<1x1x1x2x128xi32, #tpu.memory_space<hbm>> -> memref<2x128xi32, #tpu.memory_space<hbm>>
    tpu.enqueue_dma source(%dma_start3A_108 : memref<2x128xi32, #tpu.memory_space<hbm>>) target(%dma_start3A_104 : memref<2x128xi32, #tpu.memory_space<vmem>>) target_semaphore(%arg16 : memref<!tpu.dma_semaphore, #tpu.memory_space<semaphore_mem>>)
    %dma_start3A_109 = arith.constant 1 : i32
    %dma_start3A_110 = arith.constant 1 : i32
    %dma_start3A_111 = arith.constant 0 : i32
    %dma_start3A_112 = arith.constant 0 : i32
    %dma_start3A_113 = tpu.memref_slice %arg8[%dma_start3A_110, %dma_start3A_111, %dma_start3A_112] : memref<2x2x128xi32, #tpu.memory_space<vmem>> -> memref<1x2x128xi32, #tpu.memory_space<vmem>>
    %dma_start3A_114 = tpu.memref_squeeze %dma_start3A_113 : memref<1x2x128xi32, #tpu.memory_space<vmem>> -> memref<2x128xi32, #tpu.memory_space<vmem>>
    %dma_start3A_115 = arith.constant 0 : i32
    %dma_start3A_116 = arith.constant 0 : i32
    %dma_start3A_117 = tpu.memref_slice %arg4[%arg0, %arg1, %dma_start3A_109, %dma_start3A_115, %dma_start3A_116] : memref<2x16x79x2x128xi32, #tpu.memory_space<hbm>> -> memref<1x1x1x2x128xi32, #tpu.memory_space<hbm>>
    %dma_start3A_118 = tpu.memref_squeeze %dma_start3A_117 : memref<1x1x1x2x128xi32, #tpu.memory_space<hbm>> -> memref<2x128xi32, #tpu.memory_space<hbm>>
    %dma_start3A_119 = arith.constant 0 : i32
    %dma_start3A_120 = arith.constant 0 : i32
    %dma_start3A_121 = tpu.memref_slice %arg8[%dma_start3A_110, %dma_start3A_119, %dma_start3A_120] : memref<2x2x128xi32, #tpu.memory_space<vmem>> -> memref<1x2x128xi32, #tpu.memory_space<vmem>>
    %dma_start3A_122 = tpu.memref_squeeze %dma_start3A_121 : memref<1x2x128xi32, #tpu.memory_space<vmem>> -> memref<2x128xi32, #tpu.memory_space<vmem>>
    %dma_start3A_123 = arith.constant 0 : i32
    %dma_start3A_124 = arith.constant 0 : i32
    %dma_start3A_125 = tpu.memref_slice %arg4[%arg0, %arg1, %dma_start3A_109, %dma_start3A_123, %dma_start3A_124] : memref<2x16x79x2x128xi32, #tpu.memory_space<hbm>> -> memref<1x1x1x2x128xi32, #tpu.memory_space<hbm>>
    %dma_start3A_126 = tpu.memref_squeeze %dma_start3A_125 : memref<1x1x1x2x128xi32, #tpu.memory_space<hbm>> -> memref<2x128xi32, #tpu.memory_space<hbm>>
    tpu.enqueue_dma source(%dma_start3A_126 : memref<2x128xi32, #tpu.memory_space<hbm>>) target(%dma_start3A_122 : memref<2x128xi32, #tpu.memory_space<vmem>>) target_semaphore(%arg16 : memref<!tpu.dma_semaphore, #tpu.memory_space<semaphore_mem>>)
    %scan3A = arith.constant 0 : i32
    %scan3A_127 = arith.constant 0 : i32
    %scan3A_128 = arith.constant 79 : i32
    %scan3A_129 = arith.addi %scan3A_127, %scan3A_128 : i32
    %scan3A_130 = arith.constant 1 : i32
    scf.for %scan3A_191 = %scan3A_127 to %scan3A_129 step %scan3A_130  : i32 {
      %rem3A = arith.constant 2 : i32
      %rem3A_192 = arith.remsi %scan3A_191, %rem3A : i32
      %sub3A = arith.constant 1 : i32
      %sub3A_193 = arith.subi %sub3A, %rem3A_192 : i32
      %dma_wait3A_194 = arith.constant 0 : i32
      %dma_wait3A_195 = arith.constant 0 : i32
      %dma_wait3A_196 = tpu.memref_slice %arg2[%dma_wait3A_194, %dma_wait3A_195] : memref<20480x128xf32, #tpu.memory_space<hbm>> -> memref<128x128xf32, #tpu.memory_space<hbm>>
      %dma_wait3A_197 = arith.constant 0 : i32
      %dma_wait3A_198 = arith.constant 0 : i32
      %dma_wait3A_199 = tpu.memref_slice %arg2[%dma_wait3A_197, %dma_wait3A_198] : memref<20480x128xf32, #tpu.memory_space<hbm>> -> memref<128x128xf32, #tpu.memory_space<hbm>>
      tpu.wait_dma2 semaphore(%arg12 : memref<!tpu.dma_semaphore, #tpu.memory_space<semaphore_mem>>) src(%dma_wait3A_199 : memref<128x128xf32, #tpu.memory_space<hbm>>) dst(%arg9 : memref<128x128xf32, #tpu.memory_space<vmem>>)
      %dma_start3A_200 = arith.constant 0 : i32
      %dma_start3A_201 = arith.constant 0 : i32
      %dma_start3A_202 = tpu.memref_slice %arg8[%rem3A_192, %dma_start3A_200, %dma_start3A_201] : memref<2x2x128xi32, #tpu.memory_space<vmem>> -> memref<1x1x128xi32, #tpu.memory_space<vmem>>
      %dma_start3A_203 = tpu.memref_squeeze %dma_start3A_202 : memref<1x1x128xi32, #tpu.memory_space<vmem>> -> memref<128xi32, #tpu.memory_space<vmem>>
      %dma_start3A_204 = arith.constant 0 : i32
      %dma_start3A_205 = arith.constant 0 : i32
      %dma_start3A_206 = tpu.memref_slice %arg11[%dma_start3A_204, %dma_start3A_205] : memref<10240x128xf32, #tpu.memory_space<vmem_shared>> -> memref<10240x128xf32, #tpu.memory_space<vmem_shared>>
      tpu.enqueue_indirect_dma source(%arg9 : memref<128x128xf32, #tpu.memory_space<vmem>>) target(%dma_start3A_206 : memref<10240x128xf32, #tpu.memory_space<vmem_shared>>) offsets(%dma_start3A_203 : memref<128xi32, #tpu.memory_space<vmem>>) semaphore(%arg14 : memref<!tpu.dma_semaphore, #tpu.memory_space<semaphore_mem>>) {add = true}
      %dma_wait3A_207 = arith.constant 0 : i32
      %dma_wait3A_208 = arith.constant 0 : i32
      %dma_wait3A_209 = tpu.memref_slice %arg2[%dma_wait3A_207, %dma_wait3A_208] : memref<20480x128xf32, #tpu.memory_space<hbm>> -> memref<128x128xf32, #tpu.memory_space<hbm>>
      %dma_wait3A_210 = arith.constant 0 : i32
      %dma_wait3A_211 = arith.constant 0 : i32
      %dma_wait3A_212 = tpu.memref_slice %arg2[%dma_wait3A_210, %dma_wait3A_211] : memref<20480x128xf32, #tpu.memory_space<hbm>> -> memref<128x128xf32, #tpu.memory_space<hbm>>
      tpu.wait_dma2 semaphore(%arg13 : memref<!tpu.dma_semaphore, #tpu.memory_space<semaphore_mem>>) src(%dma_wait3A_212 : memref<128x128xf32, #tpu.memory_space<hbm>>) dst(%arg10 : memref<128x128xf32, #tpu.memory_space<vmem>>)
      %dma_start3A_213 = arith.constant 1 : i32
      %dma_start3A_214 = arith.constant 0 : i32
      %dma_start3A_215 = tpu.memref_slice %arg8[%rem3A_192, %dma_start3A_213, %dma_start3A_214] : memref<2x2x128xi32, #tpu.memory_space<vmem>> -> memref<1x1x128xi32, #tpu.memory_space<vmem>>
      %dma_start3A_216 = tpu.memref_squeeze %dma_start3A_215 : memref<1x1x128xi32, #tpu.memory_space<vmem>> -> memref<128xi32, #tpu.memory_space<vmem>>
      %dma_start3A_217 = arith.constant 0 : i32
      %dma_start3A_218 = arith.constant 0 : i32
      %dma_start3A_219 = tpu.memref_slice %arg11[%dma_start3A_217, %dma_start3A_218] : memref<10240x128xf32, #tpu.memory_space<vmem_shared>> -> memref<10240x128xf32, #tpu.memory_space<vmem_shared>>
      tpu.enqueue_indirect_dma source(%arg10 : memref<128x128xf32, #tpu.memory_space<vmem>>) target(%dma_start3A_219 : memref<10240x128xf32, #tpu.memory_space<vmem_shared>>) offsets(%dma_start3A_216 : memref<128xi32, #tpu.memory_space<vmem>>) semaphore(%arg15 : memref<!tpu.dma_semaphore, #tpu.memory_space<semaphore_mem>>) {add = true}
      %dma_wait3A_220 = arith.constant 0 : i32
      %dma_wait3A_221 = arith.constant 0 : i32
      %dma_wait3A_222 = arith.constant 0 : i32
      %dma_wait3A_223 = arith.constant 0 : i32
      %dma_wait3A_224 = arith.constant 0 : i32
      %dma_wait3A_225 = arith.constant 0 : i32
      %dma_wait3A_226 = tpu.memref_slice %arg7[%dma_wait3A_223, %dma_wait3A_224, %dma_wait3A_225] : memref<2x2x128xi32, #tpu.memory_space<vmem>> -> memref<1x2x128xi32, #tpu.memory_space<vmem>>
      %dma_wait3A_227 = tpu.memref_squeeze %dma_wait3A_226 : memref<1x2x128xi32, #tpu.memory_space<vmem>> -> memref<2x128xi32, #tpu.memory_space<vmem>>
      %dma_wait3A_228 = arith.constant 0 : i32
      %dma_wait3A_229 = arith.constant 0 : i32
      %dma_wait3A_230 = tpu.memref_slice %arg3[%dma_wait3A_220, %dma_wait3A_221, %dma_wait3A_222, %dma_wait3A_228, %dma_wait3A_229] : memref<2x16x79x2x128xi32, #tpu.memory_space<hbm>> -> memref<1x1x1x2x128xi32, #tpu.memory_space<hbm>>
      %dma_wait3A_231 = tpu.memref_squeeze %dma_wait3A_230 : memref<1x1x1x2x128xi32, #tpu.memory_space<hbm>> -> memref<2x128xi32, #tpu.memory_space<hbm>>
      %dma_wait3A_232 = arith.constant 0 : i32
      %dma_wait3A_233 = arith.constant 0 : i32
      %dma_wait3A_234 = tpu.memref_slice %arg7[%dma_wait3A_223, %dma_wait3A_232, %dma_wait3A_233] : memref<2x2x128xi32, #tpu.memory_space<vmem>> -> memref<1x2x128xi32, #tpu.memory_space<vmem>>
      %dma_wait3A_235 = tpu.memref_squeeze %dma_wait3A_234 : memref<1x2x128xi32, #tpu.memory_space<vmem>> -> memref<2x128xi32, #tpu.memory_space<vmem>>
      %dma_wait3A_236 = arith.constant 0 : i32
      %dma_wait3A_237 = arith.constant 0 : i32
      %dma_wait3A_238 = tpu.memref_slice %arg3[%dma_wait3A_220, %dma_wait3A_221, %dma_wait3A_222, %dma_wait3A_236, %dma_wait3A_237] : memref<2x16x79x2x128xi32, #tpu.memory_space<hbm>> -> memref<1x1x1x2x128xi32, #tpu.memory_space<hbm>>
      %dma_wait3A_239 = tpu.memref_squeeze %dma_wait3A_238 : memref<1x1x1x2x128xi32, #tpu.memory_space<hbm>> -> memref<2x128xi32, #tpu.memory_space<hbm>>
      tpu.wait_dma2 semaphore(%arg16 : memref<!tpu.dma_semaphore, #tpu.memory_space<semaphore_mem>>) src(%dma_wait3A_239 : memref<2x128xi32, #tpu.memory_space<hbm>>) dst(%dma_wait3A_235 : memref<2x128xi32, #tpu.memory_space<vmem>>)
      %dma_wait3A_240 = arith.constant 0 : i32
      %dma_wait3A_241 = arith.constant 0 : i32
      %dma_wait3A_242 = arith.constant 0 : i32
      %dma_wait3A_243 = arith.constant 0 : i32
      %dma_wait3A_244 = arith.constant 0 : i32
      %dma_wait3A_245 = arith.constant 0 : i32
      %dma_wait3A_246 = tpu.memref_slice %arg8[%dma_wait3A_243, %dma_wait3A_244, %dma_wait3A_245] : memref<2x2x128xi32, #tpu.memory_space<vmem>> -> memref<1x2x128xi32, #tpu.memory_space<vmem>>
      %dma_wait3A_247 = tpu.memref_squeeze %dma_wait3A_246 : memref<1x2x128xi32, #tpu.memory_space<vmem>> -> memref<2x128xi32, #tpu.memory_space<vmem>>
      %dma_wait3A_248 = arith.constant 0 : i32
      %dma_wait3A_249 = arith.constant 0 : i32
      %dma_wait3A_250 = tpu.memref_slice %arg3[%dma_wait3A_240, %dma_wait3A_241, %dma_wait3A_242, %dma_wait3A_248, %dma_wait3A_249] : memref<2x16x79x2x128xi32, #tpu.memory_space<hbm>> -> memref<1x1x1x2x128xi32, #tpu.memory_space<hbm>>
      %dma_wait3A_251 = tpu.memref_squeeze %dma_wait3A_250 : memref<1x1x1x2x128xi32, #tpu.memory_space<hbm>> -> memref<2x128xi32, #tpu.memory_space<hbm>>
      %dma_wait3A_252 = arith.constant 0 : i32
      %dma_wait3A_253 = arith.constant 0 : i32
      %dma_wait3A_254 = tpu.memref_slice %arg8[%dma_wait3A_243, %dma_wait3A_252, %dma_wait3A_253] : memref<2x2x128xi32, #tpu.memory_space<vmem>> -> memref<1x2x128xi32, #tpu.memory_space<vmem>>
      %dma_wait3A_255 = tpu.memref_squeeze %dma_wait3A_254 : memref<1x2x128xi32, #tpu.memory_space<vmem>> -> memref<2x128xi32, #tpu.memory_space<vmem>>
      %dma_wait3A_256 = arith.constant 0 : i32
      %dma_wait3A_257 = arith.constant 0 : i32
      %dma_wait3A_258 = tpu.memref_slice %arg3[%dma_wait3A_240, %dma_wait3A_241, %dma_wait3A_242, %dma_wait3A_256, %dma_wait3A_257] : memref<2x16x79x2x128xi32, #tpu.memory_space<hbm>> -> memref<1x1x1x2x128xi32, #tpu.memory_space<hbm>>
      %dma_wait3A_259 = tpu.memref_squeeze %dma_wait3A_258 : memref<1x1x1x2x128xi32, #tpu.memory_space<hbm>> -> memref<2x128xi32, #tpu.memory_space<hbm>>
      tpu.wait_dma2 semaphore(%arg16 : memref<!tpu.dma_semaphore, #tpu.memory_space<semaphore_mem>>) src(%dma_wait3A_259 : memref<2x128xi32, #tpu.memory_space<hbm>>) dst(%dma_wait3A_255 : memref<2x128xi32, #tpu.memory_space<vmem>>)
      %dma_wait3A_260 = arith.constant 0 : i32
      %dma_wait3A_261 = arith.constant 0 : i32
      %dma_wait3A_262 = tpu.memref_slice %arg2[%dma_wait3A_260, %dma_wait3A_261] : memref<20480x128xf32, #tpu.memory_space<hbm>> -> memref<128x128xf32, #tpu.memory_space<hbm>>
      %dma_wait3A_263 = arith.constant 0 : i32
      %dma_wait3A_264 = arith.constant 0 : i32
      %dma_wait3A_265 = tpu.memref_slice %arg2[%dma_wait3A_263, %dma_wait3A_264] : memref<20480x128xf32, #tpu.memory_space<hbm>> -> memref<128x128xf32, #tpu.memory_space<hbm>>
      tpu.wait_dma2 semaphore(%arg14 : memref<!tpu.dma_semaphore, #tpu.memory_space<semaphore_mem>>) src(%dma_wait3A_265 : memref<128x128xf32, #tpu.memory_space<hbm>>) dst(%arg9 : memref<128x128xf32, #tpu.memory_space<vmem>>)
      %dma_start3A_266 = arith.constant 0 : i32
      %dma_start3A_267 = arith.constant 0 : i32
      %dma_start3A_268 = tpu.memref_slice %arg7[%sub3A_193, %dma_start3A_266, %dma_start3A_267] : memref<2x2x128xi32, #tpu.memory_space<vmem>> -> memref<1x1x128xi32, #tpu.memory_space<vmem>>
      %dma_start3A_269 = tpu.memref_squeeze %dma_start3A_268 : memref<1x1x128xi32, #tpu.memory_space<vmem>> -> memref<128xi32, #tpu.memory_space<vmem>>
      %dma_start3A_270 = arith.constant 0 : i32
      %dma_start3A_271 = arith.constant 0 : i32
      %dma_start3A_272 = tpu.memref_slice %arg2[%dma_start3A_270, %dma_start3A_271] : memref<20480x128xf32, #tpu.memory_space<hbm>> -> memref<20480x128xf32, #tpu.memory_space<hbm>>
      tpu.enqueue_indirect_dma source(%dma_start3A_272 : memref<20480x128xf32, #tpu.memory_space<hbm>>) target(%arg9 : memref<128x128xf32, #tpu.memory_space<vmem>>) offsets(%dma_start3A_269 : memref<128xi32, #tpu.memory_space<vmem>>) semaphore(%arg12 : memref<!tpu.dma_semaphore, #tpu.memory_space<semaphore_mem>>)
      %dma_wait3A_273 = arith.constant 0 : i32
      %dma_wait3A_274 = arith.constant 0 : i32
      %dma_wait3A_275 = tpu.memref_slice %arg2[%dma_wait3A_273, %dma_wait3A_274] : memref<20480x128xf32, #tpu.memory_space<hbm>> -> memref<128x128xf32, #tpu.memory_space<hbm>>
      %dma_wait3A_276 = arith.constant 0 : i32
      %dma_wait3A_277 = arith.constant 0 : i32
      %dma_wait3A_278 = tpu.memref_slice %arg2[%dma_wait3A_276, %dma_wait3A_277] : memref<20480x128xf32, #tpu.memory_space<hbm>> -> memref<128x128xf32, #tpu.memory_space<hbm>>
      tpu.wait_dma2 semaphore(%arg15 : memref<!tpu.dma_semaphore, #tpu.memory_space<semaphore_mem>>) src(%dma_wait3A_278 : memref<128x128xf32, #tpu.memory_space<hbm>>) dst(%arg10 : memref<128x128xf32, #tpu.memory_space<vmem>>)
      %dma_start3A_279 = arith.constant 1 : i32
      %dma_start3A_280 = arith.constant 0 : i32
      %dma_start3A_281 = tpu.memref_slice %arg7[%sub3A_193, %dma_start3A_279, %dma_start3A_280] : memref<2x2x128xi32, #tpu.memory_space<vmem>> -> memref<1x1x128xi32, #tpu.memory_space<vmem>>
      %dma_start3A_282 = tpu.memref_squeeze %dma_start3A_281 : memref<1x1x128xi32, #tpu.memory_space<vmem>> -> memref<128xi32, #tpu.memory_space<vmem>>
      %dma_start3A_283 = arith.constant 0 : i32
      %dma_start3A_284 = arith.constant 0 : i32
      %dma_start3A_285 = tpu.memref_slice %arg2[%dma_start3A_283, %dma_start3A_284] : memref<20480x128xf32, #tpu.memory_space<hbm>> -> memref<20480x128xf32, #tpu.memory_space<hbm>>
      tpu.enqueue_indirect_dma source(%dma_start3A_285 : memref<20480x128xf32, #tpu.memory_space<hbm>>) target(%arg10 : memref<128x128xf32, #tpu.memory_space<vmem>>) offsets(%dma_start3A_282 : memref<128xi32, #tpu.memory_space<vmem>>) semaphore(%arg13 : memref<!tpu.dma_semaphore, #tpu.memory_space<semaphore_mem>>)
      %add3A_286 = arith.constant 2 : i32
      %add3A_287 = arith.addi %scan3A_191, %add3A_286 : i32
      %min3A = arith.constant 78 : i32
      %min3A_288 = arith.minsi %add3A_287, %min3A : i32
      %dma_start3A_289 = arith.constant 0 : i32
      %dma_start3A_290 = arith.constant 0 : i32
      %dma_start3A_291 = tpu.memref_slice %arg7[%rem3A_192, %dma_start3A_289, %dma_start3A_290] : memref<2x2x128xi32, #tpu.memory_space<vmem>> -> memref<1x2x128xi32, #tpu.memory_space<vmem>>
      %dma_start3A_292 = tpu.memref_squeeze %dma_start3A_291 : memref<1x2x128xi32, #tpu.memory_space<vmem>> -> memref<2x128xi32, #tpu.memory_space<vmem>>
      %dma_start3A_293 = arith.constant 0 : i32
      %dma_start3A_294 = arith.constant 0 : i32
      %dma_start3A_295 = tpu.memref_slice %arg3[%arg0, %arg1, %min3A_288, %dma_start3A_293, %dma_start3A_294] : memref<2x16x79x2x128xi32, #tpu.memory_space<hbm>> -> memref<1x1x1x2x128xi32, #tpu.memory_space<hbm>>
      %dma_start3A_296 = tpu.memref_squeeze %dma_start3A_295 : memref<1x1x1x2x128xi32, #tpu.memory_space<hbm>> -> memref<2x128xi32, #tpu.memory_space<hbm>>
      %dma_start3A_297 = arith.constant 0 : i32
      %dma_start3A_298 = arith.constant 0 : i32
      %dma_start3A_299 = tpu.memref_slice %arg7[%rem3A_192, %dma_start3A_297, %dma_start3A_298] : memref<2x2x128xi32, #tpu.memory_space<vmem>> -> memref<1x2x128xi32, #tpu.memory_space<vmem>>
      %dma_start3A_300 = tpu.memref_squeeze %dma_start3A_299 : memref<1x2x128xi32, #tpu.memory_space<vmem>> -> memref<2x128xi32, #tpu.memory_space<vmem>>
      %dma_start3A_301 = arith.constant 0 : i32
      %dma_start3A_302 = arith.constant 0 : i32
      %dma_start3A_303 = tpu.memref_slice %arg3[%arg0, %arg1, %min3A_288, %dma_start3A_301, %dma_start3A_302] : memref<2x16x79x2x128xi32, #tpu.memory_space<hbm>> -> memref<1x1x1x2x128xi32, #tpu.memory_space<hbm>>
      %dma_start3A_304 = tpu.memref_squeeze %dma_start3A_303 : memref<1x1x1x2x128xi32, #tpu.memory_space<hbm>> -> memref<2x128xi32, #tpu.memory_space<hbm>>
      tpu.enqueue_dma source(%dma_start3A_304 : memref<2x128xi32, #tpu.memory_space<hbm>>) target(%dma_start3A_300 : memref<2x128xi32, #tpu.memory_space<vmem>>) target_semaphore(%arg16 : memref<!tpu.dma_semaphore, #tpu.memory_space<semaphore_mem>>)
      %dma_start3A_305 = arith.constant 0 : i32
      %dma_start3A_306 = arith.constant 0 : i32
      %dma_start3A_307 = tpu.memref_slice %arg8[%rem3A_192, %dma_start3A_305, %dma_start3A_306] : memref<2x2x128xi32, #tpu.memory_space<vmem>> -> memref<1x2x128xi32, #tpu.memory_space<vmem>>
      %dma_start3A_308 = tpu.memref_squeeze %dma_start3A_307 : memref<1x2x128xi32, #tpu.memory_space<vmem>> -> memref<2x128xi32, #tpu.memory_space<vmem>>
      %dma_start3A_309 = arith.constant 0 : i32
      %dma_start3A_310 = arith.constant 0 : i32
      %dma_start3A_311 = tpu.memref_slice %arg4[%arg0, %arg1, %min3A_288, %dma_start3A_309, %dma_start3A_310] : memref<2x16x79x2x128xi32, #tpu.memory_space<hbm>> -> memref<1x1x1x2x128xi32, #tpu.memory_space<hbm>>
      %dma_start3A_312 = tpu.memref_squeeze %dma_start3A_311 : memref<1x1x1x2x128xi32, #tpu.memory_space<hbm>> -> memref<2x128xi32, #tpu.memory_space<hbm>>
      %dma_start3A_313 = arith.constant 0 : i32
      %dma_start3A_314 = arith.constant 0 : i32
      %dma_start3A_315 = tpu.memref_slice %arg8[%rem3A_192, %dma_start3A_313, %dma_start3A_314] : memref<2x2x128xi32, #tpu.memory_space<vmem>> -> memref<1x2x128xi32, #tpu.memory_space<vmem>>
      %dma_start3A_316 = tpu.memref_squeeze %dma_start3A_315 : memref<1x2x128xi32, #tpu.memory_space<vmem>> -> memref<2x128xi32, #tpu.memory_space<vmem>>
      %dma_start3A_317 = arith.constant 0 : i32
      %dma_start3A_318 = arith.constant 0 : i32
      %dma_start3A_319 = tpu.memref_slice %arg4[%arg0, %arg1, %min3A_288, %dma_start3A_317, %dma_start3A_318] : memref<2x16x79x2x128xi32, #tpu.memory_space<hbm>> -> memref<1x1x1x2x128xi32, #tpu.memory_space<hbm>>
      %dma_start3A_320 = tpu.memref_squeeze %dma_start3A_319 : memref<1x1x1x2x128xi32, #tpu.memory_space<hbm>> -> memref<2x128xi32, #tpu.memory_space<hbm>>
      tpu.enqueue_dma source(%dma_start3A_320 : memref<2x128xi32, #tpu.memory_space<hbm>>) target(%dma_start3A_316 : memref<2x128xi32, #tpu.memory_space<vmem>>) target_semaphore(%arg16 : memref<!tpu.dma_semaphore, #tpu.memory_space<semaphore_mem>>)
    }
    %scan3A_131 = arith.constant 79 : i32
    %dma_wait3A_132 = arith.constant 0 : i32
    %dma_wait3A_133 = arith.constant 0 : i32
    %dma_wait3A_134 = tpu.memref_slice %arg2[%dma_wait3A_132, %dma_wait3A_133] : memref<20480x128xf32, #tpu.memory_space<hbm>> -> memref<128x128xf32, #tpu.memory_space<hbm>>
    %dma_wait3A_135 = arith.constant 0 : i32
    %dma_wait3A_136 = arith.constant 0 : i32
    %dma_wait3A_137 = tpu.memref_slice %arg2[%dma_wait3A_135, %dma_wait3A_136] : memref<20480x128xf32, #tpu.memory_space<hbm>> -> memref<128x128xf32, #tpu.memory_space<hbm>>
    tpu.wait_dma2 semaphore(%arg12 : memref<!tpu.dma_semaphore, #tpu.memory_space<semaphore_mem>>) src(%dma_wait3A_137 : memref<128x128xf32, #tpu.memory_space<hbm>>) dst(%arg9 : memref<128x128xf32, #tpu.memory_space<vmem>>)
    %dma_wait3A_138 = arith.constant 0 : i32
    %dma_wait3A_139 = arith.constant 0 : i32
    %dma_wait3A_140 = tpu.memref_slice %arg2[%dma_wait3A_138, %dma_wait3A_139] : memref<20480x128xf32, #tpu.memory_space<hbm>> -> memref<128x128xf32, #tpu.memory_space<hbm>>
    %dma_wait3A_141 = arith.constant 0 : i32
    %dma_wait3A_142 = arith.constant 0 : i32
    %dma_wait3A_143 = tpu.memref_slice %arg2[%dma_wait3A_141, %dma_wait3A_142] : memref<20480x128xf32, #tpu.memory_space<hbm>> -> memref<128x128xf32, #tpu.memory_space<hbm>>
    tpu.wait_dma2 semaphore(%arg13 : memref<!tpu.dma_semaphore, #tpu.memory_space<semaphore_mem>>) src(%dma_wait3A_143 : memref<128x128xf32, #tpu.memory_space<hbm>>) dst(%arg10 : memref<128x128xf32, #tpu.memory_space<vmem>>)
    %dma_wait3A_144 = arith.constant 0 : i32
    %dma_wait3A_145 = arith.constant 0 : i32
    %dma_wait3A_146 = arith.constant 0 : i32
    %dma_wait3A_147 = arith.constant 0 : i32
    %dma_wait3A_148 = arith.constant 0 : i32
    %dma_wait3A_149 = arith.constant 0 : i32
    %dma_wait3A_150 = tpu.memref_slice %arg7[%dma_wait3A_147, %dma_wait3A_148, %dma_wait3A_149] : memref<2x2x128xi32, #tpu.memory_space<vmem>> -> memref<1x2x128xi32, #tpu.memory_space<vmem>>
    %dma_wait3A_151 = tpu.memref_squeeze %dma_wait3A_150 : memref<1x2x128xi32, #tpu.memory_space<vmem>> -> memref<2x128xi32, #tpu.memory_space<vmem>>
    %dma_wait3A_152 = arith.constant 0 : i32
    %dma_wait3A_153 = arith.constant 0 : i32
    %dma_wait3A_154 = tpu.memref_slice %arg3[%dma_wait3A_144, %dma_wait3A_145, %dma_wait3A_146, %dma_wait3A_152, %dma_wait3A_153] : memref<2x16x79x2x128xi32, #tpu.memory_space<hbm>> -> memref<1x1x1x2x128xi32, #tpu.memory_space<hbm>>
    %dma_wait3A_155 = tpu.memref_squeeze %dma_wait3A_154 : memref<1x1x1x2x128xi32, #tpu.memory_space<hbm>> -> memref<2x128xi32, #tpu.memory_space<hbm>>
    %dma_wait3A_156 = arith.constant 0 : i32
    %dma_wait3A_157 = arith.constant 0 : i32
    %dma_wait3A_158 = tpu.memref_slice %arg7[%dma_wait3A_147, %dma_wait3A_156, %dma_wait3A_157] : memref<2x2x128xi32, #tpu.memory_space<vmem>> -> memref<1x2x128xi32, #tpu.memory_space<vmem>>
    %dma_wait3A_159 = tpu.memref_squeeze %dma_wait3A_158 : memref<1x2x128xi32, #tpu.memory_space<vmem>> -> memref<2x128xi32, #tpu.memory_space<vmem>>
    %dma_wait3A_160 = arith.constant 0 : i32
    %dma_wait3A_161 = arith.constant 0 : i32
    %dma_wait3A_162 = tpu.memref_slice %arg3[%dma_wait3A_144, %dma_wait3A_145, %dma_wait3A_146, %dma_wait3A_160, %dma_wait3A_161] : memref<2x16x79x2x128xi32, #tpu.memory_space<hbm>> -> memref<1x1x1x2x128xi32, #tpu.memory_space<hbm>>
    %dma_wait3A_163 = tpu.memref_squeeze %dma_wait3A_162 : memref<1x1x1x2x128xi32, #tpu.memory_space<hbm>> -> memref<2x128xi32, #tpu.memory_space<hbm>>
    tpu.wait_dma2 semaphore(%arg16 : memref<!tpu.dma_semaphore, #tpu.memory_space<semaphore_mem>>) src(%dma_wait3A_163 : memref<2x128xi32, #tpu.memory_space<hbm>>) dst(%dma_wait3A_159 : memref<2x128xi32, #tpu.memory_space<vmem>>)
    %dma_wait3A_164 = arith.constant 0 : i32
    %dma_wait3A_165 = arith.constant 0 : i32
    %dma_wait3A_166 = arith.constant 0 : i32
    %dma_wait3A_167 = arith.constant 0 : i32
    %dma_wait3A_168 = arith.constant 0 : i32
    %dma_wait3A_169 = arith.constant 0 : i32
    %dma_wait3A_170 = tpu.memref_slice %arg8[%dma_wait3A_167, %dma_wait3A_168, %dma_wait3A_169] : memref<2x2x128xi32, #tpu.memory_space<vmem>> -> memref<1x2x128xi32, #tpu.memory_space<vmem>>
    %dma_wait3A_171 = tpu.memref_squeeze %dma_wait3A_170 : memref<1x2x128xi32, #tpu.memory_space<vmem>> -> memref<2x128xi32, #tpu.memory_space<vmem>>
    %dma_wait3A_172 = arith.constant 0 : i32
    %dma_wait3A_173 = arith.constant 0 : i32
    %dma_wait3A_174 = tpu.memref_slice %arg3[%dma_wait3A_164, %dma_wait3A_165, %dma_wait3A_166, %dma_wait3A_172, %dma_wait3A_173] : memref<2x16x79x2x128xi32, #tpu.memory_space<hbm>> -> memref<1x1x1x2x128xi32, #tpu.memory_space<hbm>>
    %dma_wait3A_175 = tpu.memref_squeeze %dma_wait3A_174 : memref<1x1x1x2x128xi32, #tpu.memory_space<hbm>> -> memref<2x128xi32, #tpu.memory_space<hbm>>
    %dma_wait3A_176 = arith.constant 0 : i32
    %dma_wait3A_177 = arith.constant 0 : i32
    %dma_wait3A_178 = tpu.memref_slice %arg8[%dma_wait3A_167, %dma_wait3A_176, %dma_wait3A_177] : memref<2x2x128xi32, #tpu.memory_space<vmem>> -> memref<1x2x128xi32, #tpu.memory_space<vmem>>
    %dma_wait3A_179 = tpu.memref_squeeze %dma_wait3A_178 : memref<1x2x128xi32, #tpu.memory_space<vmem>> -> memref<2x128xi32, #tpu.memory_space<vmem>>
    %dma_wait3A_180 = arith.constant 0 : i32
    %dma_wait3A_181 = arith.constant 0 : i32
    %dma_wait3A_182 = tpu.memref_slice %arg3[%dma_wait3A_164, %dma_wait3A_165, %dma_wait3A_166, %dma_wait3A_180, %dma_wait3A_181] : memref<2x16x79x2x128xi32, #tpu.memory_space<hbm>> -> memref<1x1x1x2x128xi32, #tpu.memory_space<hbm>>
    %dma_wait3A_183 = tpu.memref_squeeze %dma_wait3A_182 : memref<1x1x1x2x128xi32, #tpu.memory_space<hbm>> -> memref<2x128xi32, #tpu.memory_space<hbm>>
    tpu.wait_dma2 semaphore(%arg16 : memref<!tpu.dma_semaphore, #tpu.memory_space<semaphore_mem>>) src(%dma_wait3A_183 : memref<2x128xi32, #tpu.memory_space<hbm>>) dst(%dma_wait3A_179 : memref<2x128xi32, #tpu.memory_space<vmem>>)
    %barrier3A_184 = arith.constant 0 : index
    tpu.barrier barrier_id(%barrier3A_184)
    %mul3A_185 = arith.constant 640 : i32
    %mul3A_186 = arith.muli %arg1, %mul3A_185 : i32
    %mul3A_187 = arith.constant 10240 : i32
    %mul3A_188 = arith.muli %arg0, %mul3A_187 : i32
    %mul3A_189 = arith.constant 640 : i32
    %mul3A_190 = arith.muli %arg1, %mul3A_189 : i32
    %add3A = arith.addi %mul3A_188, %mul3A_190 : i32
    "tpu.region"() ({
      %run_scoped3A = tpu.sem_alloc : memref<!tpu.dma_semaphore, #tpu.memory_space<semaphore_mem>>
      %dma_start3A_191 = arith.constant 0 : i32
      %dma_start3A_192 = tpu.memref_slice %arg6[%add3A, %dma_start3A_191] : memref<20480x128xf32, #tpu.memory_space<hbm>> -> memref<640x128xf32, #tpu.memory_space<hbm>>
      %dma_start3A_193 = arith.constant 0 : i32
      %dma_start3A_194 = tpu.memref_slice %arg11[%mul3A_186, %dma_start3A_193] : memref<10240x128xf32, #tpu.memory_space<vmem_shared>> -> memref<640x128xf32, #tpu.memory_space<vmem_shared>>
      tpu.enqueue_dma source(%dma_start3A_194 : memref<640x128xf32, #tpu.memory_space<vmem_shared>>) target(%dma_start3A_192 : memref<640x128xf32, #tpu.memory_space<hbm>>) target_semaphore(%run_scoped3A : memref<!tpu.dma_semaphore, #tpu.memory_space<semaphore_mem>>)
      %dma_wait3A_195 = arith.constant 0 : i32
      %dma_wait3A_196 = tpu.memref_slice %arg6[%add3A, %dma_wait3A_195] : memref<20480x128xf32, #tpu.memory_space<hbm>> -> memref<640x128xf32, #tpu.memory_space<hbm>>
      %dma_wait3A_197 = arith.constant 0 : i32
      %dma_wait3A_198 = tpu.memref_slice %arg11[%mul3A_186, %dma_wait3A_197] : memref<10240x128xf32, #tpu.memory_space<vmem_shared>> -> memref<640x128xf32, #tpu.memory_space<vmem_shared>>
      tpu.wait_dma2 semaphore(%run_scoped3A : memref<!tpu.dma_semaphore, #tpu.memory_space<semaphore_mem>>) src(%dma_wait3A_198 : memref<640x128xf32, #tpu.memory_space<vmem_shared>>) dst(%dma_wait3A_196 : memref<640x128xf32, #tpu.memory_space<hbm>>)
      tpu.yield
    }) : () -> ()
    return
  }
}

#map = affine_map<(d0, d1) -> (0, 0)>
#map1 = affine_map<(d0, d1) -> (0, 0, 0, 0, 0)>
module attributes {stable_mosaic.version = 14 : i64} {
  func.func @msgpass(%arg0: i32, %arg1: i32, %arg2: memref<20480x128xf32, #tpu.memory_space<hbm>>, %arg3: memref<2x16x79x2x128xi32, #tpu.memory_space<hbm>>, %arg4: memref<2x16x79x2x128xi32, #tpu.memory_space<hbm>>, %arg5: memref<640x128xf32, #tpu.memory_space<hbm>>, %arg6: memref<20480x128xf32, #tpu.memory_space<hbm>>, %arg7: memref<2x2x128xi32, #tpu.memory_space<vmem>>, %arg8: memref<2x2x128xi32, #tpu.memory_space<vmem>>, %arg9: memref<128x128xf32, #tpu.memory_space<vmem>>, %arg10: memref<128x128xf32, #tpu.memory_space<vmem>>, %arg11: memref<10240x128xf32, #tpu.memory_space<vmem_shared>>, %arg12: memref<!tpu.dma_semaphore, #tpu.memory_space<semaphore_mem>>, %arg13: memref<!tpu.dma_semaphore, #tpu.memory_space<semaphore_mem>>, %arg14: memref<!tpu.dma_semaphore, #tpu.memory_space<semaphore_mem>>, %arg15: memref<!tpu.dma_semaphore, #tpu.memory_space<semaphore_mem>>, %arg16: memref<!tpu.dma_semaphore, #tpu.memory_space<semaphore_mem>>) attributes {dimension_semantics = [#tpu.dimension_semantics<core_parallel>, #tpu.dimension_semantics<subcore_parallel>], iteration_bounds = array<i64: 2, 16>, scalar_prefetch = 0 : i64, scratch_operands = 10 : i64, tpu.core_type = #tpu.core_type<sc_vector_subcore>, window_params = [{transform_indices = #map}, {transform_indices = #map1}, {transform_indices = #map1}, {transform_indices = #map}, {transform_indices = #map}]} {
    %mul3A = arith.constant 640 : i32
    %mul3A_0 = arith.muli %arg1, %mul3A : i32
    "tpu.region"() ({
      %run_scoped3A = tpu.sem_alloc : memref<!tpu.dma_semaphore, #tpu.memory_space<semaphore_mem>>
      %dma_start3A_191 = arith.constant 0 : i32
      %dma_start3A_192 = tpu.memref_slice %arg11[%mul3A_0, %dma_start3A_191] : memref<10240x128xf32, #tpu.memory_space<vmem_shared>> -> memref<640x128xf32, #tpu.memory_space<vmem_shared>>
      tpu.enqueue_dma source(%arg5 : memref<640x128xf32, #tpu.memory_space<hbm>>) target(%dma_start3A_192 : memref<640x128xf32, #tpu.memory_space<vmem_shared>>) target_semaphore(%run_scoped3A : memref<!tpu.dma_semaphore, #tpu.memory_space<semaphore_mem>>)
      %dma_wait3A_193 = arith.constant 0 : i32
      %dma_wait3A_194 = tpu.memref_slice %arg11[%mul3A_0, %dma_wait3A_193] : memref<10240x128xf32, #tpu.memory_space<vmem_shared>> -> memref<640x128xf32, #tpu.memory_space<vmem_shared>>
      tpu.wait_dma2 semaphore(%run_scoped3A : memref<!tpu.dma_semaphore, #tpu.memory_space<semaphore_mem>>) src(%arg5 : memref<640x128xf32, #tpu.memory_space<hbm>>) dst(%dma_wait3A_194 : memref<640x128xf32, #tpu.memory_space<vmem_shared>>)
      tpu.yield
    }) : () -> ()
    %barrier3A = arith.constant 0 : index
    tpu.barrier barrier_id(%barrier3A)
    %dma_start3A = arith.constant 0 : i32
    %dma_start3A_1 = arith.constant 0 : i32
    %dma_start3A_2 = arith.constant 0 : i32
    %dma_start3A_3 = arith.constant 0 : i32
    %dma_start3A_4 = tpu.memref_slice %arg7[%dma_start3A_1, %dma_start3A_2, %dma_start3A_3] : memref<2x2x128xi32, #tpu.memory_space<vmem>> -> memref<1x2x128xi32, #tpu.memory_space<vmem>>
    %dma_start3A_5 = tpu.memref_squeeze %dma_start3A_4 : memref<1x2x128xi32, #tpu.memory_space<vmem>> -> memref<2x128xi32, #tpu.memory_space<vmem>>
    %dma_start3A_6 = arith.constant 0 : i32
    %dma_start3A_7 = arith.constant 0 : i32
    %dma_start3A_8 = tpu.memref_slice %arg3[%arg0, %arg1, %dma_start3A, %dma_start3A_6, %dma_start3A_7] : memref<2x16x79x2x128xi32, #tpu.memory_space<hbm>> -> memref<1x1x1x2x128xi32, #tpu.memory_space<hbm>>
    %dma_start3A_9 = tpu.memref_squeeze %dma_start3A_8 : memref<1x1x1x2x128xi32, #tpu.memory_space<hbm>> -> memref<2x128xi32, #tpu.memory_space<hbm>>
    %dma_start3A_10 = arith.constant 0 : i32
    %dma_start3A_11 = arith.constant 0 : i32
    %dma_start3A_12 = tpu.memref_slice %arg7[%dma_start3A_1, %dma_start3A_10, %dma_start3A_11] : memref<2x2x128xi32, #tpu.memory_space<vmem>> -> memref<1x2x128xi32, #tpu.memory_space<vmem>>
    %dma_start3A_13 = tpu.memref_squeeze %dma_start3A_12 : memref<1x2x128xi32, #tpu.memory_space<vmem>> -> memref<2x128xi32, #tpu.memory_space<vmem>>
    %dma_start3A_14 = arith.constant 0 : i32
    %dma_start3A_15 = arith.constant 0 : i32
    %dma_start3A_16 = tpu.memref_slice %arg3[%arg0, %arg1, %dma_start3A, %dma_start3A_14, %dma_start3A_15] : memref<2x16x79x2x128xi32, #tpu.memory_space<hbm>> -> memref<1x1x1x2x128xi32, #tpu.memory_space<hbm>>
    %dma_start3A_17 = tpu.memref_squeeze %dma_start3A_16 : memref<1x1x1x2x128xi32, #tpu.memory_space<hbm>> -> memref<2x128xi32, #tpu.memory_space<hbm>>
    tpu.enqueue_dma source(%dma_start3A_17 : memref<2x128xi32, #tpu.memory_space<hbm>>) target(%dma_start3A_13 : memref<2x128xi32, #tpu.memory_space<vmem>>) target_semaphore(%arg16 : memref<!tpu.dma_semaphore, #tpu.memory_space<semaphore_mem>>)
    %dma_start3A_18 = arith.constant 0 : i32
    %dma_start3A_19 = arith.constant 0 : i32
    %dma_start3A_20 = arith.constant 0 : i32
    %dma_start3A_21 = arith.constant 0 : i32
    %dma_start3A_22 = tpu.memref_slice %arg8[%dma_start3A_19, %dma_start3A_20, %dma_start3A_21] : memref<2x2x128xi32, #tpu.memory_space<vmem>> -> memref<1x2x128xi32, #tpu.memory_space<vmem>>
    %dma_start3A_23 = tpu.memref_squeeze %dma_start3A_22 : memref<1x2x128xi32, #tpu.memory_space<vmem>> -> memref<2x128xi32, #tpu.memory_space<vmem>>
    %dma_start3A_24 = arith.constant 0 : i32
    %dma_start3A_25 = arith.constant 0 : i32
    %dma_start3A_26 = tpu.memref_slice %arg4[%arg0, %arg1, %dma_start3A_18, %dma_start3A_24, %dma_start3A_25] : memref<2x16x79x2x128xi32, #tpu.memory_space<hbm>> -> memref<1x1x1x2x128xi32, #tpu.memory_space<hbm>>
    %dma_start3A_27 = tpu.memref_squeeze %dma_start3A_26 : memref<1x1x1x2x128xi32, #tpu.memory_space<hbm>> -> memref<2x128xi32, #tpu.memory_space<hbm>>
    %dma_start3A_28 = arith.constant 0 : i32
    %dma_start3A_29 = arith.constant 0 : i32
    %dma_start3A_30 = tpu.memref_slice %arg8[%dma_start3A_19, %dma_start3A_28, %dma_start3A_29] : memref<2x2x128xi32, #tpu.memory_space<vmem>> -> memref<1x2x128xi32, #tpu.memory_space<vmem>>
    %dma_start3A_31 = tpu.memref_squeeze %dma_start3A_30 : memref<1x2x128xi32, #tpu.memory_space<vmem>> -> memref<2x128xi32, #tpu.memory_space<vmem>>
    %dma_start3A_32 = arith.constant 0 : i32
    %dma_start3A_33 = arith.constant 0 : i32
    %dma_start3A_34 = tpu.memref_slice %arg4[%arg0, %arg1, %dma_start3A_18, %dma_start3A_32, %dma_start3A_33] : memref<2x16x79x2x128xi32, #tpu.memory_space<hbm>> -> memref<1x1x1x2x128xi32, #tpu.memory_space<hbm>>
    %dma_start3A_35 = tpu.memref_squeeze %dma_start3A_34 : memref<1x1x1x2x128xi32, #tpu.memory_space<hbm>> -> memref<2x128xi32, #tpu.memory_space<hbm>>
    tpu.enqueue_dma source(%dma_start3A_35 : memref<2x128xi32, #tpu.memory_space<hbm>>) target(%dma_start3A_31 : memref<2x128xi32, #tpu.memory_space<vmem>>) target_semaphore(%arg16 : memref<!tpu.dma_semaphore, #tpu.memory_space<semaphore_mem>>)
    %dma_wait3A = arith.constant 0 : i32
    %dma_wait3A_36 = arith.constant 0 : i32
    %dma_wait3A_37 = arith.constant 0 : i32
    %dma_wait3A_38 = arith.constant 0 : i32
    %dma_wait3A_39 = arith.constant 0 : i32
    %dma_wait3A_40 = arith.constant 0 : i32
    %dma_wait3A_41 = tpu.memref_slice %arg7[%dma_wait3A_38, %dma_wait3A_39, %dma_wait3A_40] : memref<2x2x128xi32, #tpu.memory_space<vmem>> -> memref<1x2x128xi32, #tpu.memory_space<vmem>>
    %dma_wait3A_42 = tpu.memref_squeeze %dma_wait3A_41 : memref<1x2x128xi32, #tpu.memory_space<vmem>> -> memref<2x128xi32, #tpu.memory_space<vmem>>
    %dma_wait3A_43 = arith.constant 0 : i32
    %dma_wait3A_44 = arith.constant 0 : i32
    %dma_wait3A_45 = tpu.memref_slice %arg3[%dma_wait3A, %dma_wait3A_36, %dma_wait3A_37, %dma_wait3A_43, %dma_wait3A_44] : memref<2x16x79x2x128xi32, #tpu.memory_space<hbm>> -> memref<1x1x1x2x128xi32, #tpu.memory_space<hbm>>
    %dma_wait3A_46 = tpu.memref_squeeze %dma_wait3A_45 : memref<1x1x1x2x128xi32, #tpu.memory_space<hbm>> -> memref<2x128xi32, #tpu.memory_space<hbm>>
    %dma_wait3A_47 = arith.constant 0 : i32
    %dma_wait3A_48 = arith.constant 0 : i32
    %dma_wait3A_49 = tpu.memref_slice %arg7[%dma_wait3A_38, %dma_wait3A_47, %dma_wait3A_48] : memref<2x2x128xi32, #tpu.memory_space<vmem>> -> memref<1x2x128xi32, #tpu.memory_space<vmem>>
    %dma_wait3A_50 = tpu.memref_squeeze %dma_wait3A_49 : memref<1x2x128xi32, #tpu.memory_space<vmem>> -> memref<2x128xi32, #tpu.memory_space<vmem>>
    %dma_wait3A_51 = arith.constant 0 : i32
    %dma_wait3A_52 = arith.constant 0 : i32
    %dma_wait3A_53 = tpu.memref_slice %arg3[%dma_wait3A, %dma_wait3A_36, %dma_wait3A_37, %dma_wait3A_51, %dma_wait3A_52] : memref<2x16x79x2x128xi32, #tpu.memory_space<hbm>> -> memref<1x1x1x2x128xi32, #tpu.memory_space<hbm>>
    %dma_wait3A_54 = tpu.memref_squeeze %dma_wait3A_53 : memref<1x1x1x2x128xi32, #tpu.memory_space<hbm>> -> memref<2x128xi32, #tpu.memory_space<hbm>>
    tpu.wait_dma2 semaphore(%arg16 : memref<!tpu.dma_semaphore, #tpu.memory_space<semaphore_mem>>) src(%dma_wait3A_54 : memref<2x128xi32, #tpu.memory_space<hbm>>) dst(%dma_wait3A_50 : memref<2x128xi32, #tpu.memory_space<vmem>>)
    %dma_wait3A_55 = arith.constant 0 : i32
    %dma_wait3A_56 = arith.constant 0 : i32
    %dma_wait3A_57 = arith.constant 0 : i32
    %dma_wait3A_58 = arith.constant 0 : i32
    %dma_wait3A_59 = arith.constant 0 : i32
    %dma_wait3A_60 = arith.constant 0 : i32
    %dma_wait3A_61 = tpu.memref_slice %arg8[%dma_wait3A_58, %dma_wait3A_59, %dma_wait3A_60] : memref<2x2x128xi32, #tpu.memory_space<vmem>> -> memref<1x2x128xi32, #tpu.memory_space<vmem>>
    %dma_wait3A_62 = tpu.memref_squeeze %dma_wait3A_61 : memref<1x2x128xi32, #tpu.memory_space<vmem>> -> memref<2x128xi32, #tpu.memory_space<vmem>>
    %dma_wait3A_63 = arith.constant 0 : i32
    %dma_wait3A_64 = arith.constant 0 : i32
    %dma_wait3A_65 = tpu.memref_slice %arg3[%dma_wait3A_55, %dma_wait3A_56, %dma_wait3A_57, %dma_wait3A_63, %dma_wait3A_64] : memref<2x16x79x2x128xi32, #tpu.memory_space<hbm>> -> memref<1x1x1x2x128xi32, #tpu.memory_space<hbm>>
    %dma_wait3A_66 = tpu.memref_squeeze %dma_wait3A_65 : memref<1x1x1x2x128xi32, #tpu.memory_space<hbm>> -> memref<2x128xi32, #tpu.memory_space<hbm>>
    %dma_wait3A_67 = arith.constant 0 : i32
    %dma_wait3A_68 = arith.constant 0 : i32
    %dma_wait3A_69 = tpu.memref_slice %arg8[%dma_wait3A_58, %dma_wait3A_67, %dma_wait3A_68] : memref<2x2x128xi32, #tpu.memory_space<vmem>> -> memref<1x2x128xi32, #tpu.memory_space<vmem>>
    %dma_wait3A_70 = tpu.memref_squeeze %dma_wait3A_69 : memref<1x2x128xi32, #tpu.memory_space<vmem>> -> memref<2x128xi32, #tpu.memory_space<vmem>>
    %dma_wait3A_71 = arith.constant 0 : i32
    %dma_wait3A_72 = arith.constant 0 : i32
    %dma_wait3A_73 = tpu.memref_slice %arg3[%dma_wait3A_55, %dma_wait3A_56, %dma_wait3A_57, %dma_wait3A_71, %dma_wait3A_72] : memref<2x16x79x2x128xi32, #tpu.memory_space<hbm>> -> memref<1x1x1x2x128xi32, #tpu.memory_space<hbm>>
    %dma_wait3A_74 = tpu.memref_squeeze %dma_wait3A_73 : memref<1x1x1x2x128xi32, #tpu.memory_space<hbm>> -> memref<2x128xi32, #tpu.memory_space<hbm>>
    tpu.wait_dma2 semaphore(%arg16 : memref<!tpu.dma_semaphore, #tpu.memory_space<semaphore_mem>>) src(%dma_wait3A_74 : memref<2x128xi32, #tpu.memory_space<hbm>>) dst(%dma_wait3A_70 : memref<2x128xi32, #tpu.memory_space<vmem>>)
    %dma_start3A_75 = arith.constant 0 : i32
    %dma_start3A_76 = arith.constant 0 : i32
    %dma_start3A_77 = arith.constant 0 : i32
    %dma_start3A_78 = tpu.memref_slice %arg7[%dma_start3A_75, %dma_start3A_76, %dma_start3A_77] : memref<2x2x128xi32, #tpu.memory_space<vmem>> -> memref<1x1x128xi32, #tpu.memory_space<vmem>>
    %dma_start3A_79 = tpu.memref_squeeze %dma_start3A_78 : memref<1x1x128xi32, #tpu.memory_space<vmem>> -> memref<128xi32, #tpu.memory_space<vmem>>
    %dma_start3A_80 = arith.constant 0 : i32
    %dma_start3A_81 = arith.constant 0 : i32
    %dma_start3A_82 = tpu.memref_slice %arg2[%dma_start3A_80, %dma_start3A_81] : memref<20480x128xf32, #tpu.memory_space<hbm>> -> memref<20480x128xf32, #tpu.memory_space<hbm>>
    tpu.enqueue_indirect_dma source(%dma_start3A_82 : memref<20480x128xf32, #tpu.memory_space<hbm>>) target(%arg9 : memref<128x128xf32, #tpu.memory_space<vmem>>) offsets(%dma_start3A_79 : memref<128xi32, #tpu.memory_space<vmem>>) semaphore(%arg12 : memref<!tpu.dma_semaphore, #tpu.memory_space<semaphore_mem>>)
    %dma_start3A_83 = arith.constant 0 : i32
    %dma_start3A_84 = arith.constant 1 : i32
    %dma_start3A_85 = arith.constant 0 : i32
    %dma_start3A_86 = tpu.memref_slice %arg7[%dma_start3A_83, %dma_start3A_84, %dma_start3A_85] : memref<2x2x128xi32, #tpu.memory_space<vmem>> -> memref<1x1x128xi32, #tpu.memory_space<vmem>>
    %dma_start3A_87 = tpu.memref_squeeze %dma_start3A_86 : memref<1x1x128xi32, #tpu.memory_space<vmem>> -> memref<128xi32, #tpu.memory_space<vmem>>
    %dma_start3A_88 = arith.constant 0 : i32
    %dma_start3A_89 = arith.constant 0 : i32
    %dma_start3A_90 = tpu.memref_slice %arg2[%dma_start3A_88, %dma_start3A_89] : memref<20480x128xf32, #tpu.memory_space<hbm>> -> memref<20480x128xf32, #tpu.memory_space<hbm>>
    tpu.enqueue_indirect_dma source(%dma_start3A_90 : memref<20480x128xf32, #tpu.memory_space<hbm>>) target(%arg10 : memref<128x128xf32, #tpu.memory_space<vmem>>) offsets(%dma_start3A_87 : memref<128xi32, #tpu.memory_space<vmem>>) semaphore(%arg13 : memref<!tpu.dma_semaphore, #tpu.memory_space<semaphore_mem>>)
    %dma_start3A_91 = arith.constant 1 : i32
    %dma_start3A_92 = arith.constant 1 : i32
    %dma_start3A_93 = arith.constant 0 : i32
    %dma_start3A_94 = arith.constant 0 : i32
    %dma_start3A_95 = tpu.memref_slice %arg7[%dma_start3A_92, %dma_start3A_93, %dma_start3A_94] : memref<2x2x128xi32, #tpu.memory_space<vmem>> -> memref<1x2x128xi32, #tpu.memory_space<vmem>>
    %dma_start3A_96 = tpu.memref_squeeze %dma_start3A_95 : memref<1x2x128xi32, #tpu.memory_space<vmem>> -> memref<2x128xi32, #tpu.memory_space<vmem>>
    %dma_start3A_97 = arith.constant 0 : i32
    %dma_start3A_98 = arith.constant 0 : i32
    %dma_start3A_99 = tpu.memref_slice %arg3[%arg0, %arg1, %dma_start3A_91, %dma_start3A_97, %dma_start3A_98] : memref<2x16x79x2x128xi32, #tpu.memory_space<hbm>> -> memref<1x1x1x2x128xi32, #tpu.memory_space<hbm>>
    %dma_start3A_100 = tpu.memref_squeeze %dma_start3A_99 : memref<1x1x1x2x128xi32, #tpu.memory_space<hbm>> -> memref<2x128xi32, #tpu.memory_space<hbm>>
    %dma_start3A_101 = arith.constant 0 : i32
    %dma_start3A_102 = arith.constant 0 : i32
    %dma_start3A_103 = tpu.memref_slice %arg7[%dma_start3A_92, %dma_start3A_101, %dma_start3A_102] : memref<2x2x128xi32, #tpu.memory_space<vmem>> -> memref<1x2x128xi32, #tpu.memory_space<vmem>>
    %dma_start3A_104 = tpu.memref_squeeze %dma_start3A_103 : memref<1x2x128xi32, #tpu.memory_space<vmem>> -> memref<2x128xi32, #tpu.memory_space<vmem>>
    %dma_start3A_105 = arith.constant 0 : i32
    %dma_start3A_106 = arith.constant 0 : i32
    %dma_start3A_107 = tpu.memref_slice %arg3[%arg0, %arg1, %dma_start3A_91, %dma_start3A_105, %dma_start3A_106] : memref<2x16x79x2x128xi32, #tpu.memory_space<hbm>> -> memref<1x1x1x2x128xi32, #tpu.memory_space<hbm>>
    %dma_start3A_108 = tpu.memref_squeeze %dma_start3A_107 : memref<1x1x1x2x128xi32, #tpu.memory_space<hbm>> -> memref<2x128xi32, #tpu.memory_space<hbm>>
    tpu.enqueue_dma source(%dma_start3A_108 : memref<2x128xi32, #tpu.memory_space<hbm>>) target(%dma_start3A_104 : memref<2x128xi32, #tpu.memory_space<vmem>>) target_semaphore(%arg16 : memref<!tpu.dma_semaphore, #tpu.memory_space<semaphore_mem>>)
    %dma_start3A_109 = arith.constant 1 : i32
    %dma_start3A_110 = arith.constant 1 : i32
    %dma_start3A_111 = arith.constant 0 : i32
    %dma_start3A_112 = arith.constant 0 : i32
    %dma_start3A_113 = tpu.memref_slice %arg8[%dma_start3A_110, %dma_start3A_111, %dma_start3A_112] : memref<2x2x128xi32, #tpu.memory_space<vmem>> -> memref<1x2x128xi32, #tpu.memory_space<vmem>>
    %dma_start3A_114 = tpu.memref_squeeze %dma_start3A_113 : memref<1x2x128xi32, #tpu.memory_space<vmem>> -> memref<2x128xi32, #tpu.memory_space<vmem>>
    %dma_start3A_115 = arith.constant 0 : i32
    %dma_start3A_116 = arith.constant 0 : i32
    %dma_start3A_117 = tpu.memref_slice %arg4[%arg0, %arg1, %dma_start3A_109, %dma_start3A_115, %dma_start3A_116] : memref<2x16x79x2x128xi32, #tpu.memory_space<hbm>> -> memref<1x1x1x2x128xi32, #tpu.memory_space<hbm>>
    %dma_start3A_118 = tpu.memref_squeeze %dma_start3A_117 : memref<1x1x1x2x128xi32, #tpu.memory_space<hbm>> -> memref<2x128xi32, #tpu.memory_space<hbm>>
    %dma_start3A_119 = arith.constant 0 : i32
    %dma_start3A_120 = arith.constant 0 : i32
    %dma_start3A_121 = tpu.memref_slice %arg8[%dma_start3A_110, %dma_start3A_119, %dma_start3A_120] : memref<2x2x128xi32, #tpu.memory_space<vmem>> -> memref<1x2x128xi32, #tpu.memory_space<vmem>>
    %dma_start3A_122 = tpu.memref_squeeze %dma_start3A_121 : memref<1x2x128xi32, #tpu.memory_space<vmem>> -> memref<2x128xi32, #tpu.memory_space<vmem>>
    %dma_start3A_123 = arith.constant 0 : i32
    %dma_start3A_124 = arith.constant 0 : i32
    %dma_start3A_125 = tpu.memref_slice %arg4[%arg0, %arg1, %dma_start3A_109, %dma_start3A_123, %dma_start3A_124] : memref<2x16x79x2x128xi32, #tpu.memory_space<hbm>> -> memref<1x1x1x2x128xi32, #tpu.memory_space<hbm>>
    %dma_start3A_126 = tpu.memref_squeeze %dma_start3A_125 : memref<1x1x1x2x128xi32, #tpu.memory_space<hbm>> -> memref<2x128xi32, #tpu.memory_space<hbm>>
    tpu.enqueue_dma source(%dma_start3A_126 : memref<2x128xi32, #tpu.memory_space<hbm>>) target(%dma_start3A_122 : memref<2x128xi32, #tpu.memory_space<vmem>>) target_semaphore(%arg16 : memref<!tpu.dma_semaphore, #tpu.memory_space<semaphore_mem>>)
    %scan3A = arith.constant 0 : i32
    %scan3A_127 = arith.constant 0 : i32
    %scan3A_128 = arith.constant 79 : i32
    %scan3A_129 = arith.addi %scan3A_127, %scan3A_128 : i32
    %scan3A_130 = arith.constant 1 : i32
    scf.for %scan3A_191 = %scan3A_127 to %scan3A_129 step %scan3A_130  : i32 {
      %rem3A = arith.constant 2 : i32
      %rem3A_192 = arith.remsi %scan3A_191, %rem3A : i32
      %sub3A = arith.constant 1 : i32
      %sub3A_193 = arith.subi %sub3A, %rem3A_192 : i32
      %dma_wait3A_194 = arith.constant 0 : i32
      %dma_wait3A_195 = arith.constant 0 : i32
      %dma_wait3A_196 = tpu.memref_slice %arg2[%dma_wait3A_194, %dma_wait3A_195] : memref<20480x128xf32, #tpu.memory_space<hbm>> -> memref<128x128xf32, #tpu.memory_space<hbm>>
      %dma_wait3A_197 = arith.constant 0 : i32
      %dma_wait3A_198 = arith.constant 0 : i32
      %dma_wait3A_199 = tpu.memref_slice %arg2[%dma_wait3A_197, %dma_wait3A_198] : memref<20480x128xf32, #tpu.memory_space<hbm>> -> memref<128x128xf32, #tpu.memory_space<hbm>>
      tpu.wait_dma2 semaphore(%arg12 : memref<!tpu.dma_semaphore, #tpu.memory_space<semaphore_mem>>) src(%dma_wait3A_199 : memref<128x128xf32, #tpu.memory_space<hbm>>) dst(%arg9 : memref<128x128xf32, #tpu.memory_space<vmem>>)
      %dma_start3A_200 = arith.constant 0 : i32
      %dma_start3A_201 = arith.constant 0 : i32
      %dma_start3A_202 = tpu.memref_slice %arg8[%rem3A_192, %dma_start3A_200, %dma_start3A_201] : memref<2x2x128xi32, #tpu.memory_space<vmem>> -> memref<1x1x128xi32, #tpu.memory_space<vmem>>
      %dma_start3A_203 = tpu.memref_squeeze %dma_start3A_202 : memref<1x1x128xi32, #tpu.memory_space<vmem>> -> memref<128xi32, #tpu.memory_space<vmem>>
      %dma_start3A_204 = arith.constant 0 : i32
      %dma_start3A_205 = arith.constant 0 : i32
      %dma_start3A_206 = tpu.memref_slice %arg11[%dma_start3A_204, %dma_start3A_205] : memref<10240x128xf32, #tpu.memory_space<vmem_shared>> -> memref<10240x128xf32, #tpu.memory_space<vmem_shared>>
      tpu.enqueue_indirect_dma source(%arg9 : memref<128x128xf32, #tpu.memory_space<vmem>>) target(%dma_start3A_206 : memref<10240x128xf32, #tpu.memory_space<vmem_shared>>) offsets(%dma_start3A_203 : memref<128xi32, #tpu.memory_space<vmem>>) semaphore(%arg14 : memref<!tpu.dma_semaphore, #tpu.memory_space<semaphore_mem>>) {add = true}
      %dma_wait3A_207 = arith.constant 0 : i32
      %dma_wait3A_208 = arith.constant 0 : i32
      %dma_wait3A_209 = tpu.memref_slice %arg2[%dma_wait3A_207, %dma_wait3A_208] : memref<20480x128xf32, #tpu.memory_space<hbm>> -> memref<128x128xf32, #tpu.memory_space<hbm>>
      %dma_wait3A_210 = arith.constant 0 : i32
      %dma_wait3A_211 = arith.constant 0 : i32
      %dma_wait3A_212 = tpu.memref_slice %arg2[%dma_wait3A_210, %dma_wait3A_211] : memref<20480x128xf32, #tpu.memory_space<hbm>> -> memref<128x128xf32, #tpu.memory_space<hbm>>
      tpu.wait_dma2 semaphore(%arg13 : memref<!tpu.dma_semaphore, #tpu.memory_space<semaphore_mem>>) src(%dma_wait3A_212 : memref<128x128xf32, #tpu.memory_space<hbm>>) dst(%arg10 : memref<128x128xf32, #tpu.memory_space<vmem>>)
      %dma_start3A_213 = arith.constant 1 : i32
      %dma_start3A_214 = arith.constant 0 : i32
      %dma_start3A_215 = tpu.memref_slice %arg8[%rem3A_192, %dma_start3A_213, %dma_start3A_214] : memref<2x2x128xi32, #tpu.memory_space<vmem>> -> memref<1x1x128xi32, #tpu.memory_space<vmem>>
      %dma_start3A_216 = tpu.memref_squeeze %dma_start3A_215 : memref<1x1x128xi32, #tpu.memory_space<vmem>> -> memref<128xi32, #tpu.memory_space<vmem>>
      %dma_start3A_217 = arith.constant 0 : i32
      %dma_start3A_218 = arith.constant 0 : i32
      %dma_start3A_219 = tpu.memref_slice %arg11[%dma_start3A_217, %dma_start3A_218] : memref<10240x128xf32, #tpu.memory_space<vmem_shared>> -> memref<10240x128xf32, #tpu.memory_space<vmem_shared>>
      tpu.enqueue_indirect_dma source(%arg10 : memref<128x128xf32, #tpu.memory_space<vmem>>) target(%dma_start3A_219 : memref<10240x128xf32, #tpu.memory_space<vmem_shared>>) offsets(%dma_start3A_216 : memref<128xi32, #tpu.memory_space<vmem>>) semaphore(%arg15 : memref<!tpu.dma_semaphore, #tpu.memory_space<semaphore_mem>>) {add = true}
      %dma_wait3A_220 = arith.constant 0 : i32
      %dma_wait3A_221 = arith.constant 0 : i32
      %dma_wait3A_222 = arith.constant 0 : i32
      %dma_wait3A_223 = arith.constant 0 : i32
      %dma_wait3A_224 = arith.constant 0 : i32
      %dma_wait3A_225 = arith.constant 0 : i32
      %dma_wait3A_226 = tpu.memref_slice %arg7[%dma_wait3A_223, %dma_wait3A_224, %dma_wait3A_225] : memref<2x2x128xi32, #tpu.memory_space<vmem>> -> memref<1x2x128xi32, #tpu.memory_space<vmem>>
      %dma_wait3A_227 = tpu.memref_squeeze %dma_wait3A_226 : memref<1x2x128xi32, #tpu.memory_space<vmem>> -> memref<2x128xi32, #tpu.memory_space<vmem>>
      %dma_wait3A_228 = arith.constant 0 : i32
      %dma_wait3A_229 = arith.constant 0 : i32
      %dma_wait3A_230 = tpu.memref_slice %arg3[%dma_wait3A_220, %dma_wait3A_221, %dma_wait3A_222, %dma_wait3A_228, %dma_wait3A_229] : memref<2x16x79x2x128xi32, #tpu.memory_space<hbm>> -> memref<1x1x1x2x128xi32, #tpu.memory_space<hbm>>
      %dma_wait3A_231 = tpu.memref_squeeze %dma_wait3A_230 : memref<1x1x1x2x128xi32, #tpu.memory_space<hbm>> -> memref<2x128xi32, #tpu.memory_space<hbm>>
      %dma_wait3A_232 = arith.constant 0 : i32
      %dma_wait3A_233 = arith.constant 0 : i32
      %dma_wait3A_234 = tpu.memref_slice %arg7[%dma_wait3A_223, %dma_wait3A_232, %dma_wait3A_233] : memref<2x2x128xi32, #tpu.memory_space<vmem>> -> memref<1x2x128xi32, #tpu.memory_space<vmem>>
      %dma_wait3A_235 = tpu.memref_squeeze %dma_wait3A_234 : memref<1x2x128xi32, #tpu.memory_space<vmem>> -> memref<2x128xi32, #tpu.memory_space<vmem>>
      %dma_wait3A_236 = arith.constant 0 : i32
      %dma_wait3A_237 = arith.constant 0 : i32
      %dma_wait3A_238 = tpu.memref_slice %arg3[%dma_wait3A_220, %dma_wait3A_221, %dma_wait3A_222, %dma_wait3A_236, %dma_wait3A_237] : memref<2x16x79x2x128xi32, #tpu.memory_space<hbm>> -> memref<1x1x1x2x128xi32, #tpu.memory_space<hbm>>
      %dma_wait3A_239 = tpu.memref_squeeze %dma_wait3A_238 : memref<1x1x1x2x128xi32, #tpu.memory_space<hbm>> -> memref<2x128xi32, #tpu.memory_space<hbm>>
      tpu.wait_dma2 semaphore(%arg16 : memref<!tpu.dma_semaphore, #tpu.memory_space<semaphore_mem>>) src(%dma_wait3A_239 : memref<2x128xi32, #tpu.memory_space<hbm>>) dst(%dma_wait3A_235 : memref<2x128xi32, #tpu.memory_space<vmem>>)
      %dma_wait3A_240 = arith.constant 0 : i32
      %dma_wait3A_241 = arith.constant 0 : i32
      %dma_wait3A_242 = arith.constant 0 : i32
      %dma_wait3A_243 = arith.constant 0 : i32
      %dma_wait3A_244 = arith.constant 0 : i32
      %dma_wait3A_245 = arith.constant 0 : i32
      %dma_wait3A_246 = tpu.memref_slice %arg8[%dma_wait3A_243, %dma_wait3A_244, %dma_wait3A_245] : memref<2x2x128xi32, #tpu.memory_space<vmem>> -> memref<1x2x128xi32, #tpu.memory_space<vmem>>
      %dma_wait3A_247 = tpu.memref_squeeze %dma_wait3A_246 : memref<1x2x128xi32, #tpu.memory_space<vmem>> -> memref<2x128xi32, #tpu.memory_space<vmem>>
      %dma_wait3A_248 = arith.constant 0 : i32
      %dma_wait3A_249 = arith.constant 0 : i32
      %dma_wait3A_250 = tpu.memref_slice %arg3[%dma_wait3A_240, %dma_wait3A_241, %dma_wait3A_242, %dma_wait3A_248, %dma_wait3A_249] : memref<2x16x79x2x128xi32, #tpu.memory_space<hbm>> -> memref<1x1x1x2x128xi32, #tpu.memory_space<hbm>>
      %dma_wait3A_251 = tpu.memref_squeeze %dma_wait3A_250 : memref<1x1x1x2x128xi32, #tpu.memory_space<hbm>> -> memref<2x128xi32, #tpu.memory_space<hbm>>
      %dma_wait3A_252 = arith.constant 0 : i32
      %dma_wait3A_253 = arith.constant 0 : i32
      %dma_wait3A_254 = tpu.memref_slice %arg8[%dma_wait3A_243, %dma_wait3A_252, %dma_wait3A_253] : memref<2x2x128xi32, #tpu.memory_space<vmem>> -> memref<1x2x128xi32, #tpu.memory_space<vmem>>
      %dma_wait3A_255 = tpu.memref_squeeze %dma_wait3A_254 : memref<1x2x128xi32, #tpu.memory_space<vmem>> -> memref<2x128xi32, #tpu.memory_space<vmem>>
      %dma_wait3A_256 = arith.constant 0 : i32
      %dma_wait3A_257 = arith.constant 0 : i32
      %dma_wait3A_258 = tpu.memref_slice %arg3[%dma_wait3A_240, %dma_wait3A_241, %dma_wait3A_242, %dma_wait3A_256, %dma_wait3A_257] : memref<2x16x79x2x128xi32, #tpu.memory_space<hbm>> -> memref<1x1x1x2x128xi32, #tpu.memory_space<hbm>>
      %dma_wait3A_259 = tpu.memref_squeeze %dma_wait3A_258 : memref<1x1x1x2x128xi32, #tpu.memory_space<hbm>> -> memref<2x128xi32, #tpu.memory_space<hbm>>
      tpu.wait_dma2 semaphore(%arg16 : memref<!tpu.dma_semaphore, #tpu.memory_space<semaphore_mem>>) src(%dma_wait3A_259 : memref<2x128xi32, #tpu.memory_space<hbm>>) dst(%dma_wait3A_255 : memref<2x128xi32, #tpu.memory_space<vmem>>)
      %dma_wait3A_260 = arith.constant 0 : i32
      %dma_wait3A_261 = arith.constant 0 : i32
      %dma_wait3A_262 = tpu.memref_slice %arg2[%dma_wait3A_260, %dma_wait3A_261] : memref<20480x128xf32, #tpu.memory_space<hbm>> -> memref<128x128xf32, #tpu.memory_space<hbm>>
      %dma_wait3A_263 = arith.constant 0 : i32
      %dma_wait3A_264 = arith.constant 0 : i32
      %dma_wait3A_265 = tpu.memref_slice %arg2[%dma_wait3A_263, %dma_wait3A_264] : memref<20480x128xf32, #tpu.memory_space<hbm>> -> memref<128x128xf32, #tpu.memory_space<hbm>>
      tpu.wait_dma2 semaphore(%arg14 : memref<!tpu.dma_semaphore, #tpu.memory_space<semaphore_mem>>) src(%dma_wait3A_265 : memref<128x128xf32, #tpu.memory_space<hbm>>) dst(%arg9 : memref<128x128xf32, #tpu.memory_space<vmem>>)
      %dma_start3A_266 = arith.constant 0 : i32
      %dma_start3A_267 = arith.constant 0 : i32
      %dma_start3A_268 = tpu.memref_slice %arg7[%sub3A_193, %dma_start3A_266, %dma_start3A_267] : memref<2x2x128xi32, #tpu.memory_space<vmem>> -> memref<1x1x128xi32, #tpu.memory_space<vmem>>
      %dma_start3A_269 = tpu.memref_squeeze %dma_start3A_268 : memref<1x1x128xi32, #tpu.memory_space<vmem>> -> memref<128xi32, #tpu.memory_space<vmem>>
      %dma_start3A_270 = arith.constant 0 : i32
      %dma_start3A_271 = arith.constant 0 : i32
      %dma_start3A_272 = tpu.memref_slice %arg2[%dma_start3A_270, %dma_start3A_271] : memref<20480x128xf32, #tpu.memory_space<hbm>> -> memref<20480x128xf32, #tpu.memory_space<hbm>>
      tpu.enqueue_indirect_dma source(%dma_start3A_272 : memref<20480x128xf32, #tpu.memory_space<hbm>>) target(%arg9 : memref<128x128xf32, #tpu.memory_space<vmem>>) offsets(%dma_start3A_269 : memref<128xi32, #tpu.memory_space<vmem>>) semaphore(%arg12 : memref<!tpu.dma_semaphore, #tpu.memory_space<semaphore_mem>>)
      %dma_wait3A_273 = arith.constant 0 : i32
      %dma_wait3A_274 = arith.constant 0 : i32
      %dma_wait3A_275 = tpu.memref_slice %arg2[%dma_wait3A_273, %dma_wait3A_274] : memref<20480x128xf32, #tpu.memory_space<hbm>> -> memref<128x128xf32, #tpu.memory_space<hbm>>
      %dma_wait3A_276 = arith.constant 0 : i32
      %dma_wait3A_277 = arith.constant 0 : i32
      %dma_wait3A_278 = tpu.memref_slice %arg2[%dma_wait3A_276, %dma_wait3A_277] : memref<20480x128xf32, #tpu.memory_space<hbm>> -> memref<128x128xf32, #tpu.memory_space<hbm>>
      tpu.wait_dma2 semaphore(%arg15 : memref<!tpu.dma_semaphore, #tpu.memory_space<semaphore_mem>>) src(%dma_wait3A_278 : memref<128x128xf32, #tpu.memory_space<hbm>>) dst(%arg10 : memref<128x128xf32, #tpu.memory_space<vmem>>)
      %dma_start3A_279 = arith.constant 1 : i32
      %dma_start3A_280 = arith.constant 0 : i32
      %dma_start3A_281 = tpu.memref_slice %arg7[%sub3A_193, %dma_start3A_279, %dma_start3A_280] : memref<2x2x128xi32, #tpu.memory_space<vmem>> -> memref<1x1x128xi32, #tpu.memory_space<vmem>>
      %dma_start3A_282 = tpu.memref_squeeze %dma_start3A_281 : memref<1x1x128xi32, #tpu.memory_space<vmem>> -> memref<128xi32, #tpu.memory_space<vmem>>
      %dma_start3A_283 = arith.constant 0 : i32
      %dma_start3A_284 = arith.constant 0 : i32
      %dma_start3A_285 = tpu.memref_slice %arg2[%dma_start3A_283, %dma_start3A_284] : memref<20480x128xf32, #tpu.memory_space<hbm>> -> memref<20480x128xf32, #tpu.memory_space<hbm>>
      tpu.enqueue_indirect_dma source(%dma_start3A_285 : memref<20480x128xf32, #tpu.memory_space<hbm>>) target(%arg10 : memref<128x128xf32, #tpu.memory_space<vmem>>) offsets(%dma_start3A_282 : memref<128xi32, #tpu.memory_space<vmem>>) semaphore(%arg13 : memref<!tpu.dma_semaphore, #tpu.memory_space<semaphore_mem>>)
      %add3A_286 = arith.constant 2 : i32
      %add3A_287 = arith.addi %scan3A_191, %add3A_286 : i32
      %min3A = arith.constant 78 : i32
      %min3A_288 = arith.minsi %add3A_287, %min3A : i32
      %dma_start3A_289 = arith.constant 0 : i32
      %dma_start3A_290 = arith.constant 0 : i32
      %dma_start3A_291 = tpu.memref_slice %arg7[%rem3A_192, %dma_start3A_289, %dma_start3A_290] : memref<2x2x128xi32, #tpu.memory_space<vmem>> -> memref<1x2x128xi32, #tpu.memory_space<vmem>>
      %dma_start3A_292 = tpu.memref_squeeze %dma_start3A_291 : memref<1x2x128xi32, #tpu.memory_space<vmem>> -> memref<2x128xi32, #tpu.memory_space<vmem>>
      %dma_start3A_293 = arith.constant 0 : i32
      %dma_start3A_294 = arith.constant 0 : i32
      %dma_start3A_295 = tpu.memref_slice %arg3[%arg0, %arg1, %min3A_288, %dma_start3A_293, %dma_start3A_294] : memref<2x16x79x2x128xi32, #tpu.memory_space<hbm>> -> memref<1x1x1x2x128xi32, #tpu.memory_space<hbm>>
      %dma_start3A_296 = tpu.memref_squeeze %dma_start3A_295 : memref<1x1x1x2x128xi32, #tpu.memory_space<hbm>> -> memref<2x128xi32, #tpu.memory_space<hbm>>
      %dma_start3A_297 = arith.constant 0 : i32
      %dma_start3A_298 = arith.constant 0 : i32
      %dma_start3A_299 = tpu.memref_slice %arg7[%rem3A_192, %dma_start3A_297, %dma_start3A_298] : memref<2x2x128xi32, #tpu.memory_space<vmem>> -> memref<1x2x128xi32, #tpu.memory_space<vmem>>
      %dma_start3A_300 = tpu.memref_squeeze %dma_start3A_299 : memref<1x2x128xi32, #tpu.memory_space<vmem>> -> memref<2x128xi32, #tpu.memory_space<vmem>>
      %dma_start3A_301 = arith.constant 0 : i32
      %dma_start3A_302 = arith.constant 0 : i32
      %dma_start3A_303 = tpu.memref_slice %arg3[%arg0, %arg1, %min3A_288, %dma_start3A_301, %dma_start3A_302] : memref<2x16x79x2x128xi32, #tpu.memory_space<hbm>> -> memref<1x1x1x2x128xi32, #tpu.memory_space<hbm>>
      %dma_start3A_304 = tpu.memref_squeeze %dma_start3A_303 : memref<1x1x1x2x128xi32, #tpu.memory_space<hbm>> -> memref<2x128xi32, #tpu.memory_space<hbm>>
      tpu.enqueue_dma source(%dma_start3A_304 : memref<2x128xi32, #tpu.memory_space<hbm>>) target(%dma_start3A_300 : memref<2x128xi32, #tpu.memory_space<vmem>>) target_semaphore(%arg16 : memref<!tpu.dma_semaphore, #tpu.memory_space<semaphore_mem>>)
      %dma_start3A_305 = arith.constant 0 : i32
      %dma_start3A_306 = arith.constant 0 : i32
      %dma_start3A_307 = tpu.memref_slice %arg8[%rem3A_192, %dma_start3A_305, %dma_start3A_306] : memref<2x2x128xi32, #tpu.memory_space<vmem>> -> memref<1x2x128xi32, #tpu.memory_space<vmem>>
      %dma_start3A_308 = tpu.memref_squeeze %dma_start3A_307 : memref<1x2x128xi32, #tpu.memory_space<vmem>> -> memref<2x128xi32, #tpu.memory_space<vmem>>
      %dma_start3A_309 = arith.constant 0 : i32
      %dma_start3A_310 = arith.constant 0 : i32
      %dma_start3A_311 = tpu.memref_slice %arg4[%arg0, %arg1, %min3A_288, %dma_start3A_309, %dma_start3A_310] : memref<2x16x79x2x128xi32, #tpu.memory_space<hbm>> -> memref<1x1x1x2x128xi32, #tpu.memory_space<hbm>>
      %dma_start3A_312 = tpu.memref_squeeze %dma_start3A_311 : memref<1x1x1x2x128xi32, #tpu.memory_space<hbm>> -> memref<2x128xi32, #tpu.memory_space<hbm>>
      %dma_start3A_313 = arith.constant 0 : i32
      %dma_start3A_314 = arith.constant 0 : i32
      %dma_start3A_315 = tpu.memref_slice %arg8[%rem3A_192, %dma_start3A_313, %dma_start3A_314] : memref<2x2x128xi32, #tpu.memory_space<vmem>> -> memref<1x2x128xi32, #tpu.memory_space<vmem>>
      %dma_start3A_316 = tpu.memref_squeeze %dma_start3A_315 : memref<1x2x128xi32, #tpu.memory_space<vmem>> -> memref<2x128xi32, #tpu.memory_space<vmem>>
      %dma_start3A_317 = arith.constant 0 : i32
      %dma_start3A_318 = arith.constant 0 : i32
      %dma_start3A_319 = tpu.memref_slice %arg4[%arg0, %arg1, %min3A_288, %dma_start3A_317, %dma_start3A_318] : memref<2x16x79x2x128xi32, #tpu.memory_space<hbm>> -> memref<1x1x1x2x128xi32, #tpu.memory_space<hbm>>
      %dma_start3A_320 = tpu.memref_squeeze %dma_start3A_319 : memref<1x1x1x2x128xi32, #tpu.memory_space<hbm>> -> memref<2x128xi32, #tpu.memory_space<hbm>>
      tpu.enqueue_dma source(%dma_start3A_320 : memref<2x128xi32, #tpu.memory_space<hbm>>) target(%dma_start3A_316 : memref<2x128xi32, #tpu.memory_space<vmem>>) target_semaphore(%arg16 : memref<!tpu.dma_semaphore, #tpu.memory_space<semaphore_mem>>)
    }
    %scan3A_131 = arith.constant 79 : i32
    %dma_wait3A_132 = arith.constant 0 : i32
    %dma_wait3A_133 = arith.constant 0 : i32
    %dma_wait3A_134 = tpu.memref_slice %arg2[%dma_wait3A_132, %dma_wait3A_133] : memref<20480x128xf32, #tpu.memory_space<hbm>> -> memref<128x128xf32, #tpu.memory_space<hbm>>
    %dma_wait3A_135 = arith.constant 0 : i32
    %dma_wait3A_136 = arith.constant 0 : i32
    %dma_wait3A_137 = tpu.memref_slice %arg2[%dma_wait3A_135, %dma_wait3A_136] : memref<20480x128xf32, #tpu.memory_space<hbm>> -> memref<128x128xf32, #tpu.memory_space<hbm>>
    tpu.wait_dma2 semaphore(%arg12 : memref<!tpu.dma_semaphore, #tpu.memory_space<semaphore_mem>>) src(%dma_wait3A_137 : memref<128x128xf32, #tpu.memory_space<hbm>>) dst(%arg9 : memref<128x128xf32, #tpu.memory_space<vmem>>)
    %dma_wait3A_138 = arith.constant 0 : i32
    %dma_wait3A_139 = arith.constant 0 : i32
    %dma_wait3A_140 = tpu.memref_slice %arg2[%dma_wait3A_138, %dma_wait3A_139] : memref<20480x128xf32, #tpu.memory_space<hbm>> -> memref<128x128xf32, #tpu.memory_space<hbm>>
    %dma_wait3A_141 = arith.constant 0 : i32
    %dma_wait3A_142 = arith.constant 0 : i32
    %dma_wait3A_143 = tpu.memref_slice %arg2[%dma_wait3A_141, %dma_wait3A_142] : memref<20480x128xf32, #tpu.memory_space<hbm>> -> memref<128x128xf32, #tpu.memory_space<hbm>>
    tpu.wait_dma2 semaphore(%arg13 : memref<!tpu.dma_semaphore, #tpu.memory_space<semaphore_mem>>) src(%dma_wait3A_143 : memref<128x128xf32, #tpu.memory_space<hbm>>) dst(%arg10 : memref<128x128xf32, #tpu.memory_space<vmem>>)
    %dma_wait3A_144 = arith.constant 0 : i32
    %dma_wait3A_145 = arith.constant 0 : i32
    %dma_wait3A_146 = arith.constant 0 : i32
    %dma_wait3A_147 = arith.constant 0 : i32
    %dma_wait3A_148 = arith.constant 0 : i32
    %dma_wait3A_149 = arith.constant 0 : i32
    %dma_wait3A_150 = tpu.memref_slice %arg7[%dma_wait3A_147, %dma_wait3A_148, %dma_wait3A_149] : memref<2x2x128xi32, #tpu.memory_space<vmem>> -> memref<1x2x128xi32, #tpu.memory_space<vmem>>
    %dma_wait3A_151 = tpu.memref_squeeze %dma_wait3A_150 : memref<1x2x128xi32, #tpu.memory_space<vmem>> -> memref<2x128xi32, #tpu.memory_space<vmem>>
    %dma_wait3A_152 = arith.constant 0 : i32
    %dma_wait3A_153 = arith.constant 0 : i32
    %dma_wait3A_154 = tpu.memref_slice %arg3[%dma_wait3A_144, %dma_wait3A_145, %dma_wait3A_146, %dma_wait3A_152, %dma_wait3A_153] : memref<2x16x79x2x128xi32, #tpu.memory_space<hbm>> -> memref<1x1x1x2x128xi32, #tpu.memory_space<hbm>>
    %dma_wait3A_155 = tpu.memref_squeeze %dma_wait3A_154 : memref<1x1x1x2x128xi32, #tpu.memory_space<hbm>> -> memref<2x128xi32, #tpu.memory_space<hbm>>
    %dma_wait3A_156 = arith.constant 0 : i32
    %dma_wait3A_157 = arith.constant 0 : i32
    %dma_wait3A_158 = tpu.memref_slice %arg7[%dma_wait3A_147, %dma_wait3A_156, %dma_wait3A_157] : memref<2x2x128xi32, #tpu.memory_space<vmem>> -> memref<1x2x128xi32, #tpu.memory_space<vmem>>
    %dma_wait3A_159 = tpu.memref_squeeze %dma_wait3A_158 : memref<1x2x128xi32, #tpu.memory_space<vmem>> -> memref<2x128xi32, #tpu.memory_space<vmem>>
    %dma_wait3A_160 = arith.constant 0 : i32
    %dma_wait3A_161 = arith.constant 0 : i32
    %dma_wait3A_162 = tpu.memref_slice %arg3[%dma_wait3A_144, %dma_wait3A_145, %dma_wait3A_146, %dma_wait3A_160, %dma_wait3A_161] : memref<2x16x79x2x128xi32, #tpu.memory_space<hbm>> -> memref<1x1x1x2x128xi32, #tpu.memory_space<hbm>>
    %dma_wait3A_163 = tpu.memref_squeeze %dma_wait3A_162 : memref<1x1x1x2x128xi32, #tpu.memory_space<hbm>> -> memref<2x128xi32, #tpu.memory_space<hbm>>
    tpu.wait_dma2 semaphore(%arg16 : memref<!tpu.dma_semaphore, #tpu.memory_space<semaphore_mem>>) src(%dma_wait3A_163 : memref<2x128xi32, #tpu.memory_space<hbm>>) dst(%dma_wait3A_159 : memref<2x128xi32, #tpu.memory_space<vmem>>)
    %dma_wait3A_164 = arith.constant 0 : i32
    %dma_wait3A_165 = arith.constant 0 : i32
    %dma_wait3A_166 = arith.constant 0 : i32
    %dma_wait3A_167 = arith.constant 0 : i32
    %dma_wait3A_168 = arith.constant 0 : i32
    %dma_wait3A_169 = arith.constant 0 : i32
    %dma_wait3A_170 = tpu.memref_slice %arg8[%dma_wait3A_167, %dma_wait3A_168, %dma_wait3A_169] : memref<2x2x128xi32, #tpu.memory_space<vmem>> -> memref<1x2x128xi32, #tpu.memory_space<vmem>>
    %dma_wait3A_171 = tpu.memref_squeeze %dma_wait3A_170 : memref<1x2x128xi32, #tpu.memory_space<vmem>> -> memref<2x128xi32, #tpu.memory_space<vmem>>
    %dma_wait3A_172 = arith.constant 0 : i32
    %dma_wait3A_173 = arith.constant 0 : i32
    %dma_wait3A_174 = tpu.memref_slice %arg3[%dma_wait3A_164, %dma_wait3A_165, %dma_wait3A_166, %dma_wait3A_172, %dma_wait3A_173] : memref<2x16x79x2x128xi32, #tpu.memory_space<hbm>> -> memref<1x1x1x2x128xi32, #tpu.memory_space<hbm>>
    %dma_wait3A_175 = tpu.memref_squeeze %dma_wait3A_174 : memref<1x1x1x2x128xi32, #tpu.memory_space<hbm>> -> memref<2x128xi32, #tpu.memory_space<hbm>>
    %dma_wait3A_176 = arith.constant 0 : i32
    %dma_wait3A_177 = arith.constant 0 : i32
    %dma_wait3A_178 = tpu.memref_slice %arg8[%dma_wait3A_167, %dma_wait3A_176, %dma_wait3A_177] : memref<2x2x128xi32, #tpu.memory_space<vmem>> -> memref<1x2x128xi32, #tpu.memory_space<vmem>>
    %dma_wait3A_179 = tpu.memref_squeeze %dma_wait3A_178 : memref<1x2x128xi32, #tpu.memory_space<vmem>> -> memref<2x128xi32, #tpu.memory_space<vmem>>
    %dma_wait3A_180 = arith.constant 0 : i32
    %dma_wait3A_181 = arith.constant 0 : i32
    %dma_wait3A_182 = tpu.memref_slice %arg3[%dma_wait3A_164, %dma_wait3A_165, %dma_wait3A_166, %dma_wait3A_180, %dma_wait3A_181] : memref<2x16x79x2x128xi32, #tpu.memory_space<hbm>> -> memref<1x1x1x2x128xi32, #tpu.memory_space<hbm>>
    %dma_wait3A_183 = tpu.memref_squeeze %dma_wait3A_182 : memref<1x1x1x2x128xi32, #tpu.memory_space<hbm>> -> memref<2x128xi32, #tpu.memory_space<hbm>>
    tpu.wait_dma2 semaphore(%arg16 : memref<!tpu.dma_semaphore, #tpu.memory_space<semaphore_mem>>) src(%dma_wait3A_183 : memref<2x128xi32, #tpu.memory_space<hbm>>) dst(%dma_wait3A_179 : memref<2x128xi32, #tpu.memory_space<vmem>>)
    %barrier3A_184 = arith.constant 0 : index
    tpu.barrier barrier_id(%barrier3A_184)
    %mul3A_185 = arith.constant 640 : i32
    %mul3A_186 = arith.muli %arg1, %mul3A_185 : i32
    %mul3A_187 = arith.constant 10240 : i32
    %mul3A_188 = arith.muli %arg0, %mul3A_187 : i32
    %mul3A_189 = arith.constant 640 : i32
    %mul3A_190 = arith.muli %arg1, %mul3A_189 : i32
    %add3A = arith.addi %mul3A_188, %mul3A_190 : i32
    "tpu.region"() ({
      %run_scoped3A = tpu.sem_alloc : memref<!tpu.dma_semaphore, #tpu.memory_space<semaphore_mem>>
      %dma_start3A_191 = arith.constant 0 : i32
      %dma_start3A_192 = tpu.memref_slice %arg6[%add3A, %dma_start3A_191] : memref<20480x128xf32, #tpu.memory_space<hbm>> -> memref<640x128xf32, #tpu.memory_space<hbm>>
      %dma_start3A_193 = arith.constant 0 : i32
      %dma_start3A_194 = tpu.memref_slice %arg11[%mul3A_186, %dma_start3A_193] : memref<10240x128xf32, #tpu.memory_space<vmem_shared>> -> memref<640x128xf32, #tpu.memory_space<vmem_shared>>
      tpu.enqueue_dma source(%dma_start3A_194 : memref<640x128xf32, #tpu.memory_space<vmem_shared>>) target(%dma_start3A_192 : memref<640x128xf32, #tpu.memory_space<hbm>>) target_semaphore(%run_scoped3A : memref<!tpu.dma_semaphore, #tpu.memory_space<semaphore_mem>>)
      %dma_wait3A_195 = arith.constant 0 : i32
      %dma_wait3A_196 = tpu.memref_slice %arg6[%add3A, %dma_wait3A_195] : memref<20480x128xf32, #tpu.memory_space<hbm>> -> memref<640x128xf32, #tpu.memory_space<hbm>>
      %dma_wait3A_197 = arith.constant 0 : i32
      %dma_wait3A_198 = tpu.memref_slice %arg11[%mul3A_186, %dma_wait3A_197] : memref<10240x128xf32, #tpu.memory_space<vmem_shared>> -> memref<640x128xf32, #tpu.memory_space<vmem_shared>>
      tpu.wait_dma2 semaphore(%run_scoped3A : memref<!tpu.dma_semaphore, #tpu.memory_space<semaphore_mem>>) src(%dma_wait3A_198 : memref<640x128xf32, #tpu.memory_space<vmem_shared>>) dst(%dma_wait3A_196 : memref<640x128xf32, #tpu.memory_space<hbm>>)
      tpu.yield
    }) : () -> ()
    return
  }
}

module attributes {stable_mosaic.version = 14 : i64} {
  func.func @body(%arg0: i32, %arg1: memref<1024x128xf32, #tpu.memory_space<vmem>>, %arg2: memref<1024x128xf32, #tpu.memory_space<vmem>>, %arg3: memref<128x128xf32, #tpu.memory_space<vmem>>, %arg4: memref<1024x128xf32, #tpu.memory_space<vmem>>) attributes {dimension_semantics = [#tpu.dimension_semantics<arbitrary>], iteration_bounds = array<i64: 20>, scalar_prefetch = 0 : i64, scratch_operands = 0 : i64, tpu.core_type = #tpu.core_type<tc>, window_params = [{transform_indices = @transform_0, window_bounds = array<i64: 1024, 128>}, {transform_indices = @transform_1, window_bounds = array<i64: 1024, 128>}, {pipeline_mode = #tpu.pipeline_mode<synchronous>, transform_indices = @transform_2, window_bounds = array<i64: 128, 128>}, {transform_indices = @transform_3, window_bounds = array<i64: 1024, 128>}]} {
    %get3A = arith.constant 0 : index
    %get3A_0 = arith.constant 0 : index
    %get3A_1 = vector.load %arg2[%get3A, %get3A_0] : memref<1024x128xf32, #tpu.memory_space<vmem>>, vector<1024x1xf32>
    %add3A = arith.constant 1.000000e+00 : f32
    %add3A_2 = vector.broadcast %add3A : f32 to vector<1024x1xf32>
    %add3A_3 = arith.addf %get3A_1, %add3A_2 : vector<1024x1xf32>
    %rsqrt3A = math.rsqrt %add3A_3 : vector<1024x1xf32>
    %get3A_4 = arith.constant 0 : index
    %get3A_5 = arith.constant 0 : index
    %get3A_6 = vector.load %arg1[%get3A_4, %get3A_5] : memref<1024x128xf32, #tpu.memory_space<vmem>>, vector<1024x128xf32>
    %get3A_7 = arith.constant 0 : index
    %get3A_8 = arith.constant 0 : index
    %get3A_9 = vector.load %arg3[%get3A_7, %get3A_8] : memref<128x128xf32, #tpu.memory_space<vmem>>, vector<128x128xf32>
    %dot_general3A = arith.constant dense<0.000000e+00> : vector<1024x128xf32>
    %dot_general3A_10 = tpu.matmul %get3A_6, %get3A_9, %dot_general3A {dimension_numbers = #tpu.dot_dimension_numbers<[1], [0], [0], [1], [0, 0, 1, 1], [], []>, transpose_lhs_hint = false} : vector<1024x128xf32>, vector<128x128xf32>, vector<1024x128xf32> -> vector<1024x128xf32>
    %mul3A = vector.broadcast %rsqrt3A : vector<1024x1xf32> to vector<1024x128xf32>
    %mul3A_11 = arith.mulf %mul3A, %dot_general3A_10 : vector<1024x128xf32>
    %swap3A = arith.constant 0 : index
    %swap3A_12 = arith.constant 0 : index
    %swap3A_13 = vector.load %arg4[%swap3A, %swap3A_12] : memref<1024x128xf32, #tpu.memory_space<vmem>>, vector<1024x128xf32>
    tpu.vector_store %arg4[%swap3A, %swap3A_12], %mul3A_11 {strides = array<i32>} : memref<1024x128xf32, #tpu.memory_space<vmem>>, vector<1024x128xf32>,
    return
  }
  func.func @transform_0(%arg0: i32) -> (i32, i32) {
    %c0_i32 = arith.constant 0 : i32
    %c0_i32_0 = arith.constant 0 : i32
    return %arg0, %c0_i32 : i32, i32
  }
  func.func @transform_1(%arg0: i32) -> (i32, i32) {
    %c0_i32 = arith.constant 0 : i32
    %c0_i32_0 = arith.constant 0 : i32
    return %arg0, %c0_i32 : i32, i32
  }
  func.func @transform_2(%arg0: i32) -> (i32, i32) {
    %c0_i32 = arith.constant 0 : i32
    %c0_i32_0 = arith.constant 0 : i32
    %c0_i32_1 = arith.constant 0 : i32
    return %c0_i32, %c0_i32_0 : i32, i32
  }
  func.func @transform_3(%arg0: i32) -> (i32, i32) {
    %c0_i32 = arith.constant 0 : i32
    %c0_i32_0 = arith.constant 0 : i32
    return %arg0, %c0_i32 : i32, i32
  }
}

module attributes {stable_mosaic.version = 14 : i64} {
  func.func @body(%arg0: i32, %arg1: memref<1024x128xf32, #tpu.memory_space<vmem>>, %arg2: memref<1024x128xf32, #tpu.memory_space<vmem>>, %arg3: memref<1024x128xf32, #tpu.memory_space<vmem>>, %arg4: memref<8x128xf32, #tpu.memory_space<vmem>>, %arg5: memref<128x128xf32, #tpu.memory_space<vmem>>, %arg6: memref<1024x128xf32, #tpu.memory_space<vmem>>) attributes {dimension_semantics = [#tpu.dimension_semantics<arbitrary>], iteration_bounds = array<i64: 20>, scalar_prefetch = 0 : i64, scratch_operands = 0 : i64, tpu.core_type = #tpu.core_type<tc>, window_params = [{transform_indices = @transform_0, window_bounds = array<i64: 1024, 128>}, {transform_indices = @transform_1, window_bounds = array<i64: 1024, 128>}, {transform_indices = @transform_2, window_bounds = array<i64: 1024, 128>}, {pipeline_mode = #tpu.pipeline_mode<synchronous>, transform_indices = @transform_3, window_bounds = array<i64: 8, 128>}, {pipeline_mode = #tpu.pipeline_mode<synchronous>, transform_indices = @transform_4, window_bounds = array<i64: 128, 128>}, {transform_indices = @transform_5, window_bounds = array<i64: 1024, 128>}]} {
    %get3A = arith.constant 0 : index
    %get3A_0 = arith.constant 0 : index
    %get3A_1 = vector.load %arg3[%get3A, %get3A_0] : memref<1024x128xf32, #tpu.memory_space<vmem>>, vector<1024x1xf32>
    %add3A = arith.constant 1.000000e+00 : f32
    %add3A_2 = vector.broadcast %add3A : f32 to vector<1024x1xf32>
    %add3A_3 = arith.addf %get3A_1, %add3A_2 : vector<1024x1xf32>
    %rsqrt3A = math.rsqrt %add3A_3 : vector<1024x1xf32>
    %get3A_4 = arith.constant 0 : index
    %get3A_5 = arith.constant 0 : index
    %get3A_6 = vector.load %arg1[%get3A_4, %get3A_5] : memref<1024x128xf32, #tpu.memory_space<vmem>>, vector<1024x128xf32>
    %get3A_7 = arith.constant 0 : index
    %get3A_8 = arith.constant 0 : index
    %get3A_9 = vector.load %arg2[%get3A_7, %get3A_8] : memref<1024x128xf32, #tpu.memory_space<vmem>>, vector<1024x128xf32>
    %add3A_10 = arith.addf %get3A_6, %get3A_9 : vector<1024x128xf32>
    %mul3A = vector.broadcast %rsqrt3A : vector<1024x1xf32> to vector<1024x128xf32>
    %mul3A_11 = arith.mulf %mul3A, %add3A_10 : vector<1024x128xf32>
    %get3A_12 = arith.constant 0 : index
    %get3A_13 = arith.constant 0 : index
    %get3A_14 = vector.load %arg4[%get3A_12, %get3A_13] : memref<8x128xf32, #tpu.memory_space<vmem>>, vector<1x128xf32>
    %add3A_15 = vector.broadcast %get3A_14 : vector<1x128xf32> to vector<1024x128xf32>
    %add3A_16 = arith.addf %mul3A_11, %add3A_15 : vector<1024x128xf32>
    %max3A = arith.constant 0.000000e+00 : f32
    %max3A_17 = vector.broadcast %max3A : f32 to vector<1024x128xf32>
    %max3A_18 = arith.maximumf %add3A_16, %max3A_17 : vector<1024x128xf32>
    %get3A_19 = arith.constant 0 : index
    %get3A_20 = arith.constant 0 : index
    %get3A_21 = vector.load %arg5[%get3A_19, %get3A_20] : memref<128x128xf32, #tpu.memory_space<vmem>>, vector<128x128xf32>
    %dot_general3A = arith.constant dense<0.000000e+00> : vector<1024x128xf32>
    %dot_general3A_22 = tpu.matmul %max3A_18, %get3A_21, %dot_general3A {dimension_numbers = #tpu.dot_dimension_numbers<[1], [0], [0], [1], [0, 0, 1, 1], [], []>, transpose_lhs_hint = false} : vector<1024x128xf32>, vector<128x128xf32>, vector<1024x128xf32> -> vector<1024x128xf32>
    %mul3A_23 = vector.broadcast %rsqrt3A : vector<1024x1xf32> to vector<1024x128xf32>
    %mul3A_24 = arith.mulf %mul3A_23, %dot_general3A_22 : vector<1024x128xf32>
    %swap3A = arith.constant 0 : index
    %swap3A_25 = arith.constant 0 : index
    %swap3A_26 = vector.load %arg6[%swap3A, %swap3A_25] : memref<1024x128xf32, #tpu.memory_space<vmem>>, vector<1024x128xf32>
    tpu.vector_store %arg6[%swap3A, %swap3A_25], %mul3A_24 {strides = array<i32>} : memref<1024x128xf32, #tpu.memory_space<vmem>>, vector<1024x128xf32>,
    return
  }
  func.func @transform_0(%arg0: i32) -> (i32, i32) {
    %c0_i32 = arith.constant 0 : i32
    %c0_i32_0 = arith.constant 0 : i32
    return %arg0, %c0_i32 : i32, i32
  }
  func.func @transform_1(%arg0: i32) -> (i32, i32) {
    %c0_i32 = arith.constant 0 : i32
    %c0_i32_0 = arith.constant 0 : i32
    return %arg0, %c0_i32 : i32, i32
  }
  func.func @transform_2(%arg0: i32) -> (i32, i32) {
    %c0_i32 = arith.constant 0 : i32
    %c0_i32_0 = arith.constant 0 : i32
    return %arg0, %c0_i32 : i32, i32
  }
  func.func @transform_3(%arg0: i32) -> (i32, i32) {
    %c0_i32 = arith.constant 0 : i32
    %c0_i32_0 = arith.constant 0 : i32
    %c0_i32_1 = arith.constant 0 : i32
    return %c0_i32, %c0_i32_0 : i32, i32
  }
  func.func @transform_4(%arg0: i32) -> (i32, i32) {
    %c0_i32 = arith.constant 0 : i32
    %c0_i32_0 = arith.constant 0 : i32
    %c0_i32_1 = arith.constant 0 : i32
    return %c0_i32, %c0_i32_0 : i32, i32
  }
  func.func @transform_5(%arg0: i32) -> (i32, i32) {
    %c0_i32 = arith.constant 0 : i32
    %c0_i32_0 = arith.constant 0 : i32
    return %arg0, %c0_i32 : i32, i32
  }
}

module attributes {stable_mosaic.version = 14 : i64} {
  func.func @body(%arg0: i32, %arg1: i32, %arg2: memref<2048x128xf32, #tpu.memory_space<vmem>>, %arg3: memref<2048x128xf32, #tpu.memory_space<vmem>>, %arg4: memref<2048x128xf32, #tpu.memory_space<vmem>>, %arg5: memref<8x128xf32, #tpu.memory_space<vmem>>, %arg6: memref<1x1x2048xi32, #tpu.memory_space<vmem>>, %arg7: memref<1x256x64xf32, #tpu.memory_space<vmem>>, %arg8: memref<256x128xf32, #tpu.memory_space<vmem>>) attributes {dimension_semantics = [#tpu.dimension_semantics<arbitrary>, #tpu.dimension_semantics<arbitrary>], iteration_bounds = array<i64: 2, 5>, scalar_prefetch = 0 : i64, scratch_operands = 1 : i64, tpu.core_type = #tpu.core_type<tc>, window_params = [{transform_indices = @transform_0, window_bounds = array<i64: 2048, 128>}, {transform_indices = @transform_1, window_bounds = array<i64: 2048, 128>}, {transform_indices = @transform_2, window_bounds = array<i64: 2048, 128>}, {pipeline_mode = #tpu.pipeline_mode<synchronous>, transform_indices = @transform_3, window_bounds = array<i64: 8, 128>}, {transform_indices = @transform_4, window_bounds = array<i64: 1, 1, 2048>}, {transform_indices = @transform_5, window_bounds = array<i64: 1, 256, 64>}]} {
    %get3A = arith.constant 0 : index
    %get3A_0 = arith.constant 0 : index
    %get3A_1 = vector.load %arg4[%get3A, %get3A_0] : memref<2048x128xf32, #tpu.memory_space<vmem>>, vector<2048x1xf32>
    %add3A = arith.constant 1.000000e+00 : f32
    %add3A_2 = vector.broadcast %add3A : f32 to vector<2048x1xf32>
    %add3A_3 = arith.addf %get3A_1, %add3A_2 : vector<2048x1xf32>
    %rsqrt3A = math.rsqrt %add3A_3 : vector<2048x1xf32>
    %get3A_4 = arith.constant 0 : index
    %get3A_5 = arith.constant 0 : index
    %get3A_6 = vector.load %arg2[%get3A_4, %get3A_5] : memref<2048x128xf32, #tpu.memory_space<vmem>>, vector<2048x128xf32>
    %get3A_7 = arith.constant 0 : index
    %get3A_8 = arith.constant 0 : index
    %get3A_9 = vector.load %arg3[%get3A_7, %get3A_8] : memref<2048x128xf32, #tpu.memory_space<vmem>>, vector<2048x128xf32>
    %add3A_10 = arith.addf %get3A_6, %get3A_9 : vector<2048x128xf32>
    %mul3A = vector.broadcast %rsqrt3A : vector<2048x1xf32> to vector<2048x128xf32>
    %mul3A_11 = arith.mulf %mul3A, %add3A_10 : vector<2048x128xf32>
    %get3A_12 = arith.constant 0 : index
    %get3A_13 = arith.constant 0 : index
    %get3A_14 = vector.load %arg5[%get3A_12, %get3A_13] : memref<8x128xf32, #tpu.memory_space<vmem>>, vector<1x128xf32>
    %add3A_15 = vector.broadcast %get3A_14 : vector<1x128xf32> to vector<2048x128xf32>
    %add3A_16 = arith.addf %mul3A_11, %add3A_15 : vector<2048x128xf32>
    %max3A = arith.constant 0.000000e+00 : f32
    %max3A_17 = vector.broadcast %max3A : f32 to vector<2048x128xf32>
    %max3A_18 = arith.maximumf %add3A_16, %max3A_17 : vector<2048x128xf32>
    %slice3A = vector.extract_strided_slice %max3A_18 {offsets = [0, 0], sizes = [2048, 64], strides = [1, 1]} : vector<2048x128xf32> to vector<2048x64xf32>
    %get3A_19 = arith.constant 0 : index
    %get3A_20 = arith.constant 0 : index
    %get3A_21 = arith.constant 0 : index
    %get3A_22 = vector.load %arg6[%get3A_19, %get3A_20, %get3A_21] : memref<1x1x2048xi32, #tpu.memory_space<vmem>>, vector<1x1x2048xi32>
    %get3A_23 = vector.shape_cast %get3A_22 : vector<1x1x2048xi32> to vector<2048xi32>
    %iota3A = tpu.iota {dimensions = array<i32: 0>} : vector<256x2048xi32>
    %broadcast_in_dim3A = vector.shape_cast %get3A_23 : vector<2048xi32> to vector<1x2048xi32>
    %eq3A = vector.broadcast %broadcast_in_dim3A : vector<1x2048xi32> to vector<256x2048xi32>
    %eq3A_24 = arith.cmpi eq, %iota3A, %eq3A : vector<256x2048xi32>
    %convert_element_type3A = arith.extui %eq3A_24 : vector<256x2048xi1> to vector<256x2048xi32>
    %convert_element_type3A_25 = arith.sitofp %convert_element_type3A : vector<256x2048xi32> to vector<256x2048xf32>
    %dot_general3A = arith.constant dense<0.000000e+00> : vector<256x64xf32>
    %dot_general3A_26 = tpu.matmul %convert_element_type3A_25, %slice3A, %dot_general3A {dimension_numbers = #tpu.dot_dimension_numbers<[1], [0], [0], [1], [0, 0, 1, 1], [], []>, transpose_lhs_hint = false} : vector<256x2048xf32>, vector<2048x64xf32>, vector<256x64xf32> -> vector<256x64xf32>
    %reduce_sum3A = arith.constant dense<0.000000e+00> : vector<256xf32>
    %reduce_sum3A_27 = vector.multi_reduction <add>, %convert_element_type3A_25, %reduce_sum3A [1] : vector<256x2048xf32> to vector<256xf32>
    %broadcast_in_dim3A_28 = vector.shape_cast %reduce_sum3A_27 : vector<256xf32> to vector<256x1xf32>
    %eq3A_29 = arith.constant 0 : i32
    %eq3A_30 = arith.cmpi eq, %arg1, %eq3A_29 : i32
    %convert_element_type3A_31 = arith.extui %eq3A_30 : i1 to i32
    %cond3A = arith.constant 0 : i32
    %cond3A_32 = arith.cmpi ne, %convert_element_type3A_31, %cond3A : i32
    scf.if %cond3A_32 {
      %swap3A = arith.constant 0 : index
      %swap3A_42 = arith.constant 0 : index
      %swap3A_43 = arith.constant 0 : index
      %swap3A_44 = vector.load %arg7[%swap3A, %swap3A_42, %swap3A_43] : memref<1x256x64xf32, #tpu.memory_space<vmem>>, vector<1x256x64xf32>
      %swap3A_45 = vector.shape_cast %swap3A_44 : vector<1x256x64xf32> to vector<256x64xf32>
      %swap3A_46 = vector.shape_cast %dot_general3A_26 : vector<256x64xf32> to vector<1x256x64xf32>
      tpu.vector_store %arg7[%swap3A, %swap3A_42, %swap3A_43], %swap3A_46 {strides = array<i32>} : memref<1x256x64xf32, #tpu.memory_space<vmem>>, vector<1x256x64xf32>,
      %broadcast_in_dim3A_47 = vector.shape_cast %broadcast_in_dim3A_28 : vector<256x1xf32> to vector<256x1xf32>
      %broadcast_in_dim3A_48 = vector.broadcast %broadcast_in_dim3A_47 : vector<256x1xf32> to vector<256x128xf32>
      %swap3A_49 = arith.constant 0 : index
      %swap3A_50 = arith.constant 0 : index
      %swap3A_51 = vector.load %arg8[%swap3A_49, %swap3A_50] : memref<256x128xf32, #tpu.memory_space<vmem>>, vector<256x128xf32>
      tpu.vector_store %arg8[%swap3A_49, %swap3A_50], %broadcast_in_dim3A_48 {strides = array<i32>} : memref<256x128xf32, #tpu.memory_space<vmem>>, vector<256x128xf32>,
    } else {
    }
    %ne3A = arith.constant 0 : i32
    %ne3A_33 = arith.cmpi ne, %arg1, %ne3A : i32
    %convert_element_type3A_34 = arith.extui %ne3A_33 : i1 to i32
    %cond3A_35 = arith.constant 0 : i32
    %cond3A_36 = arith.cmpi ne, %convert_element_type3A_34, %cond3A_35 : i32
    scf.if %cond3A_36 {
      %get3A_42 = arith.constant 0 : index
      %get3A_43 = arith.constant 0 : index
      %get3A_44 = arith.constant 0 : index
      %get3A_45 = vector.load %arg7[%get3A_42, %get3A_43, %get3A_44] : memref<1x256x64xf32, #tpu.memory_space<vmem>>, vector<1x256x64xf32>
      %get3A_46 = vector.shape_cast %get3A_45 : vector<1x256x64xf32> to vector<256x64xf32>
      %add3A_47 = arith.addf %get3A_46, %dot_general3A_26 : vector<256x64xf32>
      %swap3A = arith.constant 0 : index
      %swap3A_48 = arith.constant 0 : index
      %swap3A_49 = arith.constant 0 : index
      %swap3A_50 = vector.load %arg7[%swap3A, %swap3A_48, %swap3A_49] : memref<1x256x64xf32, #tpu.memory_space<vmem>>, vector<1x256x64xf32>
      %swap3A_51 = vector.shape_cast %swap3A_50 : vector<1x256x64xf32> to vector<256x64xf32>
      %swap3A_52 = vector.shape_cast %add3A_47 : vector<256x64xf32> to vector<1x256x64xf32>
      tpu.vector_store %arg7[%swap3A, %swap3A_48, %swap3A_49], %swap3A_52 {strides = array<i32>} : memref<1x256x64xf32, #tpu.memory_space<vmem>>, vector<1x256x64xf32>,
      %get3A_53 = arith.constant 0 : index
      %get3A_54 = arith.constant 0 : index
      %get3A_55 = vector.load %arg8[%get3A_53, %get3A_54] : memref<256x128xf32, #tpu.memory_space<vmem>>, vector<256x128xf32>
      %broadcast_in_dim3A_56 = vector.shape_cast %broadcast_in_dim3A_28 : vector<256x1xf32> to vector<256x1xf32>
      %broadcast_in_dim3A_57 = vector.broadcast %broadcast_in_dim3A_56 : vector<256x1xf32> to vector<256x128xf32>
      %add3A_58 = arith.addf %get3A_55, %broadcast_in_dim3A_57 : vector<256x128xf32>
      %swap3A_59 = arith.constant 0 : index
      %swap3A_60 = arith.constant 0 : index
      %swap3A_61 = vector.load %arg8[%swap3A_59, %swap3A_60] : memref<256x128xf32, #tpu.memory_space<vmem>>, vector<256x128xf32>
      tpu.vector_store %arg8[%swap3A_59, %swap3A_60], %add3A_58 {strides = array<i32>} : memref<256x128xf32, #tpu.memory_space<vmem>>, vector<256x128xf32>,
    } else {
    }
    %eq3A_37 = arith.constant 4 : i32
    %eq3A_38 = arith.cmpi eq, %arg1, %eq3A_37 : i32
    %convert_element_type3A_39 = arith.extui %eq3A_38 : i1 to i32
    %cond3A_40 = arith.constant 0 : i32
    %cond3A_41 = arith.cmpi ne, %convert_element_type3A_39, %cond3A_40 : i32
    scf.if %cond3A_41 {
      %get3A_42 = arith.constant 0 : index
      %get3A_43 = arith.constant 0 : index
      %get3A_44 = arith.constant 0 : index
      %get3A_45 = vector.load %arg7[%get3A_42, %get3A_43, %get3A_44] : memref<1x256x64xf32, #tpu.memory_space<vmem>>, vector<1x256x64xf32>
      %get3A_46 = vector.shape_cast %get3A_45 : vector<1x256x64xf32> to vector<256x64xf32>
      %get3A_47 = arith.constant 0 : index
      %get3A_48 = arith.constant 0 : index
      %get3A_49 = vector.load %arg8[%get3A_47, %get3A_48] : memref<256x128xf32, #tpu.memory_space<vmem>>, vector<256x1xf32>
      %max3A_50 = arith.constant 1.000000e+00 : f32
      %max3A_51 = vector.broadcast %max3A_50 : f32 to vector<256x1xf32>
      %max3A_52 = arith.maximumf %get3A_49, %max3A_51 : vector<256x1xf32>
      %div3A = vector.broadcast %max3A_52 : vector<256x1xf32> to vector<256x64xf32>
      %div3A_53 = arith.divf %get3A_46, %div3A : vector<256x64xf32>
      %swap3A = arith.constant 0 : index
      %swap3A_54 = arith.constant 0 : index
      %swap3A_55 = arith.constant 0 : index
      %swap3A_56 = vector.load %arg7[%swap3A, %swap3A_54, %swap3A_55] : memref<1x256x64xf32, #tpu.memory_space<vmem>>, vector<1x256x64xf32>
      %swap3A_57 = vector.shape_cast %swap3A_56 : vector<1x256x64xf32> to vector<256x64xf32>
      %swap3A_58 = vector.shape_cast %div3A_53 : vector<256x64xf32> to vector<1x256x64xf32>
      tpu.vector_store %arg7[%swap3A, %swap3A_54, %swap3A_55], %swap3A_58 {strides = array<i32>} : memref<1x256x64xf32, #tpu.memory_space<vmem>>, vector<1x256x64xf32>,
    } else {
    }
    return
  }
  func.func @transform_0(%arg0: i32, %arg1: i32) -> (i32, i32) {
    %mul3A = arith.constant 5 : i32
    %mul3A_0 = arith.muli %arg0, %mul3A : i32
    %add3A = arith.addi %mul3A_0, %arg1 : i32
    %c0_i32 = arith.constant 0 : i32
    %c0_i32_1 = arith.constant 0 : i32
    return %add3A, %c0_i32 : i32, i32
  }
  func.func @transform_1(%arg0: i32, %arg1: i32) -> (i32, i32) {
    %mul3A = arith.constant 5 : i32
    %mul3A_0 = arith.muli %arg0, %mul3A : i32
    %add3A = arith.addi %mul3A_0, %arg1 : i32
    %c0_i32 = arith.constant 0 : i32
    %c0_i32_1 = arith.constant 0 : i32
    return %add3A, %c0_i32 : i32, i32
  }
  func.func @transform_2(%arg0: i32, %arg1: i32) -> (i32, i32) {
    %mul3A = arith.constant 5 : i32
    %mul3A_0 = arith.muli %arg0, %mul3A : i32
    %add3A = arith.addi %mul3A_0, %arg1 : i32
    %c0_i32 = arith.constant 0 : i32
    %c0_i32_1 = arith.constant 0 : i32
    return %add3A, %c0_i32 : i32, i32
  }
  func.func @transform_3(%arg0: i32, %arg1: i32) -> (i32, i32) {
    %c0_i32 = arith.constant 0 : i32
    %c0_i32_0 = arith.constant 0 : i32
    %c0_i32_1 = arith.constant 0 : i32
    return %c0_i32, %c0_i32_0 : i32, i32
  }
  func.func @transform_4(%arg0: i32, %arg1: i32) -> (i32, i32, i32) {
    %mul3A = arith.constant 5 : i32
    %mul3A_0 = arith.muli %arg0, %mul3A : i32
    %add3A = arith.addi %mul3A_0, %arg1 : i32
    %c0_i32 = arith.constant 0 : i32
    %c0_i32_1 = arith.constant 0 : i32
    %c0_i32_2 = arith.constant 0 : i32
    return %add3A, %c0_i32, %c0_i32_1 : i32, i32, i32
  }
  func.func @transform_5(%arg0: i32, %arg1: i32) -> (i32, i32, i32) {
    %c0_i32 = arith.constant 0 : i32
    %c0_i32_0 = arith.constant 0 : i32
    %c0_i32_1 = arith.constant 0 : i32
    return %arg0, %c0_i32, %c0_i32_0 : i32, i32, i32
  }
}

module attributes {stable_mosaic.version = 14 : i64} {
  func.func @body(%arg0: memref<2x256x64xf32, #tpu.memory_space<vmem>>, %arg1: memref<256x128xf32, #tpu.memory_space<vmem>>, %arg2: memref<256x128xf32, #tpu.memory_space<vmem>>, %arg3: memref<128x128xf32, #tpu.memory_space<vmem>>, %arg4: memref<8x128xf32, #tpu.memory_space<vmem>>, %arg5: memref<128x64xf32, #tpu.memory_space<vmem>>, %arg6: memref<8x64xf32, #tpu.memory_space<vmem>>, %arg7: memref<256x128xf32, #tpu.memory_space<vmem>>, %arg8: memref<8x128xf32, #tpu.memory_space<vmem>>, %arg9: memref<8x128xf32, #tpu.memory_space<vmem>>, %arg10: memref<8x128xf32, #tpu.memory_space<vmem>>, %arg11: memref<128x64xf32, #tpu.memory_space<vmem>>, %arg12: memref<8x64xf32, #tpu.memory_space<vmem>>, %arg13: memref<8x64xf32, #tpu.memory_space<vmem>>, %arg14: memref<8x64xf32, #tpu.memory_space<vmem>>, %arg15: memref<64x128xf32, #tpu.memory_space<vmem>>, %arg16: memref<8x128xf32, #tpu.memory_space<vmem>>, %arg17: memref<256x128xf32, #tpu.memory_space<vmem>>) attributes {dimension_semantics = [], scalar_prefetch = 0 : i64, scratch_operands = 0 : i64, tpu.core_type = #tpu.core_type<tc>} {
    %get3A = arith.constant 0 : index
    %get3A_0 = arith.constant 0 : index
    %get3A_1 = vector.load %arg1[%get3A, %get3A_0] : memref<256x128xf32, #tpu.memory_space<vmem>>, vector<256x128xf32>
    %get3A_2 = arith.constant 0 : index
    %get3A_3 = arith.constant 0 : index
    %get3A_4 = vector.load %arg3[%get3A_2, %get3A_3] : memref<128x128xf32, #tpu.memory_space<vmem>>, vector<128x128xf32>
    %dot_general3A = arith.constant dense<0.000000e+00> : vector<256x128xf32>
    %dot_general3A_5 = tpu.matmul %get3A_1, %get3A_4, %dot_general3A {dimension_numbers = #tpu.dot_dimension_numbers<[1], [0], [0], [1], [0, 0, 1, 1], [], []>, transpose_lhs_hint = false} : vector<256x128xf32>, vector<128x128xf32>, vector<256x128xf32> -> vector<256x128xf32>
    %get3A_6 = arith.constant 0 : index
    %get3A_7 = arith.constant 0 : index
    %get3A_8 = vector.load %arg4[%get3A_6, %get3A_7] : memref<8x128xf32, #tpu.memory_space<vmem>>, vector<1x128xf32>
    %add3A = vector.broadcast %get3A_8 : vector<1x128xf32> to vector<256x128xf32>
    %add3A_9 = arith.addf %dot_general3A_5, %add3A : vector<256x128xf32>
    %max3A = arith.constant 0.000000e+00 : f32
    %max3A_10 = vector.broadcast %max3A : f32 to vector<256x128xf32>
    %max3A_11 = arith.maximumf %add3A_9, %max3A_10 : vector<256x128xf32>
    %get3A_12 = arith.constant 0 : index
    %get3A_13 = arith.constant 0 : index
    %get3A_14 = vector.load %arg5[%get3A_12, %get3A_13] : memref<128x64xf32, #tpu.memory_space<vmem>>, vector<128x64xf32>
    %dot_general3A_15 = arith.constant dense<0.000000e+00> : vector<256x64xf32>
    %dot_general3A_16 = tpu.matmul %max3A_11, %get3A_14, %dot_general3A_15 {dimension_numbers = #tpu.dot_dimension_numbers<[1], [0], [0], [1], [0, 0, 1, 1], [], []>, transpose_lhs_hint = false} : vector<256x128xf32>, vector<128x64xf32>, vector<256x64xf32> -> vector<256x64xf32>
    %get3A_17 = arith.constant 0 : index
    %get3A_18 = arith.constant 0 : index
    %get3A_19 = vector.load %arg6[%get3A_17, %get3A_18] : memref<8x64xf32, #tpu.memory_space<vmem>>, vector<1x64xf32>
    %add3A_20 = vector.broadcast %get3A_19 : vector<1x64xf32> to vector<256x64xf32>
    %add3A_21 = arith.addf %dot_general3A_16, %add3A_20 : vector<256x64xf32>
    %max3A_22 = arith.constant 0.000000e+00 : f32
    %max3A_23 = vector.broadcast %max3A_22 : f32 to vector<256x64xf32>
    %max3A_24 = arith.maximumf %add3A_21, %max3A_23 : vector<256x64xf32>
    %get3A_25 = arith.constant 0 : index
    %get3A_26 = arith.constant 0 : index
    %get3A_27 = vector.load %arg2[%get3A_25, %get3A_26] : memref<256x128xf32, #tpu.memory_space<vmem>>, vector<256x128xf32>
    %get3A_28 = arith.constant 0 : index
    %get3A_29 = arith.constant 0 : index
    %get3A_30 = vector.load %arg3[%get3A_28, %get3A_29] : memref<128x128xf32, #tpu.memory_space<vmem>>, vector<128x128xf32>
    %dot_general3A_31 = arith.constant dense<0.000000e+00> : vector<256x128xf32>
    %dot_general3A_32 = tpu.matmul %get3A_27, %get3A_30, %dot_general3A_31 {dimension_numbers = #tpu.dot_dimension_numbers<[1], [0], [0], [1], [0, 0, 1, 1], [], []>, transpose_lhs_hint = false} : vector<256x128xf32>, vector<128x128xf32>, vector<256x128xf32> -> vector<256x128xf32>
    %get3A_33 = arith.constant 0 : index
    %get3A_34 = arith.constant 0 : index
    %get3A_35 = vector.load %arg4[%get3A_33, %get3A_34] : memref<8x128xf32, #tpu.memory_space<vmem>>, vector<1x128xf32>
    %add3A_36 = vector.broadcast %get3A_35 : vector<1x128xf32> to vector<256x128xf32>
    %add3A_37 = arith.addf %dot_general3A_32, %add3A_36 : vector<256x128xf32>
    %max3A_38 = arith.constant 0.000000e+00 : f32
    %max3A_39 = vector.broadcast %max3A_38 : f32 to vector<256x128xf32>
    %max3A_40 = arith.maximumf %add3A_37, %max3A_39 : vector<256x128xf32>
    %get3A_41 = arith.constant 0 : index
    %get3A_42 = arith.constant 0 : index
    %get3A_43 = vector.load %arg5[%get3A_41, %get3A_42] : memref<128x64xf32, #tpu.memory_space<vmem>>, vector<128x64xf32>
    %dot_general3A_44 = arith.constant dense<0.000000e+00> : vector<256x64xf32>
    %dot_general3A_45 = tpu.matmul %max3A_40, %get3A_43, %dot_general3A_44 {dimension_numbers = #tpu.dot_dimension_numbers<[1], [0], [0], [1], [0, 0, 1, 1], [], []>, transpose_lhs_hint = false} : vector<256x128xf32>, vector<128x64xf32>, vector<256x64xf32> -> vector<256x64xf32>
    %get3A_46 = arith.constant 0 : index
    %get3A_47 = arith.constant 0 : index
    %get3A_48 = vector.load %arg6[%get3A_46, %get3A_47] : memref<8x64xf32, #tpu.memory_space<vmem>>, vector<1x64xf32>
    %add3A_49 = vector.broadcast %get3A_48 : vector<1x64xf32> to vector<256x64xf32>
    %add3A_50 = arith.addf %dot_general3A_45, %add3A_49 : vector<256x64xf32>
    %max3A_51 = arith.constant 0.000000e+00 : f32
    %max3A_52 = vector.broadcast %max3A_51 : f32 to vector<256x64xf32>
    %max3A_53 = arith.maximumf %add3A_50, %max3A_52 : vector<256x64xf32>
    %get3A_54 = arith.constant 0 : index
    %get3A_55 = arith.constant 0 : index
    %get3A_56 = arith.constant 0 : index
    %get3A_57 = vector.load %arg0[%get3A_54, %get3A_55, %get3A_56] : memref<2x256x64xf32, #tpu.memory_space<vmem>>, vector<1x256x64xf32>
    %get3A_58 = vector.shape_cast %get3A_57 : vector<1x256x64xf32> to vector<256x64xf32>
    %get3A_59 = arith.constant 1 : index
    %get3A_60 = arith.constant 0 : index
    %get3A_61 = arith.constant 0 : index
    %get3A_62 = vector.load %arg0[%get3A_59, %get3A_60, %get3A_61] : memref<2x256x64xf32, #tpu.memory_space<vmem>>, vector<1x256x64xf32>
    %get3A_63 = vector.shape_cast %get3A_62 : vector<1x256x64xf32> to vector<256x64xf32>
    %concatenate3A = tpu.concatenate %get3A_58, %get3A_63, %max3A_24, %max3A_53 in 1 : vector<256x64xf32>, vector<256x64xf32>, vector<256x64xf32>, vector<256x64xf32> -> vector<256x256xf32>
    %get3A_64 = arith.constant 0 : index
    %get3A_65 = arith.constant 0 : index
    %get3A_66 = vector.load %arg7[%get3A_64, %get3A_65] : memref<256x128xf32, #tpu.memory_space<vmem>>, vector<256x128xf32>
    %dot_general3A_67 = arith.constant dense<0.000000e+00> : vector<256x128xf32>
    %dot_general3A_68 = tpu.matmul %concatenate3A, %get3A_66, %dot_general3A_67 {dimension_numbers = #tpu.dot_dimension_numbers<[1], [0], [0], [1], [0, 0, 1, 1], [], []>, transpose_lhs_hint = false} : vector<256x256xf32>, vector<256x128xf32>, vector<256x128xf32> -> vector<256x128xf32>
    %get3A_69 = arith.constant 0 : index
    %get3A_70 = arith.constant 0 : index
    %get3A_71 = vector.load %arg8[%get3A_69, %get3A_70] : memref<8x128xf32, #tpu.memory_space<vmem>>, vector<1x128xf32>
    %add3A_72 = vector.broadcast %get3A_71 : vector<1x128xf32> to vector<256x128xf32>
    %add3A_73 = arith.addf %dot_general3A_68, %add3A_72 : vector<256x128xf32>
    %max3A_74 = arith.constant 0.000000e+00 : f32
    %max3A_75 = vector.broadcast %max3A_74 : f32 to vector<256x128xf32>
    %max3A_76 = arith.maximumf %add3A_73, %max3A_75 : vector<256x128xf32>
    %reduce_sum3A = arith.constant dense<0.000000e+00> : vector<128xf32>
    %reduce_sum3A_77 = vector.multi_reduction <add>, %max3A_76, %reduce_sum3A [0] : vector<256x128xf32> to vector<128xf32>
    %broadcast_in_dim3A = vector.shape_cast %reduce_sum3A_77 : vector<128xf32> to vector<1x128xf32>
    %div3A = arith.constant 2.560000e+02 : f32
    %div3A_78 = vector.broadcast %div3A : f32 to vector<1x128xf32>
    %div3A_79 = arith.divf %broadcast_in_dim3A, %div3A_78 : vector<1x128xf32>
    %sub3A = vector.broadcast %div3A_79 : vector<1x128xf32> to vector<256x128xf32>
    %sub3A_80 = arith.subf %max3A_76, %sub3A : vector<256x128xf32>
    %integer_pow3A = arith.mulf %sub3A_80, %sub3A_80 : vector<256x128xf32>
    %reduce_sum3A_81 = arith.constant dense<0.000000e+00> : vector<128xf32>
    %reduce_sum3A_82 = vector.multi_reduction <add>, %integer_pow3A, %reduce_sum3A_81 [0] : vector<256x128xf32> to vector<128xf32>
    %broadcast_in_dim3A_83 = vector.shape_cast %reduce_sum3A_82 : vector<128xf32> to vector<1x128xf32>
    %div3A_84 = arith.constant 2.560000e+02 : f32
    %div3A_85 = vector.broadcast %div3A_84 : f32 to vector<1x128xf32>
    %div3A_86 = arith.divf %broadcast_in_dim3A_83, %div3A_85 : vector<1x128xf32>
    %sub3A_87 = vector.broadcast %div3A_79 : vector<1x128xf32> to vector<256x128xf32>
    %sub3A_88 = arith.subf %max3A_76, %sub3A_87 : vector<256x128xf32>
    %add3A_89 = arith.constant 9.99999974E-6 : f32
    %add3A_90 = vector.broadcast %add3A_89 : f32 to vector<1x128xf32>
    %add3A_91 = arith.addf %div3A_86, %add3A_90 : vector<1x128xf32>
    %rsqrt3A = math.rsqrt %add3A_91 : vector<1x128xf32>
    %mul3A = vector.broadcast %rsqrt3A : vector<1x128xf32> to vector<256x128xf32>
    %mul3A_92 = arith.mulf %sub3A_88, %mul3A : vector<256x128xf32>
    %get3A_93 = arith.constant 0 : index
    %get3A_94 = arith.constant 0 : index
    %get3A_95 = vector.load %arg9[%get3A_93, %get3A_94] : memref<8x128xf32, #tpu.memory_space<vmem>>, vector<1x128xf32>
    %mul3A_96 = vector.broadcast %get3A_95 : vector<1x128xf32> to vector<256x128xf32>
    %mul3A_97 = arith.mulf %mul3A_92, %mul3A_96 : vector<256x128xf32>
    %get3A_98 = arith.constant 0 : index
    %get3A_99 = arith.constant 0 : index
    %get3A_100 = vector.load %arg10[%get3A_98, %get3A_99] : memref<8x128xf32, #tpu.memory_space<vmem>>, vector<1x128xf32>
    %add3A_101 = vector.broadcast %get3A_100 : vector<1x128xf32> to vector<256x128xf32>
    %add3A_102 = arith.addf %mul3A_97, %add3A_101 : vector<256x128xf32>
    %get3A_103 = arith.constant 0 : index
    %get3A_104 = arith.constant 0 : index
    %get3A_105 = vector.load %arg11[%get3A_103, %get3A_104] : memref<128x64xf32, #tpu.memory_space<vmem>>, vector<128x64xf32>
    %dot_general3A_106 = arith.constant dense<0.000000e+00> : vector<256x64xf32>
    %dot_general3A_107 = tpu.matmul %add3A_102, %get3A_105, %dot_general3A_106 {dimension_numbers = #tpu.dot_dimension_numbers<[1], [0], [0], [1], [0, 0, 1, 1], [], []>, transpose_lhs_hint = false} : vector<256x128xf32>, vector<128x64xf32>, vector<256x64xf32> -> vector<256x64xf32>
    %get3A_108 = arith.constant 0 : index
    %get3A_109 = arith.constant 0 : index
    %get3A_110 = vector.load %arg12[%get3A_108, %get3A_109] : memref<8x64xf32, #tpu.memory_space<vmem>>, vector<1x64xf32>
    %add3A_111 = vector.broadcast %get3A_110 : vector<1x64xf32> to vector<256x64xf32>
    %add3A_112 = arith.addf %dot_general3A_107, %add3A_111 : vector<256x64xf32>
    %max3A_113 = arith.constant 0.000000e+00 : f32
    %max3A_114 = vector.broadcast %max3A_113 : f32 to vector<256x64xf32>
    %max3A_115 = arith.maximumf %add3A_112, %max3A_114 : vector<256x64xf32>
    %reduce_sum3A_116 = arith.constant dense<0.000000e+00> : vector<64xf32>
    %reduce_sum3A_117 = vector.multi_reduction <add>, %max3A_115, %reduce_sum3A_116 [0] : vector<256x64xf32> to vector<64xf32>
    %broadcast_in_dim3A_118 = vector.shape_cast %reduce_sum3A_117 : vector<64xf32> to vector<1x64xf32>
    %div3A_119 = arith.constant 2.560000e+02 : f32
    %div3A_120 = vector.broadcast %div3A_119 : f32 to vector<1x64xf32>
    %div3A_121 = arith.divf %broadcast_in_dim3A_118, %div3A_120 : vector<1x64xf32>
    %sub3A_122 = vector.broadcast %div3A_121 : vector<1x64xf32> to vector<256x64xf32>
    %sub3A_123 = arith.subf %max3A_115, %sub3A_122 : vector<256x64xf32>
    %integer_pow3A_124 = arith.mulf %sub3A_123, %sub3A_123 : vector<256x64xf32>
    %reduce_sum3A_125 = arith.constant dense<0.000000e+00> : vector<64xf32>
    %reduce_sum3A_126 = vector.multi_reduction <add>, %integer_pow3A_124, %reduce_sum3A_125 [0] : vector<256x64xf32> to vector<64xf32>
    %broadcast_in_dim3A_127 = vector.shape_cast %reduce_sum3A_126 : vector<64xf32> to vector<1x64xf32>
    %div3A_128 = arith.constant 2.560000e+02 : f32
    %div3A_129 = vector.broadcast %div3A_128 : f32 to vector<1x64xf32>
    %div3A_130 = arith.divf %broadcast_in_dim3A_127, %div3A_129 : vector<1x64xf32>
    %sub3A_131 = vector.broadcast %div3A_121 : vector<1x64xf32> to vector<256x64xf32>
    %sub3A_132 = arith.subf %max3A_115, %sub3A_131 : vector<256x64xf32>
    %add3A_133 = arith.constant 9.99999974E-6 : f32
    %add3A_134 = vector.broadcast %add3A_133 : f32 to vector<1x64xf32>
    %add3A_135 = arith.addf %div3A_130, %add3A_134 : vector<1x64xf32>
    %rsqrt3A_136 = math.rsqrt %add3A_135 : vector<1x64xf32>
    %mul3A_137 = vector.broadcast %rsqrt3A_136 : vector<1x64xf32> to vector<256x64xf32>
    %mul3A_138 = arith.mulf %sub3A_132, %mul3A_137 : vector<256x64xf32>
    %get3A_139 = arith.constant 0 : index
    %get3A_140 = arith.constant 0 : index
    %get3A_141 = vector.load %arg13[%get3A_139, %get3A_140] : memref<8x64xf32, #tpu.memory_space<vmem>>, vector<1x64xf32>
    %mul3A_142 = vector.broadcast %get3A_141 : vector<1x64xf32> to vector<256x64xf32>
    %mul3A_143 = arith.mulf %mul3A_138, %mul3A_142 : vector<256x64xf32>
    %get3A_144 = arith.constant 0 : index
    %get3A_145 = arith.constant 0 : index
    %get3A_146 = vector.load %arg14[%get3A_144, %get3A_145] : memref<8x64xf32, #tpu.memory_space<vmem>>, vector<1x64xf32>
    %add3A_147 = vector.broadcast %get3A_146 : vector<1x64xf32> to vector<256x64xf32>
    %add3A_148 = arith.addf %mul3A_143, %add3A_147 : vector<256x64xf32>
    %get3A_149 = arith.constant 0 : index
    %get3A_150 = arith.constant 0 : index
    %get3A_151 = vector.load %arg15[%get3A_149, %get3A_150] : memref<64x128xf32, #tpu.memory_space<vmem>>, vector<64x128xf32>
    %dot_general3A_152 = arith.constant dense<0.000000e+00> : vector<256x128xf32>
    %dot_general3A_153 = tpu.matmul %add3A_148, %get3A_151, %dot_general3A_152 {dimension_numbers = #tpu.dot_dimension_numbers<[1], [0], [0], [1], [0, 0, 1, 1], [], []>, transpose_lhs_hint = false} : vector<256x64xf32>, vector<64x128xf32>, vector<256x128xf32> -> vector<256x128xf32>
    %get3A_154 = arith.constant 0 : index
    %get3A_155 = arith.constant 0 : index
    %get3A_156 = vector.load %arg16[%get3A_154, %get3A_155] : memref<8x128xf32, #tpu.memory_space<vmem>>, vector<1x128xf32>
    %add3A_157 = vector.broadcast %get3A_156 : vector<1x128xf32> to vector<256x128xf32>
    %add3A_158 = arith.addf %dot_general3A_153, %add3A_157 : vector<256x128xf32>
    %swap3A = arith.constant 0 : index
    %swap3A_159 = arith.constant 0 : index
    %swap3A_160 = vector.load %arg17[%swap3A, %swap3A_159] : memref<256x128xf32, #tpu.memory_space<vmem>>, vector<256x128xf32>
    tpu.vector_store %arg17[%swap3A, %swap3A_159], %add3A_158 {strides = array<i32>} : memref<256x128xf32, #tpu.memory_space<vmem>>, vector<256x128xf32>,
    return
  }
}

</mosaic_0001>

<sc_bundles>
// kernel: kernel.13.cloned.1.call-start
scs
__scs_entry_jumppad:
0x0: {  	(pc) =	sbr.rel $0x88, $3  }
0x1: {  	(tag) =	ssettag $0x0;
	lr =	simm.s32 $0x1  }
0x2: {  	[smem:$0x3F83] =	sst lr;
	_ =	strace $0xD0000000  }
0x3: {  	_ = 	snop  }
0x4: {  	_ = 	snop  }
0x5: {  	_ = 	snop  }
0x6: {  	_ = 	snop  }
0x7: {  	_ = 	snop  }
__scs_overlays_trampoline_lowered:
0x8: {  	[smem:$0x3F92] =	sst s0  }
0x9: {  	[smem:$0x3F93] =	sst s1  }
0xa: {  	[smem:$0x3F94] =	sst s2  }
0xb: {  	[smem:$0x3F95] =	sst s3  }
0xc: {  	[smem:$0x3F96] =	sst s4  }
0xd: {  	[smem:$0x3F97] =	sst s5  }
0xe: {  	[smem:$0x3F98] =	sst s6  }
0xf: {  	[smem:$0x3F99] =	sst s7  }
0x10: {  	[smem:$0x3F9A] =	sst s8  }
0x11: {  	[smem:$0x3F9B] =	sst s9;
	s0 =	simm.s32 @!p0 $0x0  }
0x12: {  	s1 =	sld [smem:$0x3F81];
	s0 =	simm.s32 @p0 $0x1  }
0x13: {  	[smem:$0x3F9C] =	sst s0;
	s0 =	simm.s32 @!p1 $0x0  }
0x14: {  	s2 =	sld [smem:$0x3F80];
	s0 =	simm.s32 @p1 $0x1  }
0x15: {  	[smem:$0x3F9D] =	sst s0;
	s0 =	simm.s32 @!p2 $0x0  }
0x16: {  	s3 =	sld [smem:$0x3FDB];
	s0 =	simm.s32 @p2 $0x1  }
0x17: {  	s4 =	simm.s32 $0x1BF5;
	[smem:$0x3F9F] =	sst s0  }
0x18: {  	s0 =	sld [smem:$0x3F82];
	_ =	swait.ge [sflag:s4], $0x0  }
0x19: {  	s7 =	sld [smem:$0x3F83]  }
0x1a: {  	s8 =	sadd.s32 $0xFFFFE003, lr  }
0x1b: {  	s9 =	sadd.s32 $0xFFFFFEF7, lr;
	s5 =	simm.s32 $0xFFFFFFFF;
	p2 =	slt.u32 s8, $0xFFFFF086  }
0x1c: {  	p1 =	slt.u32 s9, $0xF7A;
	s5 =	simm.s32 @!p2 $0x0  }
0x1d: {  	s5 =	simm.s32 @p1 $0x1;
	p0 =	seq.s32 s7, s2  }
0x1e: {  	s7 =	smul.u32 @!p0 $0xF7A, s2;
	p2 =	seq.s32 @!p0 s5, $0x0  }
0x1f: {  	s9 =	smul.u32 $0xF7A, s1;
	s8 =	simm.s32 @!p0 $0x1BF5;
	p2 =	por !p2, p0  }
0x20: {  	[sflag:s8] =	ssyncset.s32 @!p0 $0xFFFFF086;
	s6 =	sadd.s32 @!p0 s3, s7;
	s7 =	simm.s32 @!p0 $0x108  }
0x21: {  	s3 =	sadd.s32 s3, s9;
	s6 =	sadd.s32 @!p0 $0x88, s6;
	s7 =	simm.s32 @p2 $0x1082  }
0x22: {  	[simem:s7], [sflag:s8] =	dma.local @!p0 [hbm:s6], $0xF7A  }
0x23: {  	s9 =	sor.u32 $0xD0000000, s2;
	s6 =	simm.s32 $0x108;
	_ =	swait.ge @!p0 [sflag:s8], $0x0  }
0x24: {  	s3 =	sadd.s32 $0x88, s3;
	s6 =	simm.s32 @!p1 $0x1082;
	[sflag:s4] =	ssyncset.s32 $0xFFFFF086  }
0x25: {  	[simem:s6], [sflag:s4] =	dma.local [hbm:s3], $0xF7A  }
0x26: {  	[smem:$0x3F83] =	sst s1;
	(tag) =	ssettag s2;
	_ =	strace s9  }
0x27: {  	s1 =	sld [smem:$0x3F93]  }
0x28: {  	s2 =	sld [smem:$0x3F94]  }
0x29: {  	s4 =	sld [smem:$0x3F96]  }
0x2a: {  	p0 =	seq.s32 s5, $0x0;
	s5 =	sld [smem:$0x3F97]  }
0x2b: {  	s6 =	sld [smem:$0x3F98]  }
0x2c: {  	s7 =	sld [smem:$0x3F99]  }
0x2d: {  	s3 =	simm.s32 $0x108;
	s8 =	sld [smem:$0x3F9A]  }
0x2e: {  	s3 =	simm.s32 @!p0 $0x1082;
	s9 =	sld [smem:$0x3F9B]  }
0x2f: {  	lr =	sadd.s32 s0, s3;
	s0 =	sld [smem:$0x3F92]  }
0x30: {  	s3 =	sld [smem:$0x3F95]  }
0x31: {  	[smem:$0x3F9E] =	sst s10  }
0x32: {  	s10 =	sld [smem:$0x3F9C];
	_ =	sdelay $0x3  }
0x33: {  	p0 =	seq.s32 s10, $0x1;
	s10 =	sld [smem:$0x3F9E];
	_ =	sdelay $0x3  }
0x34: {  	[smem:$0x3F9E] =	sst s10  }
0x35: {  	s10 =	sld [smem:$0x3F9D];
	_ =	sdelay $0x3  }
0x36: {  	p1 =	seq.s32 s10, $0x1;
	s10 =	sld [smem:$0x3F9E];
	_ =	sdelay $0x3  }
0x37: {  	[smem:$0x3F9E] =	sst s10  }
0x38: {  	s10 =	sld [smem:$0x3F9F]  }
0x39: {  	_ = 	snop;
	(pc) =	sbr.ind lr, $3  }
0x3a: {  	_ = 	snop  }
0x3b: {  	_ = 	snop  }
0x3c: {  	p2 =	seq.s32 s10, $0x1;
	s10 =	sld [smem:$0x3F9E]  }
0x3d: {  	_ =	shalt  }
0x3e: {  	_ =	shalt  }
0x3f: {  	_ =	shalt  }
0x40: {  	_ =	shalt  }
0x41: {  	_ =	shalt  }
0x42: {  	_ =	shalt  }
0x43: {  	_ =	shalt  }
0x44: {  	_ =	shalt  }
0x45: {  	_ =	shalt  }
0x46: {  	_ =	shalt  }
0x47: {  	_ =	shalt  }
0x48: {  	_ =	shalt  }
0x49: {  	_ =	shalt  }
0x4a: {  	_ =	shalt  }
0x4b: {  	_ =	shalt  }
0x4c: {  	_ =	shalt  }
0x4d: {  	_ =	shalt  }
0x4e: {  	_ =	shalt  }
0x4f: {  	_ =	shalt  }
0x50: {  	_ =	shalt  }
0x51: {  	_ =	shalt  }
0x52: {  	_ =	shalt  }
0x53: {  	_ =	shalt  }
0x54: {  	_ =	shalt  }
0x55: {  	_ =	shalt  }
0x56: {  	_ =	shalt  }
0x57: {  	_ =	shalt  }
0x58: {  	_ =	shalt  }
0x59: {  	_ =	shalt  }
0x5a: {  	_ =	shalt  }
0x5b: {  	_ =	shalt  }
0x5c: {  	_ =	shalt  }
0x5d: {  	_ =	shalt  }
0x5e: {  	_ =	shalt  }
0x5f: {  	_ =	shalt  }
0x60: {  	_ =	shalt  }
0x61: {  	_ =	shalt  }
0x62: {  	_ =	shalt  }
0x63: {  	_ =	shalt  }
0x64: {  	_ =	shalt  }
0x65: {  	_ =	shalt  }
0x66: {  	_ =	shalt  }
0x67: {  	_ =	shalt  }
0x68: {  	_ =	shalt  }
0x69: {  	_ =	shalt  }
0x6a: {  	_ =	shalt  }
0x6b: {  	_ =	shalt  }
0x6c: {  	_ =	shalt  }
0x6d: {  	_ =	shalt  }
0x6e: {  	_ =	shalt  }
0x6f: {  	_ =	shalt  }
0x70: {  	_ =	shalt  }
0x71: {  	_ =	shalt  }
0x72: {  	_ =	shalt  }
0x73: {  	_ =	shalt  }
0x74: {  	_ =	shalt  }
0x75: {  	_ =	shalt  }
0x76: {  	_ =	shalt  }
0x77: {  	_ =	shalt  }
0x78: {  	_ =	shalt  }
0x79: {  	_ =	shalt  }
0x7a: {  	_ =	shalt  }
0x7b: {  	_ =	shalt  }
0x7c: {  	_ =	shalt  }
0x7d: {  	_ =	shalt  }
0x7e: {  	_ =	shalt  }
0x7f: {  	_ =	shalt  }
0x80: {  	_ =	shalt  }
0x81: {  	_ =	shalt  }
0x82: {  	_ =	shalt  }
0x83: {  	_ =	shalt  }
0x84: {  	_ =	shalt  }
0x85: {  	_ =	shalt  }
0x86: {  	_ =	shalt  }
0x87: {  	_ =	shalt  }
.Lfunc_end0:
.L_simem_size_0:
called_computation_lowered:
.L_overlay_start_0:
0x88: {  	s2 =	sld [smem:$0x3FD9]  }
0x89: {  	s3 =	sld [smem:$0x3FFE];
	_ =	sdelay $0x1  }
0x8a: {  	s1 =	srdreg.scid  }
0x8b: {  	s0 =	sand.u32 $0x1, s1  }
0x8c: {  	s17 =	sshll.u32 s0, $0xA;
	s2 =	sadd.s32 s3, s2  }
0x8d: {  	s2 =	sadd.s32 s2, s17  }
0x8e: {  	[smem:$0x3FAA] =	sst s2  }
0x8f: {  	_ = 	snop  }
0x90: {  	s2 =	sld [smem:$0x3FD0];
	(tm) =	ssettm $0x1  }
0x91: {  	s18 =	sld [smem:$0x3FFB];
	_ =	sdelay $0x3  }
0x92: {  	_ =	strace s18  }
0x93: {  	s3 =	sld [smem:$0x3FFC];
	_ =	sdelay $0x3  }
0x94: {  	_ =	strace s3  }
0x95: {  	s3 =	sld [smem:$0x3FFD];
	_ =	sdelay $0x3  }
0x96: {  	_ =	strace s3  }
0x97: {  	_ =	strace $0x8FFFFFFF  }
0x98: {  	s19 =	sld [smem:$0x3FDB];
	_ =	sdelay $0x1  }
0x99: {  	s4 =	simm.s32 $_scs_section_size  }
0x9a: {  	s5 =	simm.s32 $_size__tile_overlayer_lowered;
	s6 =	simm.s32 $_tile_overlayer_lowered  }
0x9b: {  	s22 =	simm.s32 $0x1BFF;
	s21 =	sshll.u32 s6, $0x1;
	s3 =	sadd.s32 s4, s19  }
0x9c: {  	s7 =	simm.s32 $0x0;
	s20 =	sshll.u32 s5, $0x1;
	s5 =	sadd.s32 s21, s3  }
0x9d: {  	[timem:s7], [sflag:s22] =	dma.local [hbm:s5], s20  }
0x9e: {  	_ =	swait.ge [sflag:s22], s20  }
0x9f: {  	s4 =	ssub.s32 $0x0, s20;
	[sflag:s22] =	ssyncset.done $0x0  }
0xa0: {  	[sflag:s22] =	ssyncadd.s32 s4;
	_ =	sdelay $0x1  }
0xa1: {  	s23 =	simm.s32 $0x1B8B  }
0xa2: {  	_ =	swait.ge [sflag:s23], $0x1  }
0xa3: {  	[sflag:s23] =	ssyncset.done $0x0  }
0xa4: {  	s25 =	simm.s32 $0x1B8E;
	s24 =	sld [smem:$0x3FFE];
	[sflag:s23] =	ssyncadd.s32 $0xFFFFFFFF  }
0xa5: {  	s26 =	simm.s32 $execute0_lowered;
	[smem:$0x3FD2] =	sst s25  }
0xa6: {  	s5 =	sshll.u32 s26, $0x1;
	_ =	strace $0x80000046;
	[dreg:$0x1] =	wrdreg $0xFFFFFFFF  }
0xa7: {  	s28 =	simm.s32 $_size_execute0_lowered;
	s3 =	sadd.s32 s3, s5;
	[dreg:$0x0] =	wrdreg $0x0  }
0xa8: {  	s5 =	sshll.u32 s28, $0x1;
	[dreg:$0x2] =	wrdreg s3  }
0xa9: {  	[dreg:$0x3] =	wrdreg s5  }
0xaa: {  	[dreg:$0x4] =	wrdreg $0xC0  }
0xab: {  	_ =	task [dreg:s7], $0x5FFFF  }
0xac: {  	[dreg:$0x1] =	wrdreg $0xFFFFFFFF  }
0xad: {  	[dreg:$0x0] =	wrdreg $0x60  }
0xae: {  	[dreg:$0x2] =	wrdreg s24  }
0xaf: {  	[dreg:$0x3] =	wrdreg s2  }
0xb0: {  	[dreg:$0x4] =	wrdreg $0x8F000  }
0xb1: {  	[dreg:$0x5] =	wrdreg $0x9  }
0xb2: {  	_ =	task.clear_ibuf [dreg:s7], $0x6FFFF;
	_ =	strace $0x90000046  }
0xb3: {  	s29 =	simm.s32 $0x9;
	_ =	strace $0x80000048  }
0xb4: {  	_ =	swait.ge [sflag:s29], $0x1  }
0xb5: {  	[sflag:s29] =	ssyncadd.s32 $0xFFFFFFFF  }
0xb6: {  	_ =	strace $0x90000048  }
0xb7: {  	_ =	sfence  }
0xb8: {  	s30 =	sld [smem:$0x0];
	_ =	sdelay $0x2  }
0xb9: {  	s31 =	sshll.u32 s1, $0xD;
	s1 =	sshrl.u32 s1, $0x2  }
0xba: {  	s3 =	sand.u32 $0x4000, s31;
	s1 =	sadd.s32 s1, s30  }
0xbb: {  	s0 =	sor.u32 s3, s0;
	s1 =	sshll.u32 s1, $0x11  }
0xbc: {  	s0 =	sor.u32 s1, s0  }
0xbd: {  	s0 =	sadd.s32 $0x8F2B, s0  }
0xbe: {  	[sflag:s0] =	ssyncadd.remote.s32 $0x1  }
0xbf: {  	_ =	sfence.sel $0xFFFF  }
0xc0: {  	[dreg:$0x0] =	wrdreg $0xFFFFFFFF;
	(pc) =	sbr.abs _section_cstart, $3  }
0xc1: {  	[dreg:$0x1] =	wrdreg $0xFFFFFFFF  }
0xc2: {  	_ =	task.clear_ibuf [dreg:s7], $0x2FFFF;
	_ =	strace $0x9FFFFFFF  }
0xc3: {  	(tm) =	ssettm $0x7FFFFFFF  }
tec
execute0_lowered:
.L_overlay_start_1:
0x0: {  	(tag) =	ssettag $0x1  }
0x1: {  	s6 =	rddreg [dreg:$0x0]  }
0x2: {  	s0 =	srdreg.scid;
	s2 =	rddreg [dreg:$0x1]  }
0x3: {  	s3 =	rddreg [dreg:$0x2];
	s7 =	sand.u32 $0x1, s0  }
0x4: {  	s0 =	stileid.u32;
	s5 =	smul.u32 $0x4F000, s7  }
0x5: {  	s1 =	rddreg [dreg:$0x3];
	s4 =	simm.s32 $0x0;
	s8 =	smul.u32 $0x4F00, s0  }
0x6: {  	s13 =	simm.s32 $0x80;
	[smem:$0x7FF] =	sst s4;
	s9 =	smul.u32 $0x140000, s7  }
0x7: {  	s14 =	simm.s32 $0x0;
	s28 =	smul.u32 $0x14000, s0;
	_ =	strace $0x80000047  }
0x8: {  	s29 =	smul.u32 $0x50000, s0;
	s7 =	ssub.s32 $0x2, s7;
	s31 =	sshll.u32 s0, $0x6  }
0x9: {  	s30 =	sshrl.u32 s7, $0x1;
	s5 =	sadd.s32 s8, s5;
	s8 =	sadd.s32 s28, s9  }
0xa: {  	s9 =	sshrl.u32 s29, $0x2;
	s11 =	ssub.s32 s7, s30;
	s5 =	sshrl.u32 s5, $0x3  }
0xb: {  	s8 =	sshrl.u32 s8, $0x3;
	s12 =	sadd.s32 s9, s3;
	s9 =	simm.s32 $0x4F00  }
0xc: {  	s10 =	sadd.s32 s5, s6;
	s5 =	sadd.s32 $0x2D400, s6;
	s8 =	sadd.s32 s8, s6  }
0xd: {  	s12 =	sshrl.u32 s12, $0x3;
	s6 =	sadd.s32 $0x5C00, s10;
	s7 =	sadd.s32 $0x2FC00, s8  }
0xe: {  	s8 =	smax.u32 s11, $0x1;
	s10 =	simm.s32 $0x1;
	s11 =	sor.u32 $0x1C01, s31  }
.LBB2_1:
0xf: {  	[tilespmem:s9], [sflag:$0x1] =	stream.linear.gather [hbm4b:s2+s4], $0x4000, $0x38;
	[tilespmem:$0x1CF00] =	vst v63  }
0x10: {  	_ =	swait.ge [sflag:s10], $0x4000  }
0x11: {  	[sflag:s10] =	ssyncset.done $0x0  }
0x12: {  	[sflag:s10] =	ssyncadd.s32 $0xFFFFC000  }
0x13: {  	[spmem:s12], [sflag:s11] =	dma.local [hbm:s5], $0x2800  }
0x14: {  	_ =	swait.ge [sflag:s10], $0x2800  }
0x15: {  	[sflag:s10] =	ssyncset.done $0x0  }
0x16: {  	[sflag:s10] =	ssyncadd.s32 $0xFFFFD800  }
0x17: {  	[tilespmem:s4], [sflag:$0x1] =	stream.linear.gather [hbm4b:s6+s4], $0x4F00, $0x38;
	[tilespmem:$0x1CF00] =	vst v63  }
0x18: {  	_ =	swait.ge [sflag:s10], $0x4F00  }
0x19: {  	[sflag:s10] =	ssyncset.done $0x0  }
0x1a: {  	[sflag:s10] =	ssyncadd.s32 $0xFFFFB100  }
0x1b: {  	s15 =	simm.s32 $0x0;
	[bflag:$0x0] =	sbarrier.arrive $0xFFFF  }
0x1c: {  	[spmem:s3] =	stream.indirect.scatter.add.f32 [tilespmem:s9], [sflag:$0x1], $0x80, s15, s13, $0xb8;
	[tilespmem:$0x1CF00] =	vst v63  }
0x1d: {  	_ =	swait.ge [sflag:s10], $0x4000  }
0x1e: {  	[sflag:s10] =	ssyncset.done $0x0  }
0x1f: {  	s31 =	simm.s32 $0x80;
	[sflag:s10] =	ssyncadd.s32 $0xFFFFC000  }
0x20: {  	[spmem:s3] =	stream.indirect.scatter.add.f32 [tilespmem:s9], [sflag:$0x1], $0x80, s31, s13, $0xb8;
	[tilespmem:$0x1CF00] =	vst v63  }
0x21: {  	_ =	swait.ge [sflag:s10], $0x4000  }
0x22: {  	s16 =	simm.s32 $0x800;
	s15 =	simm.s32 $0x400;
	[sflag:s10] =	ssyncset.done $0x0  }
.LBB2_2:
0x23: {  	s17 =	sshra.s32 s15, $0x2  }
0x24: {  	[sflag:s10] =	ssyncadd.s32 $0xFFFFC000;
	s15 =	smov.u32 s16;
	s18 =	sadd.s32 $0x400, s16  }
0x25: {  	[spmem:s3] =	stream.indirect.scatter.add.f32 [tilespmem:s9], [sflag:$0x1], $0x80, s17, s13, $0xb8;
	[tilespmem:$0x1CF00] =	vst v63  }
0x26: {  	p0 =	sne.s32 s16, $0x13800;
	_ =	swait.ge [sflag:s10], $0x4000  }
.Ltmp0:
0x27: {  	[sflag:s10] =	ssyncset.done $0x0;
	(pc) =	sbr.rel @p0 .LBB2_2-.Ltmp0, $4  }
0x28: {  	s16 =	sadd.s32 $0x80, s17;
	[sflag:s10] =	ssyncadd.s32 $0xFFFFC000  }
0x29: {  	[spmem:s3] =	stream.indirect.scatter.add.f32 [tilespmem:s9], [sflag:$0x1], $0x80, s16, s13, $0xb8;
	[tilespmem:$0x1CF00] =	vst v63  }
0x2a: {  	_ =	swait.ge [sflag:s10], $0x4000  }
0x2b: {  	s16 =	smov.u32 s18;
	[sflag:s10] =	ssyncset.done $0x0  }
0x2c: {  	s15 =	sshra.s32 s15, $0x2;
	[sflag:s10] =	ssyncadd.s32 $0xFFFFC000  }
0x2d: {  	[spmem:s3] =	stream.indirect.scatter.add.f32 [tilespmem:s9], [sflag:$0x1], $0x80, s15, s13, $0xb8;
	[tilespmem:$0x1CF00] =	vst v63  }
0x2e: {  	_ =	swait.ge [sflag:s10], $0x4000  }
0x2f: {  	[sflag:s10] =	ssyncset.done $0x0  }
0x30: {  	s15 =	sadd.s32 $0x80, s15;
	[sflag:s10] =	ssyncadd.s32 $0xFFFFC000  }
0x31: {  	[spmem:s3] =	stream.indirect.scatter.add.f32 [tilespmem:s9], [sflag:$0x1], $0x80, s15, s13, $0xb8;
	[tilespmem:$0x1CF00] =	vst v63  }
0x32: {  	_ =	swait.ge [sflag:s10], $0x4000  }
0x33: {  	s14 =	sadd.s32 $0x1, s14;
	[sflag:s10] =	ssyncset.done $0x0  }
0x34: {  	p0 =	sne.s32 s14, s8;
	[sflag:s10] =	ssyncadd.s32 $0xFFFFC000  }
.Ltmp1:
0x35: {  	[bflag:$0x0] =	sbarrier.arrive $0xFFFF;
	(pc) =	sbr.rel @p0 .LBB2_1-.Ltmp1, $4  }
0x36: {  	[hbm:s7], [sflag:s11] =	dma.local [spmem:s12], $0x2800  }
0x37: {  	_ =	swait.ge [sflag:s10], $0x2800  }
0x38: {  	[sflag:s10] =	ssyncset.done $0x0  }
0x39: {  	[sflag:s10] =	ssyncadd.s32 $0xFFFFD800  }
0x3a: {  	_ =	sfence.sel $0x180000  }
0x3b: {  	[bflag:$0x0] =	sbarrier.arrive $0xFFFF  }
0x3c: {  	p0 =	sne.s32 s0, $0x0;
	_ =	strace $0x90000047  }
0x3d: {  	s0 =	sadd.s32 @!p0 $0x100000, s1;
	[bflag:$0x2] =	sbarrier.arrive $0xFFFF  }
0x3e: {  	[sflag:s0] =	ssyncadd.tile.s32 @!p0 $0x1;
	_ =	shalt  }
.Lfunc_end2:
_tile_overlayer_lowered:
.L_overlay_start_2:
0x3f: {  	(tag) =	ssettag $0x2  }
0x40: {  	s0 =	rddreg [dreg:$0x0];
	s2 =	stileid.u32  }
0x41: {  	s1 =	rddreg [dreg:$0x1];
	p0 =	sne.s32 s2, $0x0  }
0x42: {  	s3 =	rddreg [dreg:$0x2];
	[bflag:$0x3] =	sbarrier.arrive $0xFFFF;
	s2 =	simm.s32 @!p0 $0x1C01  }
0x43: {  	[timem:s3], [sflag:s2] =	dma.local @!p0 [hbm:s0], s1  }
0x44: {  	s0 =	simm.s32 @!p0 $0x1  }
0x45: {  	_ =	swait.ge @!p0 [sflag:s0], s1  }
0x46: {  	s1 =	ssub.s32 @!p0 $0x0, s1;
	[sflag:s0] =	ssyncset.done @!p0 $0x0  }
0x47: {  	[sflag:s0] =	ssyncadd.s32 @!p0 s1  }
0x48: {  	[bflag:$0x3] =	sbarrier.arrive $0xFFFF  }
0x49: {  	_ =	shalt  }

// kernel: kernel.16.cloned.1.call-start
scs
__scs_entry_jumppad:
0x0: {  	(pc) =	sbr.rel $0x88, $3  }
0x1: {  	(tag) =	ssettag $0x0;
	lr =	simm.s32 $0x1  }
0x2: {  	[smem:$0x3F83] =	sst lr;
	_ =	strace $0xD0000000  }
0x3: {  	_ = 	snop  }
0x4: {  	_ = 	snop  }
0x5: {  	_ = 	snop  }
0x6: {  	_ = 	snop  }
0x7: {  	_ = 	snop  }
__scs_overlays_trampoline_lowered:
0x8: {  	[smem:$0x3F92] =	sst s0  }
0x9: {  	[smem:$0x3F93] =	sst s1  }
0xa: {  	[smem:$0x3F94] =	sst s2  }
0xb: {  	[smem:$0x3F95] =	sst s3  }
0xc: {  	[smem:$0x3F96] =	sst s4  }
0xd: {  	[smem:$0x3F97] =	sst s5  }
0xe: {  	[smem:$0x3F98] =	sst s6  }
0xf: {  	[smem:$0x3F99] =	sst s7  }
0x10: {  	[smem:$0x3F9A] =	sst s8  }
0x11: {  	[smem:$0x3F9B] =	sst s9;
	s0 =	simm.s32 @!p0 $0x0  }
0x12: {  	s1 =	sld [smem:$0x3F81];
	s0 =	simm.s32 @p0 $0x1  }
0x13: {  	[smem:$0x3F9C] =	sst s0;
	s0 =	simm.s32 @!p1 $0x0  }
0x14: {  	s2 =	sld [smem:$0x3F80];
	s0 =	simm.s32 @p1 $0x1  }
0x15: {  	[smem:$0x3F9D] =	sst s0;
	s0 =	simm.s32 @!p2 $0x0  }
0x16: {  	s3 =	sld [smem:$0x3FDB];
	s0 =	simm.s32 @p2 $0x1  }
0x17: {  	s4 =	simm.s32 $0x1BF5;
	[smem:$0x3F9F] =	sst s0  }
0x18: {  	s0 =	sld [smem:$0x3F82];
	_ =	swait.ge [sflag:s4], $0x0  }
0x19: {  	s7 =	sld [smem:$0x3F83]  }
0x1a: {  	s8 =	sadd.s32 $0xFFFFE003, lr  }
0x1b: {  	s9 =	sadd.s32 $0xFFFFFEF7, lr;
	s5 =	simm.s32 $0xFFFFFFFF;
	p2 =	slt.u32 s8, $0xFFFFF086  }
0x1c: {  	p1 =	slt.u32 s9, $0xF7A;
	s5 =	simm.s32 @!p2 $0x0  }
0x1d: {  	s5 =	simm.s32 @p1 $0x1;
	p0 =	seq.s32 s7, s2  }
0x1e: {  	s7 =	smul.u32 @!p0 $0xF7A, s2;
	p2 =	seq.s32 @!p0 s5, $0x0  }
0x1f: {  	s9 =	smul.u32 $0xF7A, s1;
	s8 =	simm.s32 @!p0 $0x1BF5;
	p2 =	por !p2, p0  }
0x20: {  	[sflag:s8] =	ssyncset.s32 @!p0 $0xFFFFF086;
	s6 =	sadd.s32 @!p0 s3, s7;
	s7 =	simm.s32 @!p0 $0x108  }
0x21: {  	s3 =	sadd.s32 s3, s9;
	s6 =	sadd.s32 @!p0 $0x88, s6;
	s7 =	simm.s32 @p2 $0x1082  }
0x22: {  	[simem:s7], [sflag:s8] =	dma.local @!p0 [hbm:s6], $0xF7A  }
0x23: {  	s9 =	sor.u32 $0xD0000000, s2;
	s6 =	simm.s32 $0x108;
	_ =	swait.ge @!p0 [sflag:s8], $0x0  }
0x24: {  	s3 =	sadd.s32 $0x88, s3;
	s6 =	simm.s32 @!p1 $0x1082;
	[sflag:s4] =	ssyncset.s32 $0xFFFFF086  }
0x25: {  	[simem:s6], [sflag:s4] =	dma.local [hbm:s3], $0xF7A  }
0x26: {  	[smem:$0x3F83] =	sst s1;
	(tag) =	ssettag s2;
	_ =	strace s9  }
0x27: {  	s1 =	sld [smem:$0x3F93]  }
0x28: {  	s2 =	sld [smem:$0x3F94]  }
0x29: {  	s4 =	sld [smem:$0x3F96]  }
0x2a: {  	p0 =	seq.s32 s5, $0x0;
	s5 =	sld [smem:$0x3F97]  }
0x2b: {  	s6 =	sld [smem:$0x3F98]  }
0x2c: {  	s7 =	sld [smem:$0x3F99]  }
0x2d: {  	s3 =	simm.s32 $0x108;
	s8 =	sld [smem:$0x3F9A]  }
0x2e: {  	s3 =	simm.s32 @!p0 $0x1082;
	s9 =	sld [smem:$0x3F9B]  }
0x2f: {  	lr =	sadd.s32 s0, s3;
	s0 =	sld [smem:$0x3F92]  }
0x30: {  	s3 =	sld [smem:$0x3F95]  }
0x31: {  	[smem:$0x3F9E] =	sst s10  }
0x32: {  	s10 =	sld [smem:$0x3F9C];
	_ =	sdelay $0x3  }
0x33: {  	p0 =	seq.s32 s10, $0x1;
	s10 =	sld [smem:$0x3F9E];
	_ =	sdelay $0x3  }
0x34: {  	[smem:$0x3F9E] =	sst s10  }
0x35: {  	s10 =	sld [smem:$0x3F9D];
	_ =	sdelay $0x3  }
0x36: {  	p1 =	seq.s32 s10, $0x1;
	s10 =	sld [smem:$0x3F9E];
	_ =	sdelay $0x3  }
0x37: {  	[smem:$0x3F9E] =	sst s10  }
0x38: {  	s10 =	sld [smem:$0x3F9F]  }
0x39: {  	_ = 	snop;
	(pc) =	sbr.ind lr, $3  }
0x3a: {  	_ = 	snop  }
0x3b: {  	_ = 	snop  }
0x3c: {  	p2 =	seq.s32 s10, $0x1;
	s10 =	sld [smem:$0x3F9E]  }
0x3d: {  	_ =	shalt  }
0x3e: {  	_ =	shalt  }
0x3f: {  	_ =	shalt  }
0x40: {  	_ =	shalt  }
0x41: {  	_ =	shalt  }
0x42: {  	_ =	shalt  }
0x43: {  	_ =	shalt  }
0x44: {  	_ =	shalt  }
0x45: {  	_ =	shalt  }
0x46: {  	_ =	shalt  }
0x47: {  	_ =	shalt  }
0x48: {  	_ =	shalt  }
0x49: {  	_ =	shalt  }
0x4a: {  	_ =	shalt  }
0x4b: {  	_ =	shalt  }
0x4c: {  	_ =	shalt  }
0x4d: {  	_ =	shalt  }
0x4e: {  	_ =	shalt  }
0x4f: {  	_ =	shalt  }
0x50: {  	_ =	shalt  }
0x51: {  	_ =	shalt  }
0x52: {  	_ =	shalt  }
0x53: {  	_ =	shalt  }
0x54: {  	_ =	shalt  }
0x55: {  	_ =	shalt  }
0x56: {  	_ =	shalt  }
0x57: {  	_ =	shalt  }
0x58: {  	_ =	shalt  }
0x59: {  	_ =	shalt  }
0x5a: {  	_ =	shalt  }
0x5b: {  	_ =	shalt  }
0x5c: {  	_ =	shalt  }
0x5d: {  	_ =	shalt  }
0x5e: {  	_ =	shalt  }
0x5f: {  	_ =	shalt  }
0x60: {  	_ =	shalt  }
0x61: {  	_ =	shalt  }
0x62: {  	_ =	shalt  }
0x63: {  	_ =	shalt  }
0x64: {  	_ =	shalt  }
0x65: {  	_ =	shalt  }
0x66: {  	_ =	shalt  }
0x67: {  	_ =	shalt  }
0x68: {  	_ =	shalt  }
0x69: {  	_ =	shalt  }
0x6a: {  	_ =	shalt  }
0x6b: {  	_ =	shalt  }
0x6c: {  	_ =	shalt  }
0x6d: {  	_ =	shalt  }
0x6e: {  	_ =	shalt  }
0x6f: {  	_ =	shalt  }
0x70: {  	_ =	shalt  }
0x71: {  	_ =	shalt  }
0x72: {  	_ =	shalt  }
0x73: {  	_ =	shalt  }
0x74: {  	_ =	shalt  }
0x75: {  	_ =	shalt  }
0x76: {  	_ =	shalt  }
0x77: {  	_ =	shalt  }
0x78: {  	_ =	shalt  }
0x79: {  	_ =	shalt  }
0x7a: {  	_ =	shalt  }
0x7b: {  	_ =	shalt  }
0x7c: {  	_ =	shalt  }
0x7d: {  	_ =	shalt  }
0x7e: {  	_ =	shalt  }
0x7f: {  	_ =	shalt  }
0x80: {  	_ =	shalt  }
0x81: {  	_ =	shalt  }
0x82: {  	_ =	shalt  }
0x83: {  	_ =	shalt  }
0x84: {  	_ =	shalt  }
0x85: {  	_ =	shalt  }
0x86: {  	_ =	shalt  }
0x87: {  	_ =	shalt  }
.Lfunc_end0:
.L_simem_size_0:
called_computation.1_lowered:
.L_overlay_start_0:
0x88: {  	s2 =	sld [smem:$0x3FD9]  }
0x89: {  	s3 =	sld [smem:$0x3FFE];
	_ =	sdelay $0x1  }
0x8a: {  	s1 =	srdreg.scid  }
0x8b: {  	s0 =	sand.u32 $0x1, s1  }
0x8c: {  	s16 =	sshll.u32 s0, $0xA;
	s2 =	sadd.s32 s3, s2  }
0x8d: {  	s2 =	sadd.s32 s2, s16  }
0x8e: {  	[smem:$0x3FAA] =	sst s2  }
0x8f: {  	_ = 	snop  }
0x90: {  	(tm) =	ssettm $0x1  }
0x91: {  	s17 =	sld [smem:$0x3FFB];
	_ =	sdelay $0x3  }
0x92: {  	_ =	strace s17  }
0x93: {  	s2 =	sld [smem:$0x3FFC];
	_ =	sdelay $0x3  }
0x94: {  	_ =	strace s2  }
0x95: {  	s2 =	sld [smem:$0x3FFD];
	_ =	sdelay $0x3  }
0x96: {  	_ =	strace s2  }
0x97: {  	_ =	strace $0x8FFFFFFF  }
0x98: {  	s18 =	sld [smem:$0x3FDB];
	_ =	sdelay $0x1  }
0x99: {  	s19 =	simm.s32 $_scs_section_size  }
0x9a: {  	s4 =	simm.s32 $_size__tile_overlayer_lowered;
	s5 =	simm.s32 $_tile_overlayer_lowered  }
0x9b: {  	s22 =	simm.s32 $0x1BFF;
	s21 =	sshll.u32 s5, $0x1;
	s2 =	sadd.s32 s19, s18  }
0x9c: {  	s6 =	simm.s32 $0x0;
	s20 =	sshll.u32 s4, $0x1;
	s4 =	sadd.s32 s21, s2  }
0x9d: {  	[timem:s6], [sflag:s22] =	dma.local [hbm:s4], s20  }
0x9e: {  	_ =	swait.ge [sflag:s22], s20  }
0x9f: {  	s3 =	ssub.s32 $0x0, s20;
	[sflag:s22] =	ssyncset.done $0x0  }
0xa0: {  	[sflag:s22] =	ssyncadd.s32 s3;
	_ =	sdelay $0x1  }
0xa1: {  	s23 =	simm.s32 $0x1B8B  }
0xa2: {  	_ =	swait.ge [sflag:s23], $0x1  }
0xa3: {  	[sflag:s23] =	ssyncset.done $0x0  }
0xa4: {  	s25 =	simm.s32 $0x1B8E;
	s24 =	sld [smem:$0x3FFE];
	[sflag:s23] =	ssyncadd.s32 $0xFFFFFFFF  }
0xa5: {  	s26 =	simm.s32 $execute0_lowered;
	[smem:$0x3FD2] =	sst s25  }
0xa6: {  	s4 =	sshll.u32 s26, $0x1;
	_ =	strace $0x80000049;
	[dreg:$0x1] =	wrdreg $0xFFFFFFFF  }
0xa7: {  	s28 =	simm.s32 $_size_execute0_lowered;
	s2 =	sadd.s32 s2, s4;
	[dreg:$0x0] =	wrdreg $0x0  }
0xa8: {  	s4 =	sshll.u32 s28, $0x1;
	[dreg:$0x2] =	wrdreg s2  }
0xa9: {  	[dreg:$0x3] =	wrdreg s4  }
0xaa: {  	[dreg:$0x4] =	wrdreg $0xC0  }
0xab: {  	_ =	task [dreg:s6], $0x5FFFF  }
0xac: {  	[dreg:$0x1] =	wrdreg $0xFFFFFFFF  }
0xad: {  	[dreg:$0x0] =	wrdreg $0x60  }
0xae: {  	[dreg:$0x2] =	wrdreg s24  }
0xaf: {  	[dreg:$0x3] =	wrdreg $0x84000  }
0xb0: {  	[dreg:$0x4] =	wrdreg $0x9  }
0xb1: {  	_ =	task.clear_ibuf [dreg:s6], $0x5FFFF;
	_ =	strace $0x90000049  }
0xb2: {  	s29 =	simm.s32 $0x9;
	_ =	strace $0x8000004B  }
0xb3: {  	_ =	swait.ge [sflag:s29], $0x1  }
0xb4: {  	[sflag:s29] =	ssyncadd.s32 $0xFFFFFFFF  }
0xb5: {  	_ =	strace $0x9000004B  }
0xb6: {  	_ =	sfence  }
0xb7: {  	s30 =	sld [smem:$0x0];
	_ =	sdelay $0x2  }
0xb8: {  	s31 =	sshll.u32 s1, $0xD;
	s1 =	sshrl.u32 s1, $0x2  }
0xb9: {  	s3 =	sand.u32 $0x4000, s31;
	s1 =	sadd.s32 s1, s30  }
0xba: {  	s0 =	sor.u32 s3, s0;
	s1 =	sshll.u32 s1, $0x11  }
0xbb: {  	s0 =	sor.u32 s1, s0  }
0xbc: {  	s0 =	sadd.s32 $0x8F2B, s0  }
0xbd: {  	[sflag:s0] =	ssyncadd.remote.s32 $0x1  }
0xbe: {  	_ =	sfence.sel $0xFFFF  }
0xbf: {  	[dreg:$0x0] =	wrdreg $0xFFFFFFFF;
	(pc) =	sbr.abs _section_cstart, $3  }
0xc0: {  	[dreg:$0x1] =	wrdreg $0xFFFFFFFF  }
0xc1: {  	_ =	task.clear_ibuf [dreg:s6], $0x2FFFF;
	_ =	strace $0x9FFFFFFF  }
0xc2: {  	(tm) =	ssettm $0x7FFFFFFF  }
0xc3: {  	_ =	shalt  }
tec
execute0_lowered:
.L_overlay_start_1:
0x0: {  	(tag) =	ssettag $0x1  }
0x1: {  	s0 =	rddreg [dreg:$0x0]  }
0x2: {  	s2 =	rddreg [dreg:$0x1];
	s3 =	simm.s32 $0x0  }
0x3: {  	s1 =	srdreg.scid;
	s7 =	stileid.u32;
	s17 =	simm.s32 $0x6  }
0x4: {  	s19 =	simm.s32 $0x5;
	s20 =	simm.s32 $0x80;
	s21 =	simm.s32 $0x400  }
0x5: {  	s22 =	simm.s32 $0x4400;
	s28 =	simm.s32 $0x3;
	s29 =	simm.s32 $0x4  }
0x6: {  	s30 =	simm.s32 $0x0;
	[smem:$0x7FF] =	sst s3;
	s8 =	smul.u32 $0x2800, s7  }
0x7: {  	s1 =	sand.u32 $0x1, s1;
	s4 =	sadd.s32 $0x7FC00, s0;
	s23 =	smul.u32 $0x4F00, s7  }
0x8: {  	s5 =	sadd.s32 $0x19800, s0;
	s6 =	sadd.s32 $0x5C00, s0;
	s12 =	smul.u32 $0x50000, s7  }
0x9: {  	s11 =	sadd.s32 $0x2D400, s0;
	s26 =	sshll.u32 s7, $0x6;
	s9 =	smul.u32 $0x28000, s1  }
0xa: {  	_ =	strace $0x8000004A;
	s10 =	smul.u32 $0x4F000, s1;
	s1 =	ssub.s32 $0x2, s1  }
0xb: {  	[dreg:$0x3] =	wrdreg s11;
	s24 =	sshrl.u32 s1, $0x1;
	s25 =	sshrl.u32 s12, $0x2  }
0xc: {  	s8 =	sadd.s32 s8, s9;
	s1 =	ssub.s32 s1, s24;
	s13 =	sadd.s32 s23, s10  }
0xd: {  	s16 =	sadd.s32 s25, s2;
	s25 =	simm.s32 $0x1;
	s0 =	sadd.s32 s8, s0  }
0xe: {  	s10 =	sshrl.u32 s13, $0x3;
	s8 =	sor.u32 $0x1C06, s26;
	s13 =	sadd.s32 $0x200, s13  }
0xf: {  	s15 =	smax.u32 s1, $0x1;
	s16 =	sshrl.u32 s16, $0x3;
	s26 =	simm.s32 $0x2  }
0x10: {  	s31 =	sadd.s32 $0x20, s10;
	s9 =	sadd.s32 s5, s10;
	s10 =	sadd.s32 s6, s10  }
0x11: {  	s14 =	sadd.s32 $0xCFC00, s0;
	s11 =	sadd.s32 s5, s31;
	s12 =	sadd.s32 s6, s31  }
.LBB2_1:
0x12: {  	s0 =	rddreg [dreg:$0x3]  }
0x13: {  	[spmem:s16], [sflag:s8] =	dma.local [hbm:s0], $0x2800  }
0x14: {  	_ =	swait.ge [sflag:s17], $0x2800  }
0x15: {  	[sflag:s17] =	ssyncset.done $0x0  }
0x16: {  	[sflag:s17] =	ssyncadd.s32 $0xFFFFD800  }
0x17: {  	[bflag:$0x0] =	sbarrier.arrive $0xFFFF  }
0x18: {  	[tilespmem:s3], [sflag:$0x5] =	stream.linear.gather [hbm4b:s9+s3], $0x100, $0x38;
	[tilespmem:$0x1C400] =	vst v63  }
0x19: {  	s23 =	simm.s32 $0x200  }
0x1a: {  	[tilespmem:s23], [sflag:$0x5] =	stream.linear.gather [hbm4b:s10+s3], $0x100, $0x38;
	[tilespmem:$0x1C400] =	vst v63  }
0x1b: {  	_ =	swait.ge [sflag:s19], $0x100  }
0x1c: {  	[sflag:s19] =	ssyncset.done $0x0  }
0x1d: {  	[sflag:s19] =	ssyncadd.s32 $0xFFFFFF00  }
0x1e: {  	_ =	swait.ge [sflag:s19], $0x100  }
0x1f: {  	[sflag:s19] =	ssyncset.done $0x0  }
0x20: {  	[sflag:s19] =	ssyncadd.s32 $0xFFFFFF00  }
0x21: {  	[tilespmem:s21], [sflag:$0x1] =	stream.indirect.gather [hbm4b:s4+s20], $0x80, s3, s20, $0xb8;
	[tilespmem:$0x1C400] =	vst v63  }
0x22: {  	_ = 	snop  }
0x23: {  	[tilespmem:s22], [sflag:$0x2] =	stream.indirect.gather [hbm4b:s4+s20], $0x80, s20, s20, $0xb8;
	[tilespmem:$0x1C400] =	vst v63  }
0x24: {  	s24 =	simm.s32 $0x100  }
0x25: {  	[tilespmem:s24], [sflag:$0x5] =	stream.linear.gather [hbm4b:s11+s3], $0x100, $0x38;
	[tilespmem:$0x1C400] =	vst v63  }
0x26: {  	s1 =	simm.s32 $0x300  }
0x27: {  	[tilespmem:s1], [sflag:$0x5] =	stream.linear.gather [hbm4b:s12+s3], $0x100, $0x38;
	[tilespmem:$0x1C400] =	vst v63  }
0x28: {  	_ =	swait.ge [sflag:s25], $0x4000  }
0x29: {  	s0 =	sand.u32 $0x100, s3;
	[sflag:s25] =	ssyncset.done $0x0  }
0x2a: {  	s31 =	sor.u32 $0x200, s0;
	[sflag:s25] =	ssyncadd.s32 $0xFFFFC000  }
0x2b: {  	[spmem:s2] =	stream.indirect.scatter.add.f32 [tilespmem:s21], [sflag:$0x3], $0x80, s31, s20, $0xb8;
	[tilespmem:$0x1C400] =	vst v63  }
0x2c: {  	_ =	swait.ge [sflag:s26], $0x4000  }
0x2d: {  	[sflag:s26] =	ssyncset.done $0x0  }
0x2e: {  	s1 =	sor.u32 $0x280, s0;
	[sflag:s26] =	ssyncadd.s32 $0xFFFFC000  }
0x2f: {  	[spmem:s2] =	stream.indirect.scatter.add.f32 [tilespmem:s22], [sflag:$0x4], $0x80, s1, s20, $0xb8;
	[tilespmem:$0x1C400] =	vst v63  }
0x30: {  	_ =	swait.ge [sflag:s19], $0x100  }
0x31: {  	[sflag:s19] =	ssyncset.done $0x0  }
0x32: {  	[sflag:s19] =	ssyncadd.s32 $0xFFFFFF00  }
0x33: {  	_ =	swait.ge [sflag:s19], $0x100  }
0x34: {  	[sflag:s19] =	ssyncset.done $0x0  }
0x35: {  	[sflag:s19] =	ssyncadd.s32 $0xFFFFFF00  }
0x36: {  	_ =	swait.ge [sflag:s28], $0x4000  }
0x37: {  	[sflag:s28] =	ssyncset.done $0x0  }
0x38: {  	s18 =	smin.u32 s3, $0x4C;
	s7 =	sxor.u32 $0x100, s0;
	[sflag:s28] =	ssyncadd.s32 $0xFFFFC000  }
0x39: {  	[tilespmem:s21], [sflag:$0x1] =	stream.indirect.gather [hbm4b:s4+s20], $0x80, s7, s20, $0xb8;
	[tilespmem:$0x1C400] =	vst v63  }
0x3a: {  	s18 =	sshll.u32 s18, $0x8;
	_ =	swait.ge [sflag:s29], $0x4000  }
0x3b: {  	s1 =	sadd.s32 s18, s13;
	[sflag:s29] =	ssyncset.done $0x0  }
0x3c: {  	s23 =	sxor.u32 $0x180, s0;
	s1 =	sshrl.u32 s1, $0x3;
	[sflag:s29] =	ssyncadd.s32 $0xFFFFC000  }
0x3d: {  	[tilespmem:s22], [sflag:$0x2] =	stream.indirect.gather [hbm4b:s4+s20], $0x80, s23, s20, $0xb8;
	[tilespmem:$0x1C400] =	vst v63  }
0x3e: {  	s24 =	sadd.s32 s5, s1  }
0x3f: {  	[tilespmem:s0], [sflag:$0x5] =	stream.linear.gather [hbm4b:s24+s3], $0x100, $0x38;
	[tilespmem:$0x1C400] =	vst v63  }
0x40: {  	s18 =	sadd.s32 s6, s1;
	s1 =	simm.s32 $0x0;
	s0 =	simm.s32 $0x1  }
.LBB2_2:
0x41: {  	p0 =	sne.s32 s0, $0x4E  }
0x42: {  	s1 =	sadd.s32 $0x100, s1;
	s23 =	smov.u32 s0;
	s0 =	sadd.s32 $0x1, s0  }
0x43: {  	[tilespmem:s31], [sflag:$0x5] =	stream.linear.gather [hbm4b:s18+s3], $0x100, $0x38;
	[tilespmem:$0x1C400] =	vst v63  }
0x44: {  	s24 =	sand.u32 $0x100, s1;
	_ =	swait.ge [sflag:s25], $0x4000  }
0x45: {  	s31 =	sor.u32 $0x200, s24;
	[sflag:s25] =	ssyncset.done $0x0  }
0x46: {  	[sflag:s25] =	ssyncadd.s32 $0xFFFFC000  }
0x47: {  	[spmem:s2] =	stream.indirect.scatter.add.f32 [tilespmem:s21], [sflag:$0x3], $0x80, s31, s20, $0xb8;
	[tilespmem:$0x1C400] =	vst v63  }
0x48: {  	_ =	swait.ge [sflag:s26], $0x4000  }
0x49: {  	s18 =	sor.u32 $0x280, s24;
	[sflag:s26] =	ssyncset.done $0x0  }
0x4a: {  	[sflag:s26] =	ssyncadd.s32 $0xFFFFC000  }
0x4b: {  	[spmem:s2] =	stream.indirect.scatter.add.f32 [tilespmem:s22], [sflag:$0x4], $0x80, s18, s20, $0xb8;
	[tilespmem:$0x1C400] =	vst v63  }
0x4c: {  	_ =	swait.ge [sflag:s19], $0x100  }
0x4d: {  	[sflag:s19] =	ssyncset.done $0x0  }
0x4e: {  	[sflag:s19] =	ssyncadd.s32 $0xFFFFFF00  }
0x4f: {  	_ =	swait.ge [sflag:s19], $0x100  }
0x50: {  	[sflag:s19] =	ssyncset.done $0x0  }
0x51: {  	[sflag:s19] =	ssyncadd.s32 $0xFFFFFF00  }
0x52: {  	_ =	swait.ge [sflag:s28], $0x4000  }
0x53: {  	s18 =	sxor.u32 $0x100, s24;
	[sflag:s28] =	ssyncset.done $0x0  }
0x54: {  	s23 =	smin.u32 s23, $0x4C;
	[sflag:s28] =	ssyncadd.s32 $0xFFFFC000  }
0x55: {  	[tilespmem:s21], [sflag:$0x1] =	stream.indirect.gather [hbm4b:s4+s20], $0x80, s18, s20, $0xb8;
	[tilespmem:$0x1C400] =	vst v63  }
0x56: {  	s23 =	sshll.u32 s23, $0x8;
	s18 =	sxor.u32 $0x180, s24;
	_ =	swait.ge [sflag:s29], $0x4000  }
.Ltmp0:
0x57: {  	s23 =	sadd.s32 s23, s13;
	[sflag:s29] =	ssyncset.done $0x0;
	(pc) =	sbr.rel @p0 .LBB2_2-.Ltmp0, $4  }
0x58: {  	s23 =	sshrl.u32 s23, $0x3;
	[sflag:s29] =	ssyncadd.s32 $0xFFFFC000  }
0x59: {  	[tilespmem:s22], [sflag:$0x2] =	stream.indirect.gather [hbm4b:s4+s20], $0x80, s18, s20, $0xb8;
	[tilespmem:$0x1C400] =	vst v63  }
0x5a: {  	s7 =	sadd.s32 s5, s23;
	s18 =	sadd.s32 s6, s23  }
0x5b: {  	[tilespmem:s24], [sflag:$0x5] =	stream.linear.gather [hbm4b:s7+s3], $0x100, $0x38;
	[tilespmem:$0x1C400] =	vst v63  }
0x5c: {  	[tilespmem:s31], [sflag:$0x5] =	stream.linear.gather [hbm4b:s18+s3], $0x100, $0x38;
	[tilespmem:$0x1C400] =	vst v63  }
0x5d: {  	_ =	swait.ge [sflag:s25], $0x4000  }
0x5e: {  	[sflag:s25] =	ssyncset.done $0x0  }
0x5f: {  	[sflag:s25] =	ssyncadd.s32 $0xFFFFC000  }
0x60: {  	_ =	swait.ge [sflag:s26], $0x4000  }
0x61: {  	[sflag:s26] =	ssyncset.done $0x0  }
0x62: {  	[sflag:s26] =	ssyncadd.s32 $0xFFFFC000  }
0x63: {  	_ =	swait.ge [sflag:s19], $0x100  }
0x64: {  	[sflag:s19] =	ssyncset.done $0x0  }
0x65: {  	[sflag:s19] =	ssyncadd.s32 $0xFFFFFF00  }
0x66: {  	_ =	swait.ge [sflag:s19], $0x100  }
0x67: {  	s30 =	sadd.s32 $0x1, s30;
	[sflag:s19] =	ssyncset.done $0x0  }
0x68: {  	p0 =	sne.s32 s30, s15;
	[sflag:s19] =	ssyncadd.s32 $0xFFFFFF00  }
.Ltmp1:
0x69: {  	[bflag:$0x0] =	sbarrier.arrive $0xFFFF;
	(pc) =	sbr.rel @p0 .LBB2_1-.Ltmp1, $4  }
0x6a: {  	[hbm:s14], [sflag:s8] =	dma.local [spmem:s16], $0x2800  }
0x6b: {  	_ =	swait.ge [sflag:s17], $0x2800  }
0x6c: {  	[sflag:s17] =	ssyncset.done $0x0  }
0x6d: {  	[sflag:s17] =	ssyncadd.s32 $0xFFFFD800  }
0x6e: {  	_ =	sfence.sel $0x180000  }
0x6f: {  	[bflag:$0x0] =	sbarrier.arrive $0xFFFF  }
0x70: {  	_ =	strace $0x9000004A  }
0x71: {  	s0 =	stileid.u32;
	[bflag:$0x2] =	sbarrier.arrive $0xFFFF  }
0x72: {  	p0 =	sne.s32 s0, $0x0;
	s0 =	rddreg [dreg:$0x2]  }
0x73: {  	s0 =	sadd.s32 @!p0 $0x100000, s0  }
0x74: {  	[sflag:s0] =	ssyncadd.tile.s32 @!p0 $0x1;
	_ =	shalt  }
.Lfunc_end2:
_tile_overlayer_lowered:
.L_overlay_start_2:
0x75: {  	(tag) =	ssettag $0x2  }
0x76: {  	s0 =	rddreg [dreg:$0x0];
	s2 =	stileid.u32  }
0x77: {  	s1 =	rddreg [dreg:$0x1];
	p0 =	sne.s32 s2, $0x0  }
0x78: {  	s3 =	rddreg [dreg:$0x2];
	[bflag:$0x3] =	sbarrier.arrive $0xFFFF;
	s2 =	simm.s32 @!p0 $0x1C06  }
0x79: {  	[timem:s3], [sflag:s2] =	dma.local @!p0 [hbm:s0], s1  }
0x7a: {  	s0 =	simm.s32 @!p0 $0x6  }
0x7b: {  	_ =	swait.ge @!p0 [sflag:s0], s1  }
0x7c: {  	s1 =	ssub.s32 @!p0 $0x0, s1;
	[sflag:s0] =	ssyncset.done @!p0 $0x0  }
0x7d: {  	[sflag:s0] =	ssyncadd.s32 @!p0 s1  }
0x7e: {  	[bflag:$0x3] =	sbarrier.arrive $0xFFFF  }
0x7f: {  	_ =	shalt  }

// kernel: kernel.19.cloned.1.call-start
scs
__scs_entry_jumppad:
0x0: {  	(pc) =	sbr.rel $0x88, $3  }
0x1: {  	(tag) =	ssettag $0x0;
	lr =	simm.s32 $0x1  }
0x2: {  	[smem:$0x3F83] =	sst lr;
	_ =	strace $0xD0000000  }
0x3: {  	_ = 	snop  }
0x4: {  	_ = 	snop  }
0x5: {  	_ = 	snop  }
0x6: {  	_ = 	snop  }
0x7: {  	_ = 	snop  }
__scs_overlays_trampoline_lowered:
0x8: {  	[smem:$0x3F92] =	sst s0  }
0x9: {  	[smem:$0x3F93] =	sst s1  }
0xa: {  	[smem:$0x3F94] =	sst s2  }
0xb: {  	[smem:$0x3F95] =	sst s3  }
0xc: {  	[smem:$0x3F96] =	sst s4  }
0xd: {  	[smem:$0x3F97] =	sst s5  }
0xe: {  	[smem:$0x3F98] =	sst s6  }
0xf: {  	[smem:$0x3F99] =	sst s7  }
0x10: {  	[smem:$0x3F9A] =	sst s8  }
0x11: {  	[smem:$0x3F9B] =	sst s9;
	s0 =	simm.s32 @!p0 $0x0  }
0x12: {  	s1 =	sld [smem:$0x3F81];
	s0 =	simm.s32 @p0 $0x1  }
0x13: {  	[smem:$0x3F9C] =	sst s0;
	s0 =	simm.s32 @!p1 $0x0  }
0x14: {  	s2 =	sld [smem:$0x3F80];
	s0 =	simm.s32 @p1 $0x1  }
0x15: {  	[smem:$0x3F9D] =	sst s0;
	s0 =	simm.s32 @!p2 $0x0  }
0x16: {  	s3 =	sld [smem:$0x3FDB];
	s0 =	simm.s32 @p2 $0x1  }
0x17: {  	s4 =	simm.s32 $0x1BF5;
	[smem:$0x3F9F] =	sst s0  }
0x18: {  	s0 =	sld [smem:$0x3F82];
	_ =	swait.ge [sflag:s4], $0x0  }
0x19: {  	s7 =	sld [smem:$0x3F83]  }
0x1a: {  	s8 =	sadd.s32 $0xFFFFE003, lr  }
0x1b: {  	s9 =	sadd.s32 $0xFFFFFEF7, lr;
	s5 =	simm.s32 $0xFFFFFFFF;
	p2 =	slt.u32 s8, $0xFFFFF086  }
0x1c: {  	p1 =	slt.u32 s9, $0xF7A;
	s5 =	simm.s32 @!p2 $0x0  }
0x1d: {  	s5 =	simm.s32 @p1 $0x1;
	p0 =	seq.s32 s7, s2  }
0x1e: {  	s7 =	smul.u32 @!p0 $0xF7A, s2;
	p2 =	seq.s32 @!p0 s5, $0x0  }
0x1f: {  	s9 =	smul.u32 $0xF7A, s1;
	s8 =	simm.s32 @!p0 $0x1BF5;
	p2 =	por !p2, p0  }
0x20: {  	[sflag:s8] =	ssyncset.s32 @!p0 $0xFFFFF086;
	s6 =	sadd.s32 @!p0 s3, s7;
	s7 =	simm.s32 @!p0 $0x108  }
0x21: {  	s3 =	sadd.s32 s3, s9;
	s6 =	sadd.s32 @!p0 $0x88, s6;
	s7 =	simm.s32 @p2 $0x1082  }
0x22: {  	[simem:s7], [sflag:s8] =	dma.local @!p0 [hbm:s6], $0xF7A  }
0x23: {  	s9 =	sor.u32 $0xD0000000, s2;
	s6 =	simm.s32 $0x108;
	_ =	swait.ge @!p0 [sflag:s8], $0x0  }
0x24: {  	s3 =	sadd.s32 $0x88, s3;
	s6 =	simm.s32 @!p1 $0x1082;
	[sflag:s4] =	ssyncset.s32 $0xFFFFF086  }
0x25: {  	[simem:s6], [sflag:s4] =	dma.local [hbm:s3], $0xF7A  }
0x26: {  	[smem:$0x3F83] =	sst s1;
	(tag) =	ssettag s2;
	_ =	strace s9  }
0x27: {  	s1 =	sld [smem:$0x3F93]  }
0x28: {  	s2 =	sld [smem:$0x3F94]  }
0x29: {  	s4 =	sld [smem:$0x3F96]  }
0x2a: {  	p0 =	seq.s32 s5, $0x0;
	s5 =	sld [smem:$0x3F97]  }
0x2b: {  	s6 =	sld [smem:$0x3F98]  }
0x2c: {  	s7 =	sld [smem:$0x3F99]  }
0x2d: {  	s3 =	simm.s32 $0x108;
	s8 =	sld [smem:$0x3F9A]  }
0x2e: {  	s3 =	simm.s32 @!p0 $0x1082;
	s9 =	sld [smem:$0x3F9B]  }
0x2f: {  	lr =	sadd.s32 s0, s3;
	s0 =	sld [smem:$0x3F92]  }
0x30: {  	s3 =	sld [smem:$0x3F95]  }
0x31: {  	[smem:$0x3F9E] =	sst s10  }
0x32: {  	s10 =	sld [smem:$0x3F9C];
	_ =	sdelay $0x3  }
0x33: {  	p0 =	seq.s32 s10, $0x1;
	s10 =	sld [smem:$0x3F9E];
	_ =	sdelay $0x3  }
0x34: {  	[smem:$0x3F9E] =	sst s10  }
0x35: {  	s10 =	sld [smem:$0x3F9D];
	_ =	sdelay $0x3  }
0x36: {  	p1 =	seq.s32 s10, $0x1;
	s10 =	sld [smem:$0x3F9E];
	_ =	sdelay $0x3  }
0x37: {  	[smem:$0x3F9E] =	sst s10  }
0x38: {  	s10 =	sld [smem:$0x3F9F]  }
0x39: {  	_ = 	snop;
	(pc) =	sbr.ind lr, $3  }
0x3a: {  	_ = 	snop  }
0x3b: {  	_ = 	snop  }
0x3c: {  	p2 =	seq.s32 s10, $0x1;
	s10 =	sld [smem:$0x3F9E]  }
0x3d: {  	_ =	shalt  }
0x3e: {  	_ =	shalt  }
0x3f: {  	_ =	shalt  }
0x40: {  	_ =	shalt  }
0x41: {  	_ =	shalt  }
0x42: {  	_ =	shalt  }
0x43: {  	_ =	shalt  }
0x44: {  	_ =	shalt  }
0x45: {  	_ =	shalt  }
0x46: {  	_ =	shalt  }
0x47: {  	_ =	shalt  }
0x48: {  	_ =	shalt  }
0x49: {  	_ =	shalt  }
0x4a: {  	_ =	shalt  }
0x4b: {  	_ =	shalt  }
0x4c: {  	_ =	shalt  }
0x4d: {  	_ =	shalt  }
0x4e: {  	_ =	shalt  }
0x4f: {  	_ =	shalt  }
0x50: {  	_ =	shalt  }
0x51: {  	_ =	shalt  }
0x52: {  	_ =	shalt  }
0x53: {  	_ =	shalt  }
0x54: {  	_ =	shalt  }
0x55: {  	_ =	shalt  }
0x56: {  	_ =	shalt  }
0x57: {  	_ =	shalt  }
0x58: {  	_ =	shalt  }
0x59: {  	_ =	shalt  }
0x5a: {  	_ =	shalt  }
0x5b: {  	_ =	shalt  }
0x5c: {  	_ =	shalt  }
0x5d: {  	_ =	shalt  }
0x5e: {  	_ =	shalt  }
0x5f: {  	_ =	shalt  }
0x60: {  	_ =	shalt  }
0x61: {  	_ =	shalt  }
0x62: {  	_ =	shalt  }
0x63: {  	_ =	shalt  }
0x64: {  	_ =	shalt  }
0x65: {  	_ =	shalt  }
0x66: {  	_ =	shalt  }
0x67: {  	_ =	shalt  }
0x68: {  	_ =	shalt  }
0x69: {  	_ =	shalt  }
0x6a: {  	_ =	shalt  }
0x6b: {  	_ =	shalt  }
0x6c: {  	_ =	shalt  }
0x6d: {  	_ =	shalt  }
0x6e: {  	_ =	shalt  }
0x6f: {  	_ =	shalt  }
0x70: {  	_ =	shalt  }
0x71: {  	_ =	shalt  }
0x72: {  	_ =	shalt  }
0x73: {  	_ =	shalt  }
0x74: {  	_ =	shalt  }
0x75: {  	_ =	shalt  }
0x76: {  	_ =	shalt  }
0x77: {  	_ =	shalt  }
0x78: {  	_ =	shalt  }
0x79: {  	_ =	shalt  }
0x7a: {  	_ =	shalt  }
0x7b: {  	_ =	shalt  }
0x7c: {  	_ =	shalt  }
0x7d: {  	_ =	shalt  }
0x7e: {  	_ =	shalt  }
0x7f: {  	_ =	shalt  }
0x80: {  	_ =	shalt  }
0x81: {  	_ =	shalt  }
0x82: {  	_ =	shalt  }
0x83: {  	_ =	shalt  }
0x84: {  	_ =	shalt  }
0x85: {  	_ =	shalt  }
0x86: {  	_ =	shalt  }
0x87: {  	_ =	shalt  }
.Lfunc_end0:
.L_simem_size_0:
called_computation.2_lowered:
.L_overlay_start_0:
0x88: {  	s2 =	sld [smem:$0x3FD9]  }
0x89: {  	s3 =	sld [smem:$0x3FFE];
	_ =	sdelay $0x1  }
0x8a: {  	s1 =	srdreg.scid  }
0x8b: {  	s0 =	sand.u32 $0x1, s1  }
0x8c: {  	s16 =	sshll.u32 s0, $0xA;
	s2 =	sadd.s32 s3, s2  }
0x8d: {  	s2 =	sadd.s32 s2, s16  }
0x8e: {  	[smem:$0x3FAA] =	sst s2  }
0x8f: {  	_ = 	snop  }
0x90: {  	(tm) =	ssettm $0x1  }
0x91: {  	s17 =	sld [smem:$0x3FFB];
	_ =	sdelay $0x3  }
0x92: {  	_ =	strace s17  }
0x93: {  	s2 =	sld [smem:$0x3FFC];
	_ =	sdelay $0x3  }
0x94: {  	_ =	strace s2  }
0x95: {  	s2 =	sld [smem:$0x3FFD];
	_ =	sdelay $0x3  }
0x96: {  	_ =	strace s2  }
0x97: {  	_ =	strace $0x8FFFFFFF  }
0x98: {  	s18 =	sld [smem:$0x3FDB];
	_ =	sdelay $0x1  }
0x99: {  	s19 =	simm.s32 $_scs_section_size  }
0x9a: {  	s4 =	simm.s32 $_size__tile_overlayer_lowered;
	s5 =	simm.s32 $_tile_overlayer_lowered  }
0x9b: {  	s22 =	simm.s32 $0x1BFF;
	s21 =	sshll.u32 s5, $0x1;
	s2 =	sadd.s32 s19, s18  }
0x9c: {  	s6 =	simm.s32 $0x0;
	s20 =	sshll.u32 s4, $0x1;
	s4 =	sadd.s32 s21, s2  }
0x9d: {  	[timem:s6], [sflag:s22] =	dma.local [hbm:s4], s20  }
0x9e: {  	_ =	swait.ge [sflag:s22], s20  }
0x9f: {  	s3 =	ssub.s32 $0x0, s20;
	[sflag:s22] =	ssyncset.done $0x0  }
0xa0: {  	[sflag:s22] =	ssyncadd.s32 s3;
	_ =	sdelay $0x1  }
0xa1: {  	s23 =	simm.s32 $0x1B8B  }
0xa2: {  	_ =	swait.ge [sflag:s23], $0x1  }
0xa3: {  	[sflag:s23] =	ssyncset.done $0x0  }
0xa4: {  	s25 =	simm.s32 $0x1B8E;
	s24 =	sld [smem:$0x3FFE];
	[sflag:s23] =	ssyncadd.s32 $0xFFFFFFFF  }
0xa5: {  	s26 =	simm.s32 $execute0_lowered;
	[smem:$0x3FD2] =	sst s25  }
0xa6: {  	s4 =	sshll.u32 s26, $0x1;
	_ =	strace $0x8000004C;
	[dreg:$0x1] =	wrdreg $0xFFFFFFFF  }
0xa7: {  	s28 =	simm.s32 $_size_execute0_lowered;
	s2 =	sadd.s32 s2, s4;
	[dreg:$0x0] =	wrdreg $0x0  }
0xa8: {  	s4 =	sshll.u32 s28, $0x1;
	[dreg:$0x2] =	wrdreg s2  }
0xa9: {  	[dreg:$0x3] =	wrdreg s4  }
0xaa: {  	[dreg:$0x4] =	wrdreg $0xC0  }
0xab: {  	_ =	task [dreg:s6], $0x5FFFF  }
0xac: {  	[dreg:$0x1] =	wrdreg $0xFFFFFFFF  }
0xad: {  	[dreg:$0x0] =	wrdreg $0x60  }
0xae: {  	[dreg:$0x2] =	wrdreg s24  }
0xaf: {  	[dreg:$0x3] =	wrdreg $0x84000  }
0xb0: {  	[dreg:$0x4] =	wrdreg $0x9  }
0xb1: {  	_ =	task.clear_ibuf [dreg:s6], $0x5FFFF;
	_ =	strace $0x9000004C  }
0xb2: {  	s29 =	simm.s32 $0x9;
	_ =	strace $0x8000004E  }
0xb3: {  	_ =	swait.ge [sflag:s29], $0x1  }
0xb4: {  	[sflag:s29] =	ssyncadd.s32 $0xFFFFFFFF  }
0xb5: {  	_ =	strace $0x9000004E  }
0xb6: {  	_ =	sfence  }
0xb7: {  	s30 =	sld [smem:$0x0];
	_ =	sdelay $0x2  }
0xb8: {  	s31 =	sshll.u32 s1, $0xD;
	s1 =	sshrl.u32 s1, $0x2  }
0xb9: {  	s3 =	sand.u32 $0x4000, s31;
	s1 =	sadd.s32 s1, s30  }
0xba: {  	s0 =	sor.u32 s3, s0;
	s1 =	sshll.u32 s1, $0x11  }
0xbb: {  	s0 =	sor.u32 s1, s0  }
0xbc: {  	s0 =	sadd.s32 $0x8F2B, s0  }
0xbd: {  	[sflag:s0] =	ssyncadd.remote.s32 $0x1  }
0xbe: {  	_ =	sfence.sel $0xFFFF  }
0xbf: {  	[dreg:$0x0] =	wrdreg $0xFFFFFFFF;
	(pc) =	sbr.abs _section_cstart, $3  }
0xc0: {  	[dreg:$0x1] =	wrdreg $0xFFFFFFFF  }
0xc1: {  	_ =	task.clear_ibuf [dreg:s6], $0x2FFFF;
	_ =	strace $0x9FFFFFFF  }
0xc2: {  	(tm) =	ssettm $0x7FFFFFFF  }
0xc3: {  	_ =	shalt  }
tec
execute0_lowered:
.L_overlay_start_1:
0x0: {  	(tag) =	ssettag $0x1  }
0x1: {  	s0 =	rddreg [dreg:$0x0]  }
0x2: {  	s2 =	rddreg [dreg:$0x1];
	s3 =	simm.s32 $0x0  }
0x3: {  	s1 =	srdreg.scid;
	s7 =	stileid.u32;
	s17 =	simm.s32 $0x6  }
0x4: {  	s19 =	simm.s32 $0x5;
	s20 =	simm.s32 $0x80;
	s21 =	simm.s32 $0x400  }
0x5: {  	s22 =	simm.s32 $0x4400;
	s28 =	simm.s32 $0x3;
	s29 =	simm.s32 $0x4  }
0x6: {  	s30 =	simm.s32 $0x0;
	[smem:$0x7FF] =	sst s3;
	s8 =	smul.u32 $0x2800, s7  }
0x7: {  	s1 =	sand.u32 $0x1, s1;
	s4 =	sadd.s32 $0x7FC00, s0;
	s23 =	smul.u32 $0x4F00, s7  }
0x8: {  	s5 =	sadd.s32 $0x19800, s0;
	s6 =	sadd.s32 $0x5C00, s0;
	s12 =	smul.u32 $0x50000, s7  }
0x9: {  	s11 =	sadd.s32 $0x2D400, s0;
	s26 =	sshll.u32 s7, $0x6;
	s9 =	smul.u32 $0x28000, s1  }
0xa: {  	_ =	strace $0x8000004D;
	s10 =	smul.u32 $0x4F000, s1;
	s1 =	ssub.s32 $0x2, s1  }
0xb: {  	[dreg:$0x3] =	wrdreg s11;
	s24 =	sshrl.u32 s1, $0x1;
	s25 =	sshrl.u32 s12, $0x2  }
0xc: {  	s8 =	sadd.s32 s8, s9;
	s1 =	ssub.s32 s1, s24;
	s13 =	sadd.s32 s23, s10  }
0xd: {  	s16 =	sadd.s32 s25, s2;
	s25 =	simm.s32 $0x1;
	s0 =	sadd.s32 s8, s0  }
0xe: {  	s10 =	sshrl.u32 s13, $0x3;
	s8 =	sor.u32 $0x1C06, s26;
	s13 =	sadd.s32 $0x200, s13  }
0xf: {  	s15 =	smax.u32 s1, $0x1;
	s16 =	sshrl.u32 s16, $0x3;
	s26 =	simm.s32 $0x2  }
0x10: {  	s31 =	sadd.s32 $0x20, s10;
	s9 =	sadd.s32 s5, s10;
	s10 =	sadd.s32 s6, s10  }
0x11: {  	s14 =	sadd.s32 $0xCFC00, s0;
	s11 =	sadd.s32 s5, s31;
	s12 =	sadd.s32 s6, s31  }
.LBB2_1:
0x12: {  	s0 =	rddreg [dreg:$0x3]  }
0x13: {  	[spmem:s16], [sflag:s8] =	dma.local [hbm:s0], $0x2800  }
0x14: {  	_ =	swait.ge [sflag:s17], $0x2800  }
0x15: {  	[sflag:s17] =	ssyncset.done $0x0  }
0x16: {  	[sflag:s17] =	ssyncadd.s32 $0xFFFFD800  }
0x17: {  	[bflag:$0x0] =	sbarrier.arrive $0xFFFF  }
0x18: {  	[tilespmem:s3], [sflag:$0x5] =	stream.linear.gather [hbm4b:s9+s3], $0x100, $0x38;
	[tilespmem:$0x1C400] =	vst v63  }
0x19: {  	s23 =	simm.s32 $0x200  }
0x1a: {  	[tilespmem:s23], [sflag:$0x5] =	stream.linear.gather [hbm4b:s10+s3], $0x100, $0x38;
	[tilespmem:$0x1C400] =	vst v63  }
0x1b: {  	_ =	swait.ge [sflag:s19], $0x100  }
0x1c: {  	[sflag:s19] =	ssyncset.done $0x0  }
0x1d: {  	[sflag:s19] =	ssyncadd.s32 $0xFFFFFF00  }
0x1e: {  	_ =	swait.ge [sflag:s19], $0x100  }
0x1f: {  	[sflag:s19] =	ssyncset.done $0x0  }
0x20: {  	[sflag:s19] =	ssyncadd.s32 $0xFFFFFF00  }
0x21: {  	[tilespmem:s21], [sflag:$0x1] =	stream.indirect.gather [hbm4b:s4+s20], $0x80, s3, s20, $0xb8;
	[tilespmem:$0x1C400] =	vst v63  }
0x22: {  	_ = 	snop  }
0x23: {  	[tilespmem:s22], [sflag:$0x2] =	stream.indirect.gather [hbm4b:s4+s20], $0x80, s20, s20, $0xb8;
	[tilespmem:$0x1C400] =	vst v63  }
0x24: {  	s24 =	simm.s32 $0x100  }
0x25: {  	[tilespmem:s24], [sflag:$0x5] =	stream.linear.gather [hbm4b:s11+s3], $0x100, $0x38;
	[tilespmem:$0x1C400] =	vst v63  }
0x26: {  	s1 =	simm.s32 $0x300  }
0x27: {  	[tilespmem:s1], [sflag:$0x5] =	stream.linear.gather [hbm4b:s12+s3], $0x100, $0x38;
	[tilespmem:$0x1C400] =	vst v63  }
0x28: {  	_ =	swait.ge [sflag:s25], $0x4000  }
0x29: {  	s0 =	sand.u32 $0x100, s3;
	[sflag:s25] =	ssyncset.done $0x0  }
0x2a: {  	s31 =	sor.u32 $0x200, s0;
	[sflag:s25] =	ssyncadd.s32 $0xFFFFC000  }
0x2b: {  	[spmem:s2] =	stream.indirect.scatter.add.f32 [tilespmem:s21], [sflag:$0x3], $0x80, s31, s20, $0xb8;
	[tilespmem:$0x1C400] =	vst v63  }
0x2c: {  	_ =	swait.ge [sflag:s26], $0x4000  }
0x2d: {  	[sflag:s26] =	ssyncset.done $0x0  }
0x2e: {  	s1 =	sor.u32 $0x280, s0;
	[sflag:s26] =	ssyncadd.s32 $0xFFFFC000  }
0x2f: {  	[spmem:s2] =	stream.indirect.scatter.add.f32 [tilespmem:s22], [sflag:$0x4], $0x80, s1, s20, $0xb8;
	[tilespmem:$0x1C400] =	vst v63  }
0x30: {  	_ =	swait.ge [sflag:s19], $0x100  }
0x31: {  	[sflag:s19] =	ssyncset.done $0x0  }
0x32: {  	[sflag:s19] =	ssyncadd.s32 $0xFFFFFF00  }
0x33: {  	_ =	swait.ge [sflag:s19], $0x100  }
0x34: {  	[sflag:s19] =	ssyncset.done $0x0  }
0x35: {  	[sflag:s19] =	ssyncadd.s32 $0xFFFFFF00  }
0x36: {  	_ =	swait.ge [sflag:s28], $0x4000  }
0x37: {  	[sflag:s28] =	ssyncset.done $0x0  }
0x38: {  	s18 =	smin.u32 s3, $0x4C;
	s7 =	sxor.u32 $0x100, s0;
	[sflag:s28] =	ssyncadd.s32 $0xFFFFC000  }
0x39: {  	[tilespmem:s21], [sflag:$0x1] =	stream.indirect.gather [hbm4b:s4+s20], $0x80, s7, s20, $0xb8;
	[tilespmem:$0x1C400] =	vst v63  }
0x3a: {  	s18 =	sshll.u32 s18, $0x8;
	_ =	swait.ge [sflag:s29], $0x4000  }
0x3b: {  	s1 =	sadd.s32 s18, s13;
	[sflag:s29] =	ssyncset.done $0x0  }
0x3c: {  	s23 =	sxor.u32 $0x180, s0;
	s1 =	sshrl.u32 s1, $0x3;
	[sflag:s29] =	ssyncadd.s32 $0xFFFFC000  }
0x3d: {  	[tilespmem:s22], [sflag:$0x2] =	stream.indirect.gather [hbm4b:s4+s20], $0x80, s23, s20, $0xb8;
	[tilespmem:$0x1C400] =	vst v63  }
0x3e: {  	s24 =	sadd.s32 s5, s1  }
0x3f: {  	[tilespmem:s0], [sflag:$0x5] =	stream.linear.gather [hbm4b:s24+s3], $0x100, $0x38;
	[tilespmem:$0x1C400] =	vst v63  }
0x40: {  	s18 =	sadd.s32 s6, s1;
	s1 =	simm.s32 $0x0;
	s0 =	simm.s32 $0x1  }
.LBB2_2:
0x41: {  	p0 =	sne.s32 s0, $0x4E  }
0x42: {  	s1 =	sadd.s32 $0x100, s1;
	s23 =	smov.u32 s0;
	s0 =	sadd.s32 $0x1, s0  }
0x43: {  	[tilespmem:s31], [sflag:$0x5] =	stream.linear.gather [hbm4b:s18+s3], $0x100, $0x38;
	[tilespmem:$0x1C400] =	vst v63  }
0x44: {  	s24 =	sand.u32 $0x100, s1;
	_ =	swait.ge [sflag:s25], $0x4000  }
0x45: {  	s31 =	sor.u32 $0x200, s24;
	[sflag:s25] =	ssyncset.done $0x0  }
0x46: {  	[sflag:s25] =	ssyncadd.s32 $0xFFFFC000  }
0x47: {  	[spmem:s2] =	stream.indirect.scatter.add.f32 [tilespmem:s21], [sflag:$0x3], $0x80, s31, s20, $0xb8;
	[tilespmem:$0x1C400] =	vst v63  }
0x48: {  	_ =	swait.ge [sflag:s26], $0x4000  }
0x49: {  	s18 =	sor.u32 $0x280, s24;
	[sflag:s26] =	ssyncset.done $0x0  }
0x4a: {  	[sflag:s26] =	ssyncadd.s32 $0xFFFFC000  }
0x4b: {  	[spmem:s2] =	stream.indirect.scatter.add.f32 [tilespmem:s22], [sflag:$0x4], $0x80, s18, s20, $0xb8;
	[tilespmem:$0x1C400] =	vst v63  }
0x4c: {  	_ =	swait.ge [sflag:s19], $0x100  }
0x4d: {  	[sflag:s19] =	ssyncset.done $0x0  }
0x4e: {  	[sflag:s19] =	ssyncadd.s32 $0xFFFFFF00  }
0x4f: {  	_ =	swait.ge [sflag:s19], $0x100  }
0x50: {  	[sflag:s19] =	ssyncset.done $0x0  }
0x51: {  	[sflag:s19] =	ssyncadd.s32 $0xFFFFFF00  }
0x52: {  	_ =	swait.ge [sflag:s28], $0x4000  }
0x53: {  	s18 =	sxor.u32 $0x100, s24;
	[sflag:s28] =	ssyncset.done $0x0  }
0x54: {  	s23 =	smin.u32 s23, $0x4C;
	[sflag:s28] =	ssyncadd.s32 $0xFFFFC000  }
0x55: {  	[tilespmem:s21], [sflag:$0x1] =	stream.indirect.gather [hbm4b:s4+s20], $0x80, s18, s20, $0xb8;
	[tilespmem:$0x1C400] =	vst v63  }
0x56: {  	s23 =	sshll.u32 s23, $0x8;
	s18 =	sxor.u32 $0x180, s24;
	_ =	swait.ge [sflag:s29], $0x4000  }
.Ltmp0:
0x57: {  	s23 =	sadd.s32 s23, s13;
	[sflag:s29] =	ssyncset.done $0x0;
	(pc) =	sbr.rel @p0 .LBB2_2-.Ltmp0, $4  }
0x58: {  	s23 =	sshrl.u32 s23, $0x3;
	[sflag:s29] =	ssyncadd.s32 $0xFFFFC000  }
0x59: {  	[tilespmem:s22], [sflag:$0x2] =	stream.indirect.gather [hbm4b:s4+s20], $0x80, s18, s20, $0xb8;
	[tilespmem:$0x1C400] =	vst v63  }
0x5a: {  	s7 =	sadd.s32 s5, s23;
	s18 =	sadd.s32 s6, s23  }
0x5b: {  	[tilespmem:s24], [sflag:$0x5] =	stream.linear.gather [hbm4b:s7+s3], $0x100, $0x38;
	[tilespmem:$0x1C400] =	vst v63  }
0x5c: {  	[tilespmem:s31], [sflag:$0x5] =	stream.linear.gather [hbm4b:s18+s3], $0x100, $0x38;
	[tilespmem:$0x1C400] =	vst v63  }
0x5d: {  	_ =	swait.ge [sflag:s25], $0x4000  }
0x5e: {  	[sflag:s25] =	ssyncset.done $0x0  }
0x5f: {  	[sflag:s25] =	ssyncadd.s32 $0xFFFFC000  }
0x60: {  	_ =	swait.ge [sflag:s26], $0x4000  }
0x61: {  	[sflag:s26] =	ssyncset.done $0x0  }
0x62: {  	[sflag:s26] =	ssyncadd.s32 $0xFFFFC000  }
0x63: {  	_ =	swait.ge [sflag:s19], $0x100  }
0x64: {  	[sflag:s19] =	ssyncset.done $0x0  }
0x65: {  	[sflag:s19] =	ssyncadd.s32 $0xFFFFFF00  }
0x66: {  	_ =	swait.ge [sflag:s19], $0x100  }
0x67: {  	s30 =	sadd.s32 $0x1, s30;
	[sflag:s19] =	ssyncset.done $0x0  }
0x68: {  	p0 =	sne.s32 s30, s15;
	[sflag:s19] =	ssyncadd.s32 $0xFFFFFF00  }
.Ltmp1:
0x69: {  	[bflag:$0x0] =	sbarrier.arrive $0xFFFF;
	(pc) =	sbr.rel @p0 .LBB2_1-.Ltmp1, $4  }
0x6a: {  	[hbm:s14], [sflag:s8] =	dma.local [spmem:s16], $0x2800  }
0x6b: {  	_ =	swait.ge [sflag:s17], $0x2800  }
0x6c: {  	[sflag:s17] =	ssyncset.done $0x0  }
0x6d: {  	[sflag:s17] =	ssyncadd.s32 $0xFFFFD800  }
0x6e: {  	_ =	sfence.sel $0x180000  }
0x6f: {  	[bflag:$0x0] =	sbarrier.arrive $0xFFFF  }
0x70: {  	_ =	strace $0x9000004D  }
0x71: {  	s0 =	stileid.u32;
	[bflag:$0x2] =	sbarrier.arrive $0xFFFF  }
0x72: {  	p0 =	sne.s32 s0, $0x0;
	s0 =	rddreg [dreg:$0x2]  }
0x73: {  	s0 =	sadd.s32 @!p0 $0x100000, s0  }
0x74: {  	[sflag:s0] =	ssyncadd.tile.s32 @!p0 $0x1;
	_ =	shalt  }
.Lfunc_end2:
_tile_overlayer_lowered:
.L_overlay_start_2:
0x75: {  	(tag) =	ssettag $0x2  }
0x76: {  	s0 =	rddreg [dreg:$0x0];
	s2 =	stileid.u32  }
0x77: {  	s1 =	rddreg [dreg:$0x1];
	p0 =	sne.s32 s2, $0x0  }
0x78: {  	s3 =	rddreg [dreg:$0x2];
	[bflag:$0x3] =	sbarrier.arrive $0xFFFF;
	s2 =	simm.s32 @!p0 $0x1C06  }
0x79: {  	[timem:s3], [sflag:s2] =	dma.local @!p0 [hbm:s0], s1  }
0x7a: {  	s0 =	simm.s32 @!p0 $0x6  }
0x7b: {  	_ =	swait.ge @!p0 [sflag:s0], s1  }
0x7c: {  	s1 =	ssub.s32 @!p0 $0x0, s1;
	[sflag:s0] =	ssyncset.done @!p0 $0x0  }
0x7d: {  	[sflag:s0] =	ssyncadd.s32 @!p0 s1  }
0x7e: {  	[bflag:$0x3] =	sbarrier.arrive $0xFFFF  }
0x7f: {  	_ =	shalt  }

// kernel: kernel.22.cloned.1.call-start
scs
__scs_entry_jumppad:
0x0: {  	(pc) =	sbr.rel $0x88, $3  }
0x1: {  	(tag) =	ssettag $0x0;
	lr =	simm.s32 $0x1  }
0x2: {  	[smem:$0x3F83] =	sst lr;
	_ =	strace $0xD0000000  }
0x3: {  	_ = 	snop  }
0x4: {  	_ = 	snop  }
0x5: {  	_ = 	snop  }
0x6: {  	_ = 	snop  }
0x7: {  	_ = 	snop  }
__scs_overlays_trampoline_lowered:
0x8: {  	[smem:$0x3F92] =	sst s0  }
0x9: {  	[smem:$0x3F93] =	sst s1  }
0xa: {  	[smem:$0x3F94] =	sst s2  }
0xb: {  	[smem:$0x3F95] =	sst s3  }
0xc: {  	[smem:$0x3F96] =	sst s4  }
0xd: {  	[smem:$0x3F97] =	sst s5  }
0xe: {  	[smem:$0x3F98] =	sst s6  }
0xf: {  	[smem:$0x3F99] =	sst s7  }
0x10: {  	[smem:$0x3F9A] =	sst s8  }
0x11: {  	[smem:$0x3F9B] =	sst s9;
	s0 =	simm.s32 @!p0 $0x0  }
0x12: {  	s1 =	sld [smem:$0x3F81];
	s0 =	simm.s32 @p0 $0x1  }
0x13: {  	[smem:$0x3F9C] =	sst s0;
	s0 =	simm.s32 @!p1 $0x0  }
0x14: {  	s2 =	sld [smem:$0x3F80];
	s0 =	simm.s32 @p1 $0x1  }
0x15: {  	[smem:$0x3F9D] =	sst s0;
	s0 =	simm.s32 @!p2 $0x0  }
0x16: {  	s3 =	sld [smem:$0x3FDB];
	s0 =	simm.s32 @p2 $0x1  }
0x17: {  	s4 =	simm.s32 $0x1BF5;
	[smem:$0x3F9F] =	sst s0  }
0x18: {  	s0 =	sld [smem:$0x3F82];
	_ =	swait.ge [sflag:s4], $0x0  }
0x19: {  	s7 =	sld [smem:$0x3F83]  }
0x1a: {  	s8 =	sadd.s32 $0xFFFFE003, lr  }
0x1b: {  	s9 =	sadd.s32 $0xFFFFFEF7, lr;
	s5 =	simm.s32 $0xFFFFFFFF;
	p2 =	slt.u32 s8, $0xFFFFF086  }
0x1c: {  	p1 =	slt.u32 s9, $0xF7A;
	s5 =	simm.s32 @!p2 $0x0  }
0x1d: {  	s5 =	simm.s32 @p1 $0x1;
	p0 =	seq.s32 s7, s2  }
0x1e: {  	s7 =	smul.u32 @!p0 $0xF7A, s2;
	p2 =	seq.s32 @!p0 s5, $0x0  }
0x1f: {  	s9 =	smul.u32 $0xF7A, s1;
	s8 =	simm.s32 @!p0 $0x1BF5;
	p2 =	por !p2, p0  }
0x20: {  	[sflag:s8] =	ssyncset.s32 @!p0 $0xFFFFF086;
	s6 =	sadd.s32 @!p0 s3, s7;
	s7 =	simm.s32 @!p0 $0x108  }
0x21: {  	s3 =	sadd.s32 s3, s9;
	s6 =	sadd.s32 @!p0 $0x88, s6;
	s7 =	simm.s32 @p2 $0x1082  }
0x22: {  	[simem:s7], [sflag:s8] =	dma.local @!p0 [hbm:s6], $0xF7A  }
0x23: {  	s9 =	sor.u32 $0xD0000000, s2;
	s6 =	simm.s32 $0x108;
	_ =	swait.ge @!p0 [sflag:s8], $0x0  }
0x24: {  	s3 =	sadd.s32 $0x88, s3;
	s6 =	simm.s32 @!p1 $0x1082;
	[sflag:s4] =	ssyncset.s32 $0xFFFFF086  }
0x25: {  	[simem:s6], [sflag:s4] =	dma.local [hbm:s3], $0xF7A  }
0x26: {  	[smem:$0x3F83] =	sst s1;
	(tag) =	ssettag s2;
	_ =	strace s9  }
0x27: {  	s1 =	sld [smem:$0x3F93]  }
0x28: {  	s2 =	sld [smem:$0x3F94]  }
0x29: {  	s4 =	sld [smem:$0x3F96]  }
0x2a: {  	p0 =	seq.s32 s5, $0x0;
	s5 =	sld [smem:$0x3F97]  }
0x2b: {  	s6 =	sld [smem:$0x3F98]  }
0x2c: {  	s7 =	sld [smem:$0x3F99]  }
0x2d: {  	s3 =	simm.s32 $0x108;
	s8 =	sld [smem:$0x3F9A]  }
0x2e: {  	s3 =	simm.s32 @!p0 $0x1082;
	s9 =	sld [smem:$0x3F9B]  }
0x2f: {  	lr =	sadd.s32 s0, s3;
	s0 =	sld [smem:$0x3F92]  }
0x30: {  	s3 =	sld [smem:$0x3F95]  }
0x31: {  	[smem:$0x3F9E] =	sst s10  }
0x32: {  	s10 =	sld [smem:$0x3F9C];
	_ =	sdelay $0x3  }
0x33: {  	p0 =	seq.s32 s10, $0x1;
	s10 =	sld [smem:$0x3F9E];
	_ =	sdelay $0x3  }
0x34: {  	[smem:$0x3F9E] =	sst s10  }
0x35: {  	s10 =	sld [smem:$0x3F9D];
	_ =	sdelay $0x3  }
0x36: {  	p1 =	seq.s32 s10, $0x1;
	s10 =	sld [smem:$0x3F9E];
	_ =	sdelay $0x3  }
0x37: {  	[smem:$0x3F9E] =	sst s10  }
0x38: {  	s10 =	sld [smem:$0x3F9F]  }
0x39: {  	_ = 	snop;
	(pc) =	sbr.ind lr, $3  }
0x3a: {  	_ = 	snop  }
0x3b: {  	_ = 	snop  }
0x3c: {  	p2 =	seq.s32 s10, $0x1;
	s10 =	sld [smem:$0x3F9E]  }
0x3d: {  	_ =	shalt  }
0x3e: {  	_ =	shalt  }
0x3f: {  	_ =	shalt  }
0x40: {  	_ =	shalt  }
0x41: {  	_ =	shalt  }
0x42: {  	_ =	shalt  }
0x43: {  	_ =	shalt  }
0x44: {  	_ =	shalt  }
0x45: {  	_ =	shalt  }
0x46: {  	_ =	shalt  }
0x47: {  	_ =	shalt  }
0x48: {  	_ =	shalt  }
0x49: {  	_ =	shalt  }
0x4a: {  	_ =	shalt  }
0x4b: {  	_ =	shalt  }
0x4c: {  	_ =	shalt  }
0x4d: {  	_ =	shalt  }
0x4e: {  	_ =	shalt  }
0x4f: {  	_ =	shalt  }
0x50: {  	_ =	shalt  }
0x51: {  	_ =	shalt  }
0x52: {  	_ =	shalt  }
0x53: {  	_ =	shalt  }
0x54: {  	_ =	shalt  }
0x55: {  	_ =	shalt  }
0x56: {  	_ =	shalt  }
0x57: {  	_ =	shalt  }
0x58: {  	_ =	shalt  }
0x59: {  	_ =	shalt  }
0x5a: {  	_ =	shalt  }
0x5b: {  	_ =	shalt  }
0x5c: {  	_ =	shalt  }
0x5d: {  	_ =	shalt  }
0x5e: {  	_ =	shalt  }
0x5f: {  	_ =	shalt  }
0x60: {  	_ =	shalt  }
0x61: {  	_ =	shalt  }
0x62: {  	_ =	shalt  }
0x63: {  	_ =	shalt  }
0x64: {  	_ =	shalt  }
0x65: {  	_ =	shalt  }
0x66: {  	_ =	shalt  }
0x67: {  	_ =	shalt  }
0x68: {  	_ =	shalt  }
0x69: {  	_ =	shalt  }
0x6a: {  	_ =	shalt  }
0x6b: {  	_ =	shalt  }
0x6c: {  	_ =	shalt  }
0x6d: {  	_ =	shalt  }
0x6e: {  	_ =	shalt  }
0x6f: {  	_ =	shalt  }
0x70: {  	_ =	shalt  }
0x71: {  	_ =	shalt  }
0x72: {  	_ =	shalt  }
0x73: {  	_ =	shalt  }
0x74: {  	_ =	shalt  }
0x75: {  	_ =	shalt  }
0x76: {  	_ =	shalt  }
0x77: {  	_ =	shalt  }
0x78: {  	_ =	shalt  }
0x79: {  	_ =	shalt  }
0x7a: {  	_ =	shalt  }
0x7b: {  	_ =	shalt  }
0x7c: {  	_ =	shalt  }
0x7d: {  	_ =	shalt  }
0x7e: {  	_ =	shalt  }
0x7f: {  	_ =	shalt  }
0x80: {  	_ =	shalt  }
0x81: {  	_ =	shalt  }
0x82: {  	_ =	shalt  }
0x83: {  	_ =	shalt  }
0x84: {  	_ =	shalt  }
0x85: {  	_ =	shalt  }
0x86: {  	_ =	shalt  }
0x87: {  	_ =	shalt  }
.Lfunc_end0:
.L_simem_size_0:
called_computation.3_lowered:
.L_overlay_start_0:
0x88: {  	s2 =	sld [smem:$0x3FD9]  }
0x89: {  	s3 =	sld [smem:$0x3FFE];
	_ =	sdelay $0x1  }
0x8a: {  	s1 =	srdreg.scid  }
0x8b: {  	s0 =	sand.u32 $0x1, s1  }
0x8c: {  	s16 =	sshll.u32 s0, $0xA;
	s2 =	sadd.s32 s3, s2  }
0x8d: {  	s2 =	sadd.s32 s2, s16  }
0x8e: {  	[smem:$0x3FAA] =	sst s2  }
0x8f: {  	_ = 	snop  }
0x90: {  	(tm) =	ssettm $0x1  }
0x91: {  	s17 =	sld [smem:$0x3FFB];
	_ =	sdelay $0x3  }
0x92: {  	_ =	strace s17  }
0x93: {  	s2 =	sld [smem:$0x3FFC];
	_ =	sdelay $0x3  }
0x94: {  	_ =	strace s2  }
0x95: {  	s2 =	sld [smem:$0x3FFD];
	_ =	sdelay $0x3  }
0x96: {  	_ =	strace s2  }
0x97: {  	_ =	strace $0x8FFFFFFF  }
0x98: {  	s18 =	sld [smem:$0x3FDB];
	_ =	sdelay $0x1  }
0x99: {  	s19 =	simm.s32 $_scs_section_size  }
0x9a: {  	s4 =	simm.s32 $_size__tile_overlayer_lowered;
	s5 =	simm.s32 $_tile_overlayer_lowered  }
0x9b: {  	s22 =	simm.s32 $0x1BFF;
	s21 =	sshll.u32 s5, $0x1;
	s2 =	sadd.s32 s19, s18  }
0x9c: {  	s6 =	simm.s32 $0x0;
	s20 =	sshll.u32 s4, $0x1;
	s4 =	sadd.s32 s21, s2  }
0x9d: {  	[timem:s6], [sflag:s22] =	dma.local [hbm:s4], s20  }
0x9e: {  	_ =	swait.ge [sflag:s22], s20  }
0x9f: {  	s3 =	ssub.s32 $0x0, s20;
	[sflag:s22] =	ssyncset.done $0x0  }
0xa0: {  	[sflag:s22] =	ssyncadd.s32 s3;
	_ =	sdelay $0x1  }
0xa1: {  	s23 =	simm.s32 $0x1B8B  }
0xa2: {  	_ =	swait.ge [sflag:s23], $0x1  }
0xa3: {  	[sflag:s23] =	ssyncset.done $0x0  }
0xa4: {  	s25 =	simm.s32 $0x1B8E;
	s24 =	sld [smem:$0x3FFE];
	[sflag:s23] =	ssyncadd.s32 $0xFFFFFFFF  }
0xa5: {  	s26 =	simm.s32 $execute0_lowered;
	[smem:$0x3FD2] =	sst s25  }
0xa6: {  	s4 =	sshll.u32 s26, $0x1;
	_ =	strace $0x8000004F;
	[dreg:$0x1] =	wrdreg $0xFFFFFFFF  }
0xa7: {  	s28 =	simm.s32 $_size_execute0_lowered;
	s2 =	sadd.s32 s2, s4;
	[dreg:$0x0] =	wrdreg $0x0  }
0xa8: {  	s4 =	sshll.u32 s28, $0x1;
	[dreg:$0x2] =	wrdreg s2  }
0xa9: {  	[dreg:$0x3] =	wrdreg s4  }
0xaa: {  	[dreg:$0x4] =	wrdreg $0xC0  }
0xab: {  	_ =	task [dreg:s6], $0x5FFFF  }
0xac: {  	[dreg:$0x1] =	wrdreg $0xFFFFFFFF  }
0xad: {  	[dreg:$0x0] =	wrdreg $0x60  }
0xae: {  	[dreg:$0x2] =	wrdreg s24  }
0xaf: {  	[dreg:$0x3] =	wrdreg $0x84000  }
0xb0: {  	[dreg:$0x4] =	wrdreg $0x9  }
0xb1: {  	_ =	task.clear_ibuf [dreg:s6], $0x5FFFF;
	_ =	strace $0x9000004F  }
0xb2: {  	s29 =	simm.s32 $0x9;
	_ =	strace $0x80000051  }
0xb3: {  	_ =	swait.ge [sflag:s29], $0x1  }
0xb4: {  	[sflag:s29] =	ssyncadd.s32 $0xFFFFFFFF  }
0xb5: {  	_ =	strace $0x90000051  }
0xb6: {  	_ =	sfence  }
0xb7: {  	s30 =	sld [smem:$0x0];
	_ =	sdelay $0x2  }
0xb8: {  	s31 =	sshll.u32 s1, $0xD;
	s1 =	sshrl.u32 s1, $0x2  }
0xb9: {  	s3 =	sand.u32 $0x4000, s31;
	s1 =	sadd.s32 s1, s30  }
0xba: {  	s0 =	sor.u32 s3, s0;
	s1 =	sshll.u32 s1, $0x11  }
0xbb: {  	s0 =	sor.u32 s1, s0  }
0xbc: {  	s0 =	sadd.s32 $0x8F2B, s0  }
0xbd: {  	[sflag:s0] =	ssyncadd.remote.s32 $0x1  }
0xbe: {  	_ =	sfence.sel $0xFFFF  }
0xbf: {  	[dreg:$0x0] =	wrdreg $0xFFFFFFFF;
	(pc) =	sbr.abs _section_cstart, $3  }
0xc0: {  	[dreg:$0x1] =	wrdreg $0xFFFFFFFF  }
0xc1: {  	_ =	task.clear_ibuf [dreg:s6], $0x2FFFF;
	_ =	strace $0x9FFFFFFF  }
0xc2: {  	(tm) =	ssettm $0x7FFFFFFF  }
0xc3: {  	_ =	shalt  }
tec
execute0_lowered:
.L_overlay_start_1:
0x0: {  	(tag) =	ssettag $0x1  }
0x1: {  	s0 =	rddreg [dreg:$0x0]  }
0x2: {  	s2 =	rddreg [dreg:$0x1];
	s3 =	simm.s32 $0x0  }
0x3: {  	s1 =	srdreg.scid;
	s7 =	stileid.u32;
	s17 =	simm.s32 $0x6  }
0x4: {  	s19 =	simm.s32 $0x5;
	s20 =	simm.s32 $0x80;
	s21 =	simm.s32 $0x400  }
0x5: {  	s22 =	simm.s32 $0x4400;
	s28 =	simm.s32 $0x3;
	s29 =	simm.s32 $0x4  }
0x6: {  	s30 =	simm.s32 $0x0;
	[smem:$0x7FF] =	sst s3;
	s8 =	smul.u32 $0x2800, s7  }
0x7: {  	s1 =	sand.u32 $0x1, s1;
	s4 =	sadd.s32 $0x7FC00, s0;
	s23 =	smul.u32 $0x4F00, s7  }
0x8: {  	s5 =	sadd.s32 $0x19800, s0;
	s6 =	sadd.s32 $0x5C00, s0;
	s12 =	smul.u32 $0x50000, s7  }
0x9: {  	s11 =	sadd.s32 $0x2D400, s0;
	s26 =	sshll.u32 s7, $0x6;
	s9 =	smul.u32 $0x28000, s1  }
0xa: {  	_ =	strace $0x80000050;
	s10 =	smul.u32 $0x4F000, s1;
	s1 =	ssub.s32 $0x2, s1  }
0xb: {  	[dreg:$0x3] =	wrdreg s11;
	s24 =	sshrl.u32 s1, $0x1;
	s25 =	sshrl.u32 s12, $0x2  }
0xc: {  	s8 =	sadd.s32 s8, s9;
	s1 =	ssub.s32 s1, s24;
	s13 =	sadd.s32 s23, s10  }
0xd: {  	s16 =	sadd.s32 s25, s2;
	s25 =	simm.s32 $0x1;
	s0 =	sadd.s32 s8, s0  }
0xe: {  	s10 =	sshrl.u32 s13, $0x3;
	s8 =	sor.u32 $0x1C06, s26;
	s13 =	sadd.s32 $0x200, s13  }
0xf: {  	s15 =	smax.u32 s1, $0x1;
	s16 =	sshrl.u32 s16, $0x3;
	s26 =	simm.s32 $0x2  }
0x10: {  	s31 =	sadd.s32 $0x20, s10;
	s9 =	sadd.s32 s5, s10;
	s10 =	sadd.s32 s6, s10  }
0x11: {  	s14 =	sadd.s32 $0xCFC00, s0;
	s11 =	sadd.s32 s5, s31;
	s12 =	sadd.s32 s6, s31  }
.LBB2_1:
0x12: {  	s0 =	rddreg [dreg:$0x3]  }
0x13: {  	[spmem:s16], [sflag:s8] =	dma.local [hbm:s0], $0x2800  }
0x14: {  	_ =	swait.ge [sflag:s17], $0x2800  }
0x15: {  	[sflag:s17] =	ssyncset.done $0x0  }
0x16: {  	[sflag:s17] =	ssyncadd.s32 $0xFFFFD800  }
0x17: {  	[bflag:$0x0] =	sbarrier.arrive $0xFFFF  }
0x18: {  	[tilespmem:s3], [sflag:$0x5] =	stream.linear.gather [hbm4b:s9+s3], $0x100, $0x38;
	[tilespmem:$0x1C400] =	vst v63  }
0x19: {  	s23 =	simm.s32 $0x200  }
0x1a: {  	[tilespmem:s23], [sflag:$0x5] =	stream.linear.gather [hbm4b:s10+s3], $0x100, $0x38;
	[tilespmem:$0x1C400] =	vst v63  }
0x1b: {  	_ =	swait.ge [sflag:s19], $0x100  }
0x1c: {  	[sflag:s19] =	ssyncset.done $0x0  }
0x1d: {  	[sflag:s19] =	ssyncadd.s32 $0xFFFFFF00  }
0x1e: {  	_ =	swait.ge [sflag:s19], $0x100  }
0x1f: {  	[sflag:s19] =	ssyncset.done $0x0  }
0x20: {  	[sflag:s19] =	ssyncadd.s32 $0xFFFFFF00  }
0x21: {  	[tilespmem:s21], [sflag:$0x1] =	stream.indirect.gather [hbm4b:s4+s20], $0x80, s3, s20, $0xb8;
	[tilespmem:$0x1C400] =	vst v63  }
0x22: {  	_ = 	snop  }
0x23: {  	[tilespmem:s22], [sflag:$0x2] =	stream.indirect.gather [hbm4b:s4+s20], $0x80, s20, s20, $0xb8;
	[tilespmem:$0x1C400] =	vst v63  }
0x24: {  	s24 =	simm.s32 $0x100  }
0x25: {  	[tilespmem:s24], [sflag:$0x5] =	stream.linear.gather [hbm4b:s11+s3], $0x100, $0x38;
	[tilespmem:$0x1C400] =	vst v63  }
0x26: {  	s1 =	simm.s32 $0x300  }
0x27: {  	[tilespmem:s1], [sflag:$0x5] =	stream.linear.gather [hbm4b:s12+s3], $0x100, $0x38;
	[tilespmem:$0x1C400] =	vst v63  }
0x28: {  	_ =	swait.ge [sflag:s25], $0x4000  }
0x29: {  	s0 =	sand.u32 $0x100, s3;
	[sflag:s25] =	ssyncset.done $0x0  }
0x2a: {  	s31 =	sor.u32 $0x200, s0;
	[sflag:s25] =	ssyncadd.s32 $0xFFFFC000  }
0x2b: {  	[spmem:s2] =	stream.indirect.scatter.add.f32 [tilespmem:s21], [sflag:$0x3], $0x80, s31, s20, $0xb8;
	[tilespmem:$0x1C400] =	vst v63  }
0x2c: {  	_ =	swait.ge [sflag:s26], $0x4000  }
0x2d: {  	[sflag:s26] =	ssyncset.done $0x0  }
0x2e: {  	s1 =	sor.u32 $0x280, s0;
	[sflag:s26] =	ssyncadd.s32 $0xFFFFC000  }
0x2f: {  	[spmem:s2] =	stream.indirect.scatter.add.f32 [tilespmem:s22], [sflag:$0x4], $0x80, s1, s20, $0xb8;
	[tilespmem:$0x1C400] =	vst v63  }
0x30: {  	_ =	swait.ge [sflag:s19], $0x100  }
0x31: {  	[sflag:s19] =	ssyncset.done $0x0  }
0x32: {  	[sflag:s19] =	ssyncadd.s32 $0xFFFFFF00  }
0x33: {  	_ =	swait.ge [sflag:s19], $0x100  }
0x34: {  	[sflag:s19] =	ssyncset.done $0x0  }
0x35: {  	[sflag:s19] =	ssyncadd.s32 $0xFFFFFF00  }
0x36: {  	_ =	swait.ge [sflag:s28], $0x4000  }
0x37: {  	[sflag:s28] =	ssyncset.done $0x0  }
0x38: {  	s18 =	smin.u32 s3, $0x4C;
	s7 =	sxor.u32 $0x100, s0;
	[sflag:s28] =	ssyncadd.s32 $0xFFFFC000  }
0x39: {  	[tilespmem:s21], [sflag:$0x1] =	stream.indirect.gather [hbm4b:s4+s20], $0x80, s7, s20, $0xb8;
	[tilespmem:$0x1C400] =	vst v63  }
0x3a: {  	s18 =	sshll.u32 s18, $0x8;
	_ =	swait.ge [sflag:s29], $0x4000  }
0x3b: {  	s1 =	sadd.s32 s18, s13;
	[sflag:s29] =	ssyncset.done $0x0  }
0x3c: {  	s23 =	sxor.u32 $0x180, s0;
	s1 =	sshrl.u32 s1, $0x3;
	[sflag:s29] =	ssyncadd.s32 $0xFFFFC000  }
0x3d: {  	[tilespmem:s22], [sflag:$0x2] =	stream.indirect.gather [hbm4b:s4+s20], $0x80, s23, s20, $0xb8;
	[tilespmem:$0x1C400] =	vst v63  }
0x3e: {  	s24 =	sadd.s32 s5, s1  }
0x3f: {  	[tilespmem:s0], [sflag:$0x5] =	stream.linear.gather [hbm4b:s24+s3], $0x100, $0x38;
	[tilespmem:$0x1C400] =	vst v63  }
0x40: {  	s18 =	sadd.s32 s6, s1;
	s1 =	simm.s32 $0x0;
	s0 =	simm.s32 $0x1  }
.LBB2_2:
0x41: {  	p0 =	sne.s32 s0, $0x4E  }
0x42: {  	s1 =	sadd.s32 $0x100, s1;
	s23 =	smov.u32 s0;
	s0 =	sadd.s32 $0x1, s0  }
0x43: {  	[tilespmem:s31], [sflag:$0x5] =	stream.linear.gather [hbm4b:s18+s3], $0x100, $0x38;
	[tilespmem:$0x1C400] =	vst v63  }
0x44: {  	s24 =	sand.u32 $0x100, s1;
	_ =	swait.ge [sflag:s25], $0x4000  }
0x45: {  	s31 =	sor.u32 $0x200, s24;
	[sflag:s25] =	ssyncset.done $0x0  }
0x46: {  	[sflag:s25] =	ssyncadd.s32 $0xFFFFC000  }
0x47: {  	[spmem:s2] =	stream.indirect.scatter.add.f32 [tilespmem:s21], [sflag:$0x3], $0x80, s31, s20, $0xb8;
	[tilespmem:$0x1C400] =	vst v63  }
0x48: {  	_ =	swait.ge [sflag:s26], $0x4000  }
0x49: {  	s18 =	sor.u32 $0x280, s24;
	[sflag:s26] =	ssyncset.done $0x0  }
0x4a: {  	[sflag:s26] =	ssyncadd.s32 $0xFFFFC000  }
0x4b: {  	[spmem:s2] =	stream.indirect.scatter.add.f32 [tilespmem:s22], [sflag:$0x4], $0x80, s18, s20, $0xb8;
	[tilespmem:$0x1C400] =	vst v63  }
0x4c: {  	_ =	swait.ge [sflag:s19], $0x100  }
0x4d: {  	[sflag:s19] =	ssyncset.done $0x0  }
0x4e: {  	[sflag:s19] =	ssyncadd.s32 $0xFFFFFF00  }
0x4f: {  	_ =	swait.ge [sflag:s19], $0x100  }
0x50: {  	[sflag:s19] =	ssyncset.done $0x0  }
0x51: {  	[sflag:s19] =	ssyncadd.s32 $0xFFFFFF00  }
0x52: {  	_ =	swait.ge [sflag:s28], $0x4000  }
0x53: {  	s18 =	sxor.u32 $0x100, s24;
	[sflag:s28] =	ssyncset.done $0x0  }
0x54: {  	s23 =	smin.u32 s23, $0x4C;
	[sflag:s28] =	ssyncadd.s32 $0xFFFFC000  }
0x55: {  	[tilespmem:s21], [sflag:$0x1] =	stream.indirect.gather [hbm4b:s4+s20], $0x80, s18, s20, $0xb8;
	[tilespmem:$0x1C400] =	vst v63  }
0x56: {  	s23 =	sshll.u32 s23, $0x8;
	s18 =	sxor.u32 $0x180, s24;
	_ =	swait.ge [sflag:s29], $0x4000  }
.Ltmp0:
0x57: {  	s23 =	sadd.s32 s23, s13;
	[sflag:s29] =	ssyncset.done $0x0;
	(pc) =	sbr.rel @p0 .LBB2_2-.Ltmp0, $4  }
0x58: {  	s23 =	sshrl.u32 s23, $0x3;
	[sflag:s29] =	ssyncadd.s32 $0xFFFFC000  }
0x59: {  	[tilespmem:s22], [sflag:$0x2] =	stream.indirect.gather [hbm4b:s4+s20], $0x80, s18, s20, $0xb8;
	[tilespmem:$0x1C400] =	vst v63  }
0x5a: {  	s7 =	sadd.s32 s5, s23;
	s18 =	sadd.s32 s6, s23  }
0x5b: {  	[tilespmem:s24], [sflag:$0x5] =	stream.linear.gather [hbm4b:s7+s3], $0x100, $0x38;
	[tilespmem:$0x1C400] =	vst v63  }
0x5c: {  	[tilespmem:s31], [sflag:$0x5] =	stream.linear.gather [hbm4b:s18+s3], $0x100, $0x38;
	[tilespmem:$0x1C400] =	vst v63  }
0x5d: {  	_ =	swait.ge [sflag:s25], $0x4000  }
0x5e: {  	[sflag:s25] =	ssyncset.done $0x0  }
0x5f: {  	[sflag:s25] =	ssyncadd.s32 $0xFFFFC000  }
0x60: {  	_ =	swait.ge [sflag:s26], $0x4000  }
0x61: {  	[sflag:s26] =	ssyncset.done $0x0  }
0x62: {  	[sflag:s26] =	ssyncadd.s32 $0xFFFFC000  }
0x63: {  	_ =	swait.ge [sflag:s19], $0x100  }
0x64: {  	[sflag:s19] =	ssyncset.done $0x0  }
0x65: {  	[sflag:s19] =	ssyncadd.s32 $0xFFFFFF00  }
0x66: {  	_ =	swait.ge [sflag:s19], $0x100  }
0x67: {  	s30 =	sadd.s32 $0x1, s30;
	[sflag:s19] =	ssyncset.done $0x0  }
0x68: {  	p0 =	sne.s32 s30, s15;
	[sflag:s19] =	ssyncadd.s32 $0xFFFFFF00  }
.Ltmp1:
0x69: {  	[bflag:$0x0] =	sbarrier.arrive $0xFFFF;
	(pc) =	sbr.rel @p0 .LBB2_1-.Ltmp1, $4  }
0x6a: {  	[hbm:s14], [sflag:s8] =	dma.local [spmem:s16], $0x2800  }
0x6b: {  	_ =	swait.ge [sflag:s17], $0x2800  }
0x6c: {  	[sflag:s17] =	ssyncset.done $0x0  }
0x6d: {  	[sflag:s17] =	ssyncadd.s32 $0xFFFFD800  }
0x6e: {  	_ =	sfence.sel $0x180000  }
0x6f: {  	[bflag:$0x0] =	sbarrier.arrive $0xFFFF  }
0x70: {  	_ =	strace $0x90000050  }
0x71: {  	s0 =	stileid.u32;
	[bflag:$0x2] =	sbarrier.arrive $0xFFFF  }
0x72: {  	p0 =	sne.s32 s0, $0x0;
	s0 =	rddreg [dreg:$0x2]  }
0x73: {  	s0 =	sadd.s32 @!p0 $0x100000, s0  }
0x74: {  	[sflag:s0] =	ssyncadd.tile.s32 @!p0 $0x1;
	_ =	shalt  }
.Lfunc_end2:
_tile_overlayer_lowered:
.L_overlay_start_2:
0x75: {  	(tag) =	ssettag $0x2  }
0x76: {  	s0 =	rddreg [dreg:$0x0];
	s2 =	stileid.u32  }
0x77: {  	s1 =	rddreg [dreg:$0x1];
	p0 =	sne.s32 s2, $0x0  }
0x78: {  	s3 =	rddreg [dreg:$0x2];
	[bflag:$0x3] =	sbarrier.arrive $0xFFFF;
	s2 =	simm.s32 @!p0 $0x1C06  }
0x79: {  	[timem:s3], [sflag:s2] =	dma.local @!p0 [hbm:s0], s1  }
0x7a: {  	s0 =	simm.s32 @!p0 $0x6  }
0x7b: {  	_ =	swait.ge @!p0 [sflag:s0], s1  }
0x7c: {  	s1 =	ssub.s32 @!p0 $0x0, s1;
	[sflag:s0] =	ssyncset.done @!p0 $0x0  }
0x7d: {  	[sflag:s0] =	ssyncadd.s32 @!p0 s1  }
0x7e: {  	[bflag:$0x3] =	sbarrier.arrive $0xFFFF  }
0x7f: {  	_ =	shalt  }

// kernel: kernel.25.cloned.1.call-start
scs
__scs_entry_jumppad:
0x0: {  	(pc) =	sbr.rel $0x88, $3  }
0x1: {  	(tag) =	ssettag $0x0;
	lr =	simm.s32 $0x1  }
0x2: {  	[smem:$0x3F83] =	sst lr;
	_ =	strace $0xD0000000  }
0x3: {  	_ = 	snop  }
0x4: {  	_ = 	snop  }
0x5: {  	_ = 	snop  }
0x6: {  	_ = 	snop  }
0x7: {  	_ = 	snop  }
__scs_overlays_trampoline_lowered:
0x8: {  	[smem:$0x3F92] =	sst s0  }
0x9: {  	[smem:$0x3F93] =	sst s1  }
0xa: {  	[smem:$0x3F94] =	sst s2  }
0xb: {  	[smem:$0x3F95] =	sst s3  }
0xc: {  	[smem:$0x3F96] =	sst s4  }
0xd: {  	[smem:$0x3F97] =	sst s5  }
0xe: {  	[smem:$0x3F98] =	sst s6  }
0xf: {  	[smem:$0x3F99] =	sst s7  }
0x10: {  	[smem:$0x3F9A] =	sst s8  }
0x11: {  	[smem:$0x3F9B] =	sst s9;
	s0 =	simm.s32 @!p0 $0x0  }
0x12: {  	s1 =	sld [smem:$0x3F81];
	s0 =	simm.s32 @p0 $0x1  }
0x13: {  	[smem:$0x3F9C] =	sst s0;
	s0 =	simm.s32 @!p1 $0x0  }
0x14: {  	s2 =	sld [smem:$0x3F80];
	s0 =	simm.s32 @p1 $0x1  }
0x15: {  	[smem:$0x3F9D] =	sst s0;
	s0 =	simm.s32 @!p2 $0x0  }
0x16: {  	s3 =	sld [smem:$0x3FDB];
	s0 =	simm.s32 @p2 $0x1  }
0x17: {  	s4 =	simm.s32 $0x1BF5;
	[smem:$0x3F9F] =	sst s0  }
0x18: {  	s0 =	sld [smem:$0x3F82];
	_ =	swait.ge [sflag:s4], $0x0  }
0x19: {  	s7 =	sld [smem:$0x3F83]  }
0x1a: {  	s8 =	sadd.s32 $0xFFFFE003, lr  }
0x1b: {  	s9 =	sadd.s32 $0xFFFFFEF7, lr;
	s5 =	simm.s32 $0xFFFFFFFF;
	p2 =	slt.u32 s8, $0xFFFFF086  }
0x1c: {  	p1 =	slt.u32 s9, $0xF7A;
	s5 =	simm.s32 @!p2 $0x0  }
0x1d: {  	s5 =	simm.s32 @p1 $0x1;
	p0 =	seq.s32 s7, s2  }
0x1e: {  	s7 =	smul.u32 @!p0 $0xF7A, s2;
	p2 =	seq.s32 @!p0 s5, $0x0  }
0x1f: {  	s9 =	smul.u32 $0xF7A, s1;
	s8 =	simm.s32 @!p0 $0x1BF5;
	p2 =	por !p2, p0  }
0x20: {  	[sflag:s8] =	ssyncset.s32 @!p0 $0xFFFFF086;
	s6 =	sadd.s32 @!p0 s3, s7;
	s7 =	simm.s32 @!p0 $0x108  }
0x21: {  	s3 =	sadd.s32 s3, s9;
	s6 =	sadd.s32 @!p0 $0x88, s6;
	s7 =	simm.s32 @p2 $0x1082  }
0x22: {  	[simem:s7], [sflag:s8] =	dma.local @!p0 [hbm:s6], $0xF7A  }
0x23: {  	s9 =	sor.u32 $0xD0000000, s2;
	s6 =	simm.s32 $0x108;
	_ =	swait.ge @!p0 [sflag:s8], $0x0  }
0x24: {  	s3 =	sadd.s32 $0x88, s3;
	s6 =	simm.s32 @!p1 $0x1082;
	[sflag:s4] =	ssyncset.s32 $0xFFFFF086  }
0x25: {  	[simem:s6], [sflag:s4] =	dma.local [hbm:s3], $0xF7A  }
0x26: {  	[smem:$0x3F83] =	sst s1;
	(tag) =	ssettag s2;
	_ =	strace s9  }
0x27: {  	s1 =	sld [smem:$0x3F93]  }
0x28: {  	s2 =	sld [smem:$0x3F94]  }
0x29: {  	s4 =	sld [smem:$0x3F96]  }
0x2a: {  	p0 =	seq.s32 s5, $0x0;
	s5 =	sld [smem:$0x3F97]  }
0x2b: {  	s6 =	sld [smem:$0x3F98]  }
0x2c: {  	s7 =	sld [smem:$0x3F99]  }
0x2d: {  	s3 =	simm.s32 $0x108;
	s8 =	sld [smem:$0x3F9A]  }
0x2e: {  	s3 =	simm.s32 @!p0 $0x1082;
	s9 =	sld [smem:$0x3F9B]  }
0x2f: {  	lr =	sadd.s32 s0, s3;
	s0 =	sld [smem:$0x3F92]  }
0x30: {  	s3 =	sld [smem:$0x3F95]  }
0x31: {  	[smem:$0x3F9E] =	sst s10  }
0x32: {  	s10 =	sld [smem:$0x3F9C];
	_ =	sdelay $0x3  }
0x33: {  	p0 =	seq.s32 s10, $0x1;
	s10 =	sld [smem:$0x3F9E];
	_ =	sdelay $0x3  }
0x34: {  	[smem:$0x3F9E] =	sst s10  }
0x35: {  	s10 =	sld [smem:$0x3F9D];
	_ =	sdelay $0x3  }
0x36: {  	p1 =	seq.s32 s10, $0x1;
	s10 =	sld [smem:$0x3F9E];
	_ =	sdelay $0x3  }
0x37: {  	[smem:$0x3F9E] =	sst s10  }
0x38: {  	s10 =	sld [smem:$0x3F9F]  }
0x39: {  	_ = 	snop;
	(pc) =	sbr.ind lr, $3  }
0x3a: {  	_ = 	snop  }
0x3b: {  	_ = 	snop  }
0x3c: {  	p2 =	seq.s32 s10, $0x1;
	s10 =	sld [smem:$0x3F9E]  }
0x3d: {  	_ =	shalt  }
0x3e: {  	_ =	shalt  }
0x3f: {  	_ =	shalt  }
0x40: {  	_ =	shalt  }
0x41: {  	_ =	shalt  }
0x42: {  	_ =	shalt  }
0x43: {  	_ =	shalt  }
0x44: {  	_ =	shalt  }
0x45: {  	_ =	shalt  }
0x46: {  	_ =	shalt  }
0x47: {  	_ =	shalt  }
0x48: {  	_ =	shalt  }
0x49: {  	_ =	shalt  }
0x4a: {  	_ =	shalt  }
0x4b: {  	_ =	shalt  }
0x4c: {  	_ =	shalt  }
0x4d: {  	_ =	shalt  }
0x4e: {  	_ =	shalt  }
0x4f: {  	_ =	shalt  }
0x50: {  	_ =	shalt  }
0x51: {  	_ =	shalt  }
0x52: {  	_ =	shalt  }
0x53: {  	_ =	shalt  }
0x54: {  	_ =	shalt  }
0x55: {  	_ =	shalt  }
0x56: {  	_ =	shalt  }
0x57: {  	_ =	shalt  }
0x58: {  	_ =	shalt  }
0x59: {  	_ =	shalt  }
0x5a: {  	_ =	shalt  }
0x5b: {  	_ =	shalt  }
0x5c: {  	_ =	shalt  }
0x5d: {  	_ =	shalt  }
0x5e: {  	_ =	shalt  }
0x5f: {  	_ =	shalt  }
0x60: {  	_ =	shalt  }
0x61: {  	_ =	shalt  }
0x62: {  	_ =	shalt  }
0x63: {  	_ =	shalt  }
0x64: {  	_ =	shalt  }
0x65: {  	_ =	shalt  }
0x66: {  	_ =	shalt  }
0x67: {  	_ =	shalt  }
0x68: {  	_ =	shalt  }
0x69: {  	_ =	shalt  }
0x6a: {  	_ =	shalt  }
0x6b: {  	_ =	shalt  }
0x6c: {  	_ =	shalt  }
0x6d: {  	_ =	shalt  }
0x6e: {  	_ =	shalt  }
0x6f: {  	_ =	shalt  }
0x70: {  	_ =	shalt  }
0x71: {  	_ =	shalt  }
0x72: {  	_ =	shalt  }
0x73: {  	_ =	shalt  }
0x74: {  	_ =	shalt  }
0x75: {  	_ =	shalt  }
0x76: {  	_ =	shalt  }
0x77: {  	_ =	shalt  }
0x78: {  	_ =	shalt  }
0x79: {  	_ =	shalt  }
0x7a: {  	_ =	shalt  }
0x7b: {  	_ =	shalt  }
0x7c: {  	_ =	shalt  }
0x7d: {  	_ =	shalt  }
0x7e: {  	_ =	shalt  }
0x7f: {  	_ =	shalt  }
0x80: {  	_ =	shalt  }
0x81: {  	_ =	shalt  }
0x82: {  	_ =	shalt  }
0x83: {  	_ =	shalt  }
0x84: {  	_ =	shalt  }
0x85: {  	_ =	shalt  }
0x86: {  	_ =	shalt  }
0x87: {  	_ =	shalt  }
.Lfunc_end0:
.L_simem_size_0:
called_computation.4_lowered:
.L_overlay_start_0:
0x88: {  	s2 =	sld [smem:$0x3FD9]  }
0x89: {  	s3 =	sld [smem:$0x3FFE];
	_ =	sdelay $0x1  }
0x8a: {  	s1 =	srdreg.scid  }
0x8b: {  	s0 =	sand.u32 $0x1, s1  }
0x8c: {  	s16 =	sshll.u32 s0, $0xA;
	s2 =	sadd.s32 s3, s2  }
0x8d: {  	s2 =	sadd.s32 s2, s16  }
0x8e: {  	[smem:$0x3FAA] =	sst s2  }
0x8f: {  	_ = 	snop  }
0x90: {  	(tm) =	ssettm $0x1  }
0x91: {  	s17 =	sld [smem:$0x3FFB];
	_ =	sdelay $0x3  }
0x92: {  	_ =	strace s17  }
0x93: {  	s2 =	sld [smem:$0x3FFC];
	_ =	sdelay $0x3  }
0x94: {  	_ =	strace s2  }
0x95: {  	s2 =	sld [smem:$0x3FFD];
	_ =	sdelay $0x3  }
0x96: {  	_ =	strace s2  }
0x97: {  	_ =	strace $0x8FFFFFFF  }
0x98: {  	s18 =	sld [smem:$0x3FDB];
	_ =	sdelay $0x1  }
0x99: {  	s19 =	simm.s32 $_scs_section_size  }
0x9a: {  	s4 =	simm.s32 $_size__tile_overlayer_lowered;
	s5 =	simm.s32 $_tile_overlayer_lowered  }
0x9b: {  	s22 =	simm.s32 $0x1BFF;
	s21 =	sshll.u32 s5, $0x1;
	s2 =	sadd.s32 s19, s18  }
0x9c: {  	s6 =	simm.s32 $0x0;
	s20 =	sshll.u32 s4, $0x1;
	s4 =	sadd.s32 s21, s2  }
0x9d: {  	[timem:s6], [sflag:s22] =	dma.local [hbm:s4], s20  }
0x9e: {  	_ =	swait.ge [sflag:s22], s20  }
0x9f: {  	s3 =	ssub.s32 $0x0, s20;
	[sflag:s22] =	ssyncset.done $0x0  }
0xa0: {  	[sflag:s22] =	ssyncadd.s32 s3;
	_ =	sdelay $0x1  }
0xa1: {  	s23 =	simm.s32 $0x1B8B  }
0xa2: {  	_ =	swait.ge [sflag:s23], $0x1  }
0xa3: {  	[sflag:s23] =	ssyncset.done $0x0  }
0xa4: {  	s25 =	simm.s32 $0x1B8E;
	s24 =	sld [smem:$0x3FFE];
	[sflag:s23] =	ssyncadd.s32 $0xFFFFFFFF  }
0xa5: {  	s26 =	simm.s32 $execute0_lowered;
	[smem:$0x3FD2] =	sst s25  }
0xa6: {  	s4 =	sshll.u32 s26, $0x1;
	_ =	strace $0x80000052;
	[dreg:$0x1] =	wrdreg $0xFFFFFFFF  }
0xa7: {  	s28 =	simm.s32 $_size_execute0_lowered;
	s2 =	sadd.s32 s2, s4;
	[dreg:$0x0] =	wrdreg $0x0  }
0xa8: {  	s4 =	sshll.u32 s28, $0x1;
	[dreg:$0x2] =	wrdreg s2  }
0xa9: {  	[dreg:$0x3] =	wrdreg s4  }
0xaa: {  	[dreg:$0x4] =	wrdreg $0xC0  }
0xab: {  	_ =	task [dreg:s6], $0x5FFFF  }
0xac: {  	[dreg:$0x1] =	wrdreg $0xFFFFFFFF  }
0xad: {  	[dreg:$0x0] =	wrdreg $0x60  }
0xae: {  	[dreg:$0x2] =	wrdreg s24  }
0xaf: {  	[dreg:$0x3] =	wrdreg $0x84000  }
0xb0: {  	[dreg:$0x4] =	wrdreg $0x9  }
0xb1: {  	_ =	task.clear_ibuf [dreg:s6], $0x5FFFF;
	_ =	strace $0x90000052  }
0xb2: {  	s29 =	simm.s32 $0x9;
	_ =	strace $0x80000054  }
0xb3: {  	_ =	swait.ge [sflag:s29], $0x1  }
0xb4: {  	[sflag:s29] =	ssyncadd.s32 $0xFFFFFFFF  }
0xb5: {  	_ =	strace $0x90000054  }
0xb6: {  	_ =	sfence  }
0xb7: {  	s30 =	sld [smem:$0x0];
	_ =	sdelay $0x2  }
0xb8: {  	s31 =	sshll.u32 s1, $0xD;
	s1 =	sshrl.u32 s1, $0x2  }
0xb9: {  	s3 =	sand.u32 $0x4000, s31;
	s1 =	sadd.s32 s1, s30  }
0xba: {  	s0 =	sor.u32 s3, s0;
	s1 =	sshll.u32 s1, $0x11  }
0xbb: {  	s0 =	sor.u32 s1, s0  }
0xbc: {  	s0 =	sadd.s32 $0x8F2B, s0  }
0xbd: {  	[sflag:s0] =	ssyncadd.remote.s32 $0x1  }
0xbe: {  	_ =	sfence.sel $0xFFFF  }
0xbf: {  	[dreg:$0x0] =	wrdreg $0xFFFFFFFF;
	(pc) =	sbr.abs _section_cstart, $3  }
0xc0: {  	[dreg:$0x1] =	wrdreg $0xFFFFFFFF  }
0xc1: {  	_ =	task.clear_ibuf [dreg:s6], $0x2FFFF;
	_ =	strace $0x9FFFFFFF  }
0xc2: {  	(tm) =	ssettm $0x7FFFFFFF  }
0xc3: {  	_ =	shalt  }
tec
execute0_lowered:
.L_overlay_start_1:
0x0: {  	(tag) =	ssettag $0x1  }
0x1: {  	s0 =	rddreg [dreg:$0x0]  }
0x2: {  	s2 =	rddreg [dreg:$0x1];
	s3 =	simm.s32 $0x0  }
0x3: {  	s1 =	srdreg.scid;
	s7 =	stileid.u32;
	s17 =	simm.s32 $0x6  }
0x4: {  	s19 =	simm.s32 $0x5;
	s20 =	simm.s32 $0x80;
	s21 =	simm.s32 $0x400  }
0x5: {  	s22 =	simm.s32 $0x4400;
	s28 =	simm.s32 $0x3;
	s29 =	simm.s32 $0x4  }
0x6: {  	s30 =	simm.s32 $0x0;
	[smem:$0x7FF] =	sst s3;
	s8 =	smul.u32 $0x2800, s7  }
0x7: {  	s1 =	sand.u32 $0x1, s1;
	s4 =	sadd.s32 $0x7FC00, s0;
	s23 =	smul.u32 $0x4F00, s7  }
0x8: {  	s5 =	sadd.s32 $0x19800, s0;
	s6 =	sadd.s32 $0x5C00, s0;
	s12 =	smul.u32 $0x50000, s7  }
0x9: {  	s11 =	sadd.s32 $0x2D400, s0;
	s26 =	sshll.u32 s7, $0x6;
	s9 =	smul.u32 $0x28000, s1  }
0xa: {  	_ =	strace $0x80000053;
	s10 =	smul.u32 $0x4F000, s1;
	s1 =	ssub.s32 $0x2, s1  }
0xb: {  	[dreg:$0x3] =	wrdreg s11;
	s24 =	sshrl.u32 s1, $0x1;
	s25 =	sshrl.u32 s12, $0x2  }
0xc: {  	s8 =	sadd.s32 s8, s9;
	s1 =	ssub.s32 s1, s24;
	s13 =	sadd.s32 s23, s10  }
0xd: {  	s16 =	sadd.s32 s25, s2;
	s25 =	simm.s32 $0x1;
	s0 =	sadd.s32 s8, s0  }
0xe: {  	s10 =	sshrl.u32 s13, $0x3;
	s8 =	sor.u32 $0x1C06, s26;
	s13 =	sadd.s32 $0x200, s13  }
0xf: {  	s15 =	smax.u32 s1, $0x1;
	s16 =	sshrl.u32 s16, $0x3;
	s26 =	simm.s32 $0x2  }
0x10: {  	s31 =	sadd.s32 $0x20, s10;
	s9 =	sadd.s32 s5, s10;
	s10 =	sadd.s32 s6, s10  }
0x11: {  	s14 =	sadd.s32 $0xCFC00, s0;
	s11 =	sadd.s32 s5, s31;
	s12 =	sadd.s32 s6, s31  }
.LBB2_1:
0x12: {  	s0 =	rddreg [dreg:$0x3]  }
0x13: {  	[spmem:s16], [sflag:s8] =	dma.local [hbm:s0], $0x2800  }
0x14: {  	_ =	swait.ge [sflag:s17], $0x2800  }
0x15: {  	[sflag:s17] =	ssyncset.done $0x0  }
0x16: {  	[sflag:s17] =	ssyncadd.s32 $0xFFFFD800  }
0x17: {  	[bflag:$0x0] =	sbarrier.arrive $0xFFFF  }
0x18: {  	[tilespmem:s3], [sflag:$0x5] =	stream.linear.gather [hbm4b:s9+s3], $0x100, $0x38;
	[tilespmem:$0x1C400] =	vst v63  }
0x19: {  	s23 =	simm.s32 $0x200  }
0x1a: {  	[tilespmem:s23], [sflag:$0x5] =	stream.linear.gather [hbm4b:s10+s3], $0x100, $0x38;
	[tilespmem:$0x1C400] =	vst v63  }
0x1b: {  	_ =	swait.ge [sflag:s19], $0x100  }
0x1c: {  	[sflag:s19] =	ssyncset.done $0x0  }
0x1d: {  	[sflag:s19] =	ssyncadd.s32 $0xFFFFFF00  }
0x1e: {  	_ =	swait.ge [sflag:s19], $0x100  }
0x1f: {  	[sflag:s19] =	ssyncset.done $0x0  }
0x20: {  	[sflag:s19] =	ssyncadd.s32 $0xFFFFFF00  }
0x21: {  	[tilespmem:s21], [sflag:$0x1] =	stream.indirect.gather [hbm4b:s4+s20], $0x80, s3, s20, $0xb8;
	[tilespmem:$0x1C400] =	vst v63  }
0x22: {  	_ = 	snop  }
0x23: {  	[tilespmem:s22], [sflag:$0x2] =	stream.indirect.gather [hbm4b:s4+s20], $0x80, s20, s20, $0xb8;
	[tilespmem:$0x1C400] =	vst v63  }
0x24: {  	s24 =	simm.s32 $0x100  }
0x25: {  	[tilespmem:s24], [sflag:$0x5] =	stream.linear.gather [hbm4b:s11+s3], $0x100, $0x38;
	[tilespmem:$0x1C400] =	vst v63  }
0x26: {  	s1 =	simm.s32 $0x300  }
0x27: {  	[tilespmem:s1], [sflag:$0x5] =	stream.linear.gather [hbm4b:s12+s3], $0x100, $0x38;
	[tilespmem:$0x1C400] =	vst v63  }
0x28: {  	_ =	swait.ge [sflag:s25], $0x4000  }
0x29: {  	s0 =	sand.u32 $0x100, s3;
	[sflag:s25] =	ssyncset.done $0x0  }
0x2a: {  	s31 =	sor.u32 $0x200, s0;
	[sflag:s25] =	ssyncadd.s32 $0xFFFFC000  }
0x2b: {  	[spmem:s2] =	stream.indirect.scatter.add.f32 [tilespmem:s21], [sflag:$0x3], $0x80, s31, s20, $0xb8;
	[tilespmem:$0x1C400] =	vst v63  }
0x2c: {  	_ =	swait.ge [sflag:s26], $0x4000  }
0x2d: {  	[sflag:s26] =	ssyncset.done $0x0  }
0x2e: {  	s1 =	sor.u32 $0x280, s0;
	[sflag:s26] =	ssyncadd.s32 $0xFFFFC000  }
0x2f: {  	[spmem:s2] =	stream.indirect.scatter.add.f32 [tilespmem:s22], [sflag:$0x4], $0x80, s1, s20, $0xb8;
	[tilespmem:$0x1C400] =	vst v63  }
0x30: {  	_ =	swait.ge [sflag:s19], $0x100  }
0x31: {  	[sflag:s19] =	ssyncset.done $0x0  }
0x32: {  	[sflag:s19] =	ssyncadd.s32 $0xFFFFFF00  }
0x33: {  	_ =	swait.ge [sflag:s19], $0x100  }
0x34: {  	[sflag:s19] =	ssyncset.done $0x0  }
0x35: {  	[sflag:s19] =	ssyncadd.s32 $0xFFFFFF00  }
0x36: {  	_ =	swait.ge [sflag:s28], $0x4000  }
0x37: {  	[sflag:s28] =	ssyncset.done $0x0  }
0x38: {  	s18 =	smin.u32 s3, $0x4C;
	s7 =	sxor.u32 $0x100, s0;
	[sflag:s28] =	ssyncadd.s32 $0xFFFFC000  }
0x39: {  	[tilespmem:s21], [sflag:$0x1] =	stream.indirect.gather [hbm4b:s4+s20], $0x80, s7, s20, $0xb8;
	[tilespmem:$0x1C400] =	vst v63  }
0x3a: {  	s18 =	sshll.u32 s18, $0x8;
	_ =	swait.ge [sflag:s29], $0x4000  }
0x3b: {  	s1 =	sadd.s32 s18, s13;
	[sflag:s29] =	ssyncset.done $0x0  }
0x3c: {  	s23 =	sxor.u32 $0x180, s0;
	s1 =	sshrl.u32 s1, $0x3;
	[sflag:s29] =	ssyncadd.s32 $0xFFFFC000  }
0x3d: {  	[tilespmem:s22], [sflag:$0x2] =	stream.indirect.gather [hbm4b:s4+s20], $0x80, s23, s20, $0xb8;
	[tilespmem:$0x1C400] =	vst v63  }
0x3e: {  	s24 =	sadd.s32 s5, s1  }
0x3f: {  	[tilespmem:s0], [sflag:$0x5] =	stream.linear.gather [hbm4b:s24+s3], $0x100, $0x38;
	[tilespmem:$0x1C400] =	vst v63  }
0x40: {  	s18 =	sadd.s32 s6, s1;
	s1 =	simm.s32 $0x0;
	s0 =	simm.s32 $0x1  }
.LBB2_2:
0x41: {  	p0 =	sne.s32 s0, $0x4E  }
0x42: {  	s1 =	sadd.s32 $0x100, s1;
	s23 =	smov.u32 s0;
	s0 =	sadd.s32 $0x1, s0  }
0x43: {  	[tilespmem:s31], [sflag:$0x5] =	stream.linear.gather [hbm4b:s18+s3], $0x100, $0x38;
	[tilespmem:$0x1C400] =	vst v63  }
0x44: {  	s24 =	sand.u32 $0x100, s1;
	_ =	swait.ge [sflag:s25], $0x4000  }
0x45: {  	s31 =	sor.u32 $0x200, s24;
	[sflag:s25] =	ssyncset.done $0x0  }
0x46: {  	[sflag:s25] =	ssyncadd.s32 $0xFFFFC000  }
0x47: {  	[spmem:s2] =	stream.indirect.scatter.add.f32 [tilespmem:s21], [sflag:$0x3], $0x80, s31, s20, $0xb8;
	[tilespmem:$0x1C400] =	vst v63  }
0x48: {  	_ =	swait.ge [sflag:s26], $0x4000  }
0x49: {  	s18 =	sor.u32 $0x280, s24;
	[sflag:s26] =	ssyncset.done $0x0  }
0x4a: {  	[sflag:s26] =	ssyncadd.s32 $0xFFFFC000  }
0x4b: {  	[spmem:s2] =	stream.indirect.scatter.add.f32 [tilespmem:s22], [sflag:$0x4], $0x80, s18, s20, $0xb8;
	[tilespmem:$0x1C400] =	vst v63  }
0x4c: {  	_ =	swait.ge [sflag:s19], $0x100  }
0x4d: {  	[sflag:s19] =	ssyncset.done $0x0  }
0x4e: {  	[sflag:s19] =	ssyncadd.s32 $0xFFFFFF00  }
0x4f: {  	_ =	swait.ge [sflag:s19], $0x100  }
0x50: {  	[sflag:s19] =	ssyncset.done $0x0  }
0x51: {  	[sflag:s19] =	ssyncadd.s32 $0xFFFFFF00  }
0x52: {  	_ =	swait.ge [sflag:s28], $0x4000  }
0x53: {  	s18 =	sxor.u32 $0x100, s24;
	[sflag:s28] =	ssyncset.done $0x0  }
0x54: {  	s23 =	smin.u32 s23, $0x4C;
	[sflag:s28] =	ssyncadd.s32 $0xFFFFC000  }
0x55: {  	[tilespmem:s21], [sflag:$0x1] =	stream.indirect.gather [hbm4b:s4+s20], $0x80, s18, s20, $0xb8;
	[tilespmem:$0x1C400] =	vst v63  }
0x56: {  	s23 =	sshll.u32 s23, $0x8;
	s18 =	sxor.u32 $0x180, s24;
	_ =	swait.ge [sflag:s29], $0x4000  }
.Ltmp0:
0x57: {  	s23 =	sadd.s32 s23, s13;
	[sflag:s29] =	ssyncset.done $0x0;
	(pc) =	sbr.rel @p0 .LBB2_2-.Ltmp0, $4  }
0x58: {  	s23 =	sshrl.u32 s23, $0x3;
	[sflag:s29] =	ssyncadd.s32 $0xFFFFC000  }
0x59: {  	[tilespmem:s22], [sflag:$0x2] =	stream.indirect.gather [hbm4b:s4+s20], $0x80, s18, s20, $0xb8;
	[tilespmem:$0x1C400] =	vst v63  }
0x5a: {  	s7 =	sadd.s32 s5, s23;
	s18 =	sadd.s32 s6, s23  }
0x5b: {  	[tilespmem:s24], [sflag:$0x5] =	stream.linear.gather [hbm4b:s7+s3], $0x100, $0x38;
	[tilespmem:$0x1C400] =	vst v63  }
0x5c: {  	[tilespmem:s31], [sflag:$0x5] =	stream.linear.gather [hbm4b:s18+s3], $0x100, $0x38;
	[tilespmem:$0x1C400] =	vst v63  }
0x5d: {  	_ =	swait.ge [sflag:s25], $0x4000  }
0x5e: {  	[sflag:s25] =	ssyncset.done $0x0  }
0x5f: {  	[sflag:s25] =	ssyncadd.s32 $0xFFFFC000  }
0x60: {  	_ =	swait.ge [sflag:s26], $0x4000  }
0x61: {  	[sflag:s26] =	ssyncset.done $0x0  }
0x62: {  	[sflag:s26] =	ssyncadd.s32 $0xFFFFC000  }
0x63: {  	_ =	swait.ge [sflag:s19], $0x100  }
0x64: {  	[sflag:s19] =	ssyncset.done $0x0  }
0x65: {  	[sflag:s19] =	ssyncadd.s32 $0xFFFFFF00  }
0x66: {  	_ =	swait.ge [sflag:s19], $0x100  }
0x67: {  	s30 =	sadd.s32 $0x1, s30;
	[sflag:s19] =	ssyncset.done $0x0  }
0x68: {  	p0 =	sne.s32 s30, s15;
	[sflag:s19] =	ssyncadd.s32 $0xFFFFFF00  }
.Ltmp1:
0x69: {  	[bflag:$0x0] =	sbarrier.arrive $0xFFFF;
	(pc) =	sbr.rel @p0 .LBB2_1-.Ltmp1, $4  }
0x6a: {  	[hbm:s14], [sflag:s8] =	dma.local [spmem:s16], $0x2800  }
0x6b: {  	_ =	swait.ge [sflag:s17], $0x2800  }
0x6c: {  	[sflag:s17] =	ssyncset.done $0x0  }
0x6d: {  	[sflag:s17] =	ssyncadd.s32 $0xFFFFD800  }
0x6e: {  	_ =	sfence.sel $0x180000  }
0x6f: {  	[bflag:$0x0] =	sbarrier.arrive $0xFFFF  }
0x70: {  	_ =	strace $0x90000053  }
0x71: {  	s0 =	stileid.u32;
	[bflag:$0x2] =	sbarrier.arrive $0xFFFF  }
0x72: {  	p0 =	sne.s32 s0, $0x0;
	s0 =	rddreg [dreg:$0x2]  }
0x73: {  	s0 =	sadd.s32 @!p0 $0x100000, s0  }
0x74: {  	[sflag:s0] =	ssyncadd.tile.s32 @!p0 $0x1;
	_ =	shalt  }
.Lfunc_end2:
_tile_overlayer_lowered:
.L_overlay_start_2:
0x75: {  	(tag) =	ssettag $0x2  }
0x76: {  	s0 =	rddreg [dreg:$0x0];
	s2 =	stileid.u32  }
0x77: {  	s1 =	rddreg [dreg:$0x1];
	p0 =	sne.s32 s2, $0x0  }
0x78: {  	s3 =	rddreg [dreg:$0x2];
	[bflag:$0x3] =	sbarrier.arrive $0xFFFF;
	s2 =	simm.s32 @!p0 $0x1C06  }
0x79: {  	[timem:s3], [sflag:s2] =	dma.local @!p0 [hbm:s0], s1  }
0x7a: {  	s0 =	simm.s32 @!p0 $0x6  }
0x7b: {  	_ =	swait.ge @!p0 [sflag:s0], s1  }
0x7c: {  	s1 =	ssub.s32 @!p0 $0x0, s1;
	[sflag:s0] =	ssyncset.done @!p0 $0x0  }
0x7d: {  	[sflag:s0] =	ssyncadd.s32 @!p0 s1  }
0x7e: {  	[bflag:$0x3] =	sbarrier.arrive $0xFFFF  }
0x7f: {  	_ =	shalt  }

</sc_bundles>
